<compile_context>
chip_gen: v7x
topology: tpu7x:2x2x1
jax: 0.10.2.dev20260603
libtpu: 0.0.44.dev20260713+nightly
codegen_flags: <defaults>
</compile_context>

<pallas_src>
import jax
import jax.numpy as jnp
from jax import lax
from jax.experimental import pallas as pl
from jax.experimental.pallas import tpu as pltpu
from jax.experimental.pallas import tpu_sc as plsc

_NC = 2
_NS = 16
_CHUNK = 80


def _make_sc_agg(N, E, D, chunk, nbuf):
    NW = _NC * _NS
    epw = E // NW
    nchunk = epw // chunk
    nfull = nchunk // nbuf
    rem = nchunk - nfull * nbuf
    rpt = (N // _NS) // 8 * 8
    tail = N - _NS * rpt

    mesh = plsc.VectorSubcoreMesh(core_axis_name="c", subcore_axis_name="s")

    out_type = jax.ShapeDtypeStruct((_NC, N, D), jnp.float32)
    scratch = [
        [pltpu.VMEM((chunk,), jnp.int32) for _ in range(nbuf)],
        [pltpu.VMEM((chunk,), jnp.int32) for _ in range(nbuf)],
        [pltpu.VMEM((chunk, D), jnp.float32) for _ in range(nbuf)],
        [pltpu.SemaphoreType.DMA for _ in range(nbuf)],
        [pltpu.SemaphoreType.DMA for _ in range(nbuf)],
        [pltpu.SemaphoreType.DMA for _ in range(nbuf)],
        [pltpu.SemaphoreType.DMA for _ in range(nbuf)],
        pltpu.VMEM_SHARED((N, D), jnp.float32),
    ]

    def body(p_hbm, src_hbm, dst_hbm, z_hbm, agg_out,
             idx_s, idx_d, rows, isem, dsem, gsem, ssem, agg_sp):
        c = lax.axis_index("c")
        s = lax.axis_index("s")
        wid = c * _NS + s
        row0 = wid * nchunk

        r0 = s * rpt
        pltpu.sync_copy(z_hbm.at[pl.ds(r0, rpt)], agg_sp.at[pl.ds(r0, rpt)])
        if tail:
            t0 = _NS * rpt

            @pl.when(s == _NS - 1)
            def _():
                pltpu.sync_copy(z_hbm.at[pl.ds(t0, tail)],
                                agg_sp.at[pl.ds(t0, tail)])
        plsc.subcore_barrier()

        def is_load(i, b):
            pltpu.async_copy(src_hbm.at[row0 + i], idx_s[b], isem[b])

        def is_wait(b):
            pltpu.make_async_copy(src_hbm.at[row0], idx_s[b], isem[b]).wait()

        def id_load(i, b):
            pltpu.async_copy(dst_hbm.at[row0 + i], idx_d[b], dsem[b])

        def id_wait(b):
            pltpu.make_async_copy(dst_hbm.at[row0], idx_d[b], dsem[b]).wait()

        def g_start(b):
            pltpu.async_copy(p_hbm.at[idx_s[b]], rows[b], gsem[b])

        def g_wait(b):
            pltpu.make_async_copy(p_hbm.at[idx_s[b]], rows[b], gsem[b]).wait()

        def s_start(b):
            pltpu.async_copy(rows[b], agg_sp.at[idx_d[b]], ssem[b], add=True)

        def s_wait(b):
            pltpu.make_async_copy(rows[b], agg_sp.at[idx_d[b]],
                                  ssem[b]).wait()

        for b in range(nbuf):
            is_load(b, b)
            id_load(b, b)
        for b in range(nbuf):
            is_wait(b)
            g_start(b)

        def round_body(r, carry):
            i0 = r * nbuf
            for b in range(nbuf):
                id_wait(b)
                g_wait(b)
                s_start(b)
                inext = i0 + nbuf + b

                @pl.when(inext < nchunk)
                def _():
                    is_load(inext, b)
            for b in range(nbuf):
                inext = i0 + nbuf + b
                s_wait(b)

                @pl.when(inext < nchunk)
                def _():
                    id_load(inext, b)
                    is_wait(b)
                    g_start(b)
            return carry

        lax.fori_loop(0, nfull, round_body, 0)
        for b in range(rem):
            id_wait(b)
            g_wait(b)
            s_start(b)
            s_wait(b)
        plsc.subcore_barrier()

        pltpu.sync_copy(agg_sp.at[pl.ds(r0, rpt)],
                        agg_out.at[c, pl.ds(r0, rpt)])
        if tail:
            t0 = _NS * rpt

            @pl.when(s == _NS - 1)
            def _():
                pltpu.sync_copy(agg_sp.at[pl.ds(t0, tail)],
                                agg_out.at[c, pl.ds(t0, tail)])

    return pl.kernel(body, out_type=out_type, mesh=mesh,
                     scratch_types=scratch,
                     compiler_params=pltpu.CompilerParams(
                         use_tc_tiling_on_sc=False,
                         needs_layout_passes=False))


def _make_sc_deg(N, E, chunk, lag):
    NW = _NC * _NS
    epw = E // NW
    nchunk = epw // chunk
    rpt = (N // _NS) // 8 * 8
    tail = N - _NS * rpt

    mesh = plsc.VectorSubcoreMesh(core_axis_name="c", subcore_axis_name="s")

    out_type = jax.ShapeDtypeStruct((_NC, N, 16), jnp.float32)
    scratch = [
        pltpu.VMEM((nchunk, chunk), jnp.int32),
        pltpu.VMEM((chunk, 16), jnp.float32),
        pltpu.SemaphoreType.DMA,
        pltpu.VMEM_SHARED((N, 16), jnp.float32),
    ]

    def body(dst_hbm, z16_hbm, deg_out, idx_d, ones, dsem, deg_sp):
        c = lax.axis_index("c")
        s = lax.axis_index("s")
        wid = c * _NS + s

        pltpu.sync_copy(dst_hbm.at[pl.ds(wid * nchunk, nchunk)], idx_d)
        for j in range(chunk):
            ones[j, :] = jnp.ones((16,), jnp.float32)
        r0 = s * rpt
        pltpu.sync_copy(z16_hbm.at[pl.ds(r0, rpt)], deg_sp.at[pl.ds(r0, rpt)])
        if tail:
            t0 = _NS * rpt

            @pl.when(s == _NS - 1)
            def _():
                pltpu.sync_copy(z16_hbm.at[pl.ds(t0, tail)],
                                deg_sp.at[pl.ds(t0, tail)])
        plsc.subcore_barrier()

        def d_wait():
            pltpu.make_async_copy(ones, deg_sp.at[idx_d.at[0]], dsem).wait()

        def step(i, carry):
            pltpu.async_copy(ones, deg_sp.at[idx_d.at[i]], dsem, add=True)

            @pl.when(i >= lag)
            def _():
                d_wait()
            return carry

        lax.fori_loop(0, nchunk, step, 0)
        for _ in range(lag):
            d_wait()
        plsc.subcore_barrier()

        pltpu.sync_copy(deg_sp.at[pl.ds(r0, rpt)],
                        deg_out.at[c, pl.ds(r0, rpt)])
        if tail:
            t0 = _NS * rpt

            @pl.when(s == _NS - 1)
            def _():
                pltpu.sync_copy(deg_sp.at[pl.ds(t0, tail)],
                                deg_out.at[c, pl.ds(t0, tail)])

    return pl.kernel(body, out_type=out_type, mesh=mesh,
                     scratch_types=scratch,
                     compiler_params=pltpu.CompilerParams(
                         use_tc_tiling_on_sc=False,
                         needs_layout_passes=False))


def _mm_first(x_ref, ws_ref, wn_ref, ps_ref, pn_ref):
    x = x_ref[...]
    ps_ref[...] = jnp.dot(x, ws_ref[...], preferred_element_type=jnp.float32,
                          precision=lax.Precision.HIGHEST)
    pn_ref[...] = jnp.dot(x, wn_ref[...], preferred_element_type=jnp.float32,
                          precision=lax.Precision.HIGHEST)


def _combine(ps_ref, agg_ref, deg_ref, b_ref, h_ref):
    deg = deg_ref[0, :, 0:1] + deg_ref[1, :, 0:1]
    inv = 1.0 / jnp.maximum(deg, 1.0)
    h_ref[...] = ps_ref[...] + (agg_ref[0] + agg_ref[1]) * inv + b_ref[...]


def _combine_mm(ps_ref, agg_ref, deg_ref, b_ref, ws_ref, wn_ref,
                ps_out, pn_out):
    deg = deg_ref[0, :, 0:1] + deg_ref[1, :, 0:1]
    inv = 1.0 / jnp.maximum(deg, 1.0)
    h = ps_ref[...] + (agg_ref[0] + agg_ref[1]) * inv + b_ref[...]
    h = jnp.maximum(h, 0.0)
    ps_out[...] = jnp.dot(h, ws_ref[...], preferred_element_type=jnp.float32,
                          precision=lax.Precision.HIGHEST)
    pn_out[...] = jnp.dot(h, wn_ref[...], preferred_element_type=jnp.float32,
                          precision=lax.Precision.HIGHEST)


def _tc_first(x, ws, wn, blk):
    N, Din = x.shape
    Dout = ws.shape[1]
    return pl.pallas_call(
        _mm_first,
        grid=(N // blk,),
        in_specs=[
            pl.BlockSpec((blk, Din), lambda i: (i, 0)),
            pl.BlockSpec((Din, Dout), lambda i: (0, 0)),
            pl.BlockSpec((Din, Dout), lambda i: (0, 0)),
        ],
        out_specs=[
            pl.BlockSpec((blk, Dout), lambda i: (i, 0)),
            pl.BlockSpec((blk, Dout), lambda i: (i, 0)),
        ],
        out_shape=[jax.ShapeDtypeStruct((N, Dout), jnp.float32)] * 2,
    )(x, ws, wn)


def _tc_combine_mm(ps, agg, deg, b, ws, wn, blk):
    N, Dh = ps.shape
    Dout = ws.shape[1]
    return pl.pallas_call(
        _combine_mm,
        grid=(N // blk,),
        in_specs=[
            pl.BlockSpec((blk, Dh), lambda i: (i, 0)),
            pl.BlockSpec((2, blk, Dh), lambda i: (0, i, 0)),
            pl.BlockSpec((2, blk, 16), lambda i: (0, i, 0)),
            pl.BlockSpec((1, Dh), lambda i: (0, 0)),
            pl.BlockSpec((Dh, Dout), lambda i: (0, 0)),
            pl.BlockSpec((Dh, Dout), lambda i: (0, 0)),
        ],
        out_specs=[
            pl.BlockSpec((blk, Dout), lambda i: (i, 0)),
            pl.BlockSpec((blk, Dout), lambda i: (i, 0)),
        ],
        out_shape=[jax.ShapeDtypeStruct((N, Dout), jnp.float32)] * 2,
    )(ps, agg, deg, b, ws, wn)


def _tc_combine(ps, agg, deg, b, blk):
    N, Dh = ps.shape
    return pl.pallas_call(
        _combine,
        grid=(N // blk,),
        in_specs=[
            pl.BlockSpec((blk, Dh), lambda i: (i, 0)),
            pl.BlockSpec((2, blk, Dh), lambda i: (0, i, 0)),
            pl.BlockSpec((2, blk, 16), lambda i: (0, i, 0)),
            pl.BlockSpec((1, Dh), lambda i: (0, 0)),
        ],
        out_specs=pl.BlockSpec((blk, Dh), lambda i: (i, 0)),
        out_shape=jax.ShapeDtypeStruct((N, Dh), jnp.float32),
    )(ps, agg, deg, b)


@jax.jit
def kernel(x, edge_index, W_self0, W_neigh0, b0, W_self1, W_neigh1, b1,
           W_self2, W_neigh2, b2):
    N, _ = x.shape
    E = edge_index.shape[1]
    D_hid = W_self0.shape[1]
    D_out = W_self2.shape[1]
    blk = 2000

    src = edge_index[0].reshape(E // _CHUNK, _CHUNK)
    dst = edge_index[1].reshape(E // _CHUNK, _CHUNK)
    z_h = jnp.zeros((N, D_hid), jnp.float32)
    z_o = jnp.zeros((N, D_out), jnp.float32)
    z16 = jnp.zeros((N, 16), jnp.float32)

    agg_h = _make_sc_agg(N, E, D_hid, _CHUNK, 4)
    agg_o = _make_sc_agg(N, E, D_out, _CHUNK, 6)
    deg_k = _make_sc_deg(N, E, _CHUNK, 8)

    deg = deg_k(dst, z16)
    ps0, pn0 = _tc_first(x, W_self0, W_neigh0, blk)
    agg0 = agg_h(pn0, src, dst, z_h)
    ps1, pn1 = _tc_combine_mm(ps0, agg0, deg, b0.reshape(1, -1),
                              W_self1, W_neigh1, blk)
    agg1 = agg_h(pn1, src, dst, z_h)
    ps2, pn2 = _tc_combine_mm(ps1, agg1, deg, b1.reshape(1, -1),
                              W_self2, W_neigh2, blk)
    agg2 = agg_o(pn2, src, dst, z_o)
    return _tc_combine(ps2, agg2, deg, b2.reshape(1, -1), blk)

# --- scband reference (transcript-rebuilt; emitter-appended) ---
"""Pipeline reference for scband-sage-20572893348074 (READ-ONLY COPY).

The authoritative reference and input builder live on the scoring server;
editing this copy changes nothing except your own understanding.
"""

import jax, jax.numpy as jnp
import numpy as np

N = 10000
E = 320000
D_IN = 128
D_HID = 128
D_OUT = 64


def setup_inputs(seed: int = 0) -> dict:
    key = jax.random.key(seed)
    ks = jax.random.split(key, 12)
    x = jax.random.normal(ks[0], (N, D_IN), dtype=jnp.float32)
    edge_index = jax.random.randint(ks[1], (2, E), 0, N, dtype=jnp.int32)
    def lin(k, fan_in, fan_out):
        bound = 1.0 / np.sqrt(fan_in)
        return jax.random.uniform(k, (fan_in, fan_out), dtype=jnp.float32, minval=-bound, maxval=bound)
    W_self0 = lin(ks[2], D_IN, D_HID)
    W_neigh0 = lin(ks[3], D_IN, D_HID)
    b0 = jnp.zeros((D_HID,), dtype=jnp.float32)
    W_self1 = lin(ks[4], D_HID, D_HID)
    W_neigh1 = lin(ks[5], D_HID, D_HID)
    b1 = jnp.zeros((D_HID,), dtype=jnp.float32)
    W_self2 = lin(ks[6], D_HID, D_OUT)
    W_neigh2 = lin(ks[7], D_HID, D_OUT)
    b2 = jnp.zeros((D_OUT,), dtype=jnp.float32)
    return {"x": x, "edge_index": edge_index,
            "W_self0": W_self0, "W_neigh0": W_neigh0, "b0": b0,
            "W_self1": W_self1, "W_neigh1": W_neigh1, "b1": b1,
            "W_self2": W_self2, "W_neigh2": W_neigh2, "b2": b2}


def _sage_layer(h, src, dst, W_self, W_neigh, b):
    # DGL SAGEConv with 'mean' aggregator: fc_self(h) + fc_neigh(mean_{u in N(v)} h_u) + b
    msg = jnp.take(h, src, axis=0)
    agg = jax.ops.segment_sum(msg, dst, num_segments=N)
    deg = jax.ops.segment_sum(jnp.ones((src.shape[0],), dtype=h.dtype), dst, num_segments=N)
    h_neigh = agg / jnp.maximum(deg, 1.0)[:, None]
    return h @ W_self + h_neigh @ W_neigh + b


def reference(x, edge_index, W_self0, W_neigh0, b0, W_self1, W_neigh1, b1, W_self2, W_neigh2, b2):
    src = edge_index[0]
    dst = edge_index[1]
    h = _sage_layer(x, src, dst, W_self0, W_neigh0, b0)
    h = jax.nn.relu(h)
    # dropout is identity in eval/deterministic reference
    h = _sage_layer(h, src, dst, W_self1, W_neigh1, b1)
    h = jax.nn.relu(h)
    h = _sage_layer(h, src, dst, W_self2, W_neigh2, b2)
    return h

if __name__ == "__main__":
    import jax
    _d = setup_inputs()
    print(jax.jit(kernel)(*tuple(_d.values())))

</pallas_src>

<mosaic_0001>
#map = affine_map<(d0, d1) -> (0, 0)>
#map1 = affine_map<(d0, d1) -> (0, 0, 0)>
module attributes {stable_mosaic.version = 14 : i64} {
  func.func @body(%arg0: i32, %arg1: i32, %arg2: memref<4000x80xi32, #tpu.memory_space<hbm>>, %arg3: memref<10000x16xf32, #tpu.memory_space<hbm>>, %arg4: memref<2x10000x16xf32, #tpu.memory_space<hbm>>, %arg5: memref<125x80xi32, #tpu.memory_space<vmem>>, %arg6: memref<80x16xf32, #tpu.memory_space<vmem>>, %arg7: memref<!tpu.dma_semaphore, #tpu.memory_space<semaphore_mem>>, %arg8: memref<10000x16xf32, #tpu.memory_space<vmem_shared>>) attributes {dimension_semantics = [#tpu.dimension_semantics<core_parallel>, #tpu.dimension_semantics<subcore_parallel>], iteration_bounds = array<i64: 2, 16>, scalar_prefetch = 0 : i64, scratch_operands = 4 : i64, tpu.core_type = #tpu.core_type<sc_vector_subcore>, window_params = [{transform_indices = #map}, {transform_indices = #map}, {transform_indices = #map1}]} {
    %mul3A = arith.constant 16 : i32
    %mul3A_0 = arith.muli %arg0, %mul3A : i32
    %add3A = arith.addi %mul3A_0, %arg1 : i32
    %mul3A_1 = arith.constant 125 : i32
    %mul3A_2 = arith.muli %add3A, %mul3A_1 : i32
    "tpu.region"() ({
      %run_scoped3A = tpu.sem_alloc : memref<!tpu.dma_semaphore, #tpu.memory_space<semaphore_mem>>
      %dma_start3A = arith.constant 0 : i32
      %dma_start3A_551 = tpu.memref_slice %arg2[%mul3A_2, %dma_start3A] : memref<4000x80xi32, #tpu.memory_space<hbm>> -> memref<125x80xi32, #tpu.memory_space<hbm>>
      %dma_start3A_552 = arith.constant 0 : i32
      %dma_start3A_553 = tpu.memref_slice %arg2[%mul3A_2, %dma_start3A_552] : memref<4000x80xi32, #tpu.memory_space<hbm>> -> memref<125x80xi32, #tpu.memory_space<hbm>>
      tpu.enqueue_dma source(%dma_start3A_553 : memref<125x80xi32, #tpu.memory_space<hbm>>) target(%arg5 : memref<125x80xi32, #tpu.memory_space<vmem>>) target_semaphore(%run_scoped3A : memref<!tpu.dma_semaphore, #tpu.memory_space<semaphore_mem>>)
      %dma_wait3A_554 = arith.constant 0 : i32
      %dma_wait3A_555 = tpu.memref_slice %arg2[%mul3A_2, %dma_wait3A_554] : memref<4000x80xi32, #tpu.memory_space<hbm>> -> memref<125x80xi32, #tpu.memory_space<hbm>>
      %dma_wait3A_556 = arith.constant 0 : i32
      %dma_wait3A_557 = tpu.memref_slice %arg2[%mul3A_2, %dma_wait3A_556] : memref<4000x80xi32, #tpu.memory_space<hbm>> -> memref<125x80xi32, #tpu.memory_space<hbm>>
      tpu.wait_dma2 semaphore(%run_scoped3A : memref<!tpu.dma_semaphore, #tpu.memory_space<semaphore_mem>>) src(%dma_wait3A_557 : memref<125x80xi32, #tpu.memory_space<hbm>>) dst(%arg5 : memref<125x80xi32, #tpu.memory_space<vmem>>)
      tpu.yield
    }) : () -> ()
    %broadcast_in_dim3A = arith.constant 1.000000e+00 : f32
    %broadcast_in_dim3A_3 = vector.broadcast %broadcast_in_dim3A : f32 to vector<16xf32>
    %swap3A = arith.constant 0 : i32
    %swap3A_4 = arith.index_cast %swap3A : i32 to index
    %swap3A_5 = arith.constant 0 : index
    %swap3A_6 = tpu.vector_load %arg6[%swap3A_4, %swap3A_5] {strides = array<i32>} : memref<80x16xf32, #tpu.memory_space<vmem>>, vector<16xf32>,
    tpu.vector_store %arg6[%swap3A_4, %swap3A_5], %broadcast_in_dim3A_3 {strides = array<i32>} : memref<80x16xf32, #tpu.memory_space<vmem>>, vector<16xf32>,
    %broadcast_in_dim3A_7 = arith.constant 1.000000e+00 : f32
    %broadcast_in_dim3A_8 = vector.broadcast %broadcast_in_dim3A_7 : f32 to vector<16xf32>
    %swap3A_9 = arith.constant 1 : i32
    %swap3A_10 = arith.index_cast %swap3A_9 : i32 to index
    %swap3A_11 = arith.constant 0 : index
    %swap3A_12 = tpu.vector_load %arg6[%swap3A_10, %swap3A_11] {strides = array<i32>} : memref<80x16xf32, #tpu.memory_space<vmem>>, vector<16xf32>,
    tpu.vector_store %arg6[%swap3A_10, %swap3A_11], %broadcast_in_dim3A_8 {strides = array<i32>} : memref<80x16xf32, #tpu.memory_space<vmem>>, vector<16xf32>,
    %broadcast_in_dim3A_13 = arith.constant 1.000000e+00 : f32
    %broadcast_in_dim3A_14 = vector.broadcast %broadcast_in_dim3A_13 : f32 to vector<16xf32>
    %swap3A_15 = arith.constant 2 : i32
    %swap3A_16 = arith.index_cast %swap3A_15 : i32 to index
    %swap3A_17 = arith.constant 0 : index
    %swap3A_18 = tpu.vector_load %arg6[%swap3A_16, %swap3A_17] {strides = array<i32>} : memref<80x16xf32, #tpu.memory_space<vmem>>, vector<16xf32>,
    tpu.vector_store %arg6[%swap3A_16, %swap3A_17], %broadcast_in_dim3A_14 {strides = array<i32>} : memref<80x16xf32, #tpu.memory_space<vmem>>, vector<16xf32>,
    %broadcast_in_dim3A_19 = arith.constant 1.000000e+00 : f32
    %broadcast_in_dim3A_20 = vector.broadcast %broadcast_in_dim3A_19 : f32 to vector<16xf32>
    %swap3A_21 = arith.constant 3 : i32
    %swap3A_22 = arith.index_cast %swap3A_21 : i32 to index
    %swap3A_23 = arith.constant 0 : index
    %swap3A_24 = tpu.vector_load %arg6[%swap3A_22, %swap3A_23] {strides = array<i32>} : memref<80x16xf32, #tpu.memory_space<vmem>>, vector<16xf32>,
    tpu.vector_store %arg6[%swap3A_22, %swap3A_23], %broadcast_in_dim3A_20 {strides = array<i32>} : memref<80x16xf32, #tpu.memory_space<vmem>>, vector<16xf32>,
    %broadcast_in_dim3A_25 = arith.constant 1.000000e+00 : f32
    %broadcast_in_dim3A_26 = vector.broadcast %broadcast_in_dim3A_25 : f32 to vector<16xf32>
    %swap3A_27 = arith.constant 4 : i32
    %swap3A_28 = arith.index_cast %swap3A_27 : i32 to index
    %swap3A_29 = arith.constant 0 : index
    %swap3A_30 = tpu.vector_load %arg6[%swap3A_28, %swap3A_29] {strides = array<i32>} : memref<80x16xf32, #tpu.memory_space<vmem>>, vector<16xf32>,
    tpu.vector_store %arg6[%swap3A_28, %swap3A_29], %broadcast_in_dim3A_26 {strides = array<i32>} : memref<80x16xf32, #tpu.memory_space<vmem>>, vector<16xf32>,
    %broadcast_in_dim3A_31 = arith.constant 1.000000e+00 : f32
    %broadcast_in_dim3A_32 = vector.broadcast %broadcast_in_dim3A_31 : f32 to vector<16xf32>
    %swap3A_33 = arith.constant 5 : i32
    %swap3A_34 = arith.index_cast %swap3A_33 : i32 to index
    %swap3A_35 = arith.constant 0 : index
    %swap3A_36 = tpu.vector_load %arg6[%swap3A_34, %swap3A_35] {strides = array<i32>} : memref<80x16xf32, #tpu.memory_space<vmem>>, vector<16xf32>,
    tpu.vector_store %arg6[%swap3A_34, %swap3A_35], %broadcast_in_dim3A_32 {strides = array<i32>} : memref<80x16xf32, #tpu.memory_space<vmem>>, vector<16xf32>,
    %broadcast_in_dim3A_37 = arith.constant 1.000000e+00 : f32
    %broadcast_in_dim3A_38 = vector.broadcast %broadcast_in_dim3A_37 : f32 to vector<16xf32>
    %swap3A_39 = arith.constant 6 : i32
    %swap3A_40 = arith.index_cast %swap3A_39 : i32 to index
    %swap3A_41 = arith.constant 0 : index
    %swap3A_42 = tpu.vector_load %arg6[%swap3A_40, %swap3A_41] {strides = array<i32>} : memref<80x16xf32, #tpu.memory_space<vmem>>, vector<16xf32>,
    tpu.vector_store %arg6[%swap3A_40, %swap3A_41], %broadcast_in_dim3A_38 {strides = array<i32>} : memref<80x16xf32, #tpu.memory_space<vmem>>, vector<16xf32>,
    %broadcast_in_dim3A_43 = arith.constant 1.000000e+00 : f32
    %broadcast_in_dim3A_44 = vector.broadcast %broadcast_in_dim3A_43 : f32 to vector<16xf32>
    %swap3A_45 = arith.constant 7 : i32
    %swap3A_46 = arith.index_cast %swap3A_45 : i32 to index
    %swap3A_47 = arith.constant 0 : index
    %swap3A_48 = tpu.vector_load %arg6[%swap3A_46, %swap3A_47] {strides = array<i32>} : memref<80x16xf32, #tpu.memory_space<vmem>>, vector<16xf32>,
    tpu.vector_store %arg6[%swap3A_46, %swap3A_47], %broadcast_in_dim3A_44 {strides = array<i32>} : memref<80x16xf32, #tpu.memory_space<vmem>>, vector<16xf32>,
    %broadcast_in_dim3A_49 = arith.constant 1.000000e+00 : f32
    %broadcast_in_dim3A_50 = vector.broadcast %broadcast_in_dim3A_49 : f32 to vector<16xf32>
    %swap3A_51 = arith.constant 8 : i32
    %swap3A_52 = arith.index_cast %swap3A_51 : i32 to index
    %swap3A_53 = arith.constant 0 : index
    %swap3A_54 = tpu.vector_load %arg6[%swap3A_52, %swap3A_53] {strides = array<i32>} : memref<80x16xf32, #tpu.memory_space<vmem>>, vector<16xf32>,
    tpu.vector_store %arg6[%swap3A_52, %swap3A_53], %broadcast_in_dim3A_50 {strides = array<i32>} : memref<80x16xf32, #tpu.memory_space<vmem>>, vector<16xf32>,
    %broadcast_in_dim3A_55 = arith.constant 1.000000e+00 : f32
    %broadcast_in_dim3A_56 = vector.broadcast %broadcast_in_dim3A_55 : f32 to vector<16xf32>
    %swap3A_57 = arith.constant 9 : i32
    %swap3A_58 = arith.index_cast %swap3A_57 : i32 to index
    %swap3A_59 = arith.constant 0 : index
    %swap3A_60 = tpu.vector_load %arg6[%swap3A_58, %swap3A_59] {strides = array<i32>} : memref<80x16xf32, #tpu.memory_space<vmem>>, vector<16xf32>,
    tpu.vector_store %arg6[%swap3A_58, %swap3A_59], %broadcast_in_dim3A_56 {strides = array<i32>} : memref<80x16xf32, #tpu.memory_space<vmem>>, vector<16xf32>,
    %broadcast_in_dim3A_61 = arith.constant 1.000000e+00 : f32
    %broadcast_in_dim3A_62 = vector.broadcast %broadcast_in_dim3A_61 : f32 to vector<16xf32>
    %swap3A_63 = arith.constant 10 : i32
    %swap3A_64 = arith.index_cast %swap3A_63 : i32 to index
    %swap3A_65 = arith.constant 0 : index
    %swap3A_66 = tpu.vector_load %arg6[%swap3A_64, %swap3A_65] {strides = array<i32>} : memref<80x16xf32, #tpu.memory_space<vmem>>, vector<16xf32>,
    tpu.vector_store %arg6[%swap3A_64, %swap3A_65], %broadcast_in_dim3A_62 {strides = array<i32>} : memref<80x16xf32, #tpu.memory_space<vmem>>, vector<16xf32>,
    %broadcast_in_dim3A_67 = arith.constant 1.000000e+00 : f32
    %broadcast_in_dim3A_68 = vector.broadcast %broadcast_in_dim3A_67 : f32 to vector<16xf32>
    %swap3A_69 = arith.constant 11 : i32
    %swap3A_70 = arith.index_cast %swap3A_69 : i32 to index
    %swap3A_71 = arith.constant 0 : index
    %swap3A_72 = tpu.vector_load %arg6[%swap3A_70, %swap3A_71] {strides = array<i32>} : memref<80x16xf32, #tpu.memory_space<vmem>>, vector<16xf32>,
    tpu.vector_store %arg6[%swap3A_70, %swap3A_71], %broadcast_in_dim3A_68 {strides = array<i32>} : memref<80x16xf32, #tpu.memory_space<vmem>>, vector<16xf32>,
    %broadcast_in_dim3A_73 = arith.constant 1.000000e+00 : f32
    %broadcast_in_dim3A_74 = vector.broadcast %broadcast_in_dim3A_73 : f32 to vector<16xf32>
    %swap3A_75 = arith.constant 12 : i32
    %swap3A_76 = arith.index_cast %swap3A_75 : i32 to index
    %swap3A_77 = arith.constant 0 : index
    %swap3A_78 = tpu.vector_load %arg6[%swap3A_76, %swap3A_77] {strides = array<i32>} : memref<80x16xf32, #tpu.memory_space<vmem>>, vector<16xf32>,
    tpu.vector_store %arg6[%swap3A_76, %swap3A_77], %broadcast_in_dim3A_74 {strides = array<i32>} : memref<80x16xf32, #tpu.memory_space<vmem>>, vector<16xf32>,
    %broadcast_in_dim3A_79 = arith.constant 1.000000e+00 : f32
    %broadcast_in_dim3A_80 = vector.broadcast %broadcast_in_dim3A_79 : f32 to vector<16xf32>
    %swap3A_81 = arith.constant 13 : i32
    %swap3A_82 = arith.index_cast %swap3A_81 : i32 to index
    %swap3A_83 = arith.constant 0 : index
    %swap3A_84 = tpu.vector_load %arg6[%swap3A_82, %swap3A_83] {strides = array<i32>} : memref<80x16xf32, #tpu.memory_space<vmem>>, vector<16xf32>,
    tpu.vector_store %arg6[%swap3A_82, %swap3A_83], %broadcast_in_dim3A_80 {strides = array<i32>} : memref<80x16xf32, #tpu.memory_space<vmem>>, vector<16xf32>,
    %broadcast_in_dim3A_85 = arith.constant 1.000000e+00 : f32
    %broadcast_in_dim3A_86 = vector.broadcast %broadcast_in_dim3A_85 : f32 to vector<16xf32>
    %swap3A_87 = arith.constant 14 : i32
    %swap3A_88 = arith.index_cast %swap3A_87 : i32 to index
    %swap3A_89 = arith.constant 0 : index
    %swap3A_90 = tpu.vector_load %arg6[%swap3A_88, %swap3A_89] {strides = array<i32>} : memref<80x16xf32, #tpu.memory_space<vmem>>, vector<16xf32>,
    tpu.vector_store %arg6[%swap3A_88, %swap3A_89], %broadcast_in_dim3A_86 {strides = array<i32>} : memref<80x16xf32, #tpu.memory_space<vmem>>, vector<16xf32>,
    %broadcast_in_dim3A_91 = arith.constant 1.000000e+00 : f32
    %broadcast_in_dim3A_92 = vector.broadcast %broadcast_in_dim3A_91 : f32 to vector<16xf32>
    %swap3A_93 = arith.constant 15 : i32
    %swap3A_94 = arith.index_cast %swap3A_93 : i32 to index
    %swap3A_95 = arith.constant 0 : index
    %swap3A_96 = tpu.vector_load %arg6[%swap3A_94, %swap3A_95] {strides = array<i32>} : memref<80x16xf32, #tpu.memory_space<vmem>>, vector<16xf32>,
    tpu.vector_store %arg6[%swap3A_94, %swap3A_95], %broadcast_in_dim3A_92 {strides = array<i32>} : memref<80x16xf32, #tpu.memory_space<vmem>>, vector<16xf32>,
    %broadcast_in_dim3A_97 = arith.constant 1.000000e+00 : f32
    %broadcast_in_dim3A_98 = vector.broadcast %broadcast_in_dim3A_97 : f32 to vector<16xf32>
    %swap3A_99 = arith.constant 16 : i32
    %swap3A_100 = arith.index_cast %swap3A_99 : i32 to index
    %swap3A_101 = arith.constant 0 : index
    %swap3A_102 = tpu.vector_load %arg6[%swap3A_100, %swap3A_101] {strides = array<i32>} : memref<80x16xf32, #tpu.memory_space<vmem>>, vector<16xf32>,
    tpu.vector_store %arg6[%swap3A_100, %swap3A_101], %broadcast_in_dim3A_98 {strides = array<i32>} : memref<80x16xf32, #tpu.memory_space<vmem>>, vector<16xf32>,
    %broadcast_in_dim3A_103 = arith.constant 1.000000e+00 : f32
    %broadcast_in_dim3A_104 = vector.broadcast %broadcast_in_dim3A_103 : f32 to vector<16xf32>
    %swap3A_105 = arith.constant 17 : i32
    %swap3A_106 = arith.index_cast %swap3A_105 : i32 to index
    %swap3A_107 = arith.constant 0 : index
    %swap3A_108 = tpu.vector_load %arg6[%swap3A_106, %swap3A_107] {strides = array<i32>} : memref<80x16xf32, #tpu.memory_space<vmem>>, vector<16xf32>,
    tpu.vector_store %arg6[%swap3A_106, %swap3A_107], %broadcast_in_dim3A_104 {strides = array<i32>} : memref<80x16xf32, #tpu.memory_space<vmem>>, vector<16xf32>,
    %broadcast_in_dim3A_109 = arith.constant 1.000000e+00 : f32
    %broadcast_in_dim3A_110 = vector.broadcast %broadcast_in_dim3A_109 : f32 to vector<16xf32>
    %swap3A_111 = arith.constant 18 : i32
    %swap3A_112 = arith.index_cast %swap3A_111 : i32 to index
    %swap3A_113 = arith.constant 0 : index
    %swap3A_114 = tpu.vector_load %arg6[%swap3A_112, %swap3A_113] {strides = array<i32>} : memref<80x16xf32, #tpu.memory_space<vmem>>, vector<16xf32>,
    tpu.vector_store %arg6[%swap3A_112, %swap3A_113], %broadcast_in_dim3A_110 {strides = array<i32>} : memref<80x16xf32, #tpu.memory_space<vmem>>, vector<16xf32>,
    %broadcast_in_dim3A_115 = arith.constant 1.000000e+00 : f32
    %broadcast_in_dim3A_116 = vector.broadcast %broadcast_in_dim3A_115 : f32 to vector<16xf32>
    %swap3A_117 = arith.constant 19 : i32
    %swap3A_118 = arith.index_cast %swap3A_117 : i32 to index
    %swap3A_119 = arith.constant 0 : index
    %swap3A_120 = tpu.vector_load %arg6[%swap3A_118, %swap3A_119] {strides = array<i32>} : memref<80x16xf32, #tpu.memory_space<vmem>>, vector<16xf32>,
    tpu.vector_store %arg6[%swap3A_118, %swap3A_119], %broadcast_in_dim3A_116 {strides = array<i32>} : memref<80x16xf32, #tpu.memory_space<vmem>>, vector<16xf32>,
    %broadcast_in_dim3A_121 = arith.constant 1.000000e+00 : f32
    %broadcast_in_dim3A_122 = vector.broadcast %broadcast_in_dim3A_121 : f32 to vector<16xf32>
    %swap3A_123 = arith.constant 20 : i32
    %swap3A_124 = arith.index_cast %swap3A_123 : i32 to index
    %swap3A_125 = arith.constant 0 : index
    %swap3A_126 = tpu.vector_load %arg6[%swap3A_124, %swap3A_125] {strides = array<i32>} : memref<80x16xf32, #tpu.memory_space<vmem>>, vector<16xf32>,
    tpu.vector_store %arg6[%swap3A_124, %swap3A_125], %broadcast_in_dim3A_122 {strides = array<i32>} : memref<80x16xf32, #tpu.memory_space<vmem>>, vector<16xf32>,
    %broadcast_in_dim3A_127 = arith.constant 1.000000e+00 : f32
    %broadcast_in_dim3A_128 = vector.broadcast %broadcast_in_dim3A_127 : f32 to vector<16xf32>
    %swap3A_129 = arith.constant 21 : i32
    %swap3A_130 = arith.index_cast %swap3A_129 : i32 to index
    %swap3A_131 = arith.constant 0 : index
    %swap3A_132 = tpu.vector_load %arg6[%swap3A_130, %swap3A_131] {strides = array<i32>} : memref<80x16xf32, #tpu.memory_space<vmem>>, vector<16xf32>,
    tpu.vector_store %arg6[%swap3A_130, %swap3A_131], %broadcast_in_dim3A_128 {strides = array<i32>} : memref<80x16xf32, #tpu.memory_space<vmem>>, vector<16xf32>,
    %broadcast_in_dim3A_133 = arith.constant 1.000000e+00 : f32
    %broadcast_in_dim3A_134 = vector.broadcast %broadcast_in_dim3A_133 : f32 to vector<16xf32>
    %swap3A_135 = arith.constant 22 : i32
    %swap3A_136 = arith.index_cast %swap3A_135 : i32 to index
    %swap3A_137 = arith.constant 0 : index
    %swap3A_138 = tpu.vector_load %arg6[%swap3A_136, %swap3A_137] {strides = array<i32>} : memref<80x16xf32, #tpu.memory_space<vmem>>, vector<16xf32>,
    tpu.vector_store %arg6[%swap3A_136, %swap3A_137], %broadcast_in_dim3A_134 {strides = array<i32>} : memref<80x16xf32, #tpu.memory_space<vmem>>, vector<16xf32>,
    %broadcast_in_dim3A_139 = arith.constant 1.000000e+00 : f32
    %broadcast_in_dim3A_140 = vector.broadcast %broadcast_in_dim3A_139 : f32 to vector<16xf32>
    %swap3A_141 = arith.constant 23 : i32
    %swap3A_142 = arith.index_cast %swap3A_141 : i32 to index
    %swap3A_143 = arith.constant 0 : index
    %swap3A_144 = tpu.vector_load %arg6[%swap3A_142, %swap3A_143] {strides = array<i32>} : memref<80x16xf32, #tpu.memory_space<vmem>>, vector<16xf32>,
    tpu.vector_store %arg6[%swap3A_142, %swap3A_143], %broadcast_in_dim3A_140 {strides = array<i32>} : memref<80x16xf32, #tpu.memory_space<vmem>>, vector<16xf32>,
    %broadcast_in_dim3A_145 = arith.constant 1.000000e+00 : f32
    %broadcast_in_dim3A_146 = vector.broadcast %broadcast_in_dim3A_145 : f32 to vector<16xf32>
    %swap3A_147 = arith.constant 24 : i32
    %swap3A_148 = arith.index_cast %swap3A_147 : i32 to index
    %swap3A_149 = arith.constant 0 : index
    %swap3A_150 = tpu.vector_load %arg6[%swap3A_148, %swap3A_149] {strides = array<i32>} : memref<80x16xf32, #tpu.memory_space<vmem>>, vector<16xf32>,
    tpu.vector_store %arg6[%swap3A_148, %swap3A_149], %broadcast_in_dim3A_146 {strides = array<i32>} : memref<80x16xf32, #tpu.memory_space<vmem>>, vector<16xf32>,
    %broadcast_in_dim3A_151 = arith.constant 1.000000e+00 : f32
    %broadcast_in_dim3A_152 = vector.broadcast %broadcast_in_dim3A_151 : f32 to vector<16xf32>
    %swap3A_153 = arith.constant 25 : i32
    %swap3A_154 = arith.index_cast %swap3A_153 : i32 to index
    %swap3A_155 = arith.constant 0 : index
    %swap3A_156 = tpu.vector_load %arg6[%swap3A_154, %swap3A_155] {strides = array<i32>} : memref<80x16xf32, #tpu.memory_space<vmem>>, vector<16xf32>,
    tpu.vector_store %arg6[%swap3A_154, %swap3A_155], %broadcast_in_dim3A_152 {strides = array<i32>} : memref<80x16xf32, #tpu.memory_space<vmem>>, vector<16xf32>,
    %broadcast_in_dim3A_157 = arith.constant 1.000000e+00 : f32
    %broadcast_in_dim3A_158 = vector.broadcast %broadcast_in_dim3A_157 : f32 to vector<16xf32>
    %swap3A_159 = arith.constant 26 : i32
    %swap3A_160 = arith.index_cast %swap3A_159 : i32 to index
    %swap3A_161 = arith.constant 0 : index
    %swap3A_162 = tpu.vector_load %arg6[%swap3A_160, %swap3A_161] {strides = array<i32>} : memref<80x16xf32, #tpu.memory_space<vmem>>, vector<16xf32>,
    tpu.vector_store %arg6[%swap3A_160, %swap3A_161], %broadcast_in_dim3A_158 {strides = array<i32>} : memref<80x16xf32, #tpu.memory_space<vmem>>, vector<16xf32>,
    %broadcast_in_dim3A_163 = arith.constant 1.000000e+00 : f32
    %broadcast_in_dim3A_164 = vector.broadcast %broadcast_in_dim3A_163 : f32 to vector<16xf32>
    %swap3A_165 = arith.constant 27 : i32
    %swap3A_166 = arith.index_cast %swap3A_165 : i32 to index
    %swap3A_167 = arith.constant 0 : index
    %swap3A_168 = tpu.vector_load %arg6[%swap3A_166, %swap3A_167] {strides = array<i32>} : memref<80x16xf32, #tpu.memory_space<vmem>>, vector<16xf32>,
    tpu.vector_store %arg6[%swap3A_166, %swap3A_167], %broadcast_in_dim3A_164 {strides = array<i32>} : memref<80x16xf32, #tpu.memory_space<vmem>>, vector<16xf32>,
    %broadcast_in_dim3A_169 = arith.constant 1.000000e+00 : f32
    %broadcast_in_dim3A_170 = vector.broadcast %broadcast_in_dim3A_169 : f32 to vector<16xf32>
    %swap3A_171 = arith.constant 28 : i32
    %swap3A_172 = arith.index_cast %swap3A_171 : i32 to index
    %swap3A_173 = arith.constant 0 : index
    %swap3A_174 = tpu.vector_load %arg6[%swap3A_172, %swap3A_173] {strides = array<i32>} : memref<80x16xf32, #tpu.memory_space<vmem>>, vector<16xf32>,
    tpu.vector_store %arg6[%swap3A_172, %swap3A_173], %broadcast_in_dim3A_170 {strides = array<i32>} : memref<80x16xf32, #tpu.memory_space<vmem>>, vector<16xf32>,
    %broadcast_in_dim3A_175 = arith.constant 1.000000e+00 : f32
    %broadcast_in_dim3A_176 = vector.broadcast %broadcast_in_dim3A_175 : f32 to vector<16xf32>
    %swap3A_177 = arith.constant 29 : i32
    %swap3A_178 = arith.index_cast %swap3A_177 : i32 to index
    %swap3A_179 = arith.constant 0 : index
    %swap3A_180 = tpu.vector_load %arg6[%swap3A_178, %swap3A_179] {strides = array<i32>} : memref<80x16xf32, #tpu.memory_space<vmem>>, vector<16xf32>,
    tpu.vector_store %arg6[%swap3A_178, %swap3A_179], %broadcast_in_dim3A_176 {strides = array<i32>} : memref<80x16xf32, #tpu.memory_space<vmem>>, vector<16xf32>,
    %broadcast_in_dim3A_181 = arith.constant 1.000000e+00 : f32
    %broadcast_in_dim3A_182 = vector.broadcast %broadcast_in_dim3A_181 : f32 to vector<16xf32>
    %swap3A_183 = arith.constant 30 : i32
    %swap3A_184 = arith.index_cast %swap3A_183 : i32 to index
    %swap3A_185 = arith.constant 0 : index
    %swap3A_186 = tpu.vector_load %arg6[%swap3A_184, %swap3A_185] {strides = array<i32>} : memref<80x16xf32, #tpu.memory_space<vmem>>, vector<16xf32>,
    tpu.vector_store %arg6[%swap3A_184, %swap3A_185], %broadcast_in_dim3A_182 {strides = array<i32>} : memref<80x16xf32, #tpu.memory_space<vmem>>, vector<16xf32>,
    %broadcast_in_dim3A_187 = arith.constant 1.000000e+00 : f32
    %broadcast_in_dim3A_188 = vector.broadcast %broadcast_in_dim3A_187 : f32 to vector<16xf32>
    %swap3A_189 = arith.constant 31 : i32
    %swap3A_190 = arith.index_cast %swap3A_189 : i32 to index
    %swap3A_191 = arith.constant 0 : index
    %swap3A_192 = tpu.vector_load %arg6[%swap3A_190, %swap3A_191] {strides = array<i32>} : memref<80x16xf32, #tpu.memory_space<vmem>>, vector<16xf32>,
    tpu.vector_store %arg6[%swap3A_190, %swap3A_191], %broadcast_in_dim3A_188 {strides = array<i32>} : memref<80x16xf32, #tpu.memory_space<vmem>>, vector<16xf32>,
    %broadcast_in_dim3A_193 = arith.constant 1.000000e+00 : f32
    %broadcast_in_dim3A_194 = vector.broadcast %broadcast_in_dim3A_193 : f32 to vector<16xf32>
    %swap3A_195 = arith.constant 32 : i32
    %swap3A_196 = arith.index_cast %swap3A_195 : i32 to index
    %swap3A_197 = arith.constant 0 : index
    %swap3A_198 = tpu.vector_load %arg6[%swap3A_196, %swap3A_197] {strides = array<i32>} : memref<80x16xf32, #tpu.memory_space<vmem>>, vector<16xf32>,
    tpu.vector_store %arg6[%swap3A_196, %swap3A_197], %broadcast_in_dim3A_194 {strides = array<i32>} : memref<80x16xf32, #tpu.memory_space<vmem>>, vector<16xf32>,
    %broadcast_in_dim3A_199 = arith.constant 1.000000e+00 : f32
    %broadcast_in_dim3A_200 = vector.broadcast %broadcast_in_dim3A_199 : f32 to vector<16xf32>
    %swap3A_201 = arith.constant 33 : i32
    %swap3A_202 = arith.index_cast %swap3A_201 : i32 to index
    %swap3A_203 = arith.constant 0 : index
    %swap3A_204 = tpu.vector_load %arg6[%swap3A_202, %swap3A_203] {strides = array<i32>} : memref<80x16xf32, #tpu.memory_space<vmem>>, vector<16xf32>,
    tpu.vector_store %arg6[%swap3A_202, %swap3A_203], %broadcast_in_dim3A_200 {strides = array<i32>} : memref<80x16xf32, #tpu.memory_space<vmem>>, vector<16xf32>,
    %broadcast_in_dim3A_205 = arith.constant 1.000000e+00 : f32
    %broadcast_in_dim3A_206 = vector.broadcast %broadcast_in_dim3A_205 : f32 to vector<16xf32>
    %swap3A_207 = arith.constant 34 : i32
    %swap3A_208 = arith.index_cast %swap3A_207 : i32 to index
    %swap3A_209 = arith.constant 0 : index
    %swap3A_210 = tpu.vector_load %arg6[%swap3A_208, %swap3A_209] {strides = array<i32>} : memref<80x16xf32, #tpu.memory_space<vmem>>, vector<16xf32>,
    tpu.vector_store %arg6[%swap3A_208, %swap3A_209], %broadcast_in_dim3A_206 {strides = array<i32>} : memref<80x16xf32, #tpu.memory_space<vmem>>, vector<16xf32>,
    %broadcast_in_dim3A_211 = arith.constant 1.000000e+00 : f32
    %broadcast_in_dim3A_212 = vector.broadcast %broadcast_in_dim3A_211 : f32 to vector<16xf32>
    %swap3A_213 = arith.constant 35 : i32
    %swap3A_214 = arith.index_cast %swap3A_213 : i32 to index
    %swap3A_215 = arith.constant 0 : index
    %swap3A_216 = tpu.vector_load %arg6[%swap3A_214, %swap3A_215] {strides = array<i32>} : memref<80x16xf32, #tpu.memory_space<vmem>>, vector<16xf32>,
    tpu.vector_store %arg6[%swap3A_214, %swap3A_215], %broadcast_in_dim3A_212 {strides = array<i32>} : memref<80x16xf32, #tpu.memory_space<vmem>>, vector<16xf32>,
    %broadcast_in_dim3A_217 = arith.constant 1.000000e+00 : f32
    %broadcast_in_dim3A_218 = vector.broadcast %broadcast_in_dim3A_217 : f32 to vector<16xf32>
    %swap3A_219 = arith.constant 36 : i32
    %swap3A_220 = arith.index_cast %swap3A_219 : i32 to index
    %swap3A_221 = arith.constant 0 : index
    %swap3A_222 = tpu.vector_load %arg6[%swap3A_220, %swap3A_221] {strides = array<i32>} : memref<80x16xf32, #tpu.memory_space<vmem>>, vector<16xf32>,
    tpu.vector_store %arg6[%swap3A_220, %swap3A_221], %broadcast_in_dim3A_218 {strides = array<i32>} : memref<80x16xf32, #tpu.memory_space<vmem>>, vector<16xf32>,
    %broadcast_in_dim3A_223 = arith.constant 1.000000e+00 : f32
    %broadcast_in_dim3A_224 = vector.broadcast %broadcast_in_dim3A_223 : f32 to vector<16xf32>
    %swap3A_225 = arith.constant 37 : i32
    %swap3A_226 = arith.index_cast %swap3A_225 : i32 to index
    %swap3A_227 = arith.constant 0 : index
    %swap3A_228 = tpu.vector_load %arg6[%swap3A_226, %swap3A_227] {strides = array<i32>} : memref<80x16xf32, #tpu.memory_space<vmem>>, vector<16xf32>,
    tpu.vector_store %arg6[%swap3A_226, %swap3A_227], %broadcast_in_dim3A_224 {strides = array<i32>} : memref<80x16xf32, #tpu.memory_space<vmem>>, vector<16xf32>,
    %broadcast_in_dim3A_229 = arith.constant 1.000000e+00 : f32
    %broadcast_in_dim3A_230 = vector.broadcast %broadcast_in_dim3A_229 : f32 to vector<16xf32>
    %swap3A_231 = arith.constant 38 : i32
    %swap3A_232 = arith.index_cast %swap3A_231 : i32 to index
    %swap3A_233 = arith.constant 0 : index
    %swap3A_234 = tpu.vector_load %arg6[%swap3A_232, %swap3A_233] {strides = array<i32>} : memref<80x16xf32, #tpu.memory_space<vmem>>, vector<16xf32>,
    tpu.vector_store %arg6[%swap3A_232, %swap3A_233], %broadcast_in_dim3A_230 {strides = array<i32>} : memref<80x16xf32, #tpu.memory_space<vmem>>, vector<16xf32>,
    %broadcast_in_dim3A_235 = arith.constant 1.000000e+00 : f32
    %broadcast_in_dim3A_236 = vector.broadcast %broadcast_in_dim3A_235 : f32 to vector<16xf32>
    %swap3A_237 = arith.constant 39 : i32
    %swap3A_238 = arith.index_cast %swap3A_237 : i32 to index
    %swap3A_239 = arith.constant 0 : index
    %swap3A_240 = tpu.vector_load %arg6[%swap3A_238, %swap3A_239] {strides = array<i32>} : memref<80x16xf32, #tpu.memory_space<vmem>>, vector<16xf32>,
    tpu.vector_store %arg6[%swap3A_238, %swap3A_239], %broadcast_in_dim3A_236 {strides = array<i32>} : memref<80x16xf32, #tpu.memory_space<vmem>>, vector<16xf32>,
    %broadcast_in_dim3A_241 = arith.constant 1.000000e+00 : f32
    %broadcast_in_dim3A_242 = vector.broadcast %broadcast_in_dim3A_241 : f32 to vector<16xf32>
    %swap3A_243 = arith.constant 40 : i32
    %swap3A_244 = arith.index_cast %swap3A_243 : i32 to index
    %swap3A_245 = arith.constant 0 : index
    %swap3A_246 = tpu.vector_load %arg6[%swap3A_244, %swap3A_245] {strides = array<i32>} : memref<80x16xf32, #tpu.memory_space<vmem>>, vector<16xf32>,
    tpu.vector_store %arg6[%swap3A_244, %swap3A_245], %broadcast_in_dim3A_242 {strides = array<i32>} : memref<80x16xf32, #tpu.memory_space<vmem>>, vector<16xf32>,
    %broadcast_in_dim3A_247 = arith.constant 1.000000e+00 : f32
    %broadcast_in_dim3A_248 = vector.broadcast %broadcast_in_dim3A_247 : f32 to vector<16xf32>
    %swap3A_249 = arith.constant 41 : i32
    %swap3A_250 = arith.index_cast %swap3A_249 : i32 to index
    %swap3A_251 = arith.constant 0 : index
    %swap3A_252 = tpu.vector_load %arg6[%swap3A_250, %swap3A_251] {strides = array<i32>} : memref<80x16xf32, #tpu.memory_space<vmem>>, vector<16xf32>,
    tpu.vector_store %arg6[%swap3A_250, %swap3A_251], %broadcast_in_dim3A_248 {strides = array<i32>} : memref<80x16xf32, #tpu.memory_space<vmem>>, vector<16xf32>,
    %broadcast_in_dim3A_253 = arith.constant 1.000000e+00 : f32
    %broadcast_in_dim3A_254 = vector.broadcast %broadcast_in_dim3A_253 : f32 to vector<16xf32>
    %swap3A_255 = arith.constant 42 : i32
    %swap3A_256 = arith.index_cast %swap3A_255 : i32 to index
    %swap3A_257 = arith.constant 0 : index
    %swap3A_258 = tpu.vector_load %arg6[%swap3A_256, %swap3A_257] {strides = array<i32>} : memref<80x16xf32, #tpu.memory_space<vmem>>, vector<16xf32>,
    tpu.vector_store %arg6[%swap3A_256, %swap3A_257], %broadcast_in_dim3A_254 {strides = array<i32>} : memref<80x16xf32, #tpu.memory_space<vmem>>, vector<16xf32>,
    %broadcast_in_dim3A_259 = arith.constant 1.000000e+00 : f32
    %broadcast_in_dim3A_260 = vector.broadcast %broadcast_in_dim3A_259 : f32 to vector<16xf32>
    %swap3A_261 = arith.constant 43 : i32
    %swap3A_262 = arith.index_cast %swap3A_261 : i32 to index
    %swap3A_263 = arith.constant 0 : index
    %swap3A_264 = tpu.vector_load %arg6[%swap3A_262, %swap3A_263] {strides = array<i32>} : memref<80x16xf32, #tpu.memory_space<vmem>>, vector<16xf32>,
    tpu.vector_store %arg6[%swap3A_262, %swap3A_263], %broadcast_in_dim3A_260 {strides = array<i32>} : memref<80x16xf32, #tpu.memory_space<vmem>>, vector<16xf32>,
    %broadcast_in_dim3A_265 = arith.constant 1.000000e+00 : f32
    %broadcast_in_dim3A_266 = vector.broadcast %broadcast_in_dim3A_265 : f32 to vector<16xf32>
    %swap3A_267 = arith.constant 44 : i32
    %swap3A_268 = arith.index_cast %swap3A_267 : i32 to index
    %swap3A_269 = arith.constant 0 : index
    %swap3A_270 = tpu.vector_load %arg6[%swap3A_268, %swap3A_269] {strides = array<i32>} : memref<80x16xf32, #tpu.memory_space<vmem>>, vector<16xf32>,
    tpu.vector_store %arg6[%swap3A_268, %swap3A_269], %broadcast_in_dim3A_266 {strides = array<i32>} : memref<80x16xf32, #tpu.memory_space<vmem>>, vector<16xf32>,
    %broadcast_in_dim3A_271 = arith.constant 1.000000e+00 : f32
    %broadcast_in_dim3A_272 = vector.broadcast %broadcast_in_dim3A_271 : f32 to vector<16xf32>
    %swap3A_273 = arith.constant 45 : i32
    %swap3A_274 = arith.index_cast %swap3A_273 : i32 to index
    %swap3A_275 = arith.constant 0 : index
    %swap3A_276 = tpu.vector_load %arg6[%swap3A_274, %swap3A_275] {strides = array<i32>} : memref<80x16xf32, #tpu.memory_space<vmem>>, vector<16xf32>,
    tpu.vector_store %arg6[%swap3A_274, %swap3A_275], %broadcast_in_dim3A_272 {strides = array<i32>} : memref<80x16xf32, #tpu.memory_space<vmem>>, vector<16xf32>,
    %broadcast_in_dim3A_277 = arith.constant 1.000000e+00 : f32
    %broadcast_in_dim3A_278 = vector.broadcast %broadcast_in_dim3A_277 : f32 to vector<16xf32>
    %swap3A_279 = arith.constant 46 : i32
    %swap3A_280 = arith.index_cast %swap3A_279 : i32 to index
    %swap3A_281 = arith.constant 0 : index
    %swap3A_282 = tpu.vector_load %arg6[%swap3A_280, %swap3A_281] {strides = array<i32>} : memref<80x16xf32, #tpu.memory_space<vmem>>, vector<16xf32>,
    tpu.vector_store %arg6[%swap3A_280, %swap3A_281], %broadcast_in_dim3A_278 {strides = array<i32>} : memref<80x16xf32, #tpu.memory_space<vmem>>, vector<16xf32>,
    %broadcast_in_dim3A_283 = arith.constant 1.000000e+00 : f32
    %broadcast_in_dim3A_284 = vector.broadcast %broadcast_in_dim3A_283 : f32 to vector<16xf32>
    %swap3A_285 = arith.constant 47 : i32
    %swap3A_286 = arith.index_cast %swap3A_285 : i32 to index
    %swap3A_287 = arith.constant 0 : index
    %swap3A_288 = tpu.vector_load %arg6[%swap3A_286, %swap3A_287] {strides = array<i32>} : memref<80x16xf32, #tpu.memory_space<vmem>>, vector<16xf32>,
    tpu.vector_store %arg6[%swap3A_286, %swap3A_287], %broadcast_in_dim3A_284 {strides = array<i32>} : memref<80x16xf32, #tpu.memory_space<vmem>>, vector<16xf32>,
    %broadcast_in_dim3A_289 = arith.constant 1.000000e+00 : f32
    %broadcast_in_dim3A_290 = vector.broadcast %broadcast_in_dim3A_289 : f32 to vector<16xf32>
    %swap3A_291 = arith.constant 48 : i32
    %swap3A_292 = arith.index_cast %swap3A_291 : i32 to index
    %swap3A_293 = arith.constant 0 : index
    %swap3A_294 = tpu.vector_load %arg6[%swap3A_292, %swap3A_293] {strides = array<i32>} : memref<80x16xf32, #tpu.memory_space<vmem>>, vector<16xf32>,
    tpu.vector_store %arg6[%swap3A_292, %swap3A_293], %broadcast_in_dim3A_290 {strides = array<i32>} : memref<80x16xf32, #tpu.memory_space<vmem>>, vector<16xf32>,
    %broadcast_in_dim3A_295 = arith.constant 1.000000e+00 : f32
    %broadcast_in_dim3A_296 = vector.broadcast %broadcast_in_dim3A_295 : f32 to vector<16xf32>
    %swap3A_297 = arith.constant 49 : i32
    %swap3A_298 = arith.index_cast %swap3A_297 : i32 to index
    %swap3A_299 = arith.constant 0 : index
    %swap3A_300 = tpu.vector_load %arg6[%swap3A_298, %swap3A_299] {strides = array<i32>} : memref<80x16xf32, #tpu.memory_space<vmem>>, vector<16xf32>,
    tpu.vector_store %arg6[%swap3A_298, %swap3A_299], %broadcast_in_dim3A_296 {strides = array<i32>} : memref<80x16xf32, #tpu.memory_space<vmem>>, vector<16xf32>,
    %broadcast_in_dim3A_301 = arith.constant 1.000000e+00 : f32
    %broadcast_in_dim3A_302 = vector.broadcast %broadcast_in_dim3A_301 : f32 to vector<16xf32>
    %swap3A_303 = arith.constant 50 : i32
    %swap3A_304 = arith.index_cast %swap3A_303 : i32 to index
    %swap3A_305 = arith.constant 0 : index
    %swap3A_306 = tpu.vector_load %arg6[%swap3A_304, %swap3A_305] {strides = array<i32>} : memref<80x16xf32, #tpu.memory_space<vmem>>, vector<16xf32>,
    tpu.vector_store %arg6[%swap3A_304, %swap3A_305], %broadcast_in_dim3A_302 {strides = array<i32>} : memref<80x16xf32, #tpu.memory_space<vmem>>, vector<16xf32>,
    %broadcast_in_dim3A_307 = arith.constant 1.000000e+00 : f32
    %broadcast_in_dim3A_308 = vector.broadcast %broadcast_in_dim3A_307 : f32 to vector<16xf32>
    %swap3A_309 = arith.constant 51 : i32
    %swap3A_310 = arith.index_cast %swap3A_309 : i32 to index
    %swap3A_311 = arith.constant 0 : index
    %swap3A_312 = tpu.vector_load %arg6[%swap3A_310, %swap3A_311] {strides = array<i32>} : memref<80x16xf32, #tpu.memory_space<vmem>>, vector<16xf32>,
    tpu.vector_store %arg6[%swap3A_310, %swap3A_311], %broadcast_in_dim3A_308 {strides = array<i32>} : memref<80x16xf32, #tpu.memory_space<vmem>>, vector<16xf32>,
    %broadcast_in_dim3A_313 = arith.constant 1.000000e+00 : f32
    %broadcast_in_dim3A_314 = vector.broadcast %broadcast_in_dim3A_313 : f32 to vector<16xf32>
    %swap3A_315 = arith.constant 52 : i32
    %swap3A_316 = arith.index_cast %swap3A_315 : i32 to index
    %swap3A_317 = arith.constant 0 : index
    %swap3A_318 = tpu.vector_load %arg6[%swap3A_316, %swap3A_317] {strides = array<i32>} : memref<80x16xf32, #tpu.memory_space<vmem>>, vector<16xf32>,
    tpu.vector_store %arg6[%swap3A_316, %swap3A_317], %broadcast_in_dim3A_314 {strides = array<i32>} : memref<80x16xf32, #tpu.memory_space<vmem>>, vector<16xf32>,
    %broadcast_in_dim3A_319 = arith.constant 1.000000e+00 : f32
    %broadcast_in_dim3A_320 = vector.broadcast %broadcast_in_dim3A_319 : f32 to vector<16xf32>
    %swap3A_321 = arith.constant 53 : i32
    %swap3A_322 = arith.index_cast %swap3A_321 : i32 to index
    %swap3A_323 = arith.constant 0 : index
    %swap3A_324 = tpu.vector_load %arg6[%swap3A_322, %swap3A_323] {strides = array<i32>} : memref<80x16xf32, #tpu.memory_space<vmem>>, vector<16xf32>,
    tpu.vector_store %arg6[%swap3A_322, %swap3A_323], %broadcast_in_dim3A_320 {strides = array<i32>} : memref<80x16xf32, #tpu.memory_space<vmem>>, vector<16xf32>,
    %broadcast_in_dim3A_325 = arith.constant 1.000000e+00 : f32
    %broadcast_in_dim3A_326 = vector.broadcast %broadcast_in_dim3A_325 : f32 to vector<16xf32>
    %swap3A_327 = arith.constant 54 : i32
    %swap3A_328 = arith.index_cast %swap3A_327 : i32 to index
    %swap3A_329 = arith.constant 0 : index
    %swap3A_330 = tpu.vector_load %arg6[%swap3A_328, %swap3A_329] {strides = array<i32>} : memref<80x16xf32, #tpu.memory_space<vmem>>, vector<16xf32>,
    tpu.vector_store %arg6[%swap3A_328, %swap3A_329], %broadcast_in_dim3A_326 {strides = array<i32>} : memref<80x16xf32, #tpu.memory_space<vmem>>, vector<16xf32>,
    %broadcast_in_dim3A_331 = arith.constant 1.000000e+00 : f32
    %broadcast_in_dim3A_332 = vector.broadcast %broadcast_in_dim3A_331 : f32 to vector<16xf32>
    %swap3A_333 = arith.constant 55 : i32
    %swap3A_334 = arith.index_cast %swap3A_333 : i32 to index
    %swap3A_335 = arith.constant 0 : index
    %swap3A_336 = tpu.vector_load %arg6[%swap3A_334, %swap3A_335] {strides = array<i32>} : memref<80x16xf32, #tpu.memory_space<vmem>>, vector<16xf32>,
    tpu.vector_store %arg6[%swap3A_334, %swap3A_335], %broadcast_in_dim3A_332 {strides = array<i32>} : memref<80x16xf32, #tpu.memory_space<vmem>>, vector<16xf32>,
    %broadcast_in_dim3A_337 = arith.constant 1.000000e+00 : f32
    %broadcast_in_dim3A_338 = vector.broadcast %broadcast_in_dim3A_337 : f32 to vector<16xf32>
    %swap3A_339 = arith.constant 56 : i32
    %swap3A_340 = arith.index_cast %swap3A_339 : i32 to index
    %swap3A_341 = arith.constant 0 : index
    %swap3A_342 = tpu.vector_load %arg6[%swap3A_340, %swap3A_341] {strides = array<i32>} : memref<80x16xf32, #tpu.memory_space<vmem>>, vector<16xf32>,
    tpu.vector_store %arg6[%swap3A_340, %swap3A_341], %broadcast_in_dim3A_338 {strides = array<i32>} : memref<80x16xf32, #tpu.memory_space<vmem>>, vector<16xf32>,
    %broadcast_in_dim3A_343 = arith.constant 1.000000e+00 : f32
    %broadcast_in_dim3A_344 = vector.broadcast %broadcast_in_dim3A_343 : f32 to vector<16xf32>
    %swap3A_345 = arith.constant 57 : i32
    %swap3A_346 = arith.index_cast %swap3A_345 : i32 to index
    %swap3A_347 = arith.constant 0 : index
    %swap3A_348 = tpu.vector_load %arg6[%swap3A_346, %swap3A_347] {strides = array<i32>} : memref<80x16xf32, #tpu.memory_space<vmem>>, vector<16xf32>,
    tpu.vector_store %arg6[%swap3A_346, %swap3A_347], %broadcast_in_dim3A_344 {strides = array<i32>} : memref<80x16xf32, #tpu.memory_space<vmem>>, vector<16xf32>,
    %broadcast_in_dim3A_349 = arith.constant 1.000000e+00 : f32
    %broadcast_in_dim3A_350 = vector.broadcast %broadcast_in_dim3A_349 : f32 to vector<16xf32>
    %swap3A_351 = arith.constant 58 : i32
    %swap3A_352 = arith.index_cast %swap3A_351 : i32 to index
    %swap3A_353 = arith.constant 0 : index
    %swap3A_354 = tpu.vector_load %arg6[%swap3A_352, %swap3A_353] {strides = array<i32>} : memref<80x16xf32, #tpu.memory_space<vmem>>, vector<16xf32>,
    tpu.vector_store %arg6[%swap3A_352, %swap3A_353], %broadcast_in_dim3A_350 {strides = array<i32>} : memref<80x16xf32, #tpu.memory_space<vmem>>, vector<16xf32>,
    %broadcast_in_dim3A_355 = arith.constant 1.000000e+00 : f32
    %broadcast_in_dim3A_356 = vector.broadcast %broadcast_in_dim3A_355 : f32 to vector<16xf32>
    %swap3A_357 = arith.constant 59 : i32
    %swap3A_358 = arith.index_cast %swap3A_357 : i32 to index
    %swap3A_359 = arith.constant 0 : index
    %swap3A_360 = tpu.vector_load %arg6[%swap3A_358, %swap3A_359] {strides = array<i32>} : memref<80x16xf32, #tpu.memory_space<vmem>>, vector<16xf32>,
    tpu.vector_store %arg6[%swap3A_358, %swap3A_359], %broadcast_in_dim3A_356 {strides = array<i32>} : memref<80x16xf32, #tpu.memory_space<vmem>>, vector<16xf32>,
    %broadcast_in_dim3A_361 = arith.constant 1.000000e+00 : f32
    %broadcast_in_dim3A_362 = vector.broadcast %broadcast_in_dim3A_361 : f32 to vector<16xf32>
    %swap3A_363 = arith.constant 60 : i32
    %swap3A_364 = arith.index_cast %swap3A_363 : i32 to index
    %swap3A_365 = arith.constant 0 : index
    %swap3A_366 = tpu.vector_load %arg6[%swap3A_364, %swap3A_365] {strides = array<i32>} : memref<80x16xf32, #tpu.memory_space<vmem>>, vector<16xf32>,
    tpu.vector_store %arg6[%swap3A_364, %swap3A_365], %broadcast_in_dim3A_362 {strides = array<i32>} : memref<80x16xf32, #tpu.memory_space<vmem>>, vector<16xf32>,
    %broadcast_in_dim3A_367 = arith.constant 1.000000e+00 : f32
    %broadcast_in_dim3A_368 = vector.broadcast %broadcast_in_dim3A_367 : f32 to vector<16xf32>
    %swap3A_369 = arith.constant 61 : i32
    %swap3A_370 = arith.index_cast %swap3A_369 : i32 to index
    %swap3A_371 = arith.constant 0 : index
    %swap3A_372 = tpu.vector_load %arg6[%swap3A_370, %swap3A_371] {strides = array<i32>} : memref<80x16xf32, #tpu.memory_space<vmem>>, vector<16xf32>,
    tpu.vector_store %arg6[%swap3A_370, %swap3A_371], %broadcast_in_dim3A_368 {strides = array<i32>} : memref<80x16xf32, #tpu.memory_space<vmem>>, vector<16xf32>,
    %broadcast_in_dim3A_373 = arith.constant 1.000000e+00 : f32
    %broadcast_in_dim3A_374 = vector.broadcast %broadcast_in_dim3A_373 : f32 to vector<16xf32>
    %swap3A_375 = arith.constant 62 : i32
    %swap3A_376 = arith.index_cast %swap3A_375 : i32 to index
    %swap3A_377 = arith.constant 0 : index
    %swap3A_378 = tpu.vector_load %arg6[%swap3A_376, %swap3A_377] {strides = array<i32>} : memref<80x16xf32, #tpu.memory_space<vmem>>, vector<16xf32>,
    tpu.vector_store %arg6[%swap3A_376, %swap3A_377], %broadcast_in_dim3A_374 {strides = array<i32>} : memref<80x16xf32, #tpu.memory_space<vmem>>, vector<16xf32>,
    %broadcast_in_dim3A_379 = arith.constant 1.000000e+00 : f32
    %broadcast_in_dim3A_380 = vector.broadcast %broadcast_in_dim3A_379 : f32 to vector<16xf32>
    %swap3A_381 = arith.constant 63 : i32
    %swap3A_382 = arith.index_cast %swap3A_381 : i32 to index
    %swap3A_383 = arith.constant 0 : index
    %swap3A_384 = tpu.vector_load %arg6[%swap3A_382, %swap3A_383] {strides = array<i32>} : memref<80x16xf32, #tpu.memory_space<vmem>>, vector<16xf32>,
    tpu.vector_store %arg6[%swap3A_382, %swap3A_383], %broadcast_in_dim3A_380 {strides = array<i32>} : memref<80x16xf32, #tpu.memory_space<vmem>>, vector<16xf32>,
    %broadcast_in_dim3A_385 = arith.constant 1.000000e+00 : f32
    %broadcast_in_dim3A_386 = vector.broadcast %broadcast_in_dim3A_385 : f32 to vector<16xf32>
    %swap3A_387 = arith.constant 64 : i32
    %swap3A_388 = arith.index_cast %swap3A_387 : i32 to index
    %swap3A_389 = arith.constant 0 : index
    %swap3A_390 = tpu.vector_load %arg6[%swap3A_388, %swap3A_389] {strides = array<i32>} : memref<80x16xf32, #tpu.memory_space<vmem>>, vector<16xf32>,
    tpu.vector_store %arg6[%swap3A_388, %swap3A_389], %broadcast_in_dim3A_386 {strides = array<i32>} : memref<80x16xf32, #tpu.memory_space<vmem>>, vector<16xf32>,
    %broadcast_in_dim3A_391 = arith.constant 1.000000e+00 : f32
    %broadcast_in_dim3A_392 = vector.broadcast %broadcast_in_dim3A_391 : f32 to vector<16xf32>
    %swap3A_393 = arith.constant 65 : i32
    %swap3A_394 = arith.index_cast %swap3A_393 : i32 to index
    %swap3A_395 = arith.constant 0 : index
    %swap3A_396 = tpu.vector_load %arg6[%swap3A_394, %swap3A_395] {strides = array<i32>} : memref<80x16xf32, #tpu.memory_space<vmem>>, vector<16xf32>,
    tpu.vector_store %arg6[%swap3A_394, %swap3A_395], %broadcast_in_dim3A_392 {strides = array<i32>} : memref<80x16xf32, #tpu.memory_space<vmem>>, vector<16xf32>,
    %broadcast_in_dim3A_397 = arith.constant 1.000000e+00 : f32
    %broadcast_in_dim3A_398 = vector.broadcast %broadcast_in_dim3A_397 : f32 to vector<16xf32>
    %swap3A_399 = arith.constant 66 : i32
    %swap3A_400 = arith.index_cast %swap3A_399 : i32 to index
    %swap3A_401 = arith.constant 0 : index
    %swap3A_402 = tpu.vector_load %arg6[%swap3A_400, %swap3A_401] {strides = array<i32>} : memref<80x16xf32, #tpu.memory_space<vmem>>, vector<16xf32>,
    tpu.vector_store %arg6[%swap3A_400, %swap3A_401], %broadcast_in_dim3A_398 {strides = array<i32>} : memref<80x16xf32, #tpu.memory_space<vmem>>, vector<16xf32>,
    %broadcast_in_dim3A_403 = arith.constant 1.000000e+00 : f32
    %broadcast_in_dim3A_404 = vector.broadcast %broadcast_in_dim3A_403 : f32 to vector<16xf32>
    %swap3A_405 = arith.constant 67 : i32
    %swap3A_406 = arith.index_cast %swap3A_405 : i32 to index
    %swap3A_407 = arith.constant 0 : index
    %swap3A_408 = tpu.vector_load %arg6[%swap3A_406, %swap3A_407] {strides = array<i32>} : memref<80x16xf32, #tpu.memory_space<vmem>>, vector<16xf32>,
    tpu.vector_store %arg6[%swap3A_406, %swap3A_407], %broadcast_in_dim3A_404 {strides = array<i32>} : memref<80x16xf32, #tpu.memory_space<vmem>>, vector<16xf32>,
    %broadcast_in_dim3A_409 = arith.constant 1.000000e+00 : f32
    %broadcast_in_dim3A_410 = vector.broadcast %broadcast_in_dim3A_409 : f32 to vector<16xf32>
    %swap3A_411 = arith.constant 68 : i32
    %swap3A_412 = arith.index_cast %swap3A_411 : i32 to index
    %swap3A_413 = arith.constant 0 : index
    %swap3A_414 = tpu.vector_load %arg6[%swap3A_412, %swap3A_413] {strides = array<i32>} : memref<80x16xf32, #tpu.memory_space<vmem>>, vector<16xf32>,
    tpu.vector_store %arg6[%swap3A_412, %swap3A_413], %broadcast_in_dim3A_410 {strides = array<i32>} : memref<80x16xf32, #tpu.memory_space<vmem>>, vector<16xf32>,
    %broadcast_in_dim3A_415 = arith.constant 1.000000e+00 : f32
    %broadcast_in_dim3A_416 = vector.broadcast %broadcast_in_dim3A_415 : f32 to vector<16xf32>
    %swap3A_417 = arith.constant 69 : i32
    %swap3A_418 = arith.index_cast %swap3A_417 : i32 to index
    %swap3A_419 = arith.constant 0 : index
    %swap3A_420 = tpu.vector_load %arg6[%swap3A_418, %swap3A_419] {strides = array<i32>} : memref<80x16xf32, #tpu.memory_space<vmem>>, vector<16xf32>,
    tpu.vector_store %arg6[%swap3A_418, %swap3A_419], %broadcast_in_dim3A_416 {strides = array<i32>} : memref<80x16xf32, #tpu.memory_space<vmem>>, vector<16xf32>,
    %broadcast_in_dim3A_421 = arith.constant 1.000000e+00 : f32
    %broadcast_in_dim3A_422 = vector.broadcast %broadcast_in_dim3A_421 : f32 to vector<16xf32>
    %swap3A_423 = arith.constant 70 : i32
    %swap3A_424 = arith.index_cast %swap3A_423 : i32 to index
    %swap3A_425 = arith.constant 0 : index
    %swap3A_426 = tpu.vector_load %arg6[%swap3A_424, %swap3A_425] {strides = array<i32>} : memref<80x16xf32, #tpu.memory_space<vmem>>, vector<16xf32>,
    tpu.vector_store %arg6[%swap3A_424, %swap3A_425], %broadcast_in_dim3A_422 {strides = array<i32>} : memref<80x16xf32, #tpu.memory_space<vmem>>, vector<16xf32>,
    %broadcast_in_dim3A_427 = arith.constant 1.000000e+00 : f32
    %broadcast_in_dim3A_428 = vector.broadcast %broadcast_in_dim3A_427 : f32 to vector<16xf32>
    %swap3A_429 = arith.constant 71 : i32
    %swap3A_430 = arith.index_cast %swap3A_429 : i32 to index
    %swap3A_431 = arith.constant 0 : index
    %swap3A_432 = tpu.vector_load %arg6[%swap3A_430, %swap3A_431] {strides = array<i32>} : memref<80x16xf32, #tpu.memory_space<vmem>>, vector<16xf32>,
    tpu.vector_store %arg6[%swap3A_430, %swap3A_431], %broadcast_in_dim3A_428 {strides = array<i32>} : memref<80x16xf32, #tpu.memory_space<vmem>>, vector<16xf32>,
    %broadcast_in_dim3A_433 = arith.constant 1.000000e+00 : f32
    %broadcast_in_dim3A_434 = vector.broadcast %broadcast_in_dim3A_433 : f32 to vector<16xf32>
    %swap3A_435 = arith.constant 72 : i32
    %swap3A_436 = arith.index_cast %swap3A_435 : i32 to index
    %swap3A_437 = arith.constant 0 : index
    %swap3A_438 = tpu.vector_load %arg6[%swap3A_436, %swap3A_437] {strides = array<i32>} : memref<80x16xf32, #tpu.memory_space<vmem>>, vector<16xf32>,
    tpu.vector_store %arg6[%swap3A_436, %swap3A_437], %broadcast_in_dim3A_434 {strides = array<i32>} : memref<80x16xf32, #tpu.memory_space<vmem>>, vector<16xf32>,
    %broadcast_in_dim3A_439 = arith.constant 1.000000e+00 : f32
    %broadcast_in_dim3A_440 = vector.broadcast %broadcast_in_dim3A_439 : f32 to vector<16xf32>
    %swap3A_441 = arith.constant 73 : i32
    %swap3A_442 = arith.index_cast %swap3A_441 : i32 to index
    %swap3A_443 = arith.constant 0 : index
    %swap3A_444 = tpu.vector_load %arg6[%swap3A_442, %swap3A_443] {strides = array<i32>} : memref<80x16xf32, #tpu.memory_space<vmem>>, vector<16xf32>,
    tpu.vector_store %arg6[%swap3A_442, %swap3A_443], %broadcast_in_dim3A_440 {strides = array<i32>} : memref<80x16xf32, #tpu.memory_space<vmem>>, vector<16xf32>,
    %broadcast_in_dim3A_445 = arith.constant 1.000000e+00 : f32
    %broadcast_in_dim3A_446 = vector.broadcast %broadcast_in_dim3A_445 : f32 to vector<16xf32>
    %swap3A_447 = arith.constant 74 : i32
    %swap3A_448 = arith.index_cast %swap3A_447 : i32 to index
    %swap3A_449 = arith.constant 0 : index
    %swap3A_450 = tpu.vector_load %arg6[%swap3A_448, %swap3A_449] {strides = array<i32>} : memref<80x16xf32, #tpu.memory_space<vmem>>, vector<16xf32>,
    tpu.vector_store %arg6[%swap3A_448, %swap3A_449], %broadcast_in_dim3A_446 {strides = array<i32>} : memref<80x16xf32, #tpu.memory_space<vmem>>, vector<16xf32>,
    %broadcast_in_dim3A_451 = arith.constant 1.000000e+00 : f32
    %broadcast_in_dim3A_452 = vector.broadcast %broadcast_in_dim3A_451 : f32 to vector<16xf32>
    %swap3A_453 = arith.constant 75 : i32
    %swap3A_454 = arith.index_cast %swap3A_453 : i32 to index
    %swap3A_455 = arith.constant 0 : index
    %swap3A_456 = tpu.vector_load %arg6[%swap3A_454, %swap3A_455] {strides = array<i32>} : memref<80x16xf32, #tpu.memory_space<vmem>>, vector<16xf32>,
    tpu.vector_store %arg6[%swap3A_454, %swap3A_455], %broadcast_in_dim3A_452 {strides = array<i32>} : memref<80x16xf32, #tpu.memory_space<vmem>>, vector<16xf32>,
    %broadcast_in_dim3A_457 = arith.constant 1.000000e+00 : f32
    %broadcast_in_dim3A_458 = vector.broadcast %broadcast_in_dim3A_457 : f32 to vector<16xf32>
    %swap3A_459 = arith.constant 76 : i32
    %swap3A_460 = arith.index_cast %swap3A_459 : i32 to index
    %swap3A_461 = arith.constant 0 : index
    %swap3A_462 = tpu.vector_load %arg6[%swap3A_460, %swap3A_461] {strides = array<i32>} : memref<80x16xf32, #tpu.memory_space<vmem>>, vector<16xf32>,
    tpu.vector_store %arg6[%swap3A_460, %swap3A_461], %broadcast_in_dim3A_458 {strides = array<i32>} : memref<80x16xf32, #tpu.memory_space<vmem>>, vector<16xf32>,
    %broadcast_in_dim3A_463 = arith.constant 1.000000e+00 : f32
    %broadcast_in_dim3A_464 = vector.broadcast %broadcast_in_dim3A_463 : f32 to vector<16xf32>
    %swap3A_465 = arith.constant 77 : i32
    %swap3A_466 = arith.index_cast %swap3A_465 : i32 to index
    %swap3A_467 = arith.constant 0 : index
    %swap3A_468 = tpu.vector_load %arg6[%swap3A_466, %swap3A_467] {strides = array<i32>} : memref<80x16xf32, #tpu.memory_space<vmem>>, vector<16xf32>,
    tpu.vector_store %arg6[%swap3A_466, %swap3A_467], %broadcast_in_dim3A_464 {strides = array<i32>} : memref<80x16xf32, #tpu.memory_space<vmem>>, vector<16xf32>,
    %broadcast_in_dim3A_469 = arith.constant 1.000000e+00 : f32
    %broadcast_in_dim3A_470 = vector.broadcast %broadcast_in_dim3A_469 : f32 to vector<16xf32>
    %swap3A_471 = arith.constant 78 : i32
    %swap3A_472 = arith.index_cast %swap3A_471 : i32 to index
    %swap3A_473 = arith.constant 0 : index
    %swap3A_474 = tpu.vector_load %arg6[%swap3A_472, %swap3A_473] {strides = array<i32>} : memref<80x16xf32, #tpu.memory_space<vmem>>, vector<16xf32>,
    tpu.vector_store %arg6[%swap3A_472, %swap3A_473], %broadcast_in_dim3A_470 {strides = array<i32>} : memref<80x16xf32, #tpu.memory_space<vmem>>, vector<16xf32>,
    %broadcast_in_dim3A_475 = arith.constant 1.000000e+00 : f32
    %broadcast_in_dim3A_476 = vector.broadcast %broadcast_in_dim3A_475 : f32 to vector<16xf32>
    %swap3A_477 = arith.constant 79 : i32
    %swap3A_478 = arith.index_cast %swap3A_477 : i32 to index
    %swap3A_479 = arith.constant 0 : index
    %swap3A_480 = tpu.vector_load %arg6[%swap3A_478, %swap3A_479] {strides = array<i32>} : memref<80x16xf32, #tpu.memory_space<vmem>>, vector<16xf32>,
    tpu.vector_store %arg6[%swap3A_478, %swap3A_479], %broadcast_in_dim3A_476 {strides = array<i32>} : memref<80x16xf32, #tpu.memory_space<vmem>>, vector<16xf32>,
    %mul3A_481 = arith.constant 624 : i32
    %mul3A_482 = arith.muli %arg1, %mul3A_481 : i32
    "tpu.region"() ({
      %run_scoped3A = tpu.sem_alloc : memref<!tpu.dma_semaphore, #tpu.memory_space<semaphore_mem>>
      %dma_start3A = arith.constant 0 : i32
      %dma_start3A_551 = tpu.memref_slice %arg8[%mul3A_482, %dma_start3A] : memref<10000x16xf32, #tpu.memory_space<vmem_shared>> -> memref<624x16xf32, #tpu.memory_space<vmem_shared>>
      %dma_start3A_552 = arith.constant 0 : i32
      %dma_start3A_553 = tpu.memref_slice %arg3[%mul3A_482, %dma_start3A_552] : memref<10000x16xf32, #tpu.memory_space<hbm>> -> memref<624x16xf32, #tpu.memory_space<hbm>>
      tpu.enqueue_dma source(%dma_start3A_553 : memref<624x16xf32, #tpu.memory_space<hbm>>) target(%dma_start3A_551 : memref<624x16xf32, #tpu.memory_space<vmem_shared>>) target_semaphore(%run_scoped3A : memref<!tpu.dma_semaphore, #tpu.memory_space<semaphore_mem>>)
      %dma_wait3A_554 = arith.constant 0 : i32
      %dma_wait3A_555 = tpu.memref_slice %arg8[%mul3A_482, %dma_wait3A_554] : memref<10000x16xf32, #tpu.memory_space<vmem_shared>> -> memref<624x16xf32, #tpu.memory_space<vmem_shared>>
      %dma_wait3A_556 = arith.constant 0 : i32
      %dma_wait3A_557 = tpu.memref_slice %arg3[%mul3A_482, %dma_wait3A_556] : memref<10000x16xf32, #tpu.memory_space<hbm>> -> memref<624x16xf32, #tpu.memory_space<hbm>>
      tpu.wait_dma2 semaphore(%run_scoped3A : memref<!tpu.dma_semaphore, #tpu.memory_space<semaphore_mem>>) src(%dma_wait3A_557 : memref<624x16xf32, #tpu.memory_space<hbm>>) dst(%dma_wait3A_555 : memref<624x16xf32, #tpu.memory_space<vmem_shared>>)
      tpu.yield
    }) : () -> ()
    %eq3A = arith.constant 15 : i32
    %eq3A_483 = arith.cmpi eq, %arg1, %eq3A : i32
    %convert_element_type3A = arith.extui %eq3A_483 : i1 to i32
    %cond3A = arith.constant 0 : i32
    %cond3A_484 = arith.cmpi ne, %convert_element_type3A, %cond3A : i32
    scf.if %cond3A_484 {
      "tpu.region"() ({
        %run_scoped3A = tpu.sem_alloc : memref<!tpu.dma_semaphore, #tpu.memory_space<semaphore_mem>>
        %dma_start3A = arith.constant 9984 : i32
        %dma_start3A_551 = arith.constant 0 : i32
        %dma_start3A_552 = tpu.memref_slice %arg8[%dma_start3A, %dma_start3A_551] : memref<10000x16xf32, #tpu.memory_space<vmem_shared>> -> memref<16x16xf32, #tpu.memory_space<vmem_shared>>
        %dma_start3A_553 = arith.constant 9984 : i32
        %dma_start3A_554 = arith.constant 0 : i32
        %dma_start3A_555 = tpu.memref_slice %arg3[%dma_start3A_553, %dma_start3A_554] : memref<10000x16xf32, #tpu.memory_space<hbm>> -> memref<16x16xf32, #tpu.memory_space<hbm>>
        tpu.enqueue_dma source(%dma_start3A_555 : memref<16x16xf32, #tpu.memory_space<hbm>>) target(%dma_start3A_552 : memref<16x16xf32, #tpu.memory_space<vmem_shared>>) target_semaphore(%run_scoped3A : memref<!tpu.dma_semaphore, #tpu.memory_space<semaphore_mem>>)
        %dma_wait3A_556 = arith.constant 9984 : i32
        %dma_wait3A_557 = arith.constant 0 : i32
        %dma_wait3A_558 = tpu.memref_slice %arg8[%dma_wait3A_556, %dma_wait3A_557] : memref<10000x16xf32, #tpu.memory_space<vmem_shared>> -> memref<16x16xf32, #tpu.memory_space<vmem_shared>>
        %dma_wait3A_559 = arith.constant 9984 : i32
        %dma_wait3A_560 = arith.constant 0 : i32
        %dma_wait3A_561 = tpu.memref_slice %arg3[%dma_wait3A_559, %dma_wait3A_560] : memref<10000x16xf32, #tpu.memory_space<hbm>> -> memref<16x16xf32, #tpu.memory_space<hbm>>
        tpu.wait_dma2 semaphore(%run_scoped3A : memref<!tpu.dma_semaphore, #tpu.memory_space<semaphore_mem>>) src(%dma_wait3A_561 : memref<16x16xf32, #tpu.memory_space<hbm>>) dst(%dma_wait3A_558 : memref<16x16xf32, #tpu.memory_space<vmem_shared>>)
        tpu.yield
      }) : () -> ()
    } else {
    }
    %barrier3A = arith.constant 0 : index
    tpu.barrier barrier_id(%barrier3A)
    %scan3A = arith.constant 0 : i32
    %scan3A_485 = arith.constant 0 : i32
    %scan3A_486 = arith.constant 125 : i32
    %scan3A_487 = arith.addi %scan3A_485, %scan3A_486 : i32
    %scan3A_488 = arith.constant 1 : i32
    scf.for %scan3A_551 = %scan3A_485 to %scan3A_487 step %scan3A_488  : i32 {
      %dma_start3A = arith.constant 0 : i32
      %dma_start3A_552 = tpu.memref_slice %arg5[%scan3A_551, %dma_start3A] : memref<125x80xi32, #tpu.memory_space<vmem>> -> memref<1x80xi32, #tpu.memory_space<vmem>>
      %dma_start3A_553 = tpu.memref_squeeze %dma_start3A_552 : memref<1x80xi32, #tpu.memory_space<vmem>> -> memref<80xi32, #tpu.memory_space<vmem>>
      %dma_start3A_554 = arith.constant 0 : i32
      %dma_start3A_555 = arith.constant 0 : i32
      %dma_start3A_556 = tpu.memref_slice %arg8[%dma_start3A_554, %dma_start3A_555] : memref<10000x16xf32, #tpu.memory_space<vmem_shared>> -> memref<10000x16xf32, #tpu.memory_space<vmem_shared>>
      tpu.enqueue_indirect_dma source(%arg6 : memref<80x16xf32, #tpu.memory_space<vmem>>) target(%dma_start3A_556 : memref<10000x16xf32, #tpu.memory_space<vmem_shared>>) offsets(%dma_start3A_553 : memref<80xi32, #tpu.memory_space<vmem>>) semaphore(%arg7 : memref<!tpu.dma_semaphore, #tpu.memory_space<semaphore_mem>>) {add = true}
      %ge3A = arith.constant 8 : i32
      %ge3A_557 = arith.cmpi sge, %scan3A_551, %ge3A : i32
      %convert_element_type3A_558 = arith.extui %ge3A_557 : i1 to i32
      %cond3A_559 = arith.constant 0 : i32
      %cond3A_560 = arith.cmpi ne, %convert_element_type3A_558, %cond3A_559 : i32
      scf.if %cond3A_560 {
        %dma_wait3A_561 = arith.constant 0 : i32
        %dma_wait3A_562 = arith.constant 0 : i32
        %dma_wait3A_563 = tpu.memref_slice %arg5[%dma_wait3A_561, %dma_wait3A_562] : memref<125x80xi32, #tpu.memory_space<vmem>> -> memref<1x80xi32, #tpu.memory_space<vmem>>
        %dma_wait3A_564 = tpu.memref_squeeze %dma_wait3A_563 : memref<1x80xi32, #tpu.memory_space<vmem>> -> memref<80xi32, #tpu.memory_space<vmem>>
        %dma_wait3A_565 = arith.constant 0 : i32
        %dma_wait3A_566 = arith.constant 0 : i32
        %dma_wait3A_567 = tpu.memref_slice %arg8[%dma_wait3A_565, %dma_wait3A_566] : memref<10000x16xf32, #tpu.memory_space<vmem_shared>> -> memref<10000x16xf32, #tpu.memory_space<vmem_shared>>
        tpu.wait_indirect_dma semaphore(%arg7 : memref<!tpu.dma_semaphore, #tpu.memory_space<semaphore_mem>>) src(%arg6 : memref<80x16xf32, #tpu.memory_space<vmem>>) dst(%dma_wait3A_567 : memref<10000x16xf32, #tpu.memory_space<vmem_shared>>)
      } else {
      }
    }
    %scan3A_489 = arith.constant 125 : i32
    %dma_wait3A = arith.constant 0 : i32
    %dma_wait3A_490 = arith.constant 0 : i32
    %dma_wait3A_491 = tpu.memref_slice %arg5[%dma_wait3A, %dma_wait3A_490] : memref<125x80xi32, #tpu.memory_space<vmem>> -> memref<1x80xi32, #tpu.memory_space<vmem>>
    %dma_wait3A_492 = tpu.memref_squeeze %dma_wait3A_491 : memref<1x80xi32, #tpu.memory_space<vmem>> -> memref<80xi32, #tpu.memory_space<vmem>>
    %dma_wait3A_493 = arith.constant 0 : i32
    %dma_wait3A_494 = arith.constant 0 : i32
    %dma_wait3A_495 = tpu.memref_slice %arg8[%dma_wait3A_493, %dma_wait3A_494] : memref<10000x16xf32, #tpu.memory_space<vmem_shared>> -> memref<10000x16xf32, #tpu.memory_space<vmem_shared>>
    tpu.wait_indirect_dma semaphore(%arg7 : memref<!tpu.dma_semaphore, #tpu.memory_space<semaphore_mem>>) src(%arg6 : memref<80x16xf32, #tpu.memory_space<vmem>>) dst(%dma_wait3A_495 : memref<10000x16xf32, #tpu.memory_space<vmem_shared>>)
    %dma_wait3A_496 = arith.constant 0 : i32
    %dma_wait3A_497 = arith.constant 0 : i32
    %dma_wait3A_498 = tpu.memref_slice %arg5[%dma_wait3A_496, %dma_wait3A_497] : memref<125x80xi32, #tpu.memory_space<vmem>> -> memref<1x80xi32, #tpu.memory_space<vmem>>
    %dma_wait3A_499 = tpu.memref_squeeze %dma_wait3A_498 : memref<1x80xi32, #tpu.memory_space<vmem>> -> memref<80xi32, #tpu.memory_space<vmem>>
    %dma_wait3A_500 = arith.constant 0 : i32
    %dma_wait3A_501 = arith.constant 0 : i32
    %dma_wait3A_502 = tpu.memref_slice %arg8[%dma_wait3A_500, %dma_wait3A_501] : memref<10000x16xf32, #tpu.memory_space<vmem_shared>> -> memref<10000x16xf32, #tpu.memory_space<vmem_shared>>
    tpu.wait_indirect_dma semaphore(%arg7 : memref<!tpu.dma_semaphore, #tpu.memory_space<semaphore_mem>>) src(%arg6 : memref<80x16xf32, #tpu.memory_space<vmem>>) dst(%dma_wait3A_502 : memref<10000x16xf32, #tpu.memory_space<vmem_shared>>)
    %dma_wait3A_503 = arith.constant 0 : i32
    %dma_wait3A_504 = arith.constant 0 : i32
    %dma_wait3A_505 = tpu.memref_slice %arg5[%dma_wait3A_503, %dma_wait3A_504] : memref<125x80xi32, #tpu.memory_space<vmem>> -> memref<1x80xi32, #tpu.memory_space<vmem>>
    %dma_wait3A_506 = tpu.memref_squeeze %dma_wait3A_505 : memref<1x80xi32, #tpu.memory_space<vmem>> -> memref<80xi32, #tpu.memory_space<vmem>>
    %dma_wait3A_507 = arith.constant 0 : i32
    %dma_wait3A_508 = arith.constant 0 : i32
    %dma_wait3A_509 = tpu.memref_slice %arg8[%dma_wait3A_507, %dma_wait3A_508] : memref<10000x16xf32, #tpu.memory_space<vmem_shared>> -> memref<10000x16xf32, #tpu.memory_space<vmem_shared>>
    tpu.wait_indirect_dma semaphore(%arg7 : memref<!tpu.dma_semaphore, #tpu.memory_space<semaphore_mem>>) src(%arg6 : memref<80x16xf32, #tpu.memory_space<vmem>>) dst(%dma_wait3A_509 : memref<10000x16xf32, #tpu.memory_space<vmem_shared>>)
    %dma_wait3A_510 = arith.constant 0 : i32
    %dma_wait3A_511 = arith.constant 0 : i32
    %dma_wait3A_512 = tpu.memref_slice %arg5[%dma_wait3A_510, %dma_wait3A_511] : memref<125x80xi32, #tpu.memory_space<vmem>> -> memref<1x80xi32, #tpu.memory_space<vmem>>
    %dma_wait3A_513 = tpu.memref_squeeze %dma_wait3A_512 : memref<1x80xi32, #tpu.memory_space<vmem>> -> memref<80xi32, #tpu.memory_space<vmem>>
    %dma_wait3A_514 = arith.constant 0 : i32
    %dma_wait3A_515 = arith.constant 0 : i32
    %dma_wait3A_516 = tpu.memref_slice %arg8[%dma_wait3A_514, %dma_wait3A_515] : memref<10000x16xf32, #tpu.memory_space<vmem_shared>> -> memref<10000x16xf32, #tpu.memory_space<vmem_shared>>
    tpu.wait_indirect_dma semaphore(%arg7 : memref<!tpu.dma_semaphore, #tpu.memory_space<semaphore_mem>>) src(%arg6 : memref<80x16xf32, #tpu.memory_space<vmem>>) dst(%dma_wait3A_516 : memref<10000x16xf32, #tpu.memory_space<vmem_shared>>)
    %dma_wait3A_517 = arith.constant 0 : i32
    %dma_wait3A_518 = arith.constant 0 : i32
    %dma_wait3A_519 = tpu.memref_slice %arg5[%dma_wait3A_517, %dma_wait3A_518] : memref<125x80xi32, #tpu.memory_space<vmem>> -> memref<1x80xi32, #tpu.memory_space<vmem>>
    %dma_wait3A_520 = tpu.memref_squeeze %dma_wait3A_519 : memref<1x80xi32, #tpu.memory_space<vmem>> -> memref<80xi32, #tpu.memory_space<vmem>>
    %dma_wait3A_521 = arith.constant 0 : i32
    %dma_wait3A_522 = arith.constant 0 : i32
    %dma_wait3A_523 = tpu.memref_slice %arg8[%dma_wait3A_521, %dma_wait3A_522] : memref<10000x16xf32, #tpu.memory_space<vmem_shared>> -> memref<10000x16xf32, #tpu.memory_space<vmem_shared>>
    tpu.wait_indirect_dma semaphore(%arg7 : memref<!tpu.dma_semaphore, #tpu.memory_space<semaphore_mem>>) src(%arg6 : memref<80x16xf32, #tpu.memory_space<vmem>>) dst(%dma_wait3A_523 : memref<10000x16xf32, #tpu.memory_space<vmem_shared>>)
    %dma_wait3A_524 = arith.constant 0 : i32
    %dma_wait3A_525 = arith.constant 0 : i32
    %dma_wait3A_526 = tpu.memref_slice %arg5[%dma_wait3A_524, %dma_wait3A_525] : memref<125x80xi32, #tpu.memory_space<vmem>> -> memref<1x80xi32, #tpu.memory_space<vmem>>
    %dma_wait3A_527 = tpu.memref_squeeze %dma_wait3A_526 : memref<1x80xi32, #tpu.memory_space<vmem>> -> memref<80xi32, #tpu.memory_space<vmem>>
    %dma_wait3A_528 = arith.constant 0 : i32
    %dma_wait3A_529 = arith.constant 0 : i32
    %dma_wait3A_530 = tpu.memref_slice %arg8[%dma_wait3A_528, %dma_wait3A_529] : memref<10000x16xf32, #tpu.memory_space<vmem_shared>> -> memref<10000x16xf32, #tpu.memory_space<vmem_shared>>
    tpu.wait_indirect_dma semaphore(%arg7 : memref<!tpu.dma_semaphore, #tpu.memory_space<semaphore_mem>>) src(%arg6 : memref<80x16xf32, #tpu.memory_space<vmem>>) dst(%dma_wait3A_530 : memref<10000x16xf32, #tpu.memory_space<vmem_shared>>)
    %dma_wait3A_531 = arith.constant 0 : i32
    %dma_wait3A_532 = arith.constant 0 : i32
    %dma_wait3A_533 = tpu.memref_slice %arg5[%dma_wait3A_531, %dma_wait3A_532] : memref<125x80xi32, #tpu.memory_space<vmem>> -> memref<1x80xi32, #tpu.memory_space<vmem>>
    %dma_wait3A_534 = tpu.memref_squeeze %dma_wait3A_533 : memref<1x80xi32, #tpu.memory_space<vmem>> -> memref<80xi32, #tpu.memory_space<vmem>>
    %dma_wait3A_535 = arith.constant 0 : i32
    %dma_wait3A_536 = arith.constant 0 : i32
    %dma_wait3A_537 = tpu.memref_slice %arg8[%dma_wait3A_535, %dma_wait3A_536] : memref<10000x16xf32, #tpu.memory_space<vmem_shared>> -> memref<10000x16xf32, #tpu.memory_space<vmem_shared>>
    tpu.wait_indirect_dma semaphore(%arg7 : memref<!tpu.dma_semaphore, #tpu.memory_space<semaphore_mem>>) src(%arg6 : memref<80x16xf32, #tpu.memory_space<vmem>>) dst(%dma_wait3A_537 : memref<10000x16xf32, #tpu.memory_space<vmem_shared>>)
    %dma_wait3A_538 = arith.constant 0 : i32
    %dma_wait3A_539 = arith.constant 0 : i32
    %dma_wait3A_540 = tpu.memref_slice %arg5[%dma_wait3A_538, %dma_wait3A_539] : memref<125x80xi32, #tpu.memory_space<vmem>> -> memref<1x80xi32, #tpu.memory_space<vmem>>
    %dma_wait3A_541 = tpu.memref_squeeze %dma_wait3A_540 : memref<1x80xi32, #tpu.memory_space<vmem>> -> memref<80xi32, #tpu.memory_space<vmem>>
    %dma_wait3A_542 = arith.constant 0 : i32
    %dma_wait3A_543 = arith.constant 0 : i32
    %dma_wait3A_544 = tpu.memref_slice %arg8[%dma_wait3A_542, %dma_wait3A_543] : memref<10000x16xf32, #tpu.memory_space<vmem_shared>> -> memref<10000x16xf32, #tpu.memory_space<vmem_shared>>
    tpu.wait_indirect_dma semaphore(%arg7 : memref<!tpu.dma_semaphore, #tpu.memory_space<semaphore_mem>>) src(%arg6 : memref<80x16xf32, #tpu.memory_space<vmem>>) dst(%dma_wait3A_544 : memref<10000x16xf32, #tpu.memory_space<vmem_shared>>)
    %barrier3A_545 = arith.constant 0 : index
    tpu.barrier barrier_id(%barrier3A_545)
    "tpu.region"() ({
      %run_scoped3A = tpu.sem_alloc : memref<!tpu.dma_semaphore, #tpu.memory_space<semaphore_mem>>
      %dma_start3A = arith.constant 0 : i32
      %dma_start3A_551 = tpu.memref_slice %arg4[%arg0, %mul3A_482, %dma_start3A] : memref<2x10000x16xf32, #tpu.memory_space<hbm>> -> memref<1x624x16xf32, #tpu.memory_space<hbm>>
      %dma_start3A_552 = tpu.memref_squeeze %dma_start3A_551 : memref<1x624x16xf32, #tpu.memory_space<hbm>> -> memref<624x16xf32, #tpu.memory_space<hbm>>
      %dma_start3A_553 = arith.constant 0 : i32
      %dma_start3A_554 = tpu.memref_slice %arg8[%mul3A_482, %dma_start3A_553] : memref<10000x16xf32, #tpu.memory_space<vmem_shared>> -> memref<624x16xf32, #tpu.memory_space<vmem_shared>>
      tpu.enqueue_dma source(%dma_start3A_554 : memref<624x16xf32, #tpu.memory_space<vmem_shared>>) target(%dma_start3A_552 : memref<624x16xf32, #tpu.memory_space<hbm>>) target_semaphore(%run_scoped3A : memref<!tpu.dma_semaphore, #tpu.memory_space<semaphore_mem>>)
      %dma_wait3A_555 = arith.constant 0 : i32
      %dma_wait3A_556 = tpu.memref_slice %arg4[%arg0, %mul3A_482, %dma_wait3A_555] : memref<2x10000x16xf32, #tpu.memory_space<hbm>> -> memref<1x624x16xf32, #tpu.memory_space<hbm>>
      %dma_wait3A_557 = tpu.memref_squeeze %dma_wait3A_556 : memref<1x624x16xf32, #tpu.memory_space<hbm>> -> memref<624x16xf32, #tpu.memory_space<hbm>>
      %dma_wait3A_558 = arith.constant 0 : i32
      %dma_wait3A_559 = tpu.memref_slice %arg8[%mul3A_482, %dma_wait3A_558] : memref<10000x16xf32, #tpu.memory_space<vmem_shared>> -> memref<624x16xf32, #tpu.memory_space<vmem_shared>>
      tpu.wait_dma2 semaphore(%run_scoped3A : memref<!tpu.dma_semaphore, #tpu.memory_space<semaphore_mem>>) src(%dma_wait3A_559 : memref<624x16xf32, #tpu.memory_space<vmem_shared>>) dst(%dma_wait3A_557 : memref<624x16xf32, #tpu.memory_space<hbm>>)
      tpu.yield
    }) : () -> ()
    %eq3A_546 = arith.constant 15 : i32
    %eq3A_547 = arith.cmpi eq, %arg1, %eq3A_546 : i32
    %convert_element_type3A_548 = arith.extui %eq3A_547 : i1 to i32
    %cond3A_549 = arith.constant 0 : i32
    %cond3A_550 = arith.cmpi ne, %convert_element_type3A_548, %cond3A_549 : i32
    scf.if %cond3A_550 {
      "tpu.region"() ({
        %run_scoped3A = tpu.sem_alloc : memref<!tpu.dma_semaphore, #tpu.memory_space<semaphore_mem>>
        %dma_start3A = arith.constant 9984 : i32
        %dma_start3A_551 = arith.constant 0 : i32
        %dma_start3A_552 = tpu.memref_slice %arg4[%arg0, %dma_start3A, %dma_start3A_551] : memref<2x10000x16xf32, #tpu.memory_space<hbm>> -> memref<1x16x16xf32, #tpu.memory_space<hbm>>
        %dma_start3A_553 = tpu.memref_squeeze %dma_start3A_552 : memref<1x16x16xf32, #tpu.memory_space<hbm>> -> memref<16x16xf32, #tpu.memory_space<hbm>>
        %dma_start3A_554 = arith.constant 9984 : i32
        %dma_start3A_555 = arith.constant 0 : i32
        %dma_start3A_556 = tpu.memref_slice %arg8[%dma_start3A_554, %dma_start3A_555] : memref<10000x16xf32, #tpu.memory_space<vmem_shared>> -> memref<16x16xf32, #tpu.memory_space<vmem_shared>>
        tpu.enqueue_dma source(%dma_start3A_556 : memref<16x16xf32, #tpu.memory_space<vmem_shared>>) target(%dma_start3A_553 : memref<16x16xf32, #tpu.memory_space<hbm>>) target_semaphore(%run_scoped3A : memref<!tpu.dma_semaphore, #tpu.memory_space<semaphore_mem>>)
        %dma_wait3A_557 = arith.constant 9984 : i32
        %dma_wait3A_558 = arith.constant 0 : i32
        %dma_wait3A_559 = tpu.memref_slice %arg4[%arg0, %dma_wait3A_557, %dma_wait3A_558] : memref<2x10000x16xf32, #tpu.memory_space<hbm>> -> memref<1x16x16xf32, #tpu.memory_space<hbm>>
        %dma_wait3A_560 = tpu.memref_squeeze %dma_wait3A_559 : memref<1x16x16xf32, #tpu.memory_space<hbm>> -> memref<16x16xf32, #tpu.memory_space<hbm>>
        %dma_wait3A_561 = arith.constant 9984 : i32
        %dma_wait3A_562 = arith.constant 0 : i32
        %dma_wait3A_563 = tpu.memref_slice %arg8[%dma_wait3A_561, %dma_wait3A_562] : memref<10000x16xf32, #tpu.memory_space<vmem_shared>> -> memref<16x16xf32, #tpu.memory_space<vmem_shared>>
        tpu.wait_dma2 semaphore(%run_scoped3A : memref<!tpu.dma_semaphore, #tpu.memory_space<semaphore_mem>>) src(%dma_wait3A_563 : memref<16x16xf32, #tpu.memory_space<vmem_shared>>) dst(%dma_wait3A_560 : memref<16x16xf32, #tpu.memory_space<hbm>>)
        tpu.yield
      }) : () -> ()
    } else {
    }
    return
  }
}

#map = affine_map<(d0, d1) -> (0, 0)>
#map1 = affine_map<(d0, d1) -> (0, 0, 0)>
module attributes {stable_mosaic.version = 14 : i64} {
  func.func @body(%arg0: i32, %arg1: i32, %arg2: memref<10000x128xf32, #tpu.memory_space<hbm>>, %arg3: memref<4000x80xi32, #tpu.memory_space<hbm>>, %arg4: memref<4000x80xi32, #tpu.memory_space<hbm>>, %arg5: memref<10000x128xf32, #tpu.memory_space<hbm>>, %arg6: memref<2x10000x128xf32, #tpu.memory_space<hbm>>, %arg7: memref<80xi32, #tpu.memory_space<vmem>>, %arg8: memref<80xi32, #tpu.memory_space<vmem>>, %arg9: memref<80xi32, #tpu.memory_space<vmem>>, %arg10: memref<80xi32, #tpu.memory_space<vmem>>, %arg11: memref<80xi32, #tpu.memory_space<vmem>>, %arg12: memref<80xi32, #tpu.memory_space<vmem>>, %arg13: memref<80xi32, #tpu.memory_space<vmem>>, %arg14: memref<80xi32, #tpu.memory_space<vmem>>, %arg15: memref<80x128xf32, #tpu.memory_space<vmem>>, %arg16: memref<80x128xf32, #tpu.memory_space<vmem>>, %arg17: memref<80x128xf32, #tpu.memory_space<vmem>>, %arg18: memref<80x128xf32, #tpu.memory_space<vmem>>, %arg19: memref<!tpu.dma_semaphore, #tpu.memory_space<semaphore_mem>>, %arg20: memref<!tpu.dma_semaphore, #tpu.memory_space<semaphore_mem>>, %arg21: memref<!tpu.dma_semaphore, #tpu.memory_space<semaphore_mem>>, %arg22: memref<!tpu.dma_semaphore, #tpu.memory_space<semaphore_mem>>, %arg23: memref<!tpu.dma_semaphore, #tpu.memory_space<semaphore_mem>>, %arg24: memref<!tpu.dma_semaphore, #tpu.memory_space<semaphore_mem>>, %arg25: memref<!tpu.dma_semaphore, #tpu.memory_space<semaphore_mem>>, %arg26: memref<!tpu.dma_semaphore, #tpu.memory_space<semaphore_mem>>, %arg27: memref<!tpu.dma_semaphore, #tpu.memory_space<semaphore_mem>>, %arg28: memref<!tpu.dma_semaphore, #tpu.memory_space<semaphore_mem>>, %arg29: memref<!tpu.dma_semaphore, #tpu.memory_space<semaphore_mem>>, %arg30: memref<!tpu.dma_semaphore, #tpu.memory_space<semaphore_mem>>, %arg31: memref<!tpu.dma_semaphore, #tpu.memory_space<semaphore_mem>>, %arg32: memref<!tpu.dma_semaphore, #tpu.memory_space<semaphore_mem>>, %arg33: memref<!tpu.dma_semaphore, #tpu.memory_space<semaphore_mem>>, %arg34: memref<!tpu.dma_semaphore, #tpu.memory_space<semaphore_mem>>, %arg35: memref<10000x128xf32, #tpu.memory_space<vmem_shared>>) attributes {dimension_semantics = [#tpu.dimension_semantics<core_parallel>, #tpu.dimension_semantics<subcore_parallel>], iteration_bounds = array<i64: 2, 16>, scalar_prefetch = 0 : i64, scratch_operands = 29 : i64, tpu.core_type = #tpu.core_type<sc_vector_subcore>, window_params = [{transform_indices = #map}, {transform_indices = #map}, {transform_indices = #map}, {transform_indices = #map}, {transform_indices = #map1}]} {
    %mul3A = arith.constant 16 : i32
    %mul3A_0 = arith.muli %arg0, %mul3A : i32
    %add3A = arith.addi %mul3A_0, %arg1 : i32
    %mul3A_1 = arith.constant 125 : i32
    %mul3A_2 = arith.muli %add3A, %mul3A_1 : i32
    %mul3A_3 = arith.constant 624 : i32
    %mul3A_4 = arith.muli %arg1, %mul3A_3 : i32
    "tpu.region"() ({
      %run_scoped3A = tpu.sem_alloc : memref<!tpu.dma_semaphore, #tpu.memory_space<semaphore_mem>>
      %dma_start3A_131 = arith.constant 0 : i32
      %dma_start3A_132 = tpu.memref_slice %arg35[%mul3A_4, %dma_start3A_131] : memref<10000x128xf32, #tpu.memory_space<vmem_shared>> -> memref<624x128xf32, #tpu.memory_space<vmem_shared>>
      %dma_start3A_133 = arith.constant 0 : i32
      %dma_start3A_134 = tpu.memref_slice %arg5[%mul3A_4, %dma_start3A_133] : memref<10000x128xf32, #tpu.memory_space<hbm>> -> memref<624x128xf32, #tpu.memory_space<hbm>>
      tpu.enqueue_dma source(%dma_start3A_134 : memref<624x128xf32, #tpu.memory_space<hbm>>) target(%dma_start3A_132 : memref<624x128xf32, #tpu.memory_space<vmem_shared>>) target_semaphore(%run_scoped3A : memref<!tpu.dma_semaphore, #tpu.memory_space<semaphore_mem>>)
      %dma_wait3A_135 = arith.constant 0 : i32
      %dma_wait3A_136 = tpu.memref_slice %arg35[%mul3A_4, %dma_wait3A_135] : memref<10000x128xf32, #tpu.memory_space<vmem_shared>> -> memref<624x128xf32, #tpu.memory_space<vmem_shared>>
      %dma_wait3A_137 = arith.constant 0 : i32
      %dma_wait3A_138 = tpu.memref_slice %arg5[%mul3A_4, %dma_wait3A_137] : memref<10000x128xf32, #tpu.memory_space<hbm>> -> memref<624x128xf32, #tpu.memory_space<hbm>>
      tpu.wait_dma2 semaphore(%run_scoped3A : memref<!tpu.dma_semaphore, #tpu.memory_space<semaphore_mem>>) src(%dma_wait3A_138 : memref<624x128xf32, #tpu.memory_space<hbm>>) dst(%dma_wait3A_136 : memref<624x128xf32, #tpu.memory_space<vmem_shared>>)
      tpu.yield
    }) : () -> ()
    %eq3A = arith.constant 15 : i32
    %eq3A_5 = arith.cmpi eq, %arg1, %eq3A : i32
    %convert_element_type3A = arith.extui %eq3A_5 : i1 to i32
    %cond3A = arith.constant 0 : i32
    %cond3A_6 = arith.cmpi ne, %convert_element_type3A, %cond3A : i32
    scf.if %cond3A_6 {
      "tpu.region"() ({
        %run_scoped3A = tpu.sem_alloc : memref<!tpu.dma_semaphore, #tpu.memory_space<semaphore_mem>>
        %dma_start3A_131 = arith.constant 9984 : i32
        %dma_start3A_132 = arith.constant 0 : i32
        %dma_start3A_133 = tpu.memref_slice %arg35[%dma_start3A_131, %dma_start3A_132] : memref<10000x128xf32, #tpu.memory_space<vmem_shared>> -> memref<16x128xf32, #tpu.memory_space<vmem_shared>>
        %dma_start3A_134 = arith.constant 9984 : i32
        %dma_start3A_135 = arith.constant 0 : i32
        %dma_start3A_136 = tpu.memref_slice %arg5[%dma_start3A_134, %dma_start3A_135] : memref<10000x128xf32, #tpu.memory_space<hbm>> -> memref<16x128xf32, #tpu.memory_space<hbm>>
        tpu.enqueue_dma source(%dma_start3A_136 : memref<16x128xf32, #tpu.memory_space<hbm>>) target(%dma_start3A_133 : memref<16x128xf32, #tpu.memory_space<vmem_shared>>) target_semaphore(%run_scoped3A : memref<!tpu.dma_semaphore, #tpu.memory_space<semaphore_mem>>)
        %dma_wait3A_137 = arith.constant 9984 : i32
        %dma_wait3A_138 = arith.constant 0 : i32
        %dma_wait3A_139 = tpu.memref_slice %arg35[%dma_wait3A_137, %dma_wait3A_138] : memref<10000x128xf32, #tpu.memory_space<vmem_shared>> -> memref<16x128xf32, #tpu.memory_space<vmem_shared>>
        %dma_wait3A_140 = arith.constant 9984 : i32
        %dma_wait3A_141 = arith.constant 0 : i32
        %dma_wait3A_142 = tpu.memref_slice %arg5[%dma_wait3A_140, %dma_wait3A_141] : memref<10000x128xf32, #tpu.memory_space<hbm>> -> memref<16x128xf32, #tpu.memory_space<hbm>>
        tpu.wait_dma2 semaphore(%run_scoped3A : memref<!tpu.dma_semaphore, #tpu.memory_space<semaphore_mem>>) src(%dma_wait3A_142 : memref<16x128xf32, #tpu.memory_space<hbm>>) dst(%dma_wait3A_139 : memref<16x128xf32, #tpu.memory_space<vmem_shared>>)
        tpu.yield
      }) : () -> ()
    } else {
    }
    %barrier3A = arith.constant 0 : index
    tpu.barrier barrier_id(%barrier3A)
    %add3A_7 = arith.constant 0 : i32
    %add3A_8 = arith.addi %mul3A_2, %add3A_7 : i32
    %dma_start3A = arith.constant 0 : i32
    %dma_start3A_9 = tpu.memref_slice %arg3[%add3A_8, %dma_start3A] : memref<4000x80xi32, #tpu.memory_space<hbm>> -> memref<1x80xi32, #tpu.memory_space<hbm>>
    %dma_start3A_10 = tpu.memref_squeeze %dma_start3A_9 : memref<1x80xi32, #tpu.memory_space<hbm>> -> memref<80xi32, #tpu.memory_space<hbm>>
    %dma_start3A_11 = arith.constant 0 : i32
    %dma_start3A_12 = tpu.memref_slice %arg3[%add3A_8, %dma_start3A_11] : memref<4000x80xi32, #tpu.memory_space<hbm>> -> memref<1x80xi32, #tpu.memory_space<hbm>>
    %dma_start3A_13 = tpu.memref_squeeze %dma_start3A_12 : memref<1x80xi32, #tpu.memory_space<hbm>> -> memref<80xi32, #tpu.memory_space<hbm>>
    tpu.enqueue_dma source(%dma_start3A_13 : memref<80xi32, #tpu.memory_space<hbm>>) target(%arg7 : memref<80xi32, #tpu.memory_space<vmem>>) target_semaphore(%arg19 : memref<!tpu.dma_semaphore, #tpu.memory_space<semaphore_mem>>)
    %add3A_14 = arith.constant 0 : i32
    %add3A_15 = arith.addi %mul3A_2, %add3A_14 : i32
    %dma_start3A_16 = arith.constant 0 : i32
    %dma_start3A_17 = tpu.memref_slice %arg4[%add3A_15, %dma_start3A_16] : memref<4000x80xi32, #tpu.memory_space<hbm>> -> memref<1x80xi32, #tpu.memory_space<hbm>>
    %dma_start3A_18 = tpu.memref_squeeze %dma_start3A_17 : memref<1x80xi32, #tpu.memory_space<hbm>> -> memref<80xi32, #tpu.memory_space<hbm>>
    %dma_start3A_19 = arith.constant 0 : i32
    %dma_start3A_20 = tpu.memref_slice %arg4[%add3A_15, %dma_start3A_19] : memref<4000x80xi32, #tpu.memory_space<hbm>> -> memref<1x80xi32, #tpu.memory_space<hbm>>
    %dma_start3A_21 = tpu.memref_squeeze %dma_start3A_20 : memref<1x80xi32, #tpu.memory_space<hbm>> -> memref<80xi32, #tpu.memory_space<hbm>>
    tpu.enqueue_dma source(%dma_start3A_21 : memref<80xi32, #tpu.memory_space<hbm>>) target(%arg11 : memref<80xi32, #tpu.memory_space<vmem>>) target_semaphore(%arg23 : memref<!tpu.dma_semaphore, #tpu.memory_space<semaphore_mem>>)
    %add3A_22 = arith.constant 1 : i32
    %add3A_23 = arith.addi %mul3A_2, %add3A_22 : i32
    %dma_start3A_24 = arith.constant 0 : i32
    %dma_start3A_25 = tpu.memref_slice %arg3[%add3A_23, %dma_start3A_24] : memref<4000x80xi32, #tpu.memory_space<hbm>> -> memref<1x80xi32, #tpu.memory_space<hbm>>
    %dma_start3A_26 = tpu.memref_squeeze %dma_start3A_25 : memref<1x80xi32, #tpu.memory_space<hbm>> -> memref<80xi32, #tpu.memory_space<hbm>>
    %dma_start3A_27 = arith.constant 0 : i32
    %dma_start3A_28 = tpu.memref_slice %arg3[%add3A_23, %dma_start3A_27] : memref<4000x80xi32, #tpu.memory_space<hbm>> -> memref<1x80xi32, #tpu.memory_space<hbm>>
    %dma_start3A_29 = tpu.memref_squeeze %dma_start3A_28 : memref<1x80xi32, #tpu.memory_space<hbm>> -> memref<80xi32, #tpu.memory_space<hbm>>
    tpu.enqueue_dma source(%dma_start3A_29 : memref<80xi32, #tpu.memory_space<hbm>>) target(%arg8 : memref<80xi32, #tpu.memory_space<vmem>>) target_semaphore(%arg20 : memref<!tpu.dma_semaphore, #tpu.memory_space<semaphore_mem>>)
    %add3A_30 = arith.constant 1 : i32
    %add3A_31 = arith.addi %mul3A_2, %add3A_30 : i32
    %dma_start3A_32 = arith.constant 0 : i32
    %dma_start3A_33 = tpu.memref_slice %arg4[%add3A_31, %dma_start3A_32] : memref<4000x80xi32, #tpu.memory_space<hbm>> -> memref<1x80xi32, #tpu.memory_space<hbm>>
    %dma_start3A_34 = tpu.memref_squeeze %dma_start3A_33 : memref<1x80xi32, #tpu.memory_space<hbm>> -> memref<80xi32, #tpu.memory_space<hbm>>
    %dma_start3A_35 = arith.constant 0 : i32
    %dma_start3A_36 = tpu.memref_slice %arg4[%add3A_31, %dma_start3A_35] : memref<4000x80xi32, #tpu.memory_space<hbm>> -> memref<1x80xi32, #tpu.memory_space<hbm>>
    %dma_start3A_37 = tpu.memref_squeeze %dma_start3A_36 : memref<1x80xi32, #tpu.memory_space<hbm>> -> memref<80xi32, #tpu.memory_space<hbm>>
    tpu.enqueue_dma source(%dma_start3A_37 : memref<80xi32, #tpu.memory_space<hbm>>) target(%arg12 : memref<80xi32, #tpu.memory_space<vmem>>) target_semaphore(%arg24 : memref<!tpu.dma_semaphore, #tpu.memory_space<semaphore_mem>>)
    %add3A_38 = arith.constant 2 : i32
    %add3A_39 = arith.addi %mul3A_2, %add3A_38 : i32
    %dma_start3A_40 = arith.constant 0 : i32
    %dma_start3A_41 = tpu.memref_slice %arg3[%add3A_39, %dma_start3A_40] : memref<4000x80xi32, #tpu.memory_space<hbm>> -> memref<1x80xi32, #tpu.memory_space<hbm>>
    %dma_start3A_42 = tpu.memref_squeeze %dma_start3A_41 : memref<1x80xi32, #tpu.memory_space<hbm>> -> memref<80xi32, #tpu.memory_space<hbm>>
    %dma_start3A_43 = arith.constant 0 : i32
    %dma_start3A_44 = tpu.memref_slice %arg3[%add3A_39, %dma_start3A_43] : memref<4000x80xi32, #tpu.memory_space<hbm>> -> memref<1x80xi32, #tpu.memory_space<hbm>>
    %dma_start3A_45 = tpu.memref_squeeze %dma_start3A_44 : memref<1x80xi32, #tpu.memory_space<hbm>> -> memref<80xi32, #tpu.memory_space<hbm>>
    tpu.enqueue_dma source(%dma_start3A_45 : memref<80xi32, #tpu.memory_space<hbm>>) target(%arg9 : memref<80xi32, #tpu.memory_space<vmem>>) target_semaphore(%arg21 : memref<!tpu.dma_semaphore, #tpu.memory_space<semaphore_mem>>)
    %add3A_46 = arith.constant 2 : i32
    %add3A_47 = arith.addi %mul3A_2, %add3A_46 : i32
    %dma_start3A_48 = arith.constant 0 : i32
    %dma_start3A_49 = tpu.memref_slice %arg4[%add3A_47, %dma_start3A_48] : memref<4000x80xi32, #tpu.memory_space<hbm>> -> memref<1x80xi32, #tpu.memory_space<hbm>>
    %dma_start3A_50 = tpu.memref_squeeze %dma_start3A_49 : memref<1x80xi32, #tpu.memory_space<hbm>> -> memref<80xi32, #tpu.memory_space<hbm>>
    %dma_start3A_51 = arith.constant 0 : i32
    %dma_start3A_52 = tpu.memref_slice %arg4[%add3A_47, %dma_start3A_51] : memref<4000x80xi32, #tpu.memory_space<hbm>> -> memref<1x80xi32, #tpu.memory_space<hbm>>
    %dma_start3A_53 = tpu.memref_squeeze %dma_start3A_52 : memref<1x80xi32, #tpu.memory_space<hbm>> -> memref<80xi32, #tpu.memory_space<hbm>>
    tpu.enqueue_dma source(%dma_start3A_53 : memref<80xi32, #tpu.memory_space<hbm>>) target(%arg13 : memref<80xi32, #tpu.memory_space<vmem>>) target_semaphore(%arg25 : memref<!tpu.dma_semaphore, #tpu.memory_space<semaphore_mem>>)
    %add3A_54 = arith.constant 3 : i32
    %add3A_55 = arith.addi %mul3A_2, %add3A_54 : i32
    %dma_start3A_56 = arith.constant 0 : i32
    %dma_start3A_57 = tpu.memref_slice %arg3[%add3A_55, %dma_start3A_56] : memref<4000x80xi32, #tpu.memory_space<hbm>> -> memref<1x80xi32, #tpu.memory_space<hbm>>
    %dma_start3A_58 = tpu.memref_squeeze %dma_start3A_57 : memref<1x80xi32, #tpu.memory_space<hbm>> -> memref<80xi32, #tpu.memory_space<hbm>>
    %dma_start3A_59 = arith.constant 0 : i32
    %dma_start3A_60 = tpu.memref_slice %arg3[%add3A_55, %dma_start3A_59] : memref<4000x80xi32, #tpu.memory_space<hbm>> -> memref<1x80xi32, #tpu.memory_space<hbm>>
    %dma_start3A_61 = tpu.memref_squeeze %dma_start3A_60 : memref<1x80xi32, #tpu.memory_space<hbm>> -> memref<80xi32, #tpu.memory_space<hbm>>
    tpu.enqueue_dma source(%dma_start3A_61 : memref<80xi32, #tpu.memory_space<hbm>>) target(%arg10 : memref<80xi32, #tpu.memory_space<vmem>>) target_semaphore(%arg22 : memref<!tpu.dma_semaphore, #tpu.memory_space<semaphore_mem>>)
    %add3A_62 = arith.constant 3 : i32
    %add3A_63 = arith.addi %mul3A_2, %add3A_62 : i32
    %dma_start3A_64 = arith.constant 0 : i32
    %dma_start3A_65 = tpu.memref_slice %arg4[%add3A_63, %dma_start3A_64] : memref<4000x80xi32, #tpu.memory_space<hbm>> -> memref<1x80xi32, #tpu.memory_space<hbm>>
    %dma_start3A_66 = tpu.memref_squeeze %dma_start3A_65 : memref<1x80xi32, #tpu.memory_space<hbm>> -> memref<80xi32, #tpu.memory_space<hbm>>
    %dma_start3A_67 = arith.constant 0 : i32
    %dma_start3A_68 = tpu.memref_slice %arg4[%add3A_63, %dma_start3A_67] : memref<4000x80xi32, #tpu.memory_space<hbm>> -> memref<1x80xi32, #tpu.memory_space<hbm>>
    %dma_start3A_69 = tpu.memref_squeeze %dma_start3A_68 : memref<1x80xi32, #tpu.memory_space<hbm>> -> memref<80xi32, #tpu.memory_space<hbm>>
    tpu.enqueue_dma source(%dma_start3A_69 : memref<80xi32, #tpu.memory_space<hbm>>) target(%arg14 : memref<80xi32, #tpu.memory_space<vmem>>) target_semaphore(%arg26 : memref<!tpu.dma_semaphore, #tpu.memory_space<semaphore_mem>>)
    %dma_wait3A = arith.constant 0 : i32
    %dma_wait3A_70 = tpu.memref_slice %arg3[%mul3A_2, %dma_wait3A] : memref<4000x80xi32, #tpu.memory_space<hbm>> -> memref<1x80xi32, #tpu.memory_space<hbm>>
    %dma_wait3A_71 = tpu.memref_squeeze %dma_wait3A_70 : memref<1x80xi32, #tpu.memory_space<hbm>> -> memref<80xi32, #tpu.memory_space<hbm>>
    %dma_wait3A_72 = arith.constant 0 : i32
    %dma_wait3A_73 = tpu.memref_slice %arg3[%mul3A_2, %dma_wait3A_72] : memref<4000x80xi32, #tpu.memory_space<hbm>> -> memref<1x80xi32, #tpu.memory_space<hbm>>
    %dma_wait3A_74 = tpu.memref_squeeze %dma_wait3A_73 : memref<1x80xi32, #tpu.memory_space<hbm>> -> memref<80xi32, #tpu.memory_space<hbm>>
    tpu.wait_dma2 semaphore(%arg19 : memref<!tpu.dma_semaphore, #tpu.memory_space<semaphore_mem>>) src(%dma_wait3A_74 : memref<80xi32, #tpu.memory_space<hbm>>) dst(%arg7 : memref<80xi32, #tpu.memory_space<vmem>>)
    %dma_start3A_75 = arith.constant 0 : i32
    %dma_start3A_76 = arith.constant 0 : i32
    %dma_start3A_77 = tpu.memref_slice %arg2[%dma_start3A_75, %dma_start3A_76] : memref<10000x128xf32, #tpu.memory_space<hbm>> -> memref<10000x128xf32, #tpu.memory_space<hbm>>
    tpu.enqueue_indirect_dma source(%dma_start3A_77 : memref<10000x128xf32, #tpu.memory_space<hbm>>) target(%arg15 : memref<80x128xf32, #tpu.memory_space<vmem>>) offsets(%arg7 : memref<80xi32, #tpu.memory_space<vmem>>) semaphore(%arg27 : memref<!tpu.dma_semaphore, #tpu.memory_space<semaphore_mem>>)
    %dma_wait3A_78 = arith.constant 0 : i32
    %dma_wait3A_79 = tpu.memref_slice %arg3[%mul3A_2, %dma_wait3A_78] : memref<4000x80xi32, #tpu.memory_space<hbm>> -> memref<1x80xi32, #tpu.memory_space<hbm>>
    %dma_wait3A_80 = tpu.memref_squeeze %dma_wait3A_79 : memref<1x80xi32, #tpu.memory_space<hbm>> -> memref<80xi32, #tpu.memory_space<hbm>>
    %dma_wait3A_81 = arith.constant 0 : i32
    %dma_wait3A_82 = tpu.memref_slice %arg3[%mul3A_2, %dma_wait3A_81] : memref<4000x80xi32, #tpu.memory_space<hbm>> -> memref<1x80xi32, #tpu.memory_space<hbm>>
    %dma_wait3A_83 = tpu.memref_squeeze %dma_wait3A_82 : memref<1x80xi32, #tpu.memory_space<hbm>> -> memref<80xi32, #tpu.memory_space<hbm>>
    tpu.wait_dma2 semaphore(%arg20 : memref<!tpu.dma_semaphore, #tpu.memory_space<semaphore_mem>>) src(%dma_wait3A_83 : memref<80xi32, #tpu.memory_space<hbm>>) dst(%arg8 : memref<80xi32, #tpu.memory_space<vmem>>)
    %dma_start3A_84 = arith.constant 0 : i32
    %dma_start3A_85 = arith.constant 0 : i32
    %dma_start3A_86 = tpu.memref_slice %arg2[%dma_start3A_84, %dma_start3A_85] : memref<10000x128xf32, #tpu.memory_space<hbm>> -> memref<10000x128xf32, #tpu.memory_space<hbm>>
    tpu.enqueue_indirect_dma source(%dma_start3A_86 : memref<10000x128xf32, #tpu.memory_space<hbm>>) target(%arg16 : memref<80x128xf32, #tpu.memory_space<vmem>>) offsets(%arg8 : memref<80xi32, #tpu.memory_space<vmem>>) semaphore(%arg28 : memref<!tpu.dma_semaphore, #tpu.memory_space<semaphore_mem>>)
    %dma_wait3A_87 = arith.constant 0 : i32
    %dma_wait3A_88 = tpu.memref_slice %arg3[%mul3A_2, %dma_wait3A_87] : memref<4000x80xi32, #tpu.memory_space<hbm>> -> memref<1x80xi32, #tpu.memory_space<hbm>>
    %dma_wait3A_89 = tpu.memref_squeeze %dma_wait3A_88 : memref<1x80xi32, #tpu.memory_space<hbm>> -> memref<80xi32, #tpu.memory_space<hbm>>
    %dma_wait3A_90 = arith.constant 0 : i32
    %dma_wait3A_91 = tpu.memref_slice %arg3[%mul3A_2, %dma_wait3A_90] : memref<4000x80xi32, #tpu.memory_space<hbm>> -> memref<1x80xi32, #tpu.memory_space<hbm>>
    %dma_wait3A_92 = tpu.memref_squeeze %dma_wait3A_91 : memref<1x80xi32, #tpu.memory_space<hbm>> -> memref<80xi32, #tpu.memory_space<hbm>>
    tpu.wait_dma2 semaphore(%arg21 : memref<!tpu.dma_semaphore, #tpu.memory_space<semaphore_mem>>) src(%dma_wait3A_92 : memref<80xi32, #tpu.memory_space<hbm>>) dst(%arg9 : memref<80xi32, #tpu.memory_space<vmem>>)
    %dma_start3A_93 = arith.constant 0 : i32
    %dma_start3A_94 = arith.constant 0 : i32
    %dma_start3A_95 = tpu.memref_slice %arg2[%dma_start3A_93, %dma_start3A_94] : memref<10000x128xf32, #tpu.memory_space<hbm>> -> memref<10000x128xf32, #tpu.memory_space<hbm>>
    tpu.enqueue_indirect_dma source(%dma_start3A_95 : memref<10000x128xf32, #tpu.memory_space<hbm>>) target(%arg17 : memref<80x128xf32, #tpu.memory_space<vmem>>) offsets(%arg9 : memref<80xi32, #tpu.memory_space<vmem>>) semaphore(%arg29 : memref<!tpu.dma_semaphore, #tpu.memory_space<semaphore_mem>>)
    %dma_wait3A_96 = arith.constant 0 : i32
    %dma_wait3A_97 = tpu.memref_slice %arg3[%mul3A_2, %dma_wait3A_96] : memref<4000x80xi32, #tpu.memory_space<hbm>> -> memref<1x80xi32, #tpu.memory_space<hbm>>
    %dma_wait3A_98 = tpu.memref_squeeze %dma_wait3A_97 : memref<1x80xi32, #tpu.memory_space<hbm>> -> memref<80xi32, #tpu.memory_space<hbm>>
    %dma_wait3A_99 = arith.constant 0 : i32
    %dma_wait3A_100 = tpu.memref_slice %arg3[%mul3A_2, %dma_wait3A_99] : memref<4000x80xi32, #tpu.memory_space<hbm>> -> memref<1x80xi32, #tpu.memory_space<hbm>>
    %dma_wait3A_101 = tpu.memref_squeeze %dma_wait3A_100 : memref<1x80xi32, #tpu.memory_space<hbm>> -> memref<80xi32, #tpu.memory_space<hbm>>
    tpu.wait_dma2 semaphore(%arg22 : memref<!tpu.dma_semaphore, #tpu.memory_space<semaphore_mem>>) src(%dma_wait3A_101 : memref<80xi32, #tpu.memory_space<hbm>>) dst(%arg10 : memref<80xi32, #tpu.memory_space<vmem>>)
    %dma_start3A_102 = arith.constant 0 : i32
    %dma_start3A_103 = arith.constant 0 : i32
    %dma_start3A_104 = tpu.memref_slice %arg2[%dma_start3A_102, %dma_start3A_103] : memref<10000x128xf32, #tpu.memory_space<hbm>> -> memref<10000x128xf32, #tpu.memory_space<hbm>>
    tpu.enqueue_indirect_dma source(%dma_start3A_104 : memref<10000x128xf32, #tpu.memory_space<hbm>>) target(%arg18 : memref<80x128xf32, #tpu.memory_space<vmem>>) offsets(%arg10 : memref<80xi32, #tpu.memory_space<vmem>>) semaphore(%arg30 : memref<!tpu.dma_semaphore, #tpu.memory_space<semaphore_mem>>)
    %scan3A = arith.constant 0 : i32
    %scan3A_105 = arith.constant 0 : i32
    %scan3A_106 = arith.constant 31 : i32
    %scan3A_107 = arith.addi %scan3A_105, %scan3A_106 : i32
    %scan3A_108 = arith.constant 1 : i32
    scf.for %scan3A_131 = %scan3A_105 to %scan3A_107 step %scan3A_108  : i32 {
      %mul3A_132 = arith.constant 4 : i32
      %mul3A_133 = arith.muli %scan3A_131, %mul3A_132 : i32
      %dma_wait3A_134 = arith.constant 0 : i32
      %dma_wait3A_135 = tpu.memref_slice %arg4[%mul3A_2, %dma_wait3A_134] : memref<4000x80xi32, #tpu.memory_space<hbm>> -> memref<1x80xi32, #tpu.memory_space<hbm>>
      %dma_wait3A_136 = tpu.memref_squeeze %dma_wait3A_135 : memref<1x80xi32, #tpu.memory_space<hbm>> -> memref<80xi32, #tpu.memory_space<hbm>>
      %dma_wait3A_137 = arith.constant 0 : i32
      %dma_wait3A_138 = tpu.memref_slice %arg4[%mul3A_2, %dma_wait3A_137] : memref<4000x80xi32, #tpu.memory_space<hbm>> -> memref<1x80xi32, #tpu.memory_space<hbm>>
      %dma_wait3A_139 = tpu.memref_squeeze %dma_wait3A_138 : memref<1x80xi32, #tpu.memory_space<hbm>> -> memref<80xi32, #tpu.memory_space<hbm>>
      tpu.wait_dma2 semaphore(%arg23 : memref<!tpu.dma_semaphore, #tpu.memory_space<semaphore_mem>>) src(%dma_wait3A_139 : memref<80xi32, #tpu.memory_space<hbm>>) dst(%arg11 : memref<80xi32, #tpu.memory_space<vmem>>)
      %dma_wait3A_140 = arith.constant 0 : i32
      %dma_wait3A_141 = arith.constant 0 : i32
      %dma_wait3A_142 = tpu.memref_slice %arg2[%dma_wait3A_140, %dma_wait3A_141] : memref<10000x128xf32, #tpu.memory_space<hbm>> -> memref<10000x128xf32, #tpu.memory_space<hbm>>
      tpu.wait_indirect_dma semaphore(%arg27 : memref<!tpu.dma_semaphore, #tpu.memory_space<semaphore_mem>>) src(%dma_wait3A_142 : memref<10000x128xf32, #tpu.memory_space<hbm>>) dst(%arg15 : memref<80x128xf32, #tpu.memory_space<vmem>>)
      %dma_start3A_143 = arith.constant 0 : i32
      %dma_start3A_144 = arith.constant 0 : i32
      %dma_start3A_145 = tpu.memref_slice %arg35[%dma_start3A_143, %dma_start3A_144] : memref<10000x128xf32, #tpu.memory_space<vmem_shared>> -> memref<10000x128xf32, #tpu.memory_space<vmem_shared>>
      tpu.enqueue_indirect_dma source(%arg15 : memref<80x128xf32, #tpu.memory_space<vmem>>) target(%dma_start3A_145 : memref<10000x128xf32, #tpu.memory_space<vmem_shared>>) offsets(%arg11 : memref<80xi32, #tpu.memory_space<vmem>>) semaphore(%arg31 : memref<!tpu.dma_semaphore, #tpu.memory_space<semaphore_mem>>) {add = true}
      %add3A_146 = arith.constant 4 : i32
      %add3A_147 = arith.addi %mul3A_133, %add3A_146 : i32
      %add3A_148 = arith.constant 0 : i32
      %add3A_149 = arith.addi %add3A_147, %add3A_148 : i32
      %lt3A = arith.constant 125 : i32
      %lt3A_150 = arith.cmpi slt, %add3A_149, %lt3A : i32
      %convert_element_type3A_151 = arith.extui %lt3A_150 : i1 to i32
      %cond3A_152 = arith.constant 0 : i32
      %cond3A_153 = arith.cmpi ne, %convert_element_type3A_151, %cond3A_152 : i32
      scf.if %cond3A_153 {
        %add3A_265 = arith.addi %mul3A_2, %add3A_149 : i32
        %dma_start3A_266 = arith.constant 0 : i32
        %dma_start3A_267 = tpu.memref_slice %arg3[%add3A_265, %dma_start3A_266] : memref<4000x80xi32, #tpu.memory_space<hbm>> -> memref<1x80xi32, #tpu.memory_space<hbm>>
        %dma_start3A_268 = tpu.memref_squeeze %dma_start3A_267 : memref<1x80xi32, #tpu.memory_space<hbm>> -> memref<80xi32, #tpu.memory_space<hbm>>
        %dma_start3A_269 = arith.constant 0 : i32
        %dma_start3A_270 = tpu.memref_slice %arg3[%add3A_265, %dma_start3A_269] : memref<4000x80xi32, #tpu.memory_space<hbm>> -> memref<1x80xi32, #tpu.memory_space<hbm>>
        %dma_start3A_271 = tpu.memref_squeeze %dma_start3A_270 : memref<1x80xi32, #tpu.memory_space<hbm>> -> memref<80xi32, #tpu.memory_space<hbm>>
        tpu.enqueue_dma source(%dma_start3A_271 : memref<80xi32, #tpu.memory_space<hbm>>) target(%arg7 : memref<80xi32, #tpu.memory_space<vmem>>) target_semaphore(%arg19 : memref<!tpu.dma_semaphore, #tpu.memory_space<semaphore_mem>>)
      } else {
      }
      %dma_wait3A_154 = arith.constant 0 : i32
      %dma_wait3A_155 = tpu.memref_slice %arg4[%mul3A_2, %dma_wait3A_154] : memref<4000x80xi32, #tpu.memory_space<hbm>> -> memref<1x80xi32, #tpu.memory_space<hbm>>
      %dma_wait3A_156 = tpu.memref_squeeze %dma_wait3A_155 : memref<1x80xi32, #tpu.memory_space<hbm>> -> memref<80xi32, #tpu.memory_space<hbm>>
      %dma_wait3A_157 = arith.constant 0 : i32
      %dma_wait3A_158 = tpu.memref_slice %arg4[%mul3A_2, %dma_wait3A_157] : memref<4000x80xi32, #tpu.memory_space<hbm>> -> memref<1x80xi32, #tpu.memory_space<hbm>>
      %dma_wait3A_159 = tpu.memref_squeeze %dma_wait3A_158 : memref<1x80xi32, #tpu.memory_space<hbm>> -> memref<80xi32, #tpu.memory_space<hbm>>
      tpu.wait_dma2 semaphore(%arg24 : memref<!tpu.dma_semaphore, #tpu.memory_space<semaphore_mem>>) src(%dma_wait3A_159 : memref<80xi32, #tpu.memory_space<hbm>>) dst(%arg12 : memref<80xi32, #tpu.memory_space<vmem>>)
      %dma_wait3A_160 = arith.constant 0 : i32
      %dma_wait3A_161 = arith.constant 0 : i32
      %dma_wait3A_162 = tpu.memref_slice %arg2[%dma_wait3A_160, %dma_wait3A_161] : memref<10000x128xf32, #tpu.memory_space<hbm>> -> memref<10000x128xf32, #tpu.memory_space<hbm>>
      tpu.wait_indirect_dma semaphore(%arg28 : memref<!tpu.dma_semaphore, #tpu.memory_space<semaphore_mem>>) src(%dma_wait3A_162 : memref<10000x128xf32, #tpu.memory_space<hbm>>) dst(%arg16 : memref<80x128xf32, #tpu.memory_space<vmem>>)
      %dma_start3A_163 = arith.constant 0 : i32
      %dma_start3A_164 = arith.constant 0 : i32
      %dma_start3A_165 = tpu.memref_slice %arg35[%dma_start3A_163, %dma_start3A_164] : memref<10000x128xf32, #tpu.memory_space<vmem_shared>> -> memref<10000x128xf32, #tpu.memory_space<vmem_shared>>
      tpu.enqueue_indirect_dma source(%arg16 : memref<80x128xf32, #tpu.memory_space<vmem>>) target(%dma_start3A_165 : memref<10000x128xf32, #tpu.memory_space<vmem_shared>>) offsets(%arg12 : memref<80xi32, #tpu.memory_space<vmem>>) semaphore(%arg32 : memref<!tpu.dma_semaphore, #tpu.memory_space<semaphore_mem>>) {add = true}
      %add3A_166 = arith.constant 4 : i32
      %add3A_167 = arith.addi %mul3A_133, %add3A_166 : i32
      %add3A_168 = arith.constant 1 : i32
      %add3A_169 = arith.addi %add3A_167, %add3A_168 : i32
      %lt3A_170 = arith.constant 125 : i32
      %lt3A_171 = arith.cmpi slt, %add3A_169, %lt3A_170 : i32
      %convert_element_type3A_172 = arith.extui %lt3A_171 : i1 to i32
      %cond3A_173 = arith.constant 0 : i32
      %cond3A_174 = arith.cmpi ne, %convert_element_type3A_172, %cond3A_173 : i32
      scf.if %cond3A_174 {
        %add3A_265 = arith.addi %mul3A_2, %add3A_169 : i32
        %dma_start3A_266 = arith.constant 0 : i32
        %dma_start3A_267 = tpu.memref_slice %arg3[%add3A_265, %dma_start3A_266] : memref<4000x80xi32, #tpu.memory_space<hbm>> -> memref<1x80xi32, #tpu.memory_space<hbm>>
        %dma_start3A_268 = tpu.memref_squeeze %dma_start3A_267 : memref<1x80xi32, #tpu.memory_space<hbm>> -> memref<80xi32, #tpu.memory_space<hbm>>
        %dma_start3A_269 = arith.constant 0 : i32
        %dma_start3A_270 = tpu.memref_slice %arg3[%add3A_265, %dma_start3A_269] : memref<4000x80xi32, #tpu.memory_space<hbm>> -> memref<1x80xi32, #tpu.memory_space<hbm>>
        %dma_start3A_271 = tpu.memref_squeeze %dma_start3A_270 : memref<1x80xi32, #tpu.memory_space<hbm>> -> memref<80xi32, #tpu.memory_space<hbm>>
        tpu.enqueue_dma source(%dma_start3A_271 : memref<80xi32, #tpu.memory_space<hbm>>) target(%arg8 : memref<80xi32, #tpu.memory_space<vmem>>) target_semaphore(%arg20 : memref<!tpu.dma_semaphore, #tpu.memory_space<semaphore_mem>>)
      } else {
      }
      %dma_wait3A_175 = arith.constant 0 : i32
      %dma_wait3A_176 = tpu.memref_slice %arg4[%mul3A_2, %dma_wait3A_175] : memref<4000x80xi32, #tpu.memory_space<hbm>> -> memref<1x80xi32, #tpu.memory_space<hbm>>
      %dma_wait3A_177 = tpu.memref_squeeze %dma_wait3A_176 : memref<1x80xi32, #tpu.memory_space<hbm>> -> memref<80xi32, #tpu.memory_space<hbm>>
      %dma_wait3A_178 = arith.constant 0 : i32
      %dma_wait3A_179 = tpu.memref_slice %arg4[%mul3A_2, %dma_wait3A_178] : memref<4000x80xi32, #tpu.memory_space<hbm>> -> memref<1x80xi32, #tpu.memory_space<hbm>>
      %dma_wait3A_180 = tpu.memref_squeeze %dma_wait3A_179 : memref<1x80xi32, #tpu.memory_space<hbm>> -> memref<80xi32, #tpu.memory_space<hbm>>
      tpu.wait_dma2 semaphore(%arg25 : memref<!tpu.dma_semaphore, #tpu.memory_space<semaphore_mem>>) src(%dma_wait3A_180 : memref<80xi32, #tpu.memory_space<hbm>>) dst(%arg13 : memref<80xi32, #tpu.memory_space<vmem>>)
      %dma_wait3A_181 = arith.constant 0 : i32
      %dma_wait3A_182 = arith.constant 0 : i32
      %dma_wait3A_183 = tpu.memref_slice %arg2[%dma_wait3A_181, %dma_wait3A_182] : memref<10000x128xf32, #tpu.memory_space<hbm>> -> memref<10000x128xf32, #tpu.memory_space<hbm>>
      tpu.wait_indirect_dma semaphore(%arg29 : memref<!tpu.dma_semaphore, #tpu.memory_space<semaphore_mem>>) src(%dma_wait3A_183 : memref<10000x128xf32, #tpu.memory_space<hbm>>) dst(%arg17 : memref<80x128xf32, #tpu.memory_space<vmem>>)
      %dma_start3A_184 = arith.constant 0 : i32
      %dma_start3A_185 = arith.constant 0 : i32
      %dma_start3A_186 = tpu.memref_slice %arg35[%dma_start3A_184, %dma_start3A_185] : memref<10000x128xf32, #tpu.memory_space<vmem_shared>> -> memref<10000x128xf32, #tpu.memory_space<vmem_shared>>
      tpu.enqueue_indirect_dma source(%arg17 : memref<80x128xf32, #tpu.memory_space<vmem>>) target(%dma_start3A_186 : memref<10000x128xf32, #tpu.memory_space<vmem_shared>>) offsets(%arg13 : memref<80xi32, #tpu.memory_space<vmem>>) semaphore(%arg33 : memref<!tpu.dma_semaphore, #tpu.memory_space<semaphore_mem>>) {add = true}
      %add3A_187 = arith.constant 4 : i32
      %add3A_188 = arith.addi %mul3A_133, %add3A_187 : i32
      %add3A_189 = arith.constant 2 : i32
      %add3A_190 = arith.addi %add3A_188, %add3A_189 : i32
      %lt3A_191 = arith.constant 125 : i32
      %lt3A_192 = arith.cmpi slt, %add3A_190, %lt3A_191 : i32
      %convert_element_type3A_193 = arith.extui %lt3A_192 : i1 to i32
      %cond3A_194 = arith.constant 0 : i32
      %cond3A_195 = arith.cmpi ne, %convert_element_type3A_193, %cond3A_194 : i32
      scf.if %cond3A_195 {
        %add3A_265 = arith.addi %mul3A_2, %add3A_190 : i32
        %dma_start3A_266 = arith.constant 0 : i32
        %dma_start3A_267 = tpu.memref_slice %arg3[%add3A_265, %dma_start3A_266] : memref<4000x80xi32, #tpu.memory_space<hbm>> -> memref<1x80xi32, #tpu.memory_space<hbm>>
        %dma_start3A_268 = tpu.memref_squeeze %dma_start3A_267 : memref<1x80xi32, #tpu.memory_space<hbm>> -> memref<80xi32, #tpu.memory_space<hbm>>
        %dma_start3A_269 = arith.constant 0 : i32
        %dma_start3A_270 = tpu.memref_slice %arg3[%add3A_265, %dma_start3A_269] : memref<4000x80xi32, #tpu.memory_space<hbm>> -> memref<1x80xi32, #tpu.memory_space<hbm>>
        %dma_start3A_271 = tpu.memref_squeeze %dma_start3A_270 : memref<1x80xi32, #tpu.memory_space<hbm>> -> memref<80xi32, #tpu.memory_space<hbm>>
        tpu.enqueue_dma source(%dma_start3A_271 : memref<80xi32, #tpu.memory_space<hbm>>) target(%arg9 : memref<80xi32, #tpu.memory_space<vmem>>) target_semaphore(%arg21 : memref<!tpu.dma_semaphore, #tpu.memory_space<semaphore_mem>>)
      } else {
      }
      %dma_wait3A_196 = arith.constant 0 : i32
      %dma_wait3A_197 = tpu.memref_slice %arg4[%mul3A_2, %dma_wait3A_196] : memref<4000x80xi32, #tpu.memory_space<hbm>> -> memref<1x80xi32, #tpu.memory_space<hbm>>
      %dma_wait3A_198 = tpu.memref_squeeze %dma_wait3A_197 : memref<1x80xi32, #tpu.memory_space<hbm>> -> memref<80xi32, #tpu.memory_space<hbm>>
      %dma_wait3A_199 = arith.constant 0 : i32
      %dma_wait3A_200 = tpu.memref_slice %arg4[%mul3A_2, %dma_wait3A_199] : memref<4000x80xi32, #tpu.memory_space<hbm>> -> memref<1x80xi32, #tpu.memory_space<hbm>>
      %dma_wait3A_201 = tpu.memref_squeeze %dma_wait3A_200 : memref<1x80xi32, #tpu.memory_space<hbm>> -> memref<80xi32, #tpu.memory_space<hbm>>
      tpu.wait_dma2 semaphore(%arg26 : memref<!tpu.dma_semaphore, #tpu.memory_space<semaphore_mem>>) src(%dma_wait3A_201 : memref<80xi32, #tpu.memory_space<hbm>>) dst(%arg14 : memref<80xi32, #tpu.memory_space<vmem>>)
      %dma_wait3A_202 = arith.constant 0 : i32
      %dma_wait3A_203 = arith.constant 0 : i32
      %dma_wait3A_204 = tpu.memref_slice %arg2[%dma_wait3A_202, %dma_wait3A_203] : memref<10000x128xf32, #tpu.memory_space<hbm>> -> memref<10000x128xf32, #tpu.memory_space<hbm>>
      tpu.wait_indirect_dma semaphore(%arg30 : memref<!tpu.dma_semaphore, #tpu.memory_space<semaphore_mem>>) src(%dma_wait3A_204 : memref<10000x128xf32, #tpu.memory_space<hbm>>) dst(%arg18 : memref<80x128xf32, #tpu.memory_space<vmem>>)
      %dma_start3A_205 = arith.constant 0 : i32
      %dma_start3A_206 = arith.constant 0 : i32
      %dma_start3A_207 = tpu.memref_slice %arg35[%dma_start3A_205, %dma_start3A_206] : memref<10000x128xf32, #tpu.memory_space<vmem_shared>> -> memref<10000x128xf32, #tpu.memory_space<vmem_shared>>
      tpu.enqueue_indirect_dma source(%arg18 : memref<80x128xf32, #tpu.memory_space<vmem>>) target(%dma_start3A_207 : memref<10000x128xf32, #tpu.memory_space<vmem_shared>>) offsets(%arg14 : memref<80xi32, #tpu.memory_space<vmem>>) semaphore(%arg34 : memref<!tpu.dma_semaphore, #tpu.memory_space<semaphore_mem>>) {add = true}
      %add3A_208 = arith.constant 4 : i32
      %add3A_209 = arith.addi %mul3A_133, %add3A_208 : i32
      %add3A_210 = arith.constant 3 : i32
      %add3A_211 = arith.addi %add3A_209, %add3A_210 : i32
      %lt3A_212 = arith.constant 125 : i32
      %lt3A_213 = arith.cmpi slt, %add3A_211, %lt3A_212 : i32
      %convert_element_type3A_214 = arith.extui %lt3A_213 : i1 to i32
      %cond3A_215 = arith.constant 0 : i32
      %cond3A_216 = arith.cmpi ne, %convert_element_type3A_214, %cond3A_215 : i32
      scf.if %cond3A_216 {
        %add3A_265 = arith.addi %mul3A_2, %add3A_211 : i32
        %dma_start3A_266 = arith.constant 0 : i32
        %dma_start3A_267 = tpu.memref_slice %arg3[%add3A_265, %dma_start3A_266] : memref<4000x80xi32, #tpu.memory_space<hbm>> -> memref<1x80xi32, #tpu.memory_space<hbm>>
        %dma_start3A_268 = tpu.memref_squeeze %dma_start3A_267 : memref<1x80xi32, #tpu.memory_space<hbm>> -> memref<80xi32, #tpu.memory_space<hbm>>
        %dma_start3A_269 = arith.constant 0 : i32
        %dma_start3A_270 = tpu.memref_slice %arg3[%add3A_265, %dma_start3A_269] : memref<4000x80xi32, #tpu.memory_space<hbm>> -> memref<1x80xi32, #tpu.memory_space<hbm>>
        %dma_start3A_271 = tpu.memref_squeeze %dma_start3A_270 : memref<1x80xi32, #tpu.memory_space<hbm>> -> memref<80xi32, #tpu.memory_space<hbm>>
        tpu.enqueue_dma source(%dma_start3A_271 : memref<80xi32, #tpu.memory_space<hbm>>) target(%arg10 : memref<80xi32, #tpu.memory_space<vmem>>) target_semaphore(%arg22 : memref<!tpu.dma_semaphore, #tpu.memory_space<semaphore_mem>>)
      } else {
      }
      %add3A_217 = arith.constant 4 : i32
      %add3A_218 = arith.addi %mul3A_133, %add3A_217 : i32
      %add3A_219 = arith.constant 0 : i32
      %add3A_220 = arith.addi %add3A_218, %add3A_219 : i32
      %dma_wait3A_221 = arith.constant 0 : i32
      %dma_wait3A_222 = arith.constant 0 : i32
      %dma_wait3A_223 = tpu.memref_slice %arg35[%dma_wait3A_221, %dma_wait3A_222] : memref<10000x128xf32, #tpu.memory_space<vmem_shared>> -> memref<10000x128xf32, #tpu.memory_space<vmem_shared>>
      tpu.wait_indirect_dma semaphore(%arg31 : memref<!tpu.dma_semaphore, #tpu.memory_space<semaphore_mem>>) src(%arg15 : memref<80x128xf32, #tpu.memory_space<vmem>>) dst(%dma_wait3A_223 : memref<10000x128xf32, #tpu.memory_space<vmem_shared>>)
      %lt3A_224 = arith.constant 125 : i32
      %lt3A_225 = arith.cmpi slt, %add3A_220, %lt3A_224 : i32
      %convert_element_type3A_226 = arith.extui %lt3A_225 : i1 to i32
      %cond3A_227 = arith.constant 0 : i32
      %cond3A_228 = arith.cmpi ne, %convert_element_type3A_226, %cond3A_227 : i32
      scf.if %cond3A_228 {
        %add3A_265 = arith.addi %mul3A_2, %add3A_220 : i32
        %dma_start3A_266 = arith.constant 0 : i32
        %dma_start3A_267 = tpu.memref_slice %arg4[%add3A_265, %dma_start3A_266] : memref<4000x80xi32, #tpu.memory_space<hbm>> -> memref<1x80xi32, #tpu.memory_space<hbm>>
        %dma_start3A_268 = tpu.memref_squeeze %dma_start3A_267 : memref<1x80xi32, #tpu.memory_space<hbm>> -> memref<80xi32, #tpu.memory_space<hbm>>
        %dma_start3A_269 = arith.constant 0 : i32
        %dma_start3A_270 = tpu.memref_slice %arg4[%add3A_265, %dma_start3A_269] : memref<4000x80xi32, #tpu.memory_space<hbm>> -> memref<1x80xi32, #tpu.memory_space<hbm>>
        %dma_start3A_271 = tpu.memref_squeeze %dma_start3A_270 : memref<1x80xi32, #tpu.memory_space<hbm>> -> memref<80xi32, #tpu.memory_space<hbm>>
        tpu.enqueue_dma source(%dma_start3A_271 : memref<80xi32, #tpu.memory_space<hbm>>) target(%arg11 : memref<80xi32, #tpu.memory_space<vmem>>) target_semaphore(%arg23 : memref<!tpu.dma_semaphore, #tpu.memory_space<semaphore_mem>>)
        %dma_wait3A_272 = arith.constant 0 : i32
        %dma_wait3A_273 = tpu.memref_slice %arg3[%mul3A_2, %dma_wait3A_272] : memref<4000x80xi32, #tpu.memory_space<hbm>> -> memref<1x80xi32, #tpu.memory_space<hbm>>
        %dma_wait3A_274 = tpu.memref_squeeze %dma_wait3A_273 : memref<1x80xi32, #tpu.memory_space<hbm>> -> memref<80xi32, #tpu.memory_space<hbm>>
        %dma_wait3A_275 = arith.constant 0 : i32
        %dma_wait3A_276 = tpu.memref_slice %arg3[%mul3A_2, %dma_wait3A_275] : memref<4000x80xi32, #tpu.memory_space<hbm>> -> memref<1x80xi32, #tpu.memory_space<hbm>>
        %dma_wait3A_277 = tpu.memref_squeeze %dma_wait3A_276 : memref<1x80xi32, #tpu.memory_space<hbm>> -> memref<80xi32, #tpu.memory_space<hbm>>
        tpu.wait_dma2 semaphore(%arg19 : memref<!tpu.dma_semaphore, #tpu.memory_space<semaphore_mem>>) src(%dma_wait3A_277 : memref<80xi32, #tpu.memory_space<hbm>>) dst(%arg7 : memref<80xi32, #tpu.memory_space<vmem>>)
        %dma_start3A_278 = arith.constant 0 : i32
        %dma_start3A_279 = arith.constant 0 : i32
        %dma_start3A_280 = tpu.memref_slice %arg2[%dma_start3A_278, %dma_start3A_279] : memref<10000x128xf32, #tpu.memory_space<hbm>> -> memref<10000x128xf32, #tpu.memory_space<hbm>>
        tpu.enqueue_indirect_dma source(%dma_start3A_280 : memref<10000x128xf32, #tpu.memory_space<hbm>>) target(%arg15 : memref<80x128xf32, #tpu.memory_space<vmem>>) offsets(%arg7 : memref<80xi32, #tpu.memory_space<vmem>>) semaphore(%arg27 : memref<!tpu.dma_semaphore, #tpu.memory_space<semaphore_mem>>)
      } else {
      }
      %add3A_229 = arith.constant 4 : i32
      %add3A_230 = arith.addi %mul3A_133, %add3A_229 : i32
      %add3A_231 = arith.constant 1 : i32
      %add3A_232 = arith.addi %add3A_230, %add3A_231 : i32
      %dma_wait3A_233 = arith.constant 0 : i32
      %dma_wait3A_234 = arith.constant 0 : i32
      %dma_wait3A_235 = tpu.memref_slice %arg35[%dma_wait3A_233, %dma_wait3A_234] : memref<10000x128xf32, #tpu.memory_space<vmem_shared>> -> memref<10000x128xf32, #tpu.memory_space<vmem_shared>>
      tpu.wait_indirect_dma semaphore(%arg32 : memref<!tpu.dma_semaphore, #tpu.memory_space<semaphore_mem>>) src(%arg16 : memref<80x128xf32, #tpu.memory_space<vmem>>) dst(%dma_wait3A_235 : memref<10000x128xf32, #tpu.memory_space<vmem_shared>>)
      %lt3A_236 = arith.constant 125 : i32
      %lt3A_237 = arith.cmpi slt, %add3A_232, %lt3A_236 : i32
      %convert_element_type3A_238 = arith.extui %lt3A_237 : i1 to i32
      %cond3A_239 = arith.constant 0 : i32
      %cond3A_240 = arith.cmpi ne, %convert_element_type3A_238, %cond3A_239 : i32
      scf.if %cond3A_240 {
        %add3A_265 = arith.addi %mul3A_2, %add3A_232 : i32
        %dma_start3A_266 = arith.constant 0 : i32
        %dma_start3A_267 = tpu.memref_slice %arg4[%add3A_265, %dma_start3A_266] : memref<4000x80xi32, #tpu.memory_space<hbm>> -> memref<1x80xi32, #tpu.memory_space<hbm>>
        %dma_start3A_268 = tpu.memref_squeeze %dma_start3A_267 : memref<1x80xi32, #tpu.memory_space<hbm>> -> memref<80xi32, #tpu.memory_space<hbm>>
        %dma_start3A_269 = arith.constant 0 : i32
        %dma_start3A_270 = tpu.memref_slice %arg4[%add3A_265, %dma_start3A_269] : memref<4000x80xi32, #tpu.memory_space<hbm>> -> memref<1x80xi32, #tpu.memory_space<hbm>>
        %dma_start3A_271 = tpu.memref_squeeze %dma_start3A_270 : memref<1x80xi32, #tpu.memory_space<hbm>> -> memref<80xi32, #tpu.memory_space<hbm>>
        tpu.enqueue_dma source(%dma_start3A_271 : memref<80xi32, #tpu.memory_space<hbm>>) target(%arg12 : memref<80xi32, #tpu.memory_space<vmem>>) target_semaphore(%arg24 : memref<!tpu.dma_semaphore, #tpu.memory_space<semaphore_mem>>)
        %dma_wait3A_272 = arith.constant 0 : i32
        %dma_wait3A_273 = tpu.memref_slice %arg3[%mul3A_2, %dma_wait3A_272] : memref<4000x80xi32, #tpu.memory_space<hbm>> -> memref<1x80xi32, #tpu.memory_space<hbm>>
        %dma_wait3A_274 = tpu.memref_squeeze %dma_wait3A_273 : memref<1x80xi32, #tpu.memory_space<hbm>> -> memref<80xi32, #tpu.memory_space<hbm>>
        %dma_wait3A_275 = arith.constant 0 : i32
        %dma_wait3A_276 = tpu.memref_slice %arg3[%mul3A_2, %dma_wait3A_275] : memref<4000x80xi32, #tpu.memory_space<hbm>> -> memref<1x80xi32, #tpu.memory_space<hbm>>
        %dma_wait3A_277 = tpu.memref_squeeze %dma_wait3A_276 : memref<1x80xi32, #tpu.memory_space<hbm>> -> memref<80xi32, #tpu.memory_space<hbm>>
        tpu.wait_dma2 semaphore(%arg20 : memref<!tpu.dma_semaphore, #tpu.memory_space<semaphore_mem>>) src(%dma_wait3A_277 : memref<80xi32, #tpu.memory_space<hbm>>) dst(%arg8 : memref<80xi32, #tpu.memory_space<vmem>>)
        %dma_start3A_278 = arith.constant 0 : i32
        %dma_start3A_279 = arith.constant 0 : i32
        %dma_start3A_280 = tpu.memref_slice %arg2[%dma_start3A_278, %dma_start3A_279] : memref<10000x128xf32, #tpu.memory_space<hbm>> -> memref<10000x128xf32, #tpu.memory_space<hbm>>
        tpu.enqueue_indirect_dma source(%dma_start3A_280 : memref<10000x128xf32, #tpu.memory_space<hbm>>) target(%arg16 : memref<80x128xf32, #tpu.memory_space<vmem>>) offsets(%arg8 : memref<80xi32, #tpu.memory_space<vmem>>) semaphore(%arg28 : memref<!tpu.dma_semaphore, #tpu.memory_space<semaphore_mem>>)
      } else {
      }
      %add3A_241 = arith.constant 4 : i32
      %add3A_242 = arith.addi %mul3A_133, %add3A_241 : i32
      %add3A_243 = arith.constant 2 : i32
      %add3A_244 = arith.addi %add3A_242, %add3A_243 : i32
      %dma_wait3A_245 = arith.constant 0 : i32
      %dma_wait3A_246 = arith.constant 0 : i32
      %dma_wait3A_247 = tpu.memref_slice %arg35[%dma_wait3A_245, %dma_wait3A_246] : memref<10000x128xf32, #tpu.memory_space<vmem_shared>> -> memref<10000x128xf32, #tpu.memory_space<vmem_shared>>
      tpu.wait_indirect_dma semaphore(%arg33 : memref<!tpu.dma_semaphore, #tpu.memory_space<semaphore_mem>>) src(%arg17 : memref<80x128xf32, #tpu.memory_space<vmem>>) dst(%dma_wait3A_247 : memref<10000x128xf32, #tpu.memory_space<vmem_shared>>)
      %lt3A_248 = arith.constant 125 : i32
      %lt3A_249 = arith.cmpi slt, %add3A_244, %lt3A_248 : i32
      %convert_element_type3A_250 = arith.extui %lt3A_249 : i1 to i32
      %cond3A_251 = arith.constant 0 : i32
      %cond3A_252 = arith.cmpi ne, %convert_element_type3A_250, %cond3A_251 : i32
      scf.if %cond3A_252 {
        %add3A_265 = arith.addi %mul3A_2, %add3A_244 : i32
        %dma_start3A_266 = arith.constant 0 : i32
        %dma_start3A_267 = tpu.memref_slice %arg4[%add3A_265, %dma_start3A_266] : memref<4000x80xi32, #tpu.memory_space<hbm>> -> memref<1x80xi32, #tpu.memory_space<hbm>>
        %dma_start3A_268 = tpu.memref_squeeze %dma_start3A_267 : memref<1x80xi32, #tpu.memory_space<hbm>> -> memref<80xi32, #tpu.memory_space<hbm>>
        %dma_start3A_269 = arith.constant 0 : i32
        %dma_start3A_270 = tpu.memref_slice %arg4[%add3A_265, %dma_start3A_269] : memref<4000x80xi32, #tpu.memory_space<hbm>> -> memref<1x80xi32, #tpu.memory_space<hbm>>
        %dma_start3A_271 = tpu.memref_squeeze %dma_start3A_270 : memref<1x80xi32, #tpu.memory_space<hbm>> -> memref<80xi32, #tpu.memory_space<hbm>>
        tpu.enqueue_dma source(%dma_start3A_271 : memref<80xi32, #tpu.memory_space<hbm>>) target(%arg13 : memref<80xi32, #tpu.memory_space<vmem>>) target_semaphore(%arg25 : memref<!tpu.dma_semaphore, #tpu.memory_space<semaphore_mem>>)
        %dma_wait3A_272 = arith.constant 0 : i32
        %dma_wait3A_273 = tpu.memref_slice %arg3[%mul3A_2, %dma_wait3A_272] : memref<4000x80xi32, #tpu.memory_space<hbm>> -> memref<1x80xi32, #tpu.memory_space<hbm>>
        %dma_wait3A_274 = tpu.memref_squeeze %dma_wait3A_273 : memref<1x80xi32, #tpu.memory_space<hbm>> -> memref<80xi32, #tpu.memory_space<hbm>>
        %dma_wait3A_275 = arith.constant 0 : i32
        %dma_wait3A_276 = tpu.memref_slice %arg3[%mul3A_2, %dma_wait3A_275] : memref<4000x80xi32, #tpu.memory_space<hbm>> -> memref<1x80xi32, #tpu.memory_space<hbm>>
        %dma_wait3A_277 = tpu.memref_squeeze %dma_wait3A_276 : memref<1x80xi32, #tpu.memory_space<hbm>> -> memref<80xi32, #tpu.memory_space<hbm>>
        tpu.wait_dma2 semaphore(%arg21 : memref<!tpu.dma_semaphore, #tpu.memory_space<semaphore_mem>>) src(%dma_wait3A_277 : memref<80xi32, #tpu.memory_space<hbm>>) dst(%arg9 : memref<80xi32, #tpu.memory_space<vmem>>)
        %dma_start3A_278 = arith.constant 0 : i32
        %dma_start3A_279 = arith.constant 0 : i32
        %dma_start3A_280 = tpu.memref_slice %arg2[%dma_start3A_278, %dma_start3A_279] : memref<10000x128xf32, #tpu.memory_space<hbm>> -> memref<10000x128xf32, #tpu.memory_space<hbm>>
        tpu.enqueue_indirect_dma source(%dma_start3A_280 : memref<10000x128xf32, #tpu.memory_space<hbm>>) target(%arg17 : memref<80x128xf32, #tpu.memory_space<vmem>>) offsets(%arg9 : memref<80xi32, #tpu.memory_space<vmem>>) semaphore(%arg29 : memref<!tpu.dma_semaphore, #tpu.memory_space<semaphore_mem>>)
      } else {
      }
      %add3A_253 = arith.constant 4 : i32
      %add3A_254 = arith.addi %mul3A_133, %add3A_253 : i32
      %add3A_255 = arith.constant 3 : i32
      %add3A_256 = arith.addi %add3A_254, %add3A_255 : i32
      %dma_wait3A_257 = arith.constant 0 : i32
      %dma_wait3A_258 = arith.constant 0 : i32
      %dma_wait3A_259 = tpu.memref_slice %arg35[%dma_wait3A_257, %dma_wait3A_258] : memref<10000x128xf32, #tpu.memory_space<vmem_shared>> -> memref<10000x128xf32, #tpu.memory_space<vmem_shared>>
      tpu.wait_indirect_dma semaphore(%arg34 : memref<!tpu.dma_semaphore, #tpu.memory_space<semaphore_mem>>) src(%arg18 : memref<80x128xf32, #tpu.memory_space<vmem>>) dst(%dma_wait3A_259 : memref<10000x128xf32, #tpu.memory_space<vmem_shared>>)
      %lt3A_260 = arith.constant 125 : i32
      %lt3A_261 = arith.cmpi slt, %add3A_256, %lt3A_260 : i32
      %convert_element_type3A_262 = arith.extui %lt3A_261 : i1 to i32
      %cond3A_263 = arith.constant 0 : i32
      %cond3A_264 = arith.cmpi ne, %convert_element_type3A_262, %cond3A_263 : i32
      scf.if %cond3A_264 {
        %add3A_265 = arith.addi %mul3A_2, %add3A_256 : i32
        %dma_start3A_266 = arith.constant 0 : i32
        %dma_start3A_267 = tpu.memref_slice %arg4[%add3A_265, %dma_start3A_266] : memref<4000x80xi32, #tpu.memory_space<hbm>> -> memref<1x80xi32, #tpu.memory_space<hbm>>
        %dma_start3A_268 = tpu.memref_squeeze %dma_start3A_267 : memref<1x80xi32, #tpu.memory_space<hbm>> -> memref<80xi32, #tpu.memory_space<hbm>>
        %dma_start3A_269 = arith.constant 0 : i32
        %dma_start3A_270 = tpu.memref_slice %arg4[%add3A_265, %dma_start3A_269] : memref<4000x80xi32, #tpu.memory_space<hbm>> -> memref<1x80xi32, #tpu.memory_space<hbm>>
        %dma_start3A_271 = tpu.memref_squeeze %dma_start3A_270 : memref<1x80xi32, #tpu.memory_space<hbm>> -> memref<80xi32, #tpu.memory_space<hbm>>
        tpu.enqueue_dma source(%dma_start3A_271 : memref<80xi32, #tpu.memory_space<hbm>>) target(%arg14 : memref<80xi32, #tpu.memory_space<vmem>>) target_semaphore(%arg26 : memref<!tpu.dma_semaphore, #tpu.memory_space<semaphore_mem>>)
        %dma_wait3A_272 = arith.constant 0 : i32
        %dma_wait3A_273 = tpu.memref_slice %arg3[%mul3A_2, %dma_wait3A_272] : memref<4000x80xi32, #tpu.memory_space<hbm>> -> memref<1x80xi32, #tpu.memory_space<hbm>>
        %dma_wait3A_274 = tpu.memref_squeeze %dma_wait3A_273 : memref<1x80xi32, #tpu.memory_space<hbm>> -> memref<80xi32, #tpu.memory_space<hbm>>
        %dma_wait3A_275 = arith.constant 0 : i32
        %dma_wait3A_276 = tpu.memref_slice %arg3[%mul3A_2, %dma_wait3A_275] : memref<4000x80xi32, #tpu.memory_space<hbm>> -> memref<1x80xi32, #tpu.memory_space<hbm>>
        %dma_wait3A_277 = tpu.memref_squeeze %dma_wait3A_276 : memref<1x80xi32, #tpu.memory_space<hbm>> -> memref<80xi32, #tpu.memory_space<hbm>>
        tpu.wait_dma2 semaphore(%arg22 : memref<!tpu.dma_semaphore, #tpu.memory_space<semaphore_mem>>) src(%dma_wait3A_277 : memref<80xi32, #tpu.memory_space<hbm>>) dst(%arg10 : memref<80xi32, #tpu.memory_space<vmem>>)
        %dma_start3A_278 = arith.constant 0 : i32
        %dma_start3A_279 = arith.constant 0 : i32
        %dma_start3A_280 = tpu.memref_slice %arg2[%dma_start3A_278, %dma_start3A_279] : memref<10000x128xf32, #tpu.memory_space<hbm>> -> memref<10000x128xf32, #tpu.memory_space<hbm>>
        tpu.enqueue_indirect_dma source(%dma_start3A_280 : memref<10000x128xf32, #tpu.memory_space<hbm>>) target(%arg18 : memref<80x128xf32, #tpu.memory_space<vmem>>) offsets(%arg10 : memref<80xi32, #tpu.memory_space<vmem>>) semaphore(%arg30 : memref<!tpu.dma_semaphore, #tpu.memory_space<semaphore_mem>>)
      } else {
      }
    }
    %scan3A_109 = arith.constant 31 : i32
    %dma_wait3A_110 = arith.constant 0 : i32
    %dma_wait3A_111 = tpu.memref_slice %arg4[%mul3A_2, %dma_wait3A_110] : memref<4000x80xi32, #tpu.memory_space<hbm>> -> memref<1x80xi32, #tpu.memory_space<hbm>>
    %dma_wait3A_112 = tpu.memref_squeeze %dma_wait3A_111 : memref<1x80xi32, #tpu.memory_space<hbm>> -> memref<80xi32, #tpu.memory_space<hbm>>
    %dma_wait3A_113 = arith.constant 0 : i32
    %dma_wait3A_114 = tpu.memref_slice %arg4[%mul3A_2, %dma_wait3A_113] : memref<4000x80xi32, #tpu.memory_space<hbm>> -> memref<1x80xi32, #tpu.memory_space<hbm>>
    %dma_wait3A_115 = tpu.memref_squeeze %dma_wait3A_114 : memref<1x80xi32, #tpu.memory_space<hbm>> -> memref<80xi32, #tpu.memory_space<hbm>>
    tpu.wait_dma2 semaphore(%arg23 : memref<!tpu.dma_semaphore, #tpu.memory_space<semaphore_mem>>) src(%dma_wait3A_115 : memref<80xi32, #tpu.memory_space<hbm>>) dst(%arg11 : memref<80xi32, #tpu.memory_space<vmem>>)
    %dma_wait3A_116 = arith.constant 0 : i32
    %dma_wait3A_117 = arith.constant 0 : i32
    %dma_wait3A_118 = tpu.memref_slice %arg2[%dma_wait3A_116, %dma_wait3A_117] : memref<10000x128xf32, #tpu.memory_space<hbm>> -> memref<10000x128xf32, #tpu.memory_space<hbm>>
    tpu.wait_indirect_dma semaphore(%arg27 : memref<!tpu.dma_semaphore, #tpu.memory_space<semaphore_mem>>) src(%dma_wait3A_118 : memref<10000x128xf32, #tpu.memory_space<hbm>>) dst(%arg15 : memref<80x128xf32, #tpu.memory_space<vmem>>)
    %dma_start3A_119 = arith.constant 0 : i32
    %dma_start3A_120 = arith.constant 0 : i32
    %dma_start3A_121 = tpu.memref_slice %arg35[%dma_start3A_119, %dma_start3A_120] : memref<10000x128xf32, #tpu.memory_space<vmem_shared>> -> memref<10000x128xf32, #tpu.memory_space<vmem_shared>>
    tpu.enqueue_indirect_dma source(%arg15 : memref<80x128xf32, #tpu.memory_space<vmem>>) target(%dma_start3A_121 : memref<10000x128xf32, #tpu.memory_space<vmem_shared>>) offsets(%arg11 : memref<80xi32, #tpu.memory_space<vmem>>) semaphore(%arg31 : memref<!tpu.dma_semaphore, #tpu.memory_space<semaphore_mem>>) {add = true}
    %dma_wait3A_122 = arith.constant 0 : i32
    %dma_wait3A_123 = arith.constant 0 : i32
    %dma_wait3A_124 = tpu.memref_slice %arg35[%dma_wait3A_122, %dma_wait3A_123] : memref<10000x128xf32, #tpu.memory_space<vmem_shared>> -> memref<10000x128xf32, #tpu.memory_space<vmem_shared>>
    tpu.wait_indirect_dma semaphore(%arg31 : memref<!tpu.dma_semaphore, #tpu.memory_space<semaphore_mem>>) src(%arg15 : memref<80x128xf32, #tpu.memory_space<vmem>>) dst(%dma_wait3A_124 : memref<10000x128xf32, #tpu.memory_space<vmem_shared>>)
    %barrier3A_125 = arith.constant 0 : index
    tpu.barrier barrier_id(%barrier3A_125)
    "tpu.region"() ({
      %run_scoped3A = tpu.sem_alloc : memref<!tpu.dma_semaphore, #tpu.memory_space<semaphore_mem>>
      %dma_start3A_131 = arith.constant 0 : i32
      %dma_start3A_132 = tpu.memref_slice %arg6[%arg0, %mul3A_4, %dma_start3A_131] : memref<2x10000x128xf32, #tpu.memory_space<hbm>> -> memref<1x624x128xf32, #tpu.memory_space<hbm>>
      %dma_start3A_133 = tpu.memref_squeeze %dma_start3A_132 : memref<1x624x128xf32, #tpu.memory_space<hbm>> -> memref<624x128xf32, #tpu.memory_space<hbm>>
      %dma_start3A_134 = arith.constant 0 : i32
      %dma_start3A_135 = tpu.memref_slice %arg35[%mul3A_4, %dma_start3A_134] : memref<10000x128xf32, #tpu.memory_space<vmem_shared>> -> memref<624x128xf32, #tpu.memory_space<vmem_shared>>
      tpu.enqueue_dma source(%dma_start3A_135 : memref<624x128xf32, #tpu.memory_space<vmem_shared>>) target(%dma_start3A_133 : memref<624x128xf32, #tpu.memory_space<hbm>>) target_semaphore(%run_scoped3A : memref<!tpu.dma_semaphore, #tpu.memory_space<semaphore_mem>>)
      %dma_wait3A_136 = arith.constant 0 : i32
      %dma_wait3A_137 = tpu.memref_slice %arg6[%arg0, %mul3A_4, %dma_wait3A_136] : memref<2x10000x128xf32, #tpu.memory_space<hbm>> -> memref<1x624x128xf32, #tpu.memory_space<hbm>>
      %dma_wait3A_138 = tpu.memref_squeeze %dma_wait3A_137 : memref<1x624x128xf32, #tpu.memory_space<hbm>> -> memref<624x128xf32, #tpu.memory_space<hbm>>
      %dma_wait3A_139 = arith.constant 0 : i32
      %dma_wait3A_140 = tpu.memref_slice %arg35[%mul3A_4, %dma_wait3A_139] : memref<10000x128xf32, #tpu.memory_space<vmem_shared>> -> memref<624x128xf32, #tpu.memory_space<vmem_shared>>
      tpu.wait_dma2 semaphore(%run_scoped3A : memref<!tpu.dma_semaphore, #tpu.memory_space<semaphore_mem>>) src(%dma_wait3A_140 : memref<624x128xf32, #tpu.memory_space<vmem_shared>>) dst(%dma_wait3A_138 : memref<624x128xf32, #tpu.memory_space<hbm>>)
      tpu.yield
    }) : () -> ()
    %eq3A_126 = arith.constant 15 : i32
    %eq3A_127 = arith.cmpi eq, %arg1, %eq3A_126 : i32
    %convert_element_type3A_128 = arith.extui %eq3A_127 : i1 to i32
    %cond3A_129 = arith.constant 0 : i32
    %cond3A_130 = arith.cmpi ne, %convert_element_type3A_128, %cond3A_129 : i32
    scf.if %cond3A_130 {
      "tpu.region"() ({
        %run_scoped3A = tpu.sem_alloc : memref<!tpu.dma_semaphore, #tpu.memory_space<semaphore_mem>>
        %dma_start3A_131 = arith.constant 9984 : i32
        %dma_start3A_132 = arith.constant 0 : i32
        %dma_start3A_133 = tpu.memref_slice %arg6[%arg0, %dma_start3A_131, %dma_start3A_132] : memref<2x10000x128xf32, #tpu.memory_space<hbm>> -> memref<1x16x128xf32, #tpu.memory_space<hbm>>
        %dma_start3A_134 = tpu.memref_squeeze %dma_start3A_133 : memref<1x16x128xf32, #tpu.memory_space<hbm>> -> memref<16x128xf32, #tpu.memory_space<hbm>>
        %dma_start3A_135 = arith.constant 9984 : i32
        %dma_start3A_136 = arith.constant 0 : i32
        %dma_start3A_137 = tpu.memref_slice %arg35[%dma_start3A_135, %dma_start3A_136] : memref<10000x128xf32, #tpu.memory_space<vmem_shared>> -> memref<16x128xf32, #tpu.memory_space<vmem_shared>>
        tpu.enqueue_dma source(%dma_start3A_137 : memref<16x128xf32, #tpu.memory_space<vmem_shared>>) target(%dma_start3A_134 : memref<16x128xf32, #tpu.memory_space<hbm>>) target_semaphore(%run_scoped3A : memref<!tpu.dma_semaphore, #tpu.memory_space<semaphore_mem>>)
        %dma_wait3A_138 = arith.constant 9984 : i32
        %dma_wait3A_139 = arith.constant 0 : i32
        %dma_wait3A_140 = tpu.memref_slice %arg6[%arg0, %dma_wait3A_138, %dma_wait3A_139] : memref<2x10000x128xf32, #tpu.memory_space<hbm>> -> memref<1x16x128xf32, #tpu.memory_space<hbm>>
        %dma_wait3A_141 = tpu.memref_squeeze %dma_wait3A_140 : memref<1x16x128xf32, #tpu.memory_space<hbm>> -> memref<16x128xf32, #tpu.memory_space<hbm>>
        %dma_wait3A_142 = arith.constant 9984 : i32
        %dma_wait3A_143 = arith.constant 0 : i32
        %dma_wait3A_144 = tpu.memref_slice %arg35[%dma_wait3A_142, %dma_wait3A_143] : memref<10000x128xf32, #tpu.memory_space<vmem_shared>> -> memref<16x128xf32, #tpu.memory_space<vmem_shared>>
        tpu.wait_dma2 semaphore(%run_scoped3A : memref<!tpu.dma_semaphore, #tpu.memory_space<semaphore_mem>>) src(%dma_wait3A_144 : memref<16x128xf32, #tpu.memory_space<vmem_shared>>) dst(%dma_wait3A_141 : memref<16x128xf32, #tpu.memory_space<hbm>>)
        tpu.yield
      }) : () -> ()
    } else {
    }
    return
  }
}

#map = affine_map<(d0, d1) -> (0, 0)>
#map1 = affine_map<(d0, d1) -> (0, 0, 0)>
module attributes {stable_mosaic.version = 14 : i64} {
  func.func @body(%arg0: i32, %arg1: i32, %arg2: memref<10000x64xf32, #tpu.memory_space<hbm>>, %arg3: memref<4000x80xi32, #tpu.memory_space<hbm>>, %arg4: memref<4000x80xi32, #tpu.memory_space<hbm>>, %arg5: memref<10000x64xf32, #tpu.memory_space<hbm>>, %arg6: memref<2x10000x64xf32, #tpu.memory_space<hbm>>, %arg7: memref<80xi32, #tpu.memory_space<vmem>>, %arg8: memref<80xi32, #tpu.memory_space<vmem>>, %arg9: memref<80xi32, #tpu.memory_space<vmem>>, %arg10: memref<80xi32, #tpu.memory_space<vmem>>, %arg11: memref<80xi32, #tpu.memory_space<vmem>>, %arg12: memref<80xi32, #tpu.memory_space<vmem>>, %arg13: memref<80xi32, #tpu.memory_space<vmem>>, %arg14: memref<80xi32, #tpu.memory_space<vmem>>, %arg15: memref<80xi32, #tpu.memory_space<vmem>>, %arg16: memref<80xi32, #tpu.memory_space<vmem>>, %arg17: memref<80xi32, #tpu.memory_space<vmem>>, %arg18: memref<80xi32, #tpu.memory_space<vmem>>, %arg19: memref<80x64xf32, #tpu.memory_space<vmem>>, %arg20: memref<80x64xf32, #tpu.memory_space<vmem>>, %arg21: memref<80x64xf32, #tpu.memory_space<vmem>>, %arg22: memref<80x64xf32, #tpu.memory_space<vmem>>, %arg23: memref<80x64xf32, #tpu.memory_space<vmem>>, %arg24: memref<80x64xf32, #tpu.memory_space<vmem>>, %arg25: memref<!tpu.dma_semaphore, #tpu.memory_space<semaphore_mem>>, %arg26: memref<!tpu.dma_semaphore, #tpu.memory_space<semaphore_mem>>, %arg27: memref<!tpu.dma_semaphore, #tpu.memory_space<semaphore_mem>>, %arg28: memref<!tpu.dma_semaphore, #tpu.memory_space<semaphore_mem>>, %arg29: memref<!tpu.dma_semaphore, #tpu.memory_space<semaphore_mem>>, %arg30: memref<!tpu.dma_semaphore, #tpu.memory_space<semaphore_mem>>, %arg31: memref<!tpu.dma_semaphore, #tpu.memory_space<semaphore_mem>>, %arg32: memref<!tpu.dma_semaphore, #tpu.memory_space<semaphore_mem>>, %arg33: memref<!tpu.dma_semaphore, #tpu.memory_space<semaphore_mem>>, %arg34: memref<!tpu.dma_semaphore, #tpu.memory_space<semaphore_mem>>, %arg35: memref<!tpu.dma_semaphore, #tpu.memory_space<semaphore_mem>>, %arg36: memref<!tpu.dma_semaphore, #tpu.memory_space<semaphore_mem>>, %arg37: memref<!tpu.dma_semaphore, #tpu.memory_space<semaphore_mem>>, %arg38: memref<!tpu.dma_semaphore, #tpu.memory_space<semaphore_mem>>, %arg39: memref<!tpu.dma_semaphore, #tpu.memory_space<semaphore_mem>>, %arg40: memref<!tpu.dma_semaphore, #tpu.memory_space<semaphore_mem>>, %arg41: memref<!tpu.dma_semaphore, #tpu.memory_space<semaphore_mem>>, %arg42: memref<!tpu.dma_semaphore, #tpu.memory_space<semaphore_mem>>, %arg43: memref<!tpu.dma_semaphore, #tpu.memory_space<semaphore_mem>>, %arg44: memref<!tpu.dma_semaphore, #tpu.memory_space<semaphore_mem>>, %arg45: memref<!tpu.dma_semaphore, #tpu.memory_space<semaphore_mem>>, %arg46: memref<!tpu.dma_semaphore, #tpu.memory_space<semaphore_mem>>, %arg47: memref<!tpu.dma_semaphore, #tpu.memory_space<semaphore_mem>>, %arg48: memref<!tpu.dma_semaphore, #tpu.memory_space<semaphore_mem>>, %arg49: memref<10000x64xf32, #tpu.memory_space<vmem_shared>>) attributes {dimension_semantics = [#tpu.dimension_semantics<core_parallel>, #tpu.dimension_semantics<subcore_parallel>], iteration_bounds = array<i64: 2, 16>, scalar_prefetch = 0 : i64, scratch_operands = 43 : i64, tpu.core_type = #tpu.core_type<sc_vector_subcore>, window_params = [{transform_indices = #map}, {transform_indices = #map}, {transform_indices = #map}, {transform_indices = #map}, {transform_indices = #map1}]} {
    %mul3A = arith.constant 16 : i32
    %mul3A_0 = arith.muli %arg0, %mul3A : i32
    %add3A = arith.addi %mul3A_0, %arg1 : i32
    %mul3A_1 = arith.constant 125 : i32
    %mul3A_2 = arith.muli %add3A, %mul3A_1 : i32
    %mul3A_3 = arith.constant 624 : i32
    %mul3A_4 = arith.muli %arg1, %mul3A_3 : i32
    "tpu.region"() ({
      %run_scoped3A = tpu.sem_alloc : memref<!tpu.dma_semaphore, #tpu.memory_space<semaphore_mem>>
      %dma_start3A_241 = arith.constant 0 : i32
      %dma_start3A_242 = tpu.memref_slice %arg49[%mul3A_4, %dma_start3A_241] : memref<10000x64xf32, #tpu.memory_space<vmem_shared>> -> memref<624x64xf32, #tpu.memory_space<vmem_shared>>
      %dma_start3A_243 = arith.constant 0 : i32
      %dma_start3A_244 = tpu.memref_slice %arg5[%mul3A_4, %dma_start3A_243] : memref<10000x64xf32, #tpu.memory_space<hbm>> -> memref<624x64xf32, #tpu.memory_space<hbm>>
      tpu.enqueue_dma source(%dma_start3A_244 : memref<624x64xf32, #tpu.memory_space<hbm>>) target(%dma_start3A_242 : memref<624x64xf32, #tpu.memory_space<vmem_shared>>) target_semaphore(%run_scoped3A : memref<!tpu.dma_semaphore, #tpu.memory_space<semaphore_mem>>)
      %dma_wait3A_245 = arith.constant 0 : i32
      %dma_wait3A_246 = tpu.memref_slice %arg49[%mul3A_4, %dma_wait3A_245] : memref<10000x64xf32, #tpu.memory_space<vmem_shared>> -> memref<624x64xf32, #tpu.memory_space<vmem_shared>>
      %dma_wait3A_247 = arith.constant 0 : i32
      %dma_wait3A_248 = tpu.memref_slice %arg5[%mul3A_4, %dma_wait3A_247] : memref<10000x64xf32, #tpu.memory_space<hbm>> -> memref<624x64xf32, #tpu.memory_space<hbm>>
      tpu.wait_dma2 semaphore(%run_scoped3A : memref<!tpu.dma_semaphore, #tpu.memory_space<semaphore_mem>>) src(%dma_wait3A_248 : memref<624x64xf32, #tpu.memory_space<hbm>>) dst(%dma_wait3A_246 : memref<624x64xf32, #tpu.memory_space<vmem_shared>>)
      tpu.yield
    }) : () -> ()
    %eq3A = arith.constant 15 : i32
    %eq3A_5 = arith.cmpi eq, %arg1, %eq3A : i32
    %convert_element_type3A = arith.extui %eq3A_5 : i1 to i32
    %cond3A = arith.constant 0 : i32
    %cond3A_6 = arith.cmpi ne, %convert_element_type3A, %cond3A : i32
    scf.if %cond3A_6 {
      "tpu.region"() ({
        %run_scoped3A = tpu.sem_alloc : memref<!tpu.dma_semaphore, #tpu.memory_space<semaphore_mem>>
        %dma_start3A_241 = arith.constant 9984 : i32
        %dma_start3A_242 = arith.constant 0 : i32
        %dma_start3A_243 = tpu.memref_slice %arg49[%dma_start3A_241, %dma_start3A_242] : memref<10000x64xf32, #tpu.memory_space<vmem_shared>> -> memref<16x64xf32, #tpu.memory_space<vmem_shared>>
        %dma_start3A_244 = arith.constant 9984 : i32
        %dma_start3A_245 = arith.constant 0 : i32
        %dma_start3A_246 = tpu.memref_slice %arg5[%dma_start3A_244, %dma_start3A_245] : memref<10000x64xf32, #tpu.memory_space<hbm>> -> memref<16x64xf32, #tpu.memory_space<hbm>>
        tpu.enqueue_dma source(%dma_start3A_246 : memref<16x64xf32, #tpu.memory_space<hbm>>) target(%dma_start3A_243 : memref<16x64xf32, #tpu.memory_space<vmem_shared>>) target_semaphore(%run_scoped3A : memref<!tpu.dma_semaphore, #tpu.memory_space<semaphore_mem>>)
        %dma_wait3A_247 = arith.constant 9984 : i32
        %dma_wait3A_248 = arith.constant 0 : i32
        %dma_wait3A_249 = tpu.memref_slice %arg49[%dma_wait3A_247, %dma_wait3A_248] : memref<10000x64xf32, #tpu.memory_space<vmem_shared>> -> memref<16x64xf32, #tpu.memory_space<vmem_shared>>
        %dma_wait3A_250 = arith.constant 9984 : i32
        %dma_wait3A_251 = arith.constant 0 : i32
        %dma_wait3A_252 = tpu.memref_slice %arg5[%dma_wait3A_250, %dma_wait3A_251] : memref<10000x64xf32, #tpu.memory_space<hbm>> -> memref<16x64xf32, #tpu.memory_space<hbm>>
        tpu.wait_dma2 semaphore(%run_scoped3A : memref<!tpu.dma_semaphore, #tpu.memory_space<semaphore_mem>>) src(%dma_wait3A_252 : memref<16x64xf32, #tpu.memory_space<hbm>>) dst(%dma_wait3A_249 : memref<16x64xf32, #tpu.memory_space<vmem_shared>>)
        tpu.yield
      }) : () -> ()
    } else {
    }
    %barrier3A = arith.constant 0 : index
    tpu.barrier barrier_id(%barrier3A)
    %add3A_7 = arith.constant 0 : i32
    %add3A_8 = arith.addi %mul3A_2, %add3A_7 : i32
    %dma_start3A = arith.constant 0 : i32
    %dma_start3A_9 = tpu.memref_slice %arg3[%add3A_8, %dma_start3A] : memref<4000x80xi32, #tpu.memory_space<hbm>> -> memref<1x80xi32, #tpu.memory_space<hbm>>
    %dma_start3A_10 = tpu.memref_squeeze %dma_start3A_9 : memref<1x80xi32, #tpu.memory_space<hbm>> -> memref<80xi32, #tpu.memory_space<hbm>>
    %dma_start3A_11 = arith.constant 0 : i32
    %dma_start3A_12 = tpu.memref_slice %arg3[%add3A_8, %dma_start3A_11] : memref<4000x80xi32, #tpu.memory_space<hbm>> -> memref<1x80xi32, #tpu.memory_space<hbm>>
    %dma_start3A_13 = tpu.memref_squeeze %dma_start3A_12 : memref<1x80xi32, #tpu.memory_space<hbm>> -> memref<80xi32, #tpu.memory_space<hbm>>
    tpu.enqueue_dma source(%dma_start3A_13 : memref<80xi32, #tpu.memory_space<hbm>>) target(%arg7 : memref<80xi32, #tpu.memory_space<vmem>>) target_semaphore(%arg25 : memref<!tpu.dma_semaphore, #tpu.memory_space<semaphore_mem>>)
    %add3A_14 = arith.constant 0 : i32
    %add3A_15 = arith.addi %mul3A_2, %add3A_14 : i32
    %dma_start3A_16 = arith.constant 0 : i32
    %dma_start3A_17 = tpu.memref_slice %arg4[%add3A_15, %dma_start3A_16] : memref<4000x80xi32, #tpu.memory_space<hbm>> -> memref<1x80xi32, #tpu.memory_space<hbm>>
    %dma_start3A_18 = tpu.memref_squeeze %dma_start3A_17 : memref<1x80xi32, #tpu.memory_space<hbm>> -> memref<80xi32, #tpu.memory_space<hbm>>
    %dma_start3A_19 = arith.constant 0 : i32
    %dma_start3A_20 = tpu.memref_slice %arg4[%add3A_15, %dma_start3A_19] : memref<4000x80xi32, #tpu.memory_space<hbm>> -> memref<1x80xi32, #tpu.memory_space<hbm>>
    %dma_start3A_21 = tpu.memref_squeeze %dma_start3A_20 : memref<1x80xi32, #tpu.memory_space<hbm>> -> memref<80xi32, #tpu.memory_space<hbm>>
    tpu.enqueue_dma source(%dma_start3A_21 : memref<80xi32, #tpu.memory_space<hbm>>) target(%arg13 : memref<80xi32, #tpu.memory_space<vmem>>) target_semaphore(%arg31 : memref<!tpu.dma_semaphore, #tpu.memory_space<semaphore_mem>>)
    %add3A_22 = arith.constant 1 : i32
    %add3A_23 = arith.addi %mul3A_2, %add3A_22 : i32
    %dma_start3A_24 = arith.constant 0 : i32
    %dma_start3A_25 = tpu.memref_slice %arg3[%add3A_23, %dma_start3A_24] : memref<4000x80xi32, #tpu.memory_space<hbm>> -> memref<1x80xi32, #tpu.memory_space<hbm>>
    %dma_start3A_26 = tpu.memref_squeeze %dma_start3A_25 : memref<1x80xi32, #tpu.memory_space<hbm>> -> memref<80xi32, #tpu.memory_space<hbm>>
    %dma_start3A_27 = arith.constant 0 : i32
    %dma_start3A_28 = tpu.memref_slice %arg3[%add3A_23, %dma_start3A_27] : memref<4000x80xi32, #tpu.memory_space<hbm>> -> memref<1x80xi32, #tpu.memory_space<hbm>>
    %dma_start3A_29 = tpu.memref_squeeze %dma_start3A_28 : memref<1x80xi32, #tpu.memory_space<hbm>> -> memref<80xi32, #tpu.memory_space<hbm>>
    tpu.enqueue_dma source(%dma_start3A_29 : memref<80xi32, #tpu.memory_space<hbm>>) target(%arg8 : memref<80xi32, #tpu.memory_space<vmem>>) target_semaphore(%arg26 : memref<!tpu.dma_semaphore, #tpu.memory_space<semaphore_mem>>)
    %add3A_30 = arith.constant 1 : i32
    %add3A_31 = arith.addi %mul3A_2, %add3A_30 : i32
    %dma_start3A_32 = arith.constant 0 : i32
    %dma_start3A_33 = tpu.memref_slice %arg4[%add3A_31, %dma_start3A_32] : memref<4000x80xi32, #tpu.memory_space<hbm>> -> memref<1x80xi32, #tpu.memory_space<hbm>>
    %dma_start3A_34 = tpu.memref_squeeze %dma_start3A_33 : memref<1x80xi32, #tpu.memory_space<hbm>> -> memref<80xi32, #tpu.memory_space<hbm>>
    %dma_start3A_35 = arith.constant 0 : i32
    %dma_start3A_36 = tpu.memref_slice %arg4[%add3A_31, %dma_start3A_35] : memref<4000x80xi32, #tpu.memory_space<hbm>> -> memref<1x80xi32, #tpu.memory_space<hbm>>
    %dma_start3A_37 = tpu.memref_squeeze %dma_start3A_36 : memref<1x80xi32, #tpu.memory_space<hbm>> -> memref<80xi32, #tpu.memory_space<hbm>>
    tpu.enqueue_dma source(%dma_start3A_37 : memref<80xi32, #tpu.memory_space<hbm>>) target(%arg14 : memref<80xi32, #tpu.memory_space<vmem>>) target_semaphore(%arg32 : memref<!tpu.dma_semaphore, #tpu.memory_space<semaphore_mem>>)
    %add3A_38 = arith.constant 2 : i32
    %add3A_39 = arith.addi %mul3A_2, %add3A_38 : i32
    %dma_start3A_40 = arith.constant 0 : i32
    %dma_start3A_41 = tpu.memref_slice %arg3[%add3A_39, %dma_start3A_40] : memref<4000x80xi32, #tpu.memory_space<hbm>> -> memref<1x80xi32, #tpu.memory_space<hbm>>
    %dma_start3A_42 = tpu.memref_squeeze %dma_start3A_41 : memref<1x80xi32, #tpu.memory_space<hbm>> -> memref<80xi32, #tpu.memory_space<hbm>>
    %dma_start3A_43 = arith.constant 0 : i32
    %dma_start3A_44 = tpu.memref_slice %arg3[%add3A_39, %dma_start3A_43] : memref<4000x80xi32, #tpu.memory_space<hbm>> -> memref<1x80xi32, #tpu.memory_space<hbm>>
    %dma_start3A_45 = tpu.memref_squeeze %dma_start3A_44 : memref<1x80xi32, #tpu.memory_space<hbm>> -> memref<80xi32, #tpu.memory_space<hbm>>
    tpu.enqueue_dma source(%dma_start3A_45 : memref<80xi32, #tpu.memory_space<hbm>>) target(%arg9 : memref<80xi32, #tpu.memory_space<vmem>>) target_semaphore(%arg27 : memref<!tpu.dma_semaphore, #tpu.memory_space<semaphore_mem>>)
    %add3A_46 = arith.constant 2 : i32
    %add3A_47 = arith.addi %mul3A_2, %add3A_46 : i32
    %dma_start3A_48 = arith.constant 0 : i32
    %dma_start3A_49 = tpu.memref_slice %arg4[%add3A_47, %dma_start3A_48] : memref<4000x80xi32, #tpu.memory_space<hbm>> -> memref<1x80xi32, #tpu.memory_space<hbm>>
    %dma_start3A_50 = tpu.memref_squeeze %dma_start3A_49 : memref<1x80xi32, #tpu.memory_space<hbm>> -> memref<80xi32, #tpu.memory_space<hbm>>
    %dma_start3A_51 = arith.constant 0 : i32
    %dma_start3A_52 = tpu.memref_slice %arg4[%add3A_47, %dma_start3A_51] : memref<4000x80xi32, #tpu.memory_space<hbm>> -> memref<1x80xi32, #tpu.memory_space<hbm>>
    %dma_start3A_53 = tpu.memref_squeeze %dma_start3A_52 : memref<1x80xi32, #tpu.memory_space<hbm>> -> memref<80xi32, #tpu.memory_space<hbm>>
    tpu.enqueue_dma source(%dma_start3A_53 : memref<80xi32, #tpu.memory_space<hbm>>) target(%arg15 : memref<80xi32, #tpu.memory_space<vmem>>) target_semaphore(%arg33 : memref<!tpu.dma_semaphore, #tpu.memory_space<semaphore_mem>>)
    %add3A_54 = arith.constant 3 : i32
    %add3A_55 = arith.addi %mul3A_2, %add3A_54 : i32
    %dma_start3A_56 = arith.constant 0 : i32
    %dma_start3A_57 = tpu.memref_slice %arg3[%add3A_55, %dma_start3A_56] : memref<4000x80xi32, #tpu.memory_space<hbm>> -> memref<1x80xi32, #tpu.memory_space<hbm>>
    %dma_start3A_58 = tpu.memref_squeeze %dma_start3A_57 : memref<1x80xi32, #tpu.memory_space<hbm>> -> memref<80xi32, #tpu.memory_space<hbm>>
    %dma_start3A_59 = arith.constant 0 : i32
    %dma_start3A_60 = tpu.memref_slice %arg3[%add3A_55, %dma_start3A_59] : memref<4000x80xi32, #tpu.memory_space<hbm>> -> memref<1x80xi32, #tpu.memory_space<hbm>>
    %dma_start3A_61 = tpu.memref_squeeze %dma_start3A_60 : memref<1x80xi32, #tpu.memory_space<hbm>> -> memref<80xi32, #tpu.memory_space<hbm>>
    tpu.enqueue_dma source(%dma_start3A_61 : memref<80xi32, #tpu.memory_space<hbm>>) target(%arg10 : memref<80xi32, #tpu.memory_space<vmem>>) target_semaphore(%arg28 : memref<!tpu.dma_semaphore, #tpu.memory_space<semaphore_mem>>)
    %add3A_62 = arith.constant 3 : i32
    %add3A_63 = arith.addi %mul3A_2, %add3A_62 : i32
    %dma_start3A_64 = arith.constant 0 : i32
    %dma_start3A_65 = tpu.memref_slice %arg4[%add3A_63, %dma_start3A_64] : memref<4000x80xi32, #tpu.memory_space<hbm>> -> memref<1x80xi32, #tpu.memory_space<hbm>>
    %dma_start3A_66 = tpu.memref_squeeze %dma_start3A_65 : memref<1x80xi32, #tpu.memory_space<hbm>> -> memref<80xi32, #tpu.memory_space<hbm>>
    %dma_start3A_67 = arith.constant 0 : i32
    %dma_start3A_68 = tpu.memref_slice %arg4[%add3A_63, %dma_start3A_67] : memref<4000x80xi32, #tpu.memory_space<hbm>> -> memref<1x80xi32, #tpu.memory_space<hbm>>
    %dma_start3A_69 = tpu.memref_squeeze %dma_start3A_68 : memref<1x80xi32, #tpu.memory_space<hbm>> -> memref<80xi32, #tpu.memory_space<hbm>>
    tpu.enqueue_dma source(%dma_start3A_69 : memref<80xi32, #tpu.memory_space<hbm>>) target(%arg16 : memref<80xi32, #tpu.memory_space<vmem>>) target_semaphore(%arg34 : memref<!tpu.dma_semaphore, #tpu.memory_space<semaphore_mem>>)
    %add3A_70 = arith.constant 4 : i32
    %add3A_71 = arith.addi %mul3A_2, %add3A_70 : i32
    %dma_start3A_72 = arith.constant 0 : i32
    %dma_start3A_73 = tpu.memref_slice %arg3[%add3A_71, %dma_start3A_72] : memref<4000x80xi32, #tpu.memory_space<hbm>> -> memref<1x80xi32, #tpu.memory_space<hbm>>
    %dma_start3A_74 = tpu.memref_squeeze %dma_start3A_73 : memref<1x80xi32, #tpu.memory_space<hbm>> -> memref<80xi32, #tpu.memory_space<hbm>>
    %dma_start3A_75 = arith.constant 0 : i32
    %dma_start3A_76 = tpu.memref_slice %arg3[%add3A_71, %dma_start3A_75] : memref<4000x80xi32, #tpu.memory_space<hbm>> -> memref<1x80xi32, #tpu.memory_space<hbm>>
    %dma_start3A_77 = tpu.memref_squeeze %dma_start3A_76 : memref<1x80xi32, #tpu.memory_space<hbm>> -> memref<80xi32, #tpu.memory_space<hbm>>
    tpu.enqueue_dma source(%dma_start3A_77 : memref<80xi32, #tpu.memory_space<hbm>>) target(%arg11 : memref<80xi32, #tpu.memory_space<vmem>>) target_semaphore(%arg29 : memref<!tpu.dma_semaphore, #tpu.memory_space<semaphore_mem>>)
    %add3A_78 = arith.constant 4 : i32
    %add3A_79 = arith.addi %mul3A_2, %add3A_78 : i32
    %dma_start3A_80 = arith.constant 0 : i32
    %dma_start3A_81 = tpu.memref_slice %arg4[%add3A_79, %dma_start3A_80] : memref<4000x80xi32, #tpu.memory_space<hbm>> -> memref<1x80xi32, #tpu.memory_space<hbm>>
    %dma_start3A_82 = tpu.memref_squeeze %dma_start3A_81 : memref<1x80xi32, #tpu.memory_space<hbm>> -> memref<80xi32, #tpu.memory_space<hbm>>
    %dma_start3A_83 = arith.constant 0 : i32
    %dma_start3A_84 = tpu.memref_slice %arg4[%add3A_79, %dma_start3A_83] : memref<4000x80xi32, #tpu.memory_space<hbm>> -> memref<1x80xi32, #tpu.memory_space<hbm>>
    %dma_start3A_85 = tpu.memref_squeeze %dma_start3A_84 : memref<1x80xi32, #tpu.memory_space<hbm>> -> memref<80xi32, #tpu.memory_space<hbm>>
    tpu.enqueue_dma source(%dma_start3A_85 : memref<80xi32, #tpu.memory_space<hbm>>) target(%arg17 : memref<80xi32, #tpu.memory_space<vmem>>) target_semaphore(%arg35 : memref<!tpu.dma_semaphore, #tpu.memory_space<semaphore_mem>>)
    %add3A_86 = arith.constant 5 : i32
    %add3A_87 = arith.addi %mul3A_2, %add3A_86 : i32
    %dma_start3A_88 = arith.constant 0 : i32
    %dma_start3A_89 = tpu.memref_slice %arg3[%add3A_87, %dma_start3A_88] : memref<4000x80xi32, #tpu.memory_space<hbm>> -> memref<1x80xi32, #tpu.memory_space<hbm>>
    %dma_start3A_90 = tpu.memref_squeeze %dma_start3A_89 : memref<1x80xi32, #tpu.memory_space<hbm>> -> memref<80xi32, #tpu.memory_space<hbm>>
    %dma_start3A_91 = arith.constant 0 : i32
    %dma_start3A_92 = tpu.memref_slice %arg3[%add3A_87, %dma_start3A_91] : memref<4000x80xi32, #tpu.memory_space<hbm>> -> memref<1x80xi32, #tpu.memory_space<hbm>>
    %dma_start3A_93 = tpu.memref_squeeze %dma_start3A_92 : memref<1x80xi32, #tpu.memory_space<hbm>> -> memref<80xi32, #tpu.memory_space<hbm>>
    tpu.enqueue_dma source(%dma_start3A_93 : memref<80xi32, #tpu.memory_space<hbm>>) target(%arg12 : memref<80xi32, #tpu.memory_space<vmem>>) target_semaphore(%arg30 : memref<!tpu.dma_semaphore, #tpu.memory_space<semaphore_mem>>)
    %add3A_94 = arith.constant 5 : i32
    %add3A_95 = arith.addi %mul3A_2, %add3A_94 : i32
    %dma_start3A_96 = arith.constant 0 : i32
    %dma_start3A_97 = tpu.memref_slice %arg4[%add3A_95, %dma_start3A_96] : memref<4000x80xi32, #tpu.memory_space<hbm>> -> memref<1x80xi32, #tpu.memory_space<hbm>>
    %dma_start3A_98 = tpu.memref_squeeze %dma_start3A_97 : memref<1x80xi32, #tpu.memory_space<hbm>> -> memref<80xi32, #tpu.memory_space<hbm>>
    %dma_start3A_99 = arith.constant 0 : i32
    %dma_start3A_100 = tpu.memref_slice %arg4[%add3A_95, %dma_start3A_99] : memref<4000x80xi32, #tpu.memory_space<hbm>> -> memref<1x80xi32, #tpu.memory_space<hbm>>
    %dma_start3A_101 = tpu.memref_squeeze %dma_start3A_100 : memref<1x80xi32, #tpu.memory_space<hbm>> -> memref<80xi32, #tpu.memory_space<hbm>>
    tpu.enqueue_dma source(%dma_start3A_101 : memref<80xi32, #tpu.memory_space<hbm>>) target(%arg18 : memref<80xi32, #tpu.memory_space<vmem>>) target_semaphore(%arg36 : memref<!tpu.dma_semaphore, #tpu.memory_space<semaphore_mem>>)
    %dma_wait3A = arith.constant 0 : i32
    %dma_wait3A_102 = tpu.memref_slice %arg3[%mul3A_2, %dma_wait3A] : memref<4000x80xi32, #tpu.memory_space<hbm>> -> memref<1x80xi32, #tpu.memory_space<hbm>>
    %dma_wait3A_103 = tpu.memref_squeeze %dma_wait3A_102 : memref<1x80xi32, #tpu.memory_space<hbm>> -> memref<80xi32, #tpu.memory_space<hbm>>
    %dma_wait3A_104 = arith.constant 0 : i32
    %dma_wait3A_105 = tpu.memref_slice %arg3[%mul3A_2, %dma_wait3A_104] : memref<4000x80xi32, #tpu.memory_space<hbm>> -> memref<1x80xi32, #tpu.memory_space<hbm>>
    %dma_wait3A_106 = tpu.memref_squeeze %dma_wait3A_105 : memref<1x80xi32, #tpu.memory_space<hbm>> -> memref<80xi32, #tpu.memory_space<hbm>>
    tpu.wait_dma2 semaphore(%arg25 : memref<!tpu.dma_semaphore, #tpu.memory_space<semaphore_mem>>) src(%dma_wait3A_106 : memref<80xi32, #tpu.memory_space<hbm>>) dst(%arg7 : memref<80xi32, #tpu.memory_space<vmem>>)
    %dma_start3A_107 = arith.constant 0 : i32
    %dma_start3A_108 = arith.constant 0 : i32
    %dma_start3A_109 = tpu.memref_slice %arg2[%dma_start3A_107, %dma_start3A_108] : memref<10000x64xf32, #tpu.memory_space<hbm>> -> memref<10000x64xf32, #tpu.memory_space<hbm>>
    tpu.enqueue_indirect_dma source(%dma_start3A_109 : memref<10000x64xf32, #tpu.memory_space<hbm>>) target(%arg19 : memref<80x64xf32, #tpu.memory_space<vmem>>) offsets(%arg7 : memref<80xi32, #tpu.memory_space<vmem>>) semaphore(%arg37 : memref<!tpu.dma_semaphore, #tpu.memory_space<semaphore_mem>>)
    %dma_wait3A_110 = arith.constant 0 : i32
    %dma_wait3A_111 = tpu.memref_slice %arg3[%mul3A_2, %dma_wait3A_110] : memref<4000x80xi32, #tpu.memory_space<hbm>> -> memref<1x80xi32, #tpu.memory_space<hbm>>
    %dma_wait3A_112 = tpu.memref_squeeze %dma_wait3A_111 : memref<1x80xi32, #tpu.memory_space<hbm>> -> memref<80xi32, #tpu.memory_space<hbm>>
    %dma_wait3A_113 = arith.constant 0 : i32
    %dma_wait3A_114 = tpu.memref_slice %arg3[%mul3A_2, %dma_wait3A_113] : memref<4000x80xi32, #tpu.memory_space<hbm>> -> memref<1x80xi32, #tpu.memory_space<hbm>>
    %dma_wait3A_115 = tpu.memref_squeeze %dma_wait3A_114 : memref<1x80xi32, #tpu.memory_space<hbm>> -> memref<80xi32, #tpu.memory_space<hbm>>
    tpu.wait_dma2 semaphore(%arg26 : memref<!tpu.dma_semaphore, #tpu.memory_space<semaphore_mem>>) src(%dma_wait3A_115 : memref<80xi32, #tpu.memory_space<hbm>>) dst(%arg8 : memref<80xi32, #tpu.memory_space<vmem>>)
    %dma_start3A_116 = arith.constant 0 : i32
    %dma_start3A_117 = arith.constant 0 : i32
    %dma_start3A_118 = tpu.memref_slice %arg2[%dma_start3A_116, %dma_start3A_117] : memref<10000x64xf32, #tpu.memory_space<hbm>> -> memref<10000x64xf32, #tpu.memory_space<hbm>>
    tpu.enqueue_indirect_dma source(%dma_start3A_118 : memref<10000x64xf32, #tpu.memory_space<hbm>>) target(%arg20 : memref<80x64xf32, #tpu.memory_space<vmem>>) offsets(%arg8 : memref<80xi32, #tpu.memory_space<vmem>>) semaphore(%arg38 : memref<!tpu.dma_semaphore, #tpu.memory_space<semaphore_mem>>)
    %dma_wait3A_119 = arith.constant 0 : i32
    %dma_wait3A_120 = tpu.memref_slice %arg3[%mul3A_2, %dma_wait3A_119] : memref<4000x80xi32, #tpu.memory_space<hbm>> -> memref<1x80xi32, #tpu.memory_space<hbm>>
    %dma_wait3A_121 = tpu.memref_squeeze %dma_wait3A_120 : memref<1x80xi32, #tpu.memory_space<hbm>> -> memref<80xi32, #tpu.memory_space<hbm>>
    %dma_wait3A_122 = arith.constant 0 : i32
    %dma_wait3A_123 = tpu.memref_slice %arg3[%mul3A_2, %dma_wait3A_122] : memref<4000x80xi32, #tpu.memory_space<hbm>> -> memref<1x80xi32, #tpu.memory_space<hbm>>
    %dma_wait3A_124 = tpu.memref_squeeze %dma_wait3A_123 : memref<1x80xi32, #tpu.memory_space<hbm>> -> memref<80xi32, #tpu.memory_space<hbm>>
    tpu.wait_dma2 semaphore(%arg27 : memref<!tpu.dma_semaphore, #tpu.memory_space<semaphore_mem>>) src(%dma_wait3A_124 : memref<80xi32, #tpu.memory_space<hbm>>) dst(%arg9 : memref<80xi32, #tpu.memory_space<vmem>>)
    %dma_start3A_125 = arith.constant 0 : i32
    %dma_start3A_126 = arith.constant 0 : i32
    %dma_start3A_127 = tpu.memref_slice %arg2[%dma_start3A_125, %dma_start3A_126] : memref<10000x64xf32, #tpu.memory_space<hbm>> -> memref<10000x64xf32, #tpu.memory_space<hbm>>
    tpu.enqueue_indirect_dma source(%dma_start3A_127 : memref<10000x64xf32, #tpu.memory_space<hbm>>) target(%arg21 : memref<80x64xf32, #tpu.memory_space<vmem>>) offsets(%arg9 : memref<80xi32, #tpu.memory_space<vmem>>) semaphore(%arg39 : memref<!tpu.dma_semaphore, #tpu.memory_space<semaphore_mem>>)
    %dma_wait3A_128 = arith.constant 0 : i32
    %dma_wait3A_129 = tpu.memref_slice %arg3[%mul3A_2, %dma_wait3A_128] : memref<4000x80xi32, #tpu.memory_space<hbm>> -> memref<1x80xi32, #tpu.memory_space<hbm>>
    %dma_wait3A_130 = tpu.memref_squeeze %dma_wait3A_129 : memref<1x80xi32, #tpu.memory_space<hbm>> -> memref<80xi32, #tpu.memory_space<hbm>>
    %dma_wait3A_131 = arith.constant 0 : i32
    %dma_wait3A_132 = tpu.memref_slice %arg3[%mul3A_2, %dma_wait3A_131] : memref<4000x80xi32, #tpu.memory_space<hbm>> -> memref<1x80xi32, #tpu.memory_space<hbm>>
    %dma_wait3A_133 = tpu.memref_squeeze %dma_wait3A_132 : memref<1x80xi32, #tpu.memory_space<hbm>> -> memref<80xi32, #tpu.memory_space<hbm>>
    tpu.wait_dma2 semaphore(%arg28 : memref<!tpu.dma_semaphore, #tpu.memory_space<semaphore_mem>>) src(%dma_wait3A_133 : memref<80xi32, #tpu.memory_space<hbm>>) dst(%arg10 : memref<80xi32, #tpu.memory_space<vmem>>)
    %dma_start3A_134 = arith.constant 0 : i32
    %dma_start3A_135 = arith.constant 0 : i32
    %dma_start3A_136 = tpu.memref_slice %arg2[%dma_start3A_134, %dma_start3A_135] : memref<10000x64xf32, #tpu.memory_space<hbm>> -> memref<10000x64xf32, #tpu.memory_space<hbm>>
    tpu.enqueue_indirect_dma source(%dma_start3A_136 : memref<10000x64xf32, #tpu.memory_space<hbm>>) target(%arg22 : memref<80x64xf32, #tpu.memory_space<vmem>>) offsets(%arg10 : memref<80xi32, #tpu.memory_space<vmem>>) semaphore(%arg40 : memref<!tpu.dma_semaphore, #tpu.memory_space<semaphore_mem>>)
    %dma_wait3A_137 = arith.constant 0 : i32
    %dma_wait3A_138 = tpu.memref_slice %arg3[%mul3A_2, %dma_wait3A_137] : memref<4000x80xi32, #tpu.memory_space<hbm>> -> memref<1x80xi32, #tpu.memory_space<hbm>>
    %dma_wait3A_139 = tpu.memref_squeeze %dma_wait3A_138 : memref<1x80xi32, #tpu.memory_space<hbm>> -> memref<80xi32, #tpu.memory_space<hbm>>
    %dma_wait3A_140 = arith.constant 0 : i32
    %dma_wait3A_141 = tpu.memref_slice %arg3[%mul3A_2, %dma_wait3A_140] : memref<4000x80xi32, #tpu.memory_space<hbm>> -> memref<1x80xi32, #tpu.memory_space<hbm>>
    %dma_wait3A_142 = tpu.memref_squeeze %dma_wait3A_141 : memref<1x80xi32, #tpu.memory_space<hbm>> -> memref<80xi32, #tpu.memory_space<hbm>>
    tpu.wait_dma2 semaphore(%arg29 : memref<!tpu.dma_semaphore, #tpu.memory_space<semaphore_mem>>) src(%dma_wait3A_142 : memref<80xi32, #tpu.memory_space<hbm>>) dst(%arg11 : memref<80xi32, #tpu.memory_space<vmem>>)
    %dma_start3A_143 = arith.constant 0 : i32
    %dma_start3A_144 = arith.constant 0 : i32
    %dma_start3A_145 = tpu.memref_slice %arg2[%dma_start3A_143, %dma_start3A_144] : memref<10000x64xf32, #tpu.memory_space<hbm>> -> memref<10000x64xf32, #tpu.memory_space<hbm>>
    tpu.enqueue_indirect_dma source(%dma_start3A_145 : memref<10000x64xf32, #tpu.memory_space<hbm>>) target(%arg23 : memref<80x64xf32, #tpu.memory_space<vmem>>) offsets(%arg11 : memref<80xi32, #tpu.memory_space<vmem>>) semaphore(%arg41 : memref<!tpu.dma_semaphore, #tpu.memory_space<semaphore_mem>>)
    %dma_wait3A_146 = arith.constant 0 : i32
    %dma_wait3A_147 = tpu.memref_slice %arg3[%mul3A_2, %dma_wait3A_146] : memref<4000x80xi32, #tpu.memory_space<hbm>> -> memref<1x80xi32, #tpu.memory_space<hbm>>
    %dma_wait3A_148 = tpu.memref_squeeze %dma_wait3A_147 : memref<1x80xi32, #tpu.memory_space<hbm>> -> memref<80xi32, #tpu.memory_space<hbm>>
    %dma_wait3A_149 = arith.constant 0 : i32
    %dma_wait3A_150 = tpu.memref_slice %arg3[%mul3A_2, %dma_wait3A_149] : memref<4000x80xi32, #tpu.memory_space<hbm>> -> memref<1x80xi32, #tpu.memory_space<hbm>>
    %dma_wait3A_151 = tpu.memref_squeeze %dma_wait3A_150 : memref<1x80xi32, #tpu.memory_space<hbm>> -> memref<80xi32, #tpu.memory_space<hbm>>
    tpu.wait_dma2 semaphore(%arg30 : memref<!tpu.dma_semaphore, #tpu.memory_space<semaphore_mem>>) src(%dma_wait3A_151 : memref<80xi32, #tpu.memory_space<hbm>>) dst(%arg12 : memref<80xi32, #tpu.memory_space<vmem>>)
    %dma_start3A_152 = arith.constant 0 : i32
    %dma_start3A_153 = arith.constant 0 : i32
    %dma_start3A_154 = tpu.memref_slice %arg2[%dma_start3A_152, %dma_start3A_153] : memref<10000x64xf32, #tpu.memory_space<hbm>> -> memref<10000x64xf32, #tpu.memory_space<hbm>>
    tpu.enqueue_indirect_dma source(%dma_start3A_154 : memref<10000x64xf32, #tpu.memory_space<hbm>>) target(%arg24 : memref<80x64xf32, #tpu.memory_space<vmem>>) offsets(%arg12 : memref<80xi32, #tpu.memory_space<vmem>>) semaphore(%arg42 : memref<!tpu.dma_semaphore, #tpu.memory_space<semaphore_mem>>)
    %scan3A = arith.constant 0 : i32
    %scan3A_155 = arith.constant 0 : i32
    %scan3A_156 = arith.constant 20 : i32
    %scan3A_157 = arith.addi %scan3A_155, %scan3A_156 : i32
    %scan3A_158 = arith.constant 1 : i32
    scf.for %scan3A_241 = %scan3A_155 to %scan3A_157 step %scan3A_158  : i32 {
      %mul3A_242 = arith.constant 6 : i32
      %mul3A_243 = arith.muli %scan3A_241, %mul3A_242 : i32
      %dma_wait3A_244 = arith.constant 0 : i32
      %dma_wait3A_245 = tpu.memref_slice %arg4[%mul3A_2, %dma_wait3A_244] : memref<4000x80xi32, #tpu.memory_space<hbm>> -> memref<1x80xi32, #tpu.memory_space<hbm>>
      %dma_wait3A_246 = tpu.memref_squeeze %dma_wait3A_245 : memref<1x80xi32, #tpu.memory_space<hbm>> -> memref<80xi32, #tpu.memory_space<hbm>>
      %dma_wait3A_247 = arith.constant 0 : i32
      %dma_wait3A_248 = tpu.memref_slice %arg4[%mul3A_2, %dma_wait3A_247] : memref<4000x80xi32, #tpu.memory_space<hbm>> -> memref<1x80xi32, #tpu.memory_space<hbm>>
      %dma_wait3A_249 = tpu.memref_squeeze %dma_wait3A_248 : memref<1x80xi32, #tpu.memory_space<hbm>> -> memref<80xi32, #tpu.memory_space<hbm>>
      tpu.wait_dma2 semaphore(%arg31 : memref<!tpu.dma_semaphore, #tpu.memory_space<semaphore_mem>>) src(%dma_wait3A_249 : memref<80xi32, #tpu.memory_space<hbm>>) dst(%arg13 : memref<80xi32, #tpu.memory_space<vmem>>)
      %dma_wait3A_250 = arith.constant 0 : i32
      %dma_wait3A_251 = arith.constant 0 : i32
      %dma_wait3A_252 = tpu.memref_slice %arg2[%dma_wait3A_250, %dma_wait3A_251] : memref<10000x64xf32, #tpu.memory_space<hbm>> -> memref<10000x64xf32, #tpu.memory_space<hbm>>
      tpu.wait_indirect_dma semaphore(%arg37 : memref<!tpu.dma_semaphore, #tpu.memory_space<semaphore_mem>>) src(%dma_wait3A_252 : memref<10000x64xf32, #tpu.memory_space<hbm>>) dst(%arg19 : memref<80x64xf32, #tpu.memory_space<vmem>>)
      %dma_start3A_253 = arith.constant 0 : i32
      %dma_start3A_254 = arith.constant 0 : i32
      %dma_start3A_255 = tpu.memref_slice %arg49[%dma_start3A_253, %dma_start3A_254] : memref<10000x64xf32, #tpu.memory_space<vmem_shared>> -> memref<10000x64xf32, #tpu.memory_space<vmem_shared>>
      tpu.enqueue_indirect_dma source(%arg19 : memref<80x64xf32, #tpu.memory_space<vmem>>) target(%dma_start3A_255 : memref<10000x64xf32, #tpu.memory_space<vmem_shared>>) offsets(%arg13 : memref<80xi32, #tpu.memory_space<vmem>>) semaphore(%arg43 : memref<!tpu.dma_semaphore, #tpu.memory_space<semaphore_mem>>) {add = true}
      %add3A_256 = arith.constant 6 : i32
      %add3A_257 = arith.addi %mul3A_243, %add3A_256 : i32
      %add3A_258 = arith.constant 0 : i32
      %add3A_259 = arith.addi %add3A_257, %add3A_258 : i32
      %lt3A = arith.constant 125 : i32
      %lt3A_260 = arith.cmpi slt, %add3A_259, %lt3A : i32
      %convert_element_type3A_261 = arith.extui %lt3A_260 : i1 to i32
      %cond3A_262 = arith.constant 0 : i32
      %cond3A_263 = arith.cmpi ne, %convert_element_type3A_261, %cond3A_262 : i32
      scf.if %cond3A_263 {
        %add3A_441 = arith.addi %mul3A_2, %add3A_259 : i32
        %dma_start3A_442 = arith.constant 0 : i32
        %dma_start3A_443 = tpu.memref_slice %arg3[%add3A_441, %dma_start3A_442] : memref<4000x80xi32, #tpu.memory_space<hbm>> -> memref<1x80xi32, #tpu.memory_space<hbm>>
        %dma_start3A_444 = tpu.memref_squeeze %dma_start3A_443 : memref<1x80xi32, #tpu.memory_space<hbm>> -> memref<80xi32, #tpu.memory_space<hbm>>
        %dma_start3A_445 = arith.constant 0 : i32
        %dma_start3A_446 = tpu.memref_slice %arg3[%add3A_441, %dma_start3A_445] : memref<4000x80xi32, #tpu.memory_space<hbm>> -> memref<1x80xi32, #tpu.memory_space<hbm>>
        %dma_start3A_447 = tpu.memref_squeeze %dma_start3A_446 : memref<1x80xi32, #tpu.memory_space<hbm>> -> memref<80xi32, #tpu.memory_space<hbm>>
        tpu.enqueue_dma source(%dma_start3A_447 : memref<80xi32, #tpu.memory_space<hbm>>) target(%arg7 : memref<80xi32, #tpu.memory_space<vmem>>) target_semaphore(%arg25 : memref<!tpu.dma_semaphore, #tpu.memory_space<semaphore_mem>>)
      } else {
      }
      %dma_wait3A_264 = arith.constant 0 : i32
      %dma_wait3A_265 = tpu.memref_slice %arg4[%mul3A_2, %dma_wait3A_264] : memref<4000x80xi32, #tpu.memory_space<hbm>> -> memref<1x80xi32, #tpu.memory_space<hbm>>
      %dma_wait3A_266 = tpu.memref_squeeze %dma_wait3A_265 : memref<1x80xi32, #tpu.memory_space<hbm>> -> memref<80xi32, #tpu.memory_space<hbm>>
      %dma_wait3A_267 = arith.constant 0 : i32
      %dma_wait3A_268 = tpu.memref_slice %arg4[%mul3A_2, %dma_wait3A_267] : memref<4000x80xi32, #tpu.memory_space<hbm>> -> memref<1x80xi32, #tpu.memory_space<hbm>>
      %dma_wait3A_269 = tpu.memref_squeeze %dma_wait3A_268 : memref<1x80xi32, #tpu.memory_space<hbm>> -> memref<80xi32, #tpu.memory_space<hbm>>
      tpu.wait_dma2 semaphore(%arg32 : memref<!tpu.dma_semaphore, #tpu.memory_space<semaphore_mem>>) src(%dma_wait3A_269 : memref<80xi32, #tpu.memory_space<hbm>>) dst(%arg14 : memref<80xi32, #tpu.memory_space<vmem>>)
      %dma_wait3A_270 = arith.constant 0 : i32
      %dma_wait3A_271 = arith.constant 0 : i32
      %dma_wait3A_272 = tpu.memref_slice %arg2[%dma_wait3A_270, %dma_wait3A_271] : memref<10000x64xf32, #tpu.memory_space<hbm>> -> memref<10000x64xf32, #tpu.memory_space<hbm>>
      tpu.wait_indirect_dma semaphore(%arg38 : memref<!tpu.dma_semaphore, #tpu.memory_space<semaphore_mem>>) src(%dma_wait3A_272 : memref<10000x64xf32, #tpu.memory_space<hbm>>) dst(%arg20 : memref<80x64xf32, #tpu.memory_space<vmem>>)
      %dma_start3A_273 = arith.constant 0 : i32
      %dma_start3A_274 = arith.constant 0 : i32
      %dma_start3A_275 = tpu.memref_slice %arg49[%dma_start3A_273, %dma_start3A_274] : memref<10000x64xf32, #tpu.memory_space<vmem_shared>> -> memref<10000x64xf32, #tpu.memory_space<vmem_shared>>
      tpu.enqueue_indirect_dma source(%arg20 : memref<80x64xf32, #tpu.memory_space<vmem>>) target(%dma_start3A_275 : memref<10000x64xf32, #tpu.memory_space<vmem_shared>>) offsets(%arg14 : memref<80xi32, #tpu.memory_space<vmem>>) semaphore(%arg44 : memref<!tpu.dma_semaphore, #tpu.memory_space<semaphore_mem>>) {add = true}
      %add3A_276 = arith.constant 6 : i32
      %add3A_277 = arith.addi %mul3A_243, %add3A_276 : i32
      %add3A_278 = arith.constant 1 : i32
      %add3A_279 = arith.addi %add3A_277, %add3A_278 : i32
      %lt3A_280 = arith.constant 125 : i32
      %lt3A_281 = arith.cmpi slt, %add3A_279, %lt3A_280 : i32
      %convert_element_type3A_282 = arith.extui %lt3A_281 : i1 to i32
      %cond3A_283 = arith.constant 0 : i32
      %cond3A_284 = arith.cmpi ne, %convert_element_type3A_282, %cond3A_283 : i32
      scf.if %cond3A_284 {
        %add3A_441 = arith.addi %mul3A_2, %add3A_279 : i32
        %dma_start3A_442 = arith.constant 0 : i32
        %dma_start3A_443 = tpu.memref_slice %arg3[%add3A_441, %dma_start3A_442] : memref<4000x80xi32, #tpu.memory_space<hbm>> -> memref<1x80xi32, #tpu.memory_space<hbm>>
        %dma_start3A_444 = tpu.memref_squeeze %dma_start3A_443 : memref<1x80xi32, #tpu.memory_space<hbm>> -> memref<80xi32, #tpu.memory_space<hbm>>
        %dma_start3A_445 = arith.constant 0 : i32
        %dma_start3A_446 = tpu.memref_slice %arg3[%add3A_441, %dma_start3A_445] : memref<4000x80xi32, #tpu.memory_space<hbm>> -> memref<1x80xi32, #tpu.memory_space<hbm>>
        %dma_start3A_447 = tpu.memref_squeeze %dma_start3A_446 : memref<1x80xi32, #tpu.memory_space<hbm>> -> memref<80xi32, #tpu.memory_space<hbm>>
        tpu.enqueue_dma source(%dma_start3A_447 : memref<80xi32, #tpu.memory_space<hbm>>) target(%arg8 : memref<80xi32, #tpu.memory_space<vmem>>) target_semaphore(%arg26 : memref<!tpu.dma_semaphore, #tpu.memory_space<semaphore_mem>>)
      } else {
      }
      %dma_wait3A_285 = arith.constant 0 : i32
      %dma_wait3A_286 = tpu.memref_slice %arg4[%mul3A_2, %dma_wait3A_285] : memref<4000x80xi32, #tpu.memory_space<hbm>> -> memref<1x80xi32, #tpu.memory_space<hbm>>
      %dma_wait3A_287 = tpu.memref_squeeze %dma_wait3A_286 : memref<1x80xi32, #tpu.memory_space<hbm>> -> memref<80xi32, #tpu.memory_space<hbm>>
      %dma_wait3A_288 = arith.constant 0 : i32
      %dma_wait3A_289 = tpu.memref_slice %arg4[%mul3A_2, %dma_wait3A_288] : memref<4000x80xi32, #tpu.memory_space<hbm>> -> memref<1x80xi32, #tpu.memory_space<hbm>>
      %dma_wait3A_290 = tpu.memref_squeeze %dma_wait3A_289 : memref<1x80xi32, #tpu.memory_space<hbm>> -> memref<80xi32, #tpu.memory_space<hbm>>
      tpu.wait_dma2 semaphore(%arg33 : memref<!tpu.dma_semaphore, #tpu.memory_space<semaphore_mem>>) src(%dma_wait3A_290 : memref<80xi32, #tpu.memory_space<hbm>>) dst(%arg15 : memref<80xi32, #tpu.memory_space<vmem>>)
      %dma_wait3A_291 = arith.constant 0 : i32
      %dma_wait3A_292 = arith.constant 0 : i32
      %dma_wait3A_293 = tpu.memref_slice %arg2[%dma_wait3A_291, %dma_wait3A_292] : memref<10000x64xf32, #tpu.memory_space<hbm>> -> memref<10000x64xf32, #tpu.memory_space<hbm>>
      tpu.wait_indirect_dma semaphore(%arg39 : memref<!tpu.dma_semaphore, #tpu.memory_space<semaphore_mem>>) src(%dma_wait3A_293 : memref<10000x64xf32, #tpu.memory_space<hbm>>) dst(%arg21 : memref<80x64xf32, #tpu.memory_space<vmem>>)
      %dma_start3A_294 = arith.constant 0 : i32
      %dma_start3A_295 = arith.constant 0 : i32
      %dma_start3A_296 = tpu.memref_slice %arg49[%dma_start3A_294, %dma_start3A_295] : memref<10000x64xf32, #tpu.memory_space<vmem_shared>> -> memref<10000x64xf32, #tpu.memory_space<vmem_shared>>
      tpu.enqueue_indirect_dma source(%arg21 : memref<80x64xf32, #tpu.memory_space<vmem>>) target(%dma_start3A_296 : memref<10000x64xf32, #tpu.memory_space<vmem_shared>>) offsets(%arg15 : memref<80xi32, #tpu.memory_space<vmem>>) semaphore(%arg45 : memref<!tpu.dma_semaphore, #tpu.memory_space<semaphore_mem>>) {add = true}
      %add3A_297 = arith.constant 6 : i32
      %add3A_298 = arith.addi %mul3A_243, %add3A_297 : i32
      %add3A_299 = arith.constant 2 : i32
      %add3A_300 = arith.addi %add3A_298, %add3A_299 : i32
      %lt3A_301 = arith.constant 125 : i32
      %lt3A_302 = arith.cmpi slt, %add3A_300, %lt3A_301 : i32
      %convert_element_type3A_303 = arith.extui %lt3A_302 : i1 to i32
      %cond3A_304 = arith.constant 0 : i32
      %cond3A_305 = arith.cmpi ne, %convert_element_type3A_303, %cond3A_304 : i32
      scf.if %cond3A_305 {
        %add3A_441 = arith.addi %mul3A_2, %add3A_300 : i32
        %dma_start3A_442 = arith.constant 0 : i32
        %dma_start3A_443 = tpu.memref_slice %arg3[%add3A_441, %dma_start3A_442] : memref<4000x80xi32, #tpu.memory_space<hbm>> -> memref<1x80xi32, #tpu.memory_space<hbm>>
        %dma_start3A_444 = tpu.memref_squeeze %dma_start3A_443 : memref<1x80xi32, #tpu.memory_space<hbm>> -> memref<80xi32, #tpu.memory_space<hbm>>
        %dma_start3A_445 = arith.constant 0 : i32
        %dma_start3A_446 = tpu.memref_slice %arg3[%add3A_441, %dma_start3A_445] : memref<4000x80xi32, #tpu.memory_space<hbm>> -> memref<1x80xi32, #tpu.memory_space<hbm>>
        %dma_start3A_447 = tpu.memref_squeeze %dma_start3A_446 : memref<1x80xi32, #tpu.memory_space<hbm>> -> memref<80xi32, #tpu.memory_space<hbm>>
        tpu.enqueue_dma source(%dma_start3A_447 : memref<80xi32, #tpu.memory_space<hbm>>) target(%arg9 : memref<80xi32, #tpu.memory_space<vmem>>) target_semaphore(%arg27 : memref<!tpu.dma_semaphore, #tpu.memory_space<semaphore_mem>>)
      } else {
      }
      %dma_wait3A_306 = arith.constant 0 : i32
      %dma_wait3A_307 = tpu.memref_slice %arg4[%mul3A_2, %dma_wait3A_306] : memref<4000x80xi32, #tpu.memory_space<hbm>> -> memref<1x80xi32, #tpu.memory_space<hbm>>
      %dma_wait3A_308 = tpu.memref_squeeze %dma_wait3A_307 : memref<1x80xi32, #tpu.memory_space<hbm>> -> memref<80xi32, #tpu.memory_space<hbm>>
      %dma_wait3A_309 = arith.constant 0 : i32
      %dma_wait3A_310 = tpu.memref_slice %arg4[%mul3A_2, %dma_wait3A_309] : memref<4000x80xi32, #tpu.memory_space<hbm>> -> memref<1x80xi32, #tpu.memory_space<hbm>>
      %dma_wait3A_311 = tpu.memref_squeeze %dma_wait3A_310 : memref<1x80xi32, #tpu.memory_space<hbm>> -> memref<80xi32, #tpu.memory_space<hbm>>
      tpu.wait_dma2 semaphore(%arg34 : memref<!tpu.dma_semaphore, #tpu.memory_space<semaphore_mem>>) src(%dma_wait3A_311 : memref<80xi32, #tpu.memory_space<hbm>>) dst(%arg16 : memref<80xi32, #tpu.memory_space<vmem>>)
      %dma_wait3A_312 = arith.constant 0 : i32
      %dma_wait3A_313 = arith.constant 0 : i32
      %dma_wait3A_314 = tpu.memref_slice %arg2[%dma_wait3A_312, %dma_wait3A_313] : memref<10000x64xf32, #tpu.memory_space<hbm>> -> memref<10000x64xf32, #tpu.memory_space<hbm>>
      tpu.wait_indirect_dma semaphore(%arg40 : memref<!tpu.dma_semaphore, #tpu.memory_space<semaphore_mem>>) src(%dma_wait3A_314 : memref<10000x64xf32, #tpu.memory_space<hbm>>) dst(%arg22 : memref<80x64xf32, #tpu.memory_space<vmem>>)
      %dma_start3A_315 = arith.constant 0 : i32
      %dma_start3A_316 = arith.constant 0 : i32
      %dma_start3A_317 = tpu.memref_slice %arg49[%dma_start3A_315, %dma_start3A_316] : memref<10000x64xf32, #tpu.memory_space<vmem_shared>> -> memref<10000x64xf32, #tpu.memory_space<vmem_shared>>
      tpu.enqueue_indirect_dma source(%arg22 : memref<80x64xf32, #tpu.memory_space<vmem>>) target(%dma_start3A_317 : memref<10000x64xf32, #tpu.memory_space<vmem_shared>>) offsets(%arg16 : memref<80xi32, #tpu.memory_space<vmem>>) semaphore(%arg46 : memref<!tpu.dma_semaphore, #tpu.memory_space<semaphore_mem>>) {add = true}
      %add3A_318 = arith.constant 6 : i32
      %add3A_319 = arith.addi %mul3A_243, %add3A_318 : i32
      %add3A_320 = arith.constant 3 : i32
      %add3A_321 = arith.addi %add3A_319, %add3A_320 : i32
      %lt3A_322 = arith.constant 125 : i32
      %lt3A_323 = arith.cmpi slt, %add3A_321, %lt3A_322 : i32
      %convert_element_type3A_324 = arith.extui %lt3A_323 : i1 to i32
      %cond3A_325 = arith.constant 0 : i32
      %cond3A_326 = arith.cmpi ne, %convert_element_type3A_324, %cond3A_325 : i32
      scf.if %cond3A_326 {
        %add3A_441 = arith.addi %mul3A_2, %add3A_321 : i32
        %dma_start3A_442 = arith.constant 0 : i32
        %dma_start3A_443 = tpu.memref_slice %arg3[%add3A_441, %dma_start3A_442] : memref<4000x80xi32, #tpu.memory_space<hbm>> -> memref<1x80xi32, #tpu.memory_space<hbm>>
        %dma_start3A_444 = tpu.memref_squeeze %dma_start3A_443 : memref<1x80xi32, #tpu.memory_space<hbm>> -> memref<80xi32, #tpu.memory_space<hbm>>
        %dma_start3A_445 = arith.constant 0 : i32
        %dma_start3A_446 = tpu.memref_slice %arg3[%add3A_441, %dma_start3A_445] : memref<4000x80xi32, #tpu.memory_space<hbm>> -> memref<1x80xi32, #tpu.memory_space<hbm>>
        %dma_start3A_447 = tpu.memref_squeeze %dma_start3A_446 : memref<1x80xi32, #tpu.memory_space<hbm>> -> memref<80xi32, #tpu.memory_space<hbm>>
        tpu.enqueue_dma source(%dma_start3A_447 : memref<80xi32, #tpu.memory_space<hbm>>) target(%arg10 : memref<80xi32, #tpu.memory_space<vmem>>) target_semaphore(%arg28 : memref<!tpu.dma_semaphore, #tpu.memory_space<semaphore_mem>>)
      } else {
      }
      %dma_wait3A_327 = arith.constant 0 : i32
      %dma_wait3A_328 = tpu.memref_slice %arg4[%mul3A_2, %dma_wait3A_327] : memref<4000x80xi32, #tpu.memory_space<hbm>> -> memref<1x80xi32, #tpu.memory_space<hbm>>
      %dma_wait3A_329 = tpu.memref_squeeze %dma_wait3A_328 : memref<1x80xi32, #tpu.memory_space<hbm>> -> memref<80xi32, #tpu.memory_space<hbm>>
      %dma_wait3A_330 = arith.constant 0 : i32
      %dma_wait3A_331 = tpu.memref_slice %arg4[%mul3A_2, %dma_wait3A_330] : memref<4000x80xi32, #tpu.memory_space<hbm>> -> memref<1x80xi32, #tpu.memory_space<hbm>>
      %dma_wait3A_332 = tpu.memref_squeeze %dma_wait3A_331 : memref<1x80xi32, #tpu.memory_space<hbm>> -> memref<80xi32, #tpu.memory_space<hbm>>
      tpu.wait_dma2 semaphore(%arg35 : memref<!tpu.dma_semaphore, #tpu.memory_space<semaphore_mem>>) src(%dma_wait3A_332 : memref<80xi32, #tpu.memory_space<hbm>>) dst(%arg17 : memref<80xi32, #tpu.memory_space<vmem>>)
      %dma_wait3A_333 = arith.constant 0 : i32
      %dma_wait3A_334 = arith.constant 0 : i32
      %dma_wait3A_335 = tpu.memref_slice %arg2[%dma_wait3A_333, %dma_wait3A_334] : memref<10000x64xf32, #tpu.memory_space<hbm>> -> memref<10000x64xf32, #tpu.memory_space<hbm>>
      tpu.wait_indirect_dma semaphore(%arg41 : memref<!tpu.dma_semaphore, #tpu.memory_space<semaphore_mem>>) src(%dma_wait3A_335 : memref<10000x64xf32, #tpu.memory_space<hbm>>) dst(%arg23 : memref<80x64xf32, #tpu.memory_space<vmem>>)
      %dma_start3A_336 = arith.constant 0 : i32
      %dma_start3A_337 = arith.constant 0 : i32
      %dma_start3A_338 = tpu.memref_slice %arg49[%dma_start3A_336, %dma_start3A_337] : memref<10000x64xf32, #tpu.memory_space<vmem_shared>> -> memref<10000x64xf32, #tpu.memory_space<vmem_shared>>
      tpu.enqueue_indirect_dma source(%arg23 : memref<80x64xf32, #tpu.memory_space<vmem>>) target(%dma_start3A_338 : memref<10000x64xf32, #tpu.memory_space<vmem_shared>>) offsets(%arg17 : memref<80xi32, #tpu.memory_space<vmem>>) semaphore(%arg47 : memref<!tpu.dma_semaphore, #tpu.memory_space<semaphore_mem>>) {add = true}
      %add3A_339 = arith.constant 6 : i32
      %add3A_340 = arith.addi %mul3A_243, %add3A_339 : i32
      %add3A_341 = arith.constant 4 : i32
      %add3A_342 = arith.addi %add3A_340, %add3A_341 : i32
      %lt3A_343 = arith.constant 125 : i32
      %lt3A_344 = arith.cmpi slt, %add3A_342, %lt3A_343 : i32
      %convert_element_type3A_345 = arith.extui %lt3A_344 : i1 to i32
      %cond3A_346 = arith.constant 0 : i32
      %cond3A_347 = arith.cmpi ne, %convert_element_type3A_345, %cond3A_346 : i32
      scf.if %cond3A_347 {
        %add3A_441 = arith.addi %mul3A_2, %add3A_342 : i32
        %dma_start3A_442 = arith.constant 0 : i32
        %dma_start3A_443 = tpu.memref_slice %arg3[%add3A_441, %dma_start3A_442] : memref<4000x80xi32, #tpu.memory_space<hbm>> -> memref<1x80xi32, #tpu.memory_space<hbm>>
        %dma_start3A_444 = tpu.memref_squeeze %dma_start3A_443 : memref<1x80xi32, #tpu.memory_space<hbm>> -> memref<80xi32, #tpu.memory_space<hbm>>
        %dma_start3A_445 = arith.constant 0 : i32
        %dma_start3A_446 = tpu.memref_slice %arg3[%add3A_441, %dma_start3A_445] : memref<4000x80xi32, #tpu.memory_space<hbm>> -> memref<1x80xi32, #tpu.memory_space<hbm>>
        %dma_start3A_447 = tpu.memref_squeeze %dma_start3A_446 : memref<1x80xi32, #tpu.memory_space<hbm>> -> memref<80xi32, #tpu.memory_space<hbm>>
        tpu.enqueue_dma source(%dma_start3A_447 : memref<80xi32, #tpu.memory_space<hbm>>) target(%arg11 : memref<80xi32, #tpu.memory_space<vmem>>) target_semaphore(%arg29 : memref<!tpu.dma_semaphore, #tpu.memory_space<semaphore_mem>>)
      } else {
      }
      %dma_wait3A_348 = arith.constant 0 : i32
      %dma_wait3A_349 = tpu.memref_slice %arg4[%mul3A_2, %dma_wait3A_348] : memref<4000x80xi32, #tpu.memory_space<hbm>> -> memref<1x80xi32, #tpu.memory_space<hbm>>
      %dma_wait3A_350 = tpu.memref_squeeze %dma_wait3A_349 : memref<1x80xi32, #tpu.memory_space<hbm>> -> memref<80xi32, #tpu.memory_space<hbm>>
      %dma_wait3A_351 = arith.constant 0 : i32
      %dma_wait3A_352 = tpu.memref_slice %arg4[%mul3A_2, %dma_wait3A_351] : memref<4000x80xi32, #tpu.memory_space<hbm>> -> memref<1x80xi32, #tpu.memory_space<hbm>>
      %dma_wait3A_353 = tpu.memref_squeeze %dma_wait3A_352 : memref<1x80xi32, #tpu.memory_space<hbm>> -> memref<80xi32, #tpu.memory_space<hbm>>
      tpu.wait_dma2 semaphore(%arg36 : memref<!tpu.dma_semaphore, #tpu.memory_space<semaphore_mem>>) src(%dma_wait3A_353 : memref<80xi32, #tpu.memory_space<hbm>>) dst(%arg18 : memref<80xi32, #tpu.memory_space<vmem>>)
      %dma_wait3A_354 = arith.constant 0 : i32
      %dma_wait3A_355 = arith.constant 0 : i32
      %dma_wait3A_356 = tpu.memref_slice %arg2[%dma_wait3A_354, %dma_wait3A_355] : memref<10000x64xf32, #tpu.memory_space<hbm>> -> memref<10000x64xf32, #tpu.memory_space<hbm>>
      tpu.wait_indirect_dma semaphore(%arg42 : memref<!tpu.dma_semaphore, #tpu.memory_space<semaphore_mem>>) src(%dma_wait3A_356 : memref<10000x64xf32, #tpu.memory_space<hbm>>) dst(%arg24 : memref<80x64xf32, #tpu.memory_space<vmem>>)
      %dma_start3A_357 = arith.constant 0 : i32
      %dma_start3A_358 = arith.constant 0 : i32
      %dma_start3A_359 = tpu.memref_slice %arg49[%dma_start3A_357, %dma_start3A_358] : memref<10000x64xf32, #tpu.memory_space<vmem_shared>> -> memref<10000x64xf32, #tpu.memory_space<vmem_shared>>
      tpu.enqueue_indirect_dma source(%arg24 : memref<80x64xf32, #tpu.memory_space<vmem>>) target(%dma_start3A_359 : memref<10000x64xf32, #tpu.memory_space<vmem_shared>>) offsets(%arg18 : memref<80xi32, #tpu.memory_space<vmem>>) semaphore(%arg48 : memref<!tpu.dma_semaphore, #tpu.memory_space<semaphore_mem>>) {add = true}
      %add3A_360 = arith.constant 6 : i32
      %add3A_361 = arith.addi %mul3A_243, %add3A_360 : i32
      %add3A_362 = arith.constant 5 : i32
      %add3A_363 = arith.addi %add3A_361, %add3A_362 : i32
      %lt3A_364 = arith.constant 125 : i32
      %lt3A_365 = arith.cmpi slt, %add3A_363, %lt3A_364 : i32
      %convert_element_type3A_366 = arith.extui %lt3A_365 : i1 to i32
      %cond3A_367 = arith.constant 0 : i32
      %cond3A_368 = arith.cmpi ne, %convert_element_type3A_366, %cond3A_367 : i32
      scf.if %cond3A_368 {
        %add3A_441 = arith.addi %mul3A_2, %add3A_363 : i32
        %dma_start3A_442 = arith.constant 0 : i32
        %dma_start3A_443 = tpu.memref_slice %arg3[%add3A_441, %dma_start3A_442] : memref<4000x80xi32, #tpu.memory_space<hbm>> -> memref<1x80xi32, #tpu.memory_space<hbm>>
        %dma_start3A_444 = tpu.memref_squeeze %dma_start3A_443 : memref<1x80xi32, #tpu.memory_space<hbm>> -> memref<80xi32, #tpu.memory_space<hbm>>
        %dma_start3A_445 = arith.constant 0 : i32
        %dma_start3A_446 = tpu.memref_slice %arg3[%add3A_441, %dma_start3A_445] : memref<4000x80xi32, #tpu.memory_space<hbm>> -> memref<1x80xi32, #tpu.memory_space<hbm>>
        %dma_start3A_447 = tpu.memref_squeeze %dma_start3A_446 : memref<1x80xi32, #tpu.memory_space<hbm>> -> memref<80xi32, #tpu.memory_space<hbm>>
        tpu.enqueue_dma source(%dma_start3A_447 : memref<80xi32, #tpu.memory_space<hbm>>) target(%arg12 : memref<80xi32, #tpu.memory_space<vmem>>) target_semaphore(%arg30 : memref<!tpu.dma_semaphore, #tpu.memory_space<semaphore_mem>>)
      } else {
      }
      %add3A_369 = arith.constant 6 : i32
      %add3A_370 = arith.addi %mul3A_243, %add3A_369 : i32
      %add3A_371 = arith.constant 0 : i32
      %add3A_372 = arith.addi %add3A_370, %add3A_371 : i32
      %dma_wait3A_373 = arith.constant 0 : i32
      %dma_wait3A_374 = arith.constant 0 : i32
      %dma_wait3A_375 = tpu.memref_slice %arg49[%dma_wait3A_373, %dma_wait3A_374] : memref<10000x64xf32, #tpu.memory_space<vmem_shared>> -> memref<10000x64xf32, #tpu.memory_space<vmem_shared>>
      tpu.wait_indirect_dma semaphore(%arg43 : memref<!tpu.dma_semaphore, #tpu.memory_space<semaphore_mem>>) src(%arg19 : memref<80x64xf32, #tpu.memory_space<vmem>>) dst(%dma_wait3A_375 : memref<10000x64xf32, #tpu.memory_space<vmem_shared>>)
      %lt3A_376 = arith.constant 125 : i32
      %lt3A_377 = arith.cmpi slt, %add3A_372, %lt3A_376 : i32
      %convert_element_type3A_378 = arith.extui %lt3A_377 : i1 to i32
      %cond3A_379 = arith.constant 0 : i32
      %cond3A_380 = arith.cmpi ne, %convert_element_type3A_378, %cond3A_379 : i32
      scf.if %cond3A_380 {
        %add3A_441 = arith.addi %mul3A_2, %add3A_372 : i32
        %dma_start3A_442 = arith.constant 0 : i32
        %dma_start3A_443 = tpu.memref_slice %arg4[%add3A_441, %dma_start3A_442] : memref<4000x80xi32, #tpu.memory_space<hbm>> -> memref<1x80xi32, #tpu.memory_space<hbm>>
        %dma_start3A_444 = tpu.memref_squeeze %dma_start3A_443 : memref<1x80xi32, #tpu.memory_space<hbm>> -> memref<80xi32, #tpu.memory_space<hbm>>
        %dma_start3A_445 = arith.constant 0 : i32
        %dma_start3A_446 = tpu.memref_slice %arg4[%add3A_441, %dma_start3A_445] : memref<4000x80xi32, #tpu.memory_space<hbm>> -> memref<1x80xi32, #tpu.memory_space<hbm>>
        %dma_start3A_447 = tpu.memref_squeeze %dma_start3A_446 : memref<1x80xi32, #tpu.memory_space<hbm>> -> memref<80xi32, #tpu.memory_space<hbm>>
        tpu.enqueue_dma source(%dma_start3A_447 : memref<80xi32, #tpu.memory_space<hbm>>) target(%arg13 : memref<80xi32, #tpu.memory_space<vmem>>) target_semaphore(%arg31 : memref<!tpu.dma_semaphore, #tpu.memory_space<semaphore_mem>>)
        %dma_wait3A_448 = arith.constant 0 : i32
        %dma_wait3A_449 = tpu.memref_slice %arg3[%mul3A_2, %dma_wait3A_448] : memref<4000x80xi32, #tpu.memory_space<hbm>> -> memref<1x80xi32, #tpu.memory_space<hbm>>
        %dma_wait3A_450 = tpu.memref_squeeze %dma_wait3A_449 : memref<1x80xi32, #tpu.memory_space<hbm>> -> memref<80xi32, #tpu.memory_space<hbm>>
        %dma_wait3A_451 = arith.constant 0 : i32
        %dma_wait3A_452 = tpu.memref_slice %arg3[%mul3A_2, %dma_wait3A_451] : memref<4000x80xi32, #tpu.memory_space<hbm>> -> memref<1x80xi32, #tpu.memory_space<hbm>>
        %dma_wait3A_453 = tpu.memref_squeeze %dma_wait3A_452 : memref<1x80xi32, #tpu.memory_space<hbm>> -> memref<80xi32, #tpu.memory_space<hbm>>
        tpu.wait_dma2 semaphore(%arg25 : memref<!tpu.dma_semaphore, #tpu.memory_space<semaphore_mem>>) src(%dma_wait3A_453 : memref<80xi32, #tpu.memory_space<hbm>>) dst(%arg7 : memref<80xi32, #tpu.memory_space<vmem>>)
        %dma_start3A_454 = arith.constant 0 : i32
        %dma_start3A_455 = arith.constant 0 : i32
        %dma_start3A_456 = tpu.memref_slice %arg2[%dma_start3A_454, %dma_start3A_455] : memref<10000x64xf32, #tpu.memory_space<hbm>> -> memref<10000x64xf32, #tpu.memory_space<hbm>>
        tpu.enqueue_indirect_dma source(%dma_start3A_456 : memref<10000x64xf32, #tpu.memory_space<hbm>>) target(%arg19 : memref<80x64xf32, #tpu.memory_space<vmem>>) offsets(%arg7 : memref<80xi32, #tpu.memory_space<vmem>>) semaphore(%arg37 : memref<!tpu.dma_semaphore, #tpu.memory_space<semaphore_mem>>)
      } else {
      }
      %add3A_381 = arith.constant 6 : i32
      %add3A_382 = arith.addi %mul3A_243, %add3A_381 : i32
      %add3A_383 = arith.constant 1 : i32
      %add3A_384 = arith.addi %add3A_382, %add3A_383 : i32
      %dma_wait3A_385 = arith.constant 0 : i32
      %dma_wait3A_386 = arith.constant 0 : i32
      %dma_wait3A_387 = tpu.memref_slice %arg49[%dma_wait3A_385, %dma_wait3A_386] : memref<10000x64xf32, #tpu.memory_space<vmem_shared>> -> memref<10000x64xf32, #tpu.memory_space<vmem_shared>>
      tpu.wait_indirect_dma semaphore(%arg44 : memref<!tpu.dma_semaphore, #tpu.memory_space<semaphore_mem>>) src(%arg20 : memref<80x64xf32, #tpu.memory_space<vmem>>) dst(%dma_wait3A_387 : memref<10000x64xf32, #tpu.memory_space<vmem_shared>>)
      %lt3A_388 = arith.constant 125 : i32
      %lt3A_389 = arith.cmpi slt, %add3A_384, %lt3A_388 : i32
      %convert_element_type3A_390 = arith.extui %lt3A_389 : i1 to i32
      %cond3A_391 = arith.constant 0 : i32
      %cond3A_392 = arith.cmpi ne, %convert_element_type3A_390, %cond3A_391 : i32
      scf.if %cond3A_392 {
        %add3A_441 = arith.addi %mul3A_2, %add3A_384 : i32
        %dma_start3A_442 = arith.constant 0 : i32
        %dma_start3A_443 = tpu.memref_slice %arg4[%add3A_441, %dma_start3A_442] : memref<4000x80xi32, #tpu.memory_space<hbm>> -> memref<1x80xi32, #tpu.memory_space<hbm>>
        %dma_start3A_444 = tpu.memref_squeeze %dma_start3A_443 : memref<1x80xi32, #tpu.memory_space<hbm>> -> memref<80xi32, #tpu.memory_space<hbm>>
        %dma_start3A_445 = arith.constant 0 : i32
        %dma_start3A_446 = tpu.memref_slice %arg4[%add3A_441, %dma_start3A_445] : memref<4000x80xi32, #tpu.memory_space<hbm>> -> memref<1x80xi32, #tpu.memory_space<hbm>>
        %dma_start3A_447 = tpu.memref_squeeze %dma_start3A_446 : memref<1x80xi32, #tpu.memory_space<hbm>> -> memref<80xi32, #tpu.memory_space<hbm>>
        tpu.enqueue_dma source(%dma_start3A_447 : memref<80xi32, #tpu.memory_space<hbm>>) target(%arg14 : memref<80xi32, #tpu.memory_space<vmem>>) target_semaphore(%arg32 : memref<!tpu.dma_semaphore, #tpu.memory_space<semaphore_mem>>)
        %dma_wait3A_448 = arith.constant 0 : i32
        %dma_wait3A_449 = tpu.memref_slice %arg3[%mul3A_2, %dma_wait3A_448] : memref<4000x80xi32, #tpu.memory_space<hbm>> -> memref<1x80xi32, #tpu.memory_space<hbm>>
        %dma_wait3A_450 = tpu.memref_squeeze %dma_wait3A_449 : memref<1x80xi32, #tpu.memory_space<hbm>> -> memref<80xi32, #tpu.memory_space<hbm>>
        %dma_wait3A_451 = arith.constant 0 : i32
        %dma_wait3A_452 = tpu.memref_slice %arg3[%mul3A_2, %dma_wait3A_451] : memref<4000x80xi32, #tpu.memory_space<hbm>> -> memref<1x80xi32, #tpu.memory_space<hbm>>
        %dma_wait3A_453 = tpu.memref_squeeze %dma_wait3A_452 : memref<1x80xi32, #tpu.memory_space<hbm>> -> memref<80xi32, #tpu.memory_space<hbm>>
        tpu.wait_dma2 semaphore(%arg26 : memref<!tpu.dma_semaphore, #tpu.memory_space<semaphore_mem>>) src(%dma_wait3A_453 : memref<80xi32, #tpu.memory_space<hbm>>) dst(%arg8 : memref<80xi32, #tpu.memory_space<vmem>>)
        %dma_start3A_454 = arith.constant 0 : i32
        %dma_start3A_455 = arith.constant 0 : i32
        %dma_start3A_456 = tpu.memref_slice %arg2[%dma_start3A_454, %dma_start3A_455] : memref<10000x64xf32, #tpu.memory_space<hbm>> -> memref<10000x64xf32, #tpu.memory_space<hbm>>
        tpu.enqueue_indirect_dma source(%dma_start3A_456 : memref<10000x64xf32, #tpu.memory_space<hbm>>) target(%arg20 : memref<80x64xf32, #tpu.memory_space<vmem>>) offsets(%arg8 : memref<80xi32, #tpu.memory_space<vmem>>) semaphore(%arg38 : memref<!tpu.dma_semaphore, #tpu.memory_space<semaphore_mem>>)
      } else {
      }
      %add3A_393 = arith.constant 6 : i32
      %add3A_394 = arith.addi %mul3A_243, %add3A_393 : i32
      %add3A_395 = arith.constant 2 : i32
      %add3A_396 = arith.addi %add3A_394, %add3A_395 : i32
      %dma_wait3A_397 = arith.constant 0 : i32
      %dma_wait3A_398 = arith.constant 0 : i32
      %dma_wait3A_399 = tpu.memref_slice %arg49[%dma_wait3A_397, %dma_wait3A_398] : memref<10000x64xf32, #tpu.memory_space<vmem_shared>> -> memref<10000x64xf32, #tpu.memory_space<vmem_shared>>
      tpu.wait_indirect_dma semaphore(%arg45 : memref<!tpu.dma_semaphore, #tpu.memory_space<semaphore_mem>>) src(%arg21 : memref<80x64xf32, #tpu.memory_space<vmem>>) dst(%dma_wait3A_399 : memref<10000x64xf32, #tpu.memory_space<vmem_shared>>)
      %lt3A_400 = arith.constant 125 : i32
      %lt3A_401 = arith.cmpi slt, %add3A_396, %lt3A_400 : i32
      %convert_element_type3A_402 = arith.extui %lt3A_401 : i1 to i32
      %cond3A_403 = arith.constant 0 : i32
      %cond3A_404 = arith.cmpi ne, %convert_element_type3A_402, %cond3A_403 : i32
      scf.if %cond3A_404 {
        %add3A_441 = arith.addi %mul3A_2, %add3A_396 : i32
        %dma_start3A_442 = arith.constant 0 : i32
        %dma_start3A_443 = tpu.memref_slice %arg4[%add3A_441, %dma_start3A_442] : memref<4000x80xi32, #tpu.memory_space<hbm>> -> memref<1x80xi32, #tpu.memory_space<hbm>>
        %dma_start3A_444 = tpu.memref_squeeze %dma_start3A_443 : memref<1x80xi32, #tpu.memory_space<hbm>> -> memref<80xi32, #tpu.memory_space<hbm>>
        %dma_start3A_445 = arith.constant 0 : i32
        %dma_start3A_446 = tpu.memref_slice %arg4[%add3A_441, %dma_start3A_445] : memref<4000x80xi32, #tpu.memory_space<hbm>> -> memref<1x80xi32, #tpu.memory_space<hbm>>
        %dma_start3A_447 = tpu.memref_squeeze %dma_start3A_446 : memref<1x80xi32, #tpu.memory_space<hbm>> -> memref<80xi32, #tpu.memory_space<hbm>>
        tpu.enqueue_dma source(%dma_start3A_447 : memref<80xi32, #tpu.memory_space<hbm>>) target(%arg15 : memref<80xi32, #tpu.memory_space<vmem>>) target_semaphore(%arg33 : memref<!tpu.dma_semaphore, #tpu.memory_space<semaphore_mem>>)
        %dma_wait3A_448 = arith.constant 0 : i32
        %dma_wait3A_449 = tpu.memref_slice %arg3[%mul3A_2, %dma_wait3A_448] : memref<4000x80xi32, #tpu.memory_space<hbm>> -> memref<1x80xi32, #tpu.memory_space<hbm>>
        %dma_wait3A_450 = tpu.memref_squeeze %dma_wait3A_449 : memref<1x80xi32, #tpu.memory_space<hbm>> -> memref<80xi32, #tpu.memory_space<hbm>>
        %dma_wait3A_451 = arith.constant 0 : i32
        %dma_wait3A_452 = tpu.memref_slice %arg3[%mul3A_2, %dma_wait3A_451] : memref<4000x80xi32, #tpu.memory_space<hbm>> -> memref<1x80xi32, #tpu.memory_space<hbm>>
        %dma_wait3A_453 = tpu.memref_squeeze %dma_wait3A_452 : memref<1x80xi32, #tpu.memory_space<hbm>> -> memref<80xi32, #tpu.memory_space<hbm>>
        tpu.wait_dma2 semaphore(%arg27 : memref<!tpu.dma_semaphore, #tpu.memory_space<semaphore_mem>>) src(%dma_wait3A_453 : memref<80xi32, #tpu.memory_space<hbm>>) dst(%arg9 : memref<80xi32, #tpu.memory_space<vmem>>)
        %dma_start3A_454 = arith.constant 0 : i32
        %dma_start3A_455 = arith.constant 0 : i32
        %dma_start3A_456 = tpu.memref_slice %arg2[%dma_start3A_454, %dma_start3A_455] : memref<10000x64xf32, #tpu.memory_space<hbm>> -> memref<10000x64xf32, #tpu.memory_space<hbm>>
        tpu.enqueue_indirect_dma source(%dma_start3A_456 : memref<10000x64xf32, #tpu.memory_space<hbm>>) target(%arg21 : memref<80x64xf32, #tpu.memory_space<vmem>>) offsets(%arg9 : memref<80xi32, #tpu.memory_space<vmem>>) semaphore(%arg39 : memref<!tpu.dma_semaphore, #tpu.memory_space<semaphore_mem>>)
      } else {
      }
      %add3A_405 = arith.constant 6 : i32
      %add3A_406 = arith.addi %mul3A_243, %add3A_405 : i32
      %add3A_407 = arith.constant 3 : i32
      %add3A_408 = arith.addi %add3A_406, %add3A_407 : i32
      %dma_wait3A_409 = arith.constant 0 : i32
      %dma_wait3A_410 = arith.constant 0 : i32
      %dma_wait3A_411 = tpu.memref_slice %arg49[%dma_wait3A_409, %dma_wait3A_410] : memref<10000x64xf32, #tpu.memory_space<vmem_shared>> -> memref<10000x64xf32, #tpu.memory_space<vmem_shared>>
      tpu.wait_indirect_dma semaphore(%arg46 : memref<!tpu.dma_semaphore, #tpu.memory_space<semaphore_mem>>) src(%arg22 : memref<80x64xf32, #tpu.memory_space<vmem>>) dst(%dma_wait3A_411 : memref<10000x64xf32, #tpu.memory_space<vmem_shared>>)
      %lt3A_412 = arith.constant 125 : i32
      %lt3A_413 = arith.cmpi slt, %add3A_408, %lt3A_412 : i32
      %convert_element_type3A_414 = arith.extui %lt3A_413 : i1 to i32
      %cond3A_415 = arith.constant 0 : i32
      %cond3A_416 = arith.cmpi ne, %convert_element_type3A_414, %cond3A_415 : i32
      scf.if %cond3A_416 {
        %add3A_441 = arith.addi %mul3A_2, %add3A_408 : i32
        %dma_start3A_442 = arith.constant 0 : i32
        %dma_start3A_443 = tpu.memref_slice %arg4[%add3A_441, %dma_start3A_442] : memref<4000x80xi32, #tpu.memory_space<hbm>> -> memref<1x80xi32, #tpu.memory_space<hbm>>
        %dma_start3A_444 = tpu.memref_squeeze %dma_start3A_443 : memref<1x80xi32, #tpu.memory_space<hbm>> -> memref<80xi32, #tpu.memory_space<hbm>>
        %dma_start3A_445 = arith.constant 0 : i32
        %dma_start3A_446 = tpu.memref_slice %arg4[%add3A_441, %dma_start3A_445] : memref<4000x80xi32, #tpu.memory_space<hbm>> -> memref<1x80xi32, #tpu.memory_space<hbm>>
        %dma_start3A_447 = tpu.memref_squeeze %dma_start3A_446 : memref<1x80xi32, #tpu.memory_space<hbm>> -> memref<80xi32, #tpu.memory_space<hbm>>
        tpu.enqueue_dma source(%dma_start3A_447 : memref<80xi32, #tpu.memory_space<hbm>>) target(%arg16 : memref<80xi32, #tpu.memory_space<vmem>>) target_semaphore(%arg34 : memref<!tpu.dma_semaphore, #tpu.memory_space<semaphore_mem>>)
        %dma_wait3A_448 = arith.constant 0 : i32
        %dma_wait3A_449 = tpu.memref_slice %arg3[%mul3A_2, %dma_wait3A_448] : memref<4000x80xi32, #tpu.memory_space<hbm>> -> memref<1x80xi32, #tpu.memory_space<hbm>>
        %dma_wait3A_450 = tpu.memref_squeeze %dma_wait3A_449 : memref<1x80xi32, #tpu.memory_space<hbm>> -> memref<80xi32, #tpu.memory_space<hbm>>
        %dma_wait3A_451 = arith.constant 0 : i32
        %dma_wait3A_452 = tpu.memref_slice %arg3[%mul3A_2, %dma_wait3A_451] : memref<4000x80xi32, #tpu.memory_space<hbm>> -> memref<1x80xi32, #tpu.memory_space<hbm>>
        %dma_wait3A_453 = tpu.memref_squeeze %dma_wait3A_452 : memref<1x80xi32, #tpu.memory_space<hbm>> -> memref<80xi32, #tpu.memory_space<hbm>>
        tpu.wait_dma2 semaphore(%arg28 : memref<!tpu.dma_semaphore, #tpu.memory_space<semaphore_mem>>) src(%dma_wait3A_453 : memref<80xi32, #tpu.memory_space<hbm>>) dst(%arg10 : memref<80xi32, #tpu.memory_space<vmem>>)
        %dma_start3A_454 = arith.constant 0 : i32
        %dma_start3A_455 = arith.constant 0 : i32
        %dma_start3A_456 = tpu.memref_slice %arg2[%dma_start3A_454, %dma_start3A_455] : memref<10000x64xf32, #tpu.memory_space<hbm>> -> memref<10000x64xf32, #tpu.memory_space<hbm>>
        tpu.enqueue_indirect_dma source(%dma_start3A_456 : memref<10000x64xf32, #tpu.memory_space<hbm>>) target(%arg22 : memref<80x64xf32, #tpu.memory_space<vmem>>) offsets(%arg10 : memref<80xi32, #tpu.memory_space<vmem>>) semaphore(%arg40 : memref<!tpu.dma_semaphore, #tpu.memory_space<semaphore_mem>>)
      } else {
      }
      %add3A_417 = arith.constant 6 : i32
      %add3A_418 = arith.addi %mul3A_243, %add3A_417 : i32
      %add3A_419 = arith.constant 4 : i32
      %add3A_420 = arith.addi %add3A_418, %add3A_419 : i32
      %dma_wait3A_421 = arith.constant 0 : i32
      %dma_wait3A_422 = arith.constant 0 : i32
      %dma_wait3A_423 = tpu.memref_slice %arg49[%dma_wait3A_421, %dma_wait3A_422] : memref<10000x64xf32, #tpu.memory_space<vmem_shared>> -> memref<10000x64xf32, #tpu.memory_space<vmem_shared>>
      tpu.wait_indirect_dma semaphore(%arg47 : memref<!tpu.dma_semaphore, #tpu.memory_space<semaphore_mem>>) src(%arg23 : memref<80x64xf32, #tpu.memory_space<vmem>>) dst(%dma_wait3A_423 : memref<10000x64xf32, #tpu.memory_space<vmem_shared>>)
      %lt3A_424 = arith.constant 125 : i32
      %lt3A_425 = arith.cmpi slt, %add3A_420, %lt3A_424 : i32
      %convert_element_type3A_426 = arith.extui %lt3A_425 : i1 to i32
      %cond3A_427 = arith.constant 0 : i32
      %cond3A_428 = arith.cmpi ne, %convert_element_type3A_426, %cond3A_427 : i32
      scf.if %cond3A_428 {
        %add3A_441 = arith.addi %mul3A_2, %add3A_420 : i32
        %dma_start3A_442 = arith.constant 0 : i32
        %dma_start3A_443 = tpu.memref_slice %arg4[%add3A_441, %dma_start3A_442] : memref<4000x80xi32, #tpu.memory_space<hbm>> -> memref<1x80xi32, #tpu.memory_space<hbm>>
        %dma_start3A_444 = tpu.memref_squeeze %dma_start3A_443 : memref<1x80xi32, #tpu.memory_space<hbm>> -> memref<80xi32, #tpu.memory_space<hbm>>
        %dma_start3A_445 = arith.constant 0 : i32
        %dma_start3A_446 = tpu.memref_slice %arg4[%add3A_441, %dma_start3A_445] : memref<4000x80xi32, #tpu.memory_space<hbm>> -> memref<1x80xi32, #tpu.memory_space<hbm>>
        %dma_start3A_447 = tpu.memref_squeeze %dma_start3A_446 : memref<1x80xi32, #tpu.memory_space<hbm>> -> memref<80xi32, #tpu.memory_space<hbm>>
        tpu.enqueue_dma source(%dma_start3A_447 : memref<80xi32, #tpu.memory_space<hbm>>) target(%arg17 : memref<80xi32, #tpu.memory_space<vmem>>) target_semaphore(%arg35 : memref<!tpu.dma_semaphore, #tpu.memory_space<semaphore_mem>>)
        %dma_wait3A_448 = arith.constant 0 : i32
        %dma_wait3A_449 = tpu.memref_slice %arg3[%mul3A_2, %dma_wait3A_448] : memref<4000x80xi32, #tpu.memory_space<hbm>> -> memref<1x80xi32, #tpu.memory_space<hbm>>
        %dma_wait3A_450 = tpu.memref_squeeze %dma_wait3A_449 : memref<1x80xi32, #tpu.memory_space<hbm>> -> memref<80xi32, #tpu.memory_space<hbm>>
        %dma_wait3A_451 = arith.constant 0 : i32
        %dma_wait3A_452 = tpu.memref_slice %arg3[%mul3A_2, %dma_wait3A_451] : memref<4000x80xi32, #tpu.memory_space<hbm>> -> memref<1x80xi32, #tpu.memory_space<hbm>>
        %dma_wait3A_453 = tpu.memref_squeeze %dma_wait3A_452 : memref<1x80xi32, #tpu.memory_space<hbm>> -> memref<80xi32, #tpu.memory_space<hbm>>
        tpu.wait_dma2 semaphore(%arg29 : memref<!tpu.dma_semaphore, #tpu.memory_space<semaphore_mem>>) src(%dma_wait3A_453 : memref<80xi32, #tpu.memory_space<hbm>>) dst(%arg11 : memref<80xi32, #tpu.memory_space<vmem>>)
        %dma_start3A_454 = arith.constant 0 : i32
        %dma_start3A_455 = arith.constant 0 : i32
        %dma_start3A_456 = tpu.memref_slice %arg2[%dma_start3A_454, %dma_start3A_455] : memref<10000x64xf32, #tpu.memory_space<hbm>> -> memref<10000x64xf32, #tpu.memory_space<hbm>>
        tpu.enqueue_indirect_dma source(%dma_start3A_456 : memref<10000x64xf32, #tpu.memory_space<hbm>>) target(%arg23 : memref<80x64xf32, #tpu.memory_space<vmem>>) offsets(%arg11 : memref<80xi32, #tpu.memory_space<vmem>>) semaphore(%arg41 : memref<!tpu.dma_semaphore, #tpu.memory_space<semaphore_mem>>)
      } else {
      }
      %add3A_429 = arith.constant 6 : i32
      %add3A_430 = arith.addi %mul3A_243, %add3A_429 : i32
      %add3A_431 = arith.constant 5 : i32
      %add3A_432 = arith.addi %add3A_430, %add3A_431 : i32
      %dma_wait3A_433 = arith.constant 0 : i32
      %dma_wait3A_434 = arith.constant 0 : i32
      %dma_wait3A_435 = tpu.memref_slice %arg49[%dma_wait3A_433, %dma_wait3A_434] : memref<10000x64xf32, #tpu.memory_space<vmem_shared>> -> memref<10000x64xf32, #tpu.memory_space<vmem_shared>>
      tpu.wait_indirect_dma semaphore(%arg48 : memref<!tpu.dma_semaphore, #tpu.memory_space<semaphore_mem>>) src(%arg24 : memref<80x64xf32, #tpu.memory_space<vmem>>) dst(%dma_wait3A_435 : memref<10000x64xf32, #tpu.memory_space<vmem_shared>>)
      %lt3A_436 = arith.constant 125 : i32
      %lt3A_437 = arith.cmpi slt, %add3A_432, %lt3A_436 : i32
      %convert_element_type3A_438 = arith.extui %lt3A_437 : i1 to i32
      %cond3A_439 = arith.constant 0 : i32
      %cond3A_440 = arith.cmpi ne, %convert_element_type3A_438, %cond3A_439 : i32
      scf.if %cond3A_440 {
        %add3A_441 = arith.addi %mul3A_2, %add3A_432 : i32
        %dma_start3A_442 = arith.constant 0 : i32
        %dma_start3A_443 = tpu.memref_slice %arg4[%add3A_441, %dma_start3A_442] : memref<4000x80xi32, #tpu.memory_space<hbm>> -> memref<1x80xi32, #tpu.memory_space<hbm>>
        %dma_start3A_444 = tpu.memref_squeeze %dma_start3A_443 : memref<1x80xi32, #tpu.memory_space<hbm>> -> memref<80xi32, #tpu.memory_space<hbm>>
        %dma_start3A_445 = arith.constant 0 : i32
        %dma_start3A_446 = tpu.memref_slice %arg4[%add3A_441, %dma_start3A_445] : memref<4000x80xi32, #tpu.memory_space<hbm>> -> memref<1x80xi32, #tpu.memory_space<hbm>>
        %dma_start3A_447 = tpu.memref_squeeze %dma_start3A_446 : memref<1x80xi32, #tpu.memory_space<hbm>> -> memref<80xi32, #tpu.memory_space<hbm>>
        tpu.enqueue_dma source(%dma_start3A_447 : memref<80xi32, #tpu.memory_space<hbm>>) target(%arg18 : memref<80xi32, #tpu.memory_space<vmem>>) target_semaphore(%arg36 : memref<!tpu.dma_semaphore, #tpu.memory_space<semaphore_mem>>)
        %dma_wait3A_448 = arith.constant 0 : i32
        %dma_wait3A_449 = tpu.memref_slice %arg3[%mul3A_2, %dma_wait3A_448] : memref<4000x80xi32, #tpu.memory_space<hbm>> -> memref<1x80xi32, #tpu.memory_space<hbm>>
        %dma_wait3A_450 = tpu.memref_squeeze %dma_wait3A_449 : memref<1x80xi32, #tpu.memory_space<hbm>> -> memref<80xi32, #tpu.memory_space<hbm>>
        %dma_wait3A_451 = arith.constant 0 : i32
        %dma_wait3A_452 = tpu.memref_slice %arg3[%mul3A_2, %dma_wait3A_451] : memref<4000x80xi32, #tpu.memory_space<hbm>> -> memref<1x80xi32, #tpu.memory_space<hbm>>
        %dma_wait3A_453 = tpu.memref_squeeze %dma_wait3A_452 : memref<1x80xi32, #tpu.memory_space<hbm>> -> memref<80xi32, #tpu.memory_space<hbm>>
        tpu.wait_dma2 semaphore(%arg30 : memref<!tpu.dma_semaphore, #tpu.memory_space<semaphore_mem>>) src(%dma_wait3A_453 : memref<80xi32, #tpu.memory_space<hbm>>) dst(%arg12 : memref<80xi32, #tpu.memory_space<vmem>>)
        %dma_start3A_454 = arith.constant 0 : i32
        %dma_start3A_455 = arith.constant 0 : i32
        %dma_start3A_456 = tpu.memref_slice %arg2[%dma_start3A_454, %dma_start3A_455] : memref<10000x64xf32, #tpu.memory_space<hbm>> -> memref<10000x64xf32, #tpu.memory_space<hbm>>
        tpu.enqueue_indirect_dma source(%dma_start3A_456 : memref<10000x64xf32, #tpu.memory_space<hbm>>) target(%arg24 : memref<80x64xf32, #tpu.memory_space<vmem>>) offsets(%arg12 : memref<80xi32, #tpu.memory_space<vmem>>) semaphore(%arg42 : memref<!tpu.dma_semaphore, #tpu.memory_space<semaphore_mem>>)
      } else {
      }
    }
    %scan3A_159 = arith.constant 20 : i32
    %dma_wait3A_160 = arith.constant 0 : i32
    %dma_wait3A_161 = tpu.memref_slice %arg4[%mul3A_2, %dma_wait3A_160] : memref<4000x80xi32, #tpu.memory_space<hbm>> -> memref<1x80xi32, #tpu.memory_space<hbm>>
    %dma_wait3A_162 = tpu.memref_squeeze %dma_wait3A_161 : memref<1x80xi32, #tpu.memory_space<hbm>> -> memref<80xi32, #tpu.memory_space<hbm>>
    %dma_wait3A_163 = arith.constant 0 : i32
    %dma_wait3A_164 = tpu.memref_slice %arg4[%mul3A_2, %dma_wait3A_163] : memref<4000x80xi32, #tpu.memory_space<hbm>> -> memref<1x80xi32, #tpu.memory_space<hbm>>
    %dma_wait3A_165 = tpu.memref_squeeze %dma_wait3A_164 : memref<1x80xi32, #tpu.memory_space<hbm>> -> memref<80xi32, #tpu.memory_space<hbm>>
    tpu.wait_dma2 semaphore(%arg31 : memref<!tpu.dma_semaphore, #tpu.memory_space<semaphore_mem>>) src(%dma_wait3A_165 : memref<80xi32, #tpu.memory_space<hbm>>) dst(%arg13 : memref<80xi32, #tpu.memory_space<vmem>>)
    %dma_wait3A_166 = arith.constant 0 : i32
    %dma_wait3A_167 = arith.constant 0 : i32
    %dma_wait3A_168 = tpu.memref_slice %arg2[%dma_wait3A_166, %dma_wait3A_167] : memref<10000x64xf32, #tpu.memory_space<hbm>> -> memref<10000x64xf32, #tpu.memory_space<hbm>>
    tpu.wait_indirect_dma semaphore(%arg37 : memref<!tpu.dma_semaphore, #tpu.memory_space<semaphore_mem>>) src(%dma_wait3A_168 : memref<10000x64xf32, #tpu.memory_space<hbm>>) dst(%arg19 : memref<80x64xf32, #tpu.memory_space<vmem>>)
    %dma_start3A_169 = arith.constant 0 : i32
    %dma_start3A_170 = arith.constant 0 : i32
    %dma_start3A_171 = tpu.memref_slice %arg49[%dma_start3A_169, %dma_start3A_170] : memref<10000x64xf32, #tpu.memory_space<vmem_shared>> -> memref<10000x64xf32, #tpu.memory_space<vmem_shared>>
    tpu.enqueue_indirect_dma source(%arg19 : memref<80x64xf32, #tpu.memory_space<vmem>>) target(%dma_start3A_171 : memref<10000x64xf32, #tpu.memory_space<vmem_shared>>) offsets(%arg13 : memref<80xi32, #tpu.memory_space<vmem>>) semaphore(%arg43 : memref<!tpu.dma_semaphore, #tpu.memory_space<semaphore_mem>>) {add = true}
    %dma_wait3A_172 = arith.constant 0 : i32
    %dma_wait3A_173 = arith.constant 0 : i32
    %dma_wait3A_174 = tpu.memref_slice %arg49[%dma_wait3A_172, %dma_wait3A_173] : memref<10000x64xf32, #tpu.memory_space<vmem_shared>> -> memref<10000x64xf32, #tpu.memory_space<vmem_shared>>
    tpu.wait_indirect_dma semaphore(%arg43 : memref<!tpu.dma_semaphore, #tpu.memory_space<semaphore_mem>>) src(%arg19 : memref<80x64xf32, #tpu.memory_space<vmem>>) dst(%dma_wait3A_174 : memref<10000x64xf32, #tpu.memory_space<vmem_shared>>)
    %dma_wait3A_175 = arith.constant 0 : i32
    %dma_wait3A_176 = tpu.memref_slice %arg4[%mul3A_2, %dma_wait3A_175] : memref<4000x80xi32, #tpu.memory_space<hbm>> -> memref<1x80xi32, #tpu.memory_space<hbm>>
    %dma_wait3A_177 = tpu.memref_squeeze %dma_wait3A_176 : memref<1x80xi32, #tpu.memory_space<hbm>> -> memref<80xi32, #tpu.memory_space<hbm>>
    %dma_wait3A_178 = arith.constant 0 : i32
    %dma_wait3A_179 = tpu.memref_slice %arg4[%mul3A_2, %dma_wait3A_178] : memref<4000x80xi32, #tpu.memory_space<hbm>> -> memref<1x80xi32, #tpu.memory_space<hbm>>
    %dma_wait3A_180 = tpu.memref_squeeze %dma_wait3A_179 : memref<1x80xi32, #tpu.memory_space<hbm>> -> memref<80xi32, #tpu.memory_space<hbm>>
    tpu.wait_dma2 semaphore(%arg32 : memref<!tpu.dma_semaphore, #tpu.memory_space<semaphore_mem>>) src(%dma_wait3A_180 : memref<80xi32, #tpu.memory_space<hbm>>) dst(%arg14 : memref<80xi32, #tpu.memory_space<vmem>>)
    %dma_wait3A_181 = arith.constant 0 : i32
    %dma_wait3A_182 = arith.constant 0 : i32
    %dma_wait3A_183 = tpu.memref_slice %arg2[%dma_wait3A_181, %dma_wait3A_182] : memref<10000x64xf32, #tpu.memory_space<hbm>> -> memref<10000x64xf32, #tpu.memory_space<hbm>>
    tpu.wait_indirect_dma semaphore(%arg38 : memref<!tpu.dma_semaphore, #tpu.memory_space<semaphore_mem>>) src(%dma_wait3A_183 : memref<10000x64xf32, #tpu.memory_space<hbm>>) dst(%arg20 : memref<80x64xf32, #tpu.memory_space<vmem>>)
    %dma_start3A_184 = arith.constant 0 : i32
    %dma_start3A_185 = arith.constant 0 : i32
    %dma_start3A_186 = tpu.memref_slice %arg49[%dma_start3A_184, %dma_start3A_185] : memref<10000x64xf32, #tpu.memory_space<vmem_shared>> -> memref<10000x64xf32, #tpu.memory_space<vmem_shared>>
    tpu.enqueue_indirect_dma source(%arg20 : memref<80x64xf32, #tpu.memory_space<vmem>>) target(%dma_start3A_186 : memref<10000x64xf32, #tpu.memory_space<vmem_shared>>) offsets(%arg14 : memref<80xi32, #tpu.memory_space<vmem>>) semaphore(%arg44 : memref<!tpu.dma_semaphore, #tpu.memory_space<semaphore_mem>>) {add = true}
    %dma_wait3A_187 = arith.constant 0 : i32
    %dma_wait3A_188 = arith.constant 0 : i32
    %dma_wait3A_189 = tpu.memref_slice %arg49[%dma_wait3A_187, %dma_wait3A_188] : memref<10000x64xf32, #tpu.memory_space<vmem_shared>> -> memref<10000x64xf32, #tpu.memory_space<vmem_shared>>
    tpu.wait_indirect_dma semaphore(%arg44 : memref<!tpu.dma_semaphore, #tpu.memory_space<semaphore_mem>>) src(%arg20 : memref<80x64xf32, #tpu.memory_space<vmem>>) dst(%dma_wait3A_189 : memref<10000x64xf32, #tpu.memory_space<vmem_shared>>)
    %dma_wait3A_190 = arith.constant 0 : i32
    %dma_wait3A_191 = tpu.memref_slice %arg4[%mul3A_2, %dma_wait3A_190] : memref<4000x80xi32, #tpu.memory_space<hbm>> -> memref<1x80xi32, #tpu.memory_space<hbm>>
    %dma_wait3A_192 = tpu.memref_squeeze %dma_wait3A_191 : memref<1x80xi32, #tpu.memory_space<hbm>> -> memref<80xi32, #tpu.memory_space<hbm>>
    %dma_wait3A_193 = arith.constant 0 : i32
    %dma_wait3A_194 = tpu.memref_slice %arg4[%mul3A_2, %dma_wait3A_193] : memref<4000x80xi32, #tpu.memory_space<hbm>> -> memref<1x80xi32, #tpu.memory_space<hbm>>
    %dma_wait3A_195 = tpu.memref_squeeze %dma_wait3A_194 : memref<1x80xi32, #tpu.memory_space<hbm>> -> memref<80xi32, #tpu.memory_space<hbm>>
    tpu.wait_dma2 semaphore(%arg33 : memref<!tpu.dma_semaphore, #tpu.memory_space<semaphore_mem>>) src(%dma_wait3A_195 : memref<80xi32, #tpu.memory_space<hbm>>) dst(%arg15 : memref<80xi32, #tpu.memory_space<vmem>>)
    %dma_wait3A_196 = arith.constant 0 : i32
    %dma_wait3A_197 = arith.constant 0 : i32
    %dma_wait3A_198 = tpu.memref_slice %arg2[%dma_wait3A_196, %dma_wait3A_197] : memref<10000x64xf32, #tpu.memory_space<hbm>> -> memref<10000x64xf32, #tpu.memory_space<hbm>>
    tpu.wait_indirect_dma semaphore(%arg39 : memref<!tpu.dma_semaphore, #tpu.memory_space<semaphore_mem>>) src(%dma_wait3A_198 : memref<10000x64xf32, #tpu.memory_space<hbm>>) dst(%arg21 : memref<80x64xf32, #tpu.memory_space<vmem>>)
    %dma_start3A_199 = arith.constant 0 : i32
    %dma_start3A_200 = arith.constant 0 : i32
    %dma_start3A_201 = tpu.memref_slice %arg49[%dma_start3A_199, %dma_start3A_200] : memref<10000x64xf32, #tpu.memory_space<vmem_shared>> -> memref<10000x64xf32, #tpu.memory_space<vmem_shared>>
    tpu.enqueue_indirect_dma source(%arg21 : memref<80x64xf32, #tpu.memory_space<vmem>>) target(%dma_start3A_201 : memref<10000x64xf32, #tpu.memory_space<vmem_shared>>) offsets(%arg15 : memref<80xi32, #tpu.memory_space<vmem>>) semaphore(%arg45 : memref<!tpu.dma_semaphore, #tpu.memory_space<semaphore_mem>>) {add = true}
    %dma_wait3A_202 = arith.constant 0 : i32
    %dma_wait3A_203 = arith.constant 0 : i32
    %dma_wait3A_204 = tpu.memref_slice %arg49[%dma_wait3A_202, %dma_wait3A_203] : memref<10000x64xf32, #tpu.memory_space<vmem_shared>> -> memref<10000x64xf32, #tpu.memory_space<vmem_shared>>
    tpu.wait_indirect_dma semaphore(%arg45 : memref<!tpu.dma_semaphore, #tpu.memory_space<semaphore_mem>>) src(%arg21 : memref<80x64xf32, #tpu.memory_space<vmem>>) dst(%dma_wait3A_204 : memref<10000x64xf32, #tpu.memory_space<vmem_shared>>)
    %dma_wait3A_205 = arith.constant 0 : i32
    %dma_wait3A_206 = tpu.memref_slice %arg4[%mul3A_2, %dma_wait3A_205] : memref<4000x80xi32, #tpu.memory_space<hbm>> -> memref<1x80xi32, #tpu.memory_space<hbm>>
    %dma_wait3A_207 = tpu.memref_squeeze %dma_wait3A_206 : memref<1x80xi32, #tpu.memory_space<hbm>> -> memref<80xi32, #tpu.memory_space<hbm>>
    %dma_wait3A_208 = arith.constant 0 : i32
    %dma_wait3A_209 = tpu.memref_slice %arg4[%mul3A_2, %dma_wait3A_208] : memref<4000x80xi32, #tpu.memory_space<hbm>> -> memref<1x80xi32, #tpu.memory_space<hbm>>
    %dma_wait3A_210 = tpu.memref_squeeze %dma_wait3A_209 : memref<1x80xi32, #tpu.memory_space<hbm>> -> memref<80xi32, #tpu.memory_space<hbm>>
    tpu.wait_dma2 semaphore(%arg34 : memref<!tpu.dma_semaphore, #tpu.memory_space<semaphore_mem>>) src(%dma_wait3A_210 : memref<80xi32, #tpu.memory_space<hbm>>) dst(%arg16 : memref<80xi32, #tpu.memory_space<vmem>>)
    %dma_wait3A_211 = arith.constant 0 : i32
    %dma_wait3A_212 = arith.constant 0 : i32
    %dma_wait3A_213 = tpu.memref_slice %arg2[%dma_wait3A_211, %dma_wait3A_212] : memref<10000x64xf32, #tpu.memory_space<hbm>> -> memref<10000x64xf32, #tpu.memory_space<hbm>>
    tpu.wait_indirect_dma semaphore(%arg40 : memref<!tpu.dma_semaphore, #tpu.memory_space<semaphore_mem>>) src(%dma_wait3A_213 : memref<10000x64xf32, #tpu.memory_space<hbm>>) dst(%arg22 : memref<80x64xf32, #tpu.memory_space<vmem>>)
    %dma_start3A_214 = arith.constant 0 : i32
    %dma_start3A_215 = arith.constant 0 : i32
    %dma_start3A_216 = tpu.memref_slice %arg49[%dma_start3A_214, %dma_start3A_215] : memref<10000x64xf32, #tpu.memory_space<vmem_shared>> -> memref<10000x64xf32, #tpu.memory_space<vmem_shared>>
    tpu.enqueue_indirect_dma source(%arg22 : memref<80x64xf32, #tpu.memory_space<vmem>>) target(%dma_start3A_216 : memref<10000x64xf32, #tpu.memory_space<vmem_shared>>) offsets(%arg16 : memref<80xi32, #tpu.memory_space<vmem>>) semaphore(%arg46 : memref<!tpu.dma_semaphore, #tpu.memory_space<semaphore_mem>>) {add = true}
    %dma_wait3A_217 = arith.constant 0 : i32
    %dma_wait3A_218 = arith.constant 0 : i32
    %dma_wait3A_219 = tpu.memref_slice %arg49[%dma_wait3A_217, %dma_wait3A_218] : memref<10000x64xf32, #tpu.memory_space<vmem_shared>> -> memref<10000x64xf32, #tpu.memory_space<vmem_shared>>
    tpu.wait_indirect_dma semaphore(%arg46 : memref<!tpu.dma_semaphore, #tpu.memory_space<semaphore_mem>>) src(%arg22 : memref<80x64xf32, #tpu.memory_space<vmem>>) dst(%dma_wait3A_219 : memref<10000x64xf32, #tpu.memory_space<vmem_shared>>)
    %dma_wait3A_220 = arith.constant 0 : i32
    %dma_wait3A_221 = tpu.memref_slice %arg4[%mul3A_2, %dma_wait3A_220] : memref<4000x80xi32, #tpu.memory_space<hbm>> -> memref<1x80xi32, #tpu.memory_space<hbm>>
    %dma_wait3A_222 = tpu.memref_squeeze %dma_wait3A_221 : memref<1x80xi32, #tpu.memory_space<hbm>> -> memref<80xi32, #tpu.memory_space<hbm>>
    %dma_wait3A_223 = arith.constant 0 : i32
    %dma_wait3A_224 = tpu.memref_slice %arg4[%mul3A_2, %dma_wait3A_223] : memref<4000x80xi32, #tpu.memory_space<hbm>> -> memref<1x80xi32, #tpu.memory_space<hbm>>
    %dma_wait3A_225 = tpu.memref_squeeze %dma_wait3A_224 : memref<1x80xi32, #tpu.memory_space<hbm>> -> memref<80xi32, #tpu.memory_space<hbm>>
    tpu.wait_dma2 semaphore(%arg35 : memref<!tpu.dma_semaphore, #tpu.memory_space<semaphore_mem>>) src(%dma_wait3A_225 : memref<80xi32, #tpu.memory_space<hbm>>) dst(%arg17 : memref<80xi32, #tpu.memory_space<vmem>>)
    %dma_wait3A_226 = arith.constant 0 : i32
    %dma_wait3A_227 = arith.constant 0 : i32
    %dma_wait3A_228 = tpu.memref_slice %arg2[%dma_wait3A_226, %dma_wait3A_227] : memref<10000x64xf32, #tpu.memory_space<hbm>> -> memref<10000x64xf32, #tpu.memory_space<hbm>>
    tpu.wait_indirect_dma semaphore(%arg41 : memref<!tpu.dma_semaphore, #tpu.memory_space<semaphore_mem>>) src(%dma_wait3A_228 : memref<10000x64xf32, #tpu.memory_space<hbm>>) dst(%arg23 : memref<80x64xf32, #tpu.memory_space<vmem>>)
    %dma_start3A_229 = arith.constant 0 : i32
    %dma_start3A_230 = arith.constant 0 : i32
    %dma_start3A_231 = tpu.memref_slice %arg49[%dma_start3A_229, %dma_start3A_230] : memref<10000x64xf32, #tpu.memory_space<vmem_shared>> -> memref<10000x64xf32, #tpu.memory_space<vmem_shared>>
    tpu.enqueue_indirect_dma source(%arg23 : memref<80x64xf32, #tpu.memory_space<vmem>>) target(%dma_start3A_231 : memref<10000x64xf32, #tpu.memory_space<vmem_shared>>) offsets(%arg17 : memref<80xi32, #tpu.memory_space<vmem>>) semaphore(%arg47 : memref<!tpu.dma_semaphore, #tpu.memory_space<semaphore_mem>>) {add = true}
    %dma_wait3A_232 = arith.constant 0 : i32
    %dma_wait3A_233 = arith.constant 0 : i32
    %dma_wait3A_234 = tpu.memref_slice %arg49[%dma_wait3A_232, %dma_wait3A_233] : memref<10000x64xf32, #tpu.memory_space<vmem_shared>> -> memref<10000x64xf32, #tpu.memory_space<vmem_shared>>
    tpu.wait_indirect_dma semaphore(%arg47 : memref<!tpu.dma_semaphore, #tpu.memory_space<semaphore_mem>>) src(%arg23 : memref<80x64xf32, #tpu.memory_space<vmem>>) dst(%dma_wait3A_234 : memref<10000x64xf32, #tpu.memory_space<vmem_shared>>)
    %barrier3A_235 = arith.constant 0 : index
    tpu.barrier barrier_id(%barrier3A_235)
    "tpu.region"() ({
      %run_scoped3A = tpu.sem_alloc : memref<!tpu.dma_semaphore, #tpu.memory_space<semaphore_mem>>
      %dma_start3A_241 = arith.constant 0 : i32
      %dma_start3A_242 = tpu.memref_slice %arg6[%arg0, %mul3A_4, %dma_start3A_241] : memref<2x10000x64xf32, #tpu.memory_space<hbm>> -> memref<1x624x64xf32, #tpu.memory_space<hbm>>
      %dma_start3A_243 = tpu.memref_squeeze %dma_start3A_242 : memref<1x624x64xf32, #tpu.memory_space<hbm>> -> memref<624x64xf32, #tpu.memory_space<hbm>>
      %dma_start3A_244 = arith.constant 0 : i32
      %dma_start3A_245 = tpu.memref_slice %arg49[%mul3A_4, %dma_start3A_244] : memref<10000x64xf32, #tpu.memory_space<vmem_shared>> -> memref<624x64xf32, #tpu.memory_space<vmem_shared>>
      tpu.enqueue_dma source(%dma_start3A_245 : memref<624x64xf32, #tpu.memory_space<vmem_shared>>) target(%dma_start3A_243 : memref<624x64xf32, #tpu.memory_space<hbm>>) target_semaphore(%run_scoped3A : memref<!tpu.dma_semaphore, #tpu.memory_space<semaphore_mem>>)
      %dma_wait3A_246 = arith.constant 0 : i32
      %dma_wait3A_247 = tpu.memref_slice %arg6[%arg0, %mul3A_4, %dma_wait3A_246] : memref<2x10000x64xf32, #tpu.memory_space<hbm>> -> memref<1x624x64xf32, #tpu.memory_space<hbm>>
      %dma_wait3A_248 = tpu.memref_squeeze %dma_wait3A_247 : memref<1x624x64xf32, #tpu.memory_space<hbm>> -> memref<624x64xf32, #tpu.memory_space<hbm>>
      %dma_wait3A_249 = arith.constant 0 : i32
      %dma_wait3A_250 = tpu.memref_slice %arg49[%mul3A_4, %dma_wait3A_249] : memref<10000x64xf32, #tpu.memory_space<vmem_shared>> -> memref<624x64xf32, #tpu.memory_space<vmem_shared>>
      tpu.wait_dma2 semaphore(%run_scoped3A : memref<!tpu.dma_semaphore, #tpu.memory_space<semaphore_mem>>) src(%dma_wait3A_250 : memref<624x64xf32, #tpu.memory_space<vmem_shared>>) dst(%dma_wait3A_248 : memref<624x64xf32, #tpu.memory_space<hbm>>)
      tpu.yield
    }) : () -> ()
    %eq3A_236 = arith.constant 15 : i32
    %eq3A_237 = arith.cmpi eq, %arg1, %eq3A_236 : i32
    %convert_element_type3A_238 = arith.extui %eq3A_237 : i1 to i32
    %cond3A_239 = arith.constant 0 : i32
    %cond3A_240 = arith.cmpi ne, %convert_element_type3A_238, %cond3A_239 : i32
    scf.if %cond3A_240 {
      "tpu.region"() ({
        %run_scoped3A = tpu.sem_alloc : memref<!tpu.dma_semaphore, #tpu.memory_space<semaphore_mem>>
        %dma_start3A_241 = arith.constant 9984 : i32
        %dma_start3A_242 = arith.constant 0 : i32
        %dma_start3A_243 = tpu.memref_slice %arg6[%arg0, %dma_start3A_241, %dma_start3A_242] : memref<2x10000x64xf32, #tpu.memory_space<hbm>> -> memref<1x16x64xf32, #tpu.memory_space<hbm>>
        %dma_start3A_244 = tpu.memref_squeeze %dma_start3A_243 : memref<1x16x64xf32, #tpu.memory_space<hbm>> -> memref<16x64xf32, #tpu.memory_space<hbm>>
        %dma_start3A_245 = arith.constant 9984 : i32
        %dma_start3A_246 = arith.constant 0 : i32
        %dma_start3A_247 = tpu.memref_slice %arg49[%dma_start3A_245, %dma_start3A_246] : memref<10000x64xf32, #tpu.memory_space<vmem_shared>> -> memref<16x64xf32, #tpu.memory_space<vmem_shared>>
        tpu.enqueue_dma source(%dma_start3A_247 : memref<16x64xf32, #tpu.memory_space<vmem_shared>>) target(%dma_start3A_244 : memref<16x64xf32, #tpu.memory_space<hbm>>) target_semaphore(%run_scoped3A : memref<!tpu.dma_semaphore, #tpu.memory_space<semaphore_mem>>)
        %dma_wait3A_248 = arith.constant 9984 : i32
        %dma_wait3A_249 = arith.constant 0 : i32
        %dma_wait3A_250 = tpu.memref_slice %arg6[%arg0, %dma_wait3A_248, %dma_wait3A_249] : memref<2x10000x64xf32, #tpu.memory_space<hbm>> -> memref<1x16x64xf32, #tpu.memory_space<hbm>>
        %dma_wait3A_251 = tpu.memref_squeeze %dma_wait3A_250 : memref<1x16x64xf32, #tpu.memory_space<hbm>> -> memref<16x64xf32, #tpu.memory_space<hbm>>
        %dma_wait3A_252 = arith.constant 9984 : i32
        %dma_wait3A_253 = arith.constant 0 : i32
        %dma_wait3A_254 = tpu.memref_slice %arg49[%dma_wait3A_252, %dma_wait3A_253] : memref<10000x64xf32, #tpu.memory_space<vmem_shared>> -> memref<16x64xf32, #tpu.memory_space<vmem_shared>>
        tpu.wait_dma2 semaphore(%run_scoped3A : memref<!tpu.dma_semaphore, #tpu.memory_space<semaphore_mem>>) src(%dma_wait3A_254 : memref<16x64xf32, #tpu.memory_space<vmem_shared>>) dst(%dma_wait3A_251 : memref<16x64xf32, #tpu.memory_space<hbm>>)
        tpu.yield
      }) : () -> ()
    } else {
    }
    return
  }
}

#map = affine_map<(d0, d1) -> (0, 0)>
#map1 = affine_map<(d0, d1) -> (0, 0, 0)>
module attributes {stable_mosaic.version = 14 : i64} {
  func.func @body(%arg0: i32, %arg1: i32, %arg2: memref<10000x128xf32, #tpu.memory_space<hbm>>, %arg3: memref<4000x80xi32, #tpu.memory_space<hbm>>, %arg4: memref<4000x80xi32, #tpu.memory_space<hbm>>, %arg5: memref<10000x128xf32, #tpu.memory_space<hbm>>, %arg6: memref<2x10000x128xf32, #tpu.memory_space<hbm>>, %arg7: memref<80xi32, #tpu.memory_space<vmem>>, %arg8: memref<80xi32, #tpu.memory_space<vmem>>, %arg9: memref<80xi32, #tpu.memory_space<vmem>>, %arg10: memref<80xi32, #tpu.memory_space<vmem>>, %arg11: memref<80xi32, #tpu.memory_space<vmem>>, %arg12: memref<80xi32, #tpu.memory_space<vmem>>, %arg13: memref<80xi32, #tpu.memory_space<vmem>>, %arg14: memref<80xi32, #tpu.memory_space<vmem>>, %arg15: memref<80x128xf32, #tpu.memory_space<vmem>>, %arg16: memref<80x128xf32, #tpu.memory_space<vmem>>, %arg17: memref<80x128xf32, #tpu.memory_space<vmem>>, %arg18: memref<80x128xf32, #tpu.memory_space<vmem>>, %arg19: memref<!tpu.dma_semaphore, #tpu.memory_space<semaphore_mem>>, %arg20: memref<!tpu.dma_semaphore, #tpu.memory_space<semaphore_mem>>, %arg21: memref<!tpu.dma_semaphore, #tpu.memory_space<semaphore_mem>>, %arg22: memref<!tpu.dma_semaphore, #tpu.memory_space<semaphore_mem>>, %arg23: memref<!tpu.dma_semaphore, #tpu.memory_space<semaphore_mem>>, %arg24: memref<!tpu.dma_semaphore, #tpu.memory_space<semaphore_mem>>, %arg25: memref<!tpu.dma_semaphore, #tpu.memory_space<semaphore_mem>>, %arg26: memref<!tpu.dma_semaphore, #tpu.memory_space<semaphore_mem>>, %arg27: memref<!tpu.dma_semaphore, #tpu.memory_space<semaphore_mem>>, %arg28: memref<!tpu.dma_semaphore, #tpu.memory_space<semaphore_mem>>, %arg29: memref<!tpu.dma_semaphore, #tpu.memory_space<semaphore_mem>>, %arg30: memref<!tpu.dma_semaphore, #tpu.memory_space<semaphore_mem>>, %arg31: memref<!tpu.dma_semaphore, #tpu.memory_space<semaphore_mem>>, %arg32: memref<!tpu.dma_semaphore, #tpu.memory_space<semaphore_mem>>, %arg33: memref<!tpu.dma_semaphore, #tpu.memory_space<semaphore_mem>>, %arg34: memref<!tpu.dma_semaphore, #tpu.memory_space<semaphore_mem>>, %arg35: memref<10000x128xf32, #tpu.memory_space<vmem_shared>>) attributes {dimension_semantics = [#tpu.dimension_semantics<core_parallel>, #tpu.dimension_semantics<subcore_parallel>], iteration_bounds = array<i64: 2, 16>, scalar_prefetch = 0 : i64, scratch_operands = 29 : i64, tpu.core_type = #tpu.core_type<sc_vector_subcore>, window_params = [{transform_indices = #map}, {transform_indices = #map}, {transform_indices = #map}, {transform_indices = #map}, {transform_indices = #map1}]} {
    %mul3A = arith.constant 16 : i32
    %mul3A_0 = arith.muli %arg0, %mul3A : i32
    %add3A = arith.addi %mul3A_0, %arg1 : i32
    %mul3A_1 = arith.constant 125 : i32
    %mul3A_2 = arith.muli %add3A, %mul3A_1 : i32
    %mul3A_3 = arith.constant 624 : i32
    %mul3A_4 = arith.muli %arg1, %mul3A_3 : i32
    "tpu.region"() ({
      %run_scoped3A = tpu.sem_alloc : memref<!tpu.dma_semaphore, #tpu.memory_space<semaphore_mem>>
      %dma_start3A_131 = arith.constant 0 : i32
      %dma_start3A_132 = tpu.memref_slice %arg35[%mul3A_4, %dma_start3A_131] : memref<10000x128xf32, #tpu.memory_space<vmem_shared>> -> memref<624x128xf32, #tpu.memory_space<vmem_shared>>
      %dma_start3A_133 = arith.constant 0 : i32
      %dma_start3A_134 = tpu.memref_slice %arg5[%mul3A_4, %dma_start3A_133] : memref<10000x128xf32, #tpu.memory_space<hbm>> -> memref<624x128xf32, #tpu.memory_space<hbm>>
      tpu.enqueue_dma source(%dma_start3A_134 : memref<624x128xf32, #tpu.memory_space<hbm>>) target(%dma_start3A_132 : memref<624x128xf32, #tpu.memory_space<vmem_shared>>) target_semaphore(%run_scoped3A : memref<!tpu.dma_semaphore, #tpu.memory_space<semaphore_mem>>)
      %dma_wait3A_135 = arith.constant 0 : i32
      %dma_wait3A_136 = tpu.memref_slice %arg35[%mul3A_4, %dma_wait3A_135] : memref<10000x128xf32, #tpu.memory_space<vmem_shared>> -> memref<624x128xf32, #tpu.memory_space<vmem_shared>>
      %dma_wait3A_137 = arith.constant 0 : i32
      %dma_wait3A_138 = tpu.memref_slice %arg5[%mul3A_4, %dma_wait3A_137] : memref<10000x128xf32, #tpu.memory_space<hbm>> -> memref<624x128xf32, #tpu.memory_space<hbm>>
      tpu.wait_dma2 semaphore(%run_scoped3A : memref<!tpu.dma_semaphore, #tpu.memory_space<semaphore_mem>>) src(%dma_wait3A_138 : memref<624x128xf32, #tpu.memory_space<hbm>>) dst(%dma_wait3A_136 : memref<624x128xf32, #tpu.memory_space<vmem_shared>>)
      tpu.yield
    }) : () -> ()
    %eq3A = arith.constant 15 : i32
    %eq3A_5 = arith.cmpi eq, %arg1, %eq3A : i32
    %convert_element_type3A = arith.extui %eq3A_5 : i1 to i32
    %cond3A = arith.constant 0 : i32
    %cond3A_6 = arith.cmpi ne, %convert_element_type3A, %cond3A : i32
    scf.if %cond3A_6 {
      "tpu.region"() ({
        %run_scoped3A = tpu.sem_alloc : memref<!tpu.dma_semaphore, #tpu.memory_space<semaphore_mem>>
        %dma_start3A_131 = arith.constant 9984 : i32
        %dma_start3A_132 = arith.constant 0 : i32
        %dma_start3A_133 = tpu.memref_slice %arg35[%dma_start3A_131, %dma_start3A_132] : memref<10000x128xf32, #tpu.memory_space<vmem_shared>> -> memref<16x128xf32, #tpu.memory_space<vmem_shared>>
        %dma_start3A_134 = arith.constant 9984 : i32
        %dma_start3A_135 = arith.constant 0 : i32
        %dma_start3A_136 = tpu.memref_slice %arg5[%dma_start3A_134, %dma_start3A_135] : memref<10000x128xf32, #tpu.memory_space<hbm>> -> memref<16x128xf32, #tpu.memory_space<hbm>>
        tpu.enqueue_dma source(%dma_start3A_136 : memref<16x128xf32, #tpu.memory_space<hbm>>) target(%dma_start3A_133 : memref<16x128xf32, #tpu.memory_space<vmem_shared>>) target_semaphore(%run_scoped3A : memref<!tpu.dma_semaphore, #tpu.memory_space<semaphore_mem>>)
        %dma_wait3A_137 = arith.constant 9984 : i32
        %dma_wait3A_138 = arith.constant 0 : i32
        %dma_wait3A_139 = tpu.memref_slice %arg35[%dma_wait3A_137, %dma_wait3A_138] : memref<10000x128xf32, #tpu.memory_space<vmem_shared>> -> memref<16x128xf32, #tpu.memory_space<vmem_shared>>
        %dma_wait3A_140 = arith.constant 9984 : i32
        %dma_wait3A_141 = arith.constant 0 : i32
        %dma_wait3A_142 = tpu.memref_slice %arg5[%dma_wait3A_140, %dma_wait3A_141] : memref<10000x128xf32, #tpu.memory_space<hbm>> -> memref<16x128xf32, #tpu.memory_space<hbm>>
        tpu.wait_dma2 semaphore(%run_scoped3A : memref<!tpu.dma_semaphore, #tpu.memory_space<semaphore_mem>>) src(%dma_wait3A_142 : memref<16x128xf32, #tpu.memory_space<hbm>>) dst(%dma_wait3A_139 : memref<16x128xf32, #tpu.memory_space<vmem_shared>>)
        tpu.yield
      }) : () -> ()
    } else {
    }
    %barrier3A = arith.constant 0 : index
    tpu.barrier barrier_id(%barrier3A)
    %add3A_7 = arith.constant 0 : i32
    %add3A_8 = arith.addi %mul3A_2, %add3A_7 : i32
    %dma_start3A = arith.constant 0 : i32
    %dma_start3A_9 = tpu.memref_slice %arg3[%add3A_8, %dma_start3A] : memref<4000x80xi32, #tpu.memory_space<hbm>> -> memref<1x80xi32, #tpu.memory_space<hbm>>
    %dma_start3A_10 = tpu.memref_squeeze %dma_start3A_9 : memref<1x80xi32, #tpu.memory_space<hbm>> -> memref<80xi32, #tpu.memory_space<hbm>>
    %dma_start3A_11 = arith.constant 0 : i32
    %dma_start3A_12 = tpu.memref_slice %arg3[%add3A_8, %dma_start3A_11] : memref<4000x80xi32, #tpu.memory_space<hbm>> -> memref<1x80xi32, #tpu.memory_space<hbm>>
    %dma_start3A_13 = tpu.memref_squeeze %dma_start3A_12 : memref<1x80xi32, #tpu.memory_space<hbm>> -> memref<80xi32, #tpu.memory_space<hbm>>
    tpu.enqueue_dma source(%dma_start3A_13 : memref<80xi32, #tpu.memory_space<hbm>>) target(%arg7 : memref<80xi32, #tpu.memory_space<vmem>>) target_semaphore(%arg19 : memref<!tpu.dma_semaphore, #tpu.memory_space<semaphore_mem>>)
    %add3A_14 = arith.constant 0 : i32
    %add3A_15 = arith.addi %mul3A_2, %add3A_14 : i32
    %dma_start3A_16 = arith.constant 0 : i32
    %dma_start3A_17 = tpu.memref_slice %arg4[%add3A_15, %dma_start3A_16] : memref<4000x80xi32, #tpu.memory_space<hbm>> -> memref<1x80xi32, #tpu.memory_space<hbm>>
    %dma_start3A_18 = tpu.memref_squeeze %dma_start3A_17 : memref<1x80xi32, #tpu.memory_space<hbm>> -> memref<80xi32, #tpu.memory_space<hbm>>
    %dma_start3A_19 = arith.constant 0 : i32
    %dma_start3A_20 = tpu.memref_slice %arg4[%add3A_15, %dma_start3A_19] : memref<4000x80xi32, #tpu.memory_space<hbm>> -> memref<1x80xi32, #tpu.memory_space<hbm>>
    %dma_start3A_21 = tpu.memref_squeeze %dma_start3A_20 : memref<1x80xi32, #tpu.memory_space<hbm>> -> memref<80xi32, #tpu.memory_space<hbm>>
    tpu.enqueue_dma source(%dma_start3A_21 : memref<80xi32, #tpu.memory_space<hbm>>) target(%arg11 : memref<80xi32, #tpu.memory_space<vmem>>) target_semaphore(%arg23 : memref<!tpu.dma_semaphore, #tpu.memory_space<semaphore_mem>>)
    %add3A_22 = arith.constant 1 : i32
    %add3A_23 = arith.addi %mul3A_2, %add3A_22 : i32
    %dma_start3A_24 = arith.constant 0 : i32
    %dma_start3A_25 = tpu.memref_slice %arg3[%add3A_23, %dma_start3A_24] : memref<4000x80xi32, #tpu.memory_space<hbm>> -> memref<1x80xi32, #tpu.memory_space<hbm>>
    %dma_start3A_26 = tpu.memref_squeeze %dma_start3A_25 : memref<1x80xi32, #tpu.memory_space<hbm>> -> memref<80xi32, #tpu.memory_space<hbm>>
    %dma_start3A_27 = arith.constant 0 : i32
    %dma_start3A_28 = tpu.memref_slice %arg3[%add3A_23, %dma_start3A_27] : memref<4000x80xi32, #tpu.memory_space<hbm>> -> memref<1x80xi32, #tpu.memory_space<hbm>>
    %dma_start3A_29 = tpu.memref_squeeze %dma_start3A_28 : memref<1x80xi32, #tpu.memory_space<hbm>> -> memref<80xi32, #tpu.memory_space<hbm>>
    tpu.enqueue_dma source(%dma_start3A_29 : memref<80xi32, #tpu.memory_space<hbm>>) target(%arg8 : memref<80xi32, #tpu.memory_space<vmem>>) target_semaphore(%arg20 : memref<!tpu.dma_semaphore, #tpu.memory_space<semaphore_mem>>)
    %add3A_30 = arith.constant 1 : i32
    %add3A_31 = arith.addi %mul3A_2, %add3A_30 : i32
    %dma_start3A_32 = arith.constant 0 : i32
    %dma_start3A_33 = tpu.memref_slice %arg4[%add3A_31, %dma_start3A_32] : memref<4000x80xi32, #tpu.memory_space<hbm>> -> memref<1x80xi32, #tpu.memory_space<hbm>>
    %dma_start3A_34 = tpu.memref_squeeze %dma_start3A_33 : memref<1x80xi32, #tpu.memory_space<hbm>> -> memref<80xi32, #tpu.memory_space<hbm>>
    %dma_start3A_35 = arith.constant 0 : i32
    %dma_start3A_36 = tpu.memref_slice %arg4[%add3A_31, %dma_start3A_35] : memref<4000x80xi32, #tpu.memory_space<hbm>> -> memref<1x80xi32, #tpu.memory_space<hbm>>
    %dma_start3A_37 = tpu.memref_squeeze %dma_start3A_36 : memref<1x80xi32, #tpu.memory_space<hbm>> -> memref<80xi32, #tpu.memory_space<hbm>>
    tpu.enqueue_dma source(%dma_start3A_37 : memref<80xi32, #tpu.memory_space<hbm>>) target(%arg12 : memref<80xi32, #tpu.memory_space<vmem>>) target_semaphore(%arg24 : memref<!tpu.dma_semaphore, #tpu.memory_space<semaphore_mem>>)
    %add3A_38 = arith.constant 2 : i32
    %add3A_39 = arith.addi %mul3A_2, %add3A_38 : i32
    %dma_start3A_40 = arith.constant 0 : i32
    %dma_start3A_41 = tpu.memref_slice %arg3[%add3A_39, %dma_start3A_40] : memref<4000x80xi32, #tpu.memory_space<hbm>> -> memref<1x80xi32, #tpu.memory_space<hbm>>
    %dma_start3A_42 = tpu.memref_squeeze %dma_start3A_41 : memref<1x80xi32, #tpu.memory_space<hbm>> -> memref<80xi32, #tpu.memory_space<hbm>>
    %dma_start3A_43 = arith.constant 0 : i32
    %dma_start3A_44 = tpu.memref_slice %arg3[%add3A_39, %dma_start3A_43] : memref<4000x80xi32, #tpu.memory_space<hbm>> -> memref<1x80xi32, #tpu.memory_space<hbm>>
    %dma_start3A_45 = tpu.memref_squeeze %dma_start3A_44 : memref<1x80xi32, #tpu.memory_space<hbm>> -> memref<80xi32, #tpu.memory_space<hbm>>
    tpu.enqueue_dma source(%dma_start3A_45 : memref<80xi32, #tpu.memory_space<hbm>>) target(%arg9 : memref<80xi32, #tpu.memory_space<vmem>>) target_semaphore(%arg21 : memref<!tpu.dma_semaphore, #tpu.memory_space<semaphore_mem>>)
    %add3A_46 = arith.constant 2 : i32
    %add3A_47 = arith.addi %mul3A_2, %add3A_46 : i32
    %dma_start3A_48 = arith.constant 0 : i32
    %dma_start3A_49 = tpu.memref_slice %arg4[%add3A_47, %dma_start3A_48] : memref<4000x80xi32, #tpu.memory_space<hbm>> -> memref<1x80xi32, #tpu.memory_space<hbm>>
    %dma_start3A_50 = tpu.memref_squeeze %dma_start3A_49 : memref<1x80xi32, #tpu.memory_space<hbm>> -> memref<80xi32, #tpu.memory_space<hbm>>
    %dma_start3A_51 = arith.constant 0 : i32
    %dma_start3A_52 = tpu.memref_slice %arg4[%add3A_47, %dma_start3A_51] : memref<4000x80xi32, #tpu.memory_space<hbm>> -> memref<1x80xi32, #tpu.memory_space<hbm>>
    %dma_start3A_53 = tpu.memref_squeeze %dma_start3A_52 : memref<1x80xi32, #tpu.memory_space<hbm>> -> memref<80xi32, #tpu.memory_space<hbm>>
    tpu.enqueue_dma source(%dma_start3A_53 : memref<80xi32, #tpu.memory_space<hbm>>) target(%arg13 : memref<80xi32, #tpu.memory_space<vmem>>) target_semaphore(%arg25 : memref<!tpu.dma_semaphore, #tpu.memory_space<semaphore_mem>>)
    %add3A_54 = arith.constant 3 : i32
    %add3A_55 = arith.addi %mul3A_2, %add3A_54 : i32
    %dma_start3A_56 = arith.constant 0 : i32
    %dma_start3A_57 = tpu.memref_slice %arg3[%add3A_55, %dma_start3A_56] : memref<4000x80xi32, #tpu.memory_space<hbm>> -> memref<1x80xi32, #tpu.memory_space<hbm>>
    %dma_start3A_58 = tpu.memref_squeeze %dma_start3A_57 : memref<1x80xi32, #tpu.memory_space<hbm>> -> memref<80xi32, #tpu.memory_space<hbm>>
    %dma_start3A_59 = arith.constant 0 : i32
    %dma_start3A_60 = tpu.memref_slice %arg3[%add3A_55, %dma_start3A_59] : memref<4000x80xi32, #tpu.memory_space<hbm>> -> memref<1x80xi32, #tpu.memory_space<hbm>>
    %dma_start3A_61 = tpu.memref_squeeze %dma_start3A_60 : memref<1x80xi32, #tpu.memory_space<hbm>> -> memref<80xi32, #tpu.memory_space<hbm>>
    tpu.enqueue_dma source(%dma_start3A_61 : memref<80xi32, #tpu.memory_space<hbm>>) target(%arg10 : memref<80xi32, #tpu.memory_space<vmem>>) target_semaphore(%arg22 : memref<!tpu.dma_semaphore, #tpu.memory_space<semaphore_mem>>)
    %add3A_62 = arith.constant 3 : i32
    %add3A_63 = arith.addi %mul3A_2, %add3A_62 : i32
    %dma_start3A_64 = arith.constant 0 : i32
    %dma_start3A_65 = tpu.memref_slice %arg4[%add3A_63, %dma_start3A_64] : memref<4000x80xi32, #tpu.memory_space<hbm>> -> memref<1x80xi32, #tpu.memory_space<hbm>>
    %dma_start3A_66 = tpu.memref_squeeze %dma_start3A_65 : memref<1x80xi32, #tpu.memory_space<hbm>> -> memref<80xi32, #tpu.memory_space<hbm>>
    %dma_start3A_67 = arith.constant 0 : i32
    %dma_start3A_68 = tpu.memref_slice %arg4[%add3A_63, %dma_start3A_67] : memref<4000x80xi32, #tpu.memory_space<hbm>> -> memref<1x80xi32, #tpu.memory_space<hbm>>
    %dma_start3A_69 = tpu.memref_squeeze %dma_start3A_68 : memref<1x80xi32, #tpu.memory_space<hbm>> -> memref<80xi32, #tpu.memory_space<hbm>>
    tpu.enqueue_dma source(%dma_start3A_69 : memref<80xi32, #tpu.memory_space<hbm>>) target(%arg14 : memref<80xi32, #tpu.memory_space<vmem>>) target_semaphore(%arg26 : memref<!tpu.dma_semaphore, #tpu.memory_space<semaphore_mem>>)
    %dma_wait3A = arith.constant 0 : i32
    %dma_wait3A_70 = tpu.memref_slice %arg3[%mul3A_2, %dma_wait3A] : memref<4000x80xi32, #tpu.memory_space<hbm>> -> memref<1x80xi32, #tpu.memory_space<hbm>>
    %dma_wait3A_71 = tpu.memref_squeeze %dma_wait3A_70 : memref<1x80xi32, #tpu.memory_space<hbm>> -> memref<80xi32, #tpu.memory_space<hbm>>
    %dma_wait3A_72 = arith.constant 0 : i32
    %dma_wait3A_73 = tpu.memref_slice %arg3[%mul3A_2, %dma_wait3A_72] : memref<4000x80xi32, #tpu.memory_space<hbm>> -> memref<1x80xi32, #tpu.memory_space<hbm>>
    %dma_wait3A_74 = tpu.memref_squeeze %dma_wait3A_73 : memref<1x80xi32, #tpu.memory_space<hbm>> -> memref<80xi32, #tpu.memory_space<hbm>>
    tpu.wait_dma2 semaphore(%arg19 : memref<!tpu.dma_semaphore, #tpu.memory_space<semaphore_mem>>) src(%dma_wait3A_74 : memref<80xi32, #tpu.memory_space<hbm>>) dst(%arg7 : memref<80xi32, #tpu.memory_space<vmem>>)
    %dma_start3A_75 = arith.constant 0 : i32
    %dma_start3A_76 = arith.constant 0 : i32
    %dma_start3A_77 = tpu.memref_slice %arg2[%dma_start3A_75, %dma_start3A_76] : memref<10000x128xf32, #tpu.memory_space<hbm>> -> memref<10000x128xf32, #tpu.memory_space<hbm>>
    tpu.enqueue_indirect_dma source(%dma_start3A_77 : memref<10000x128xf32, #tpu.memory_space<hbm>>) target(%arg15 : memref<80x128xf32, #tpu.memory_space<vmem>>) offsets(%arg7 : memref<80xi32, #tpu.memory_space<vmem>>) semaphore(%arg27 : memref<!tpu.dma_semaphore, #tpu.memory_space<semaphore_mem>>)
    %dma_wait3A_78 = arith.constant 0 : i32
    %dma_wait3A_79 = tpu.memref_slice %arg3[%mul3A_2, %dma_wait3A_78] : memref<4000x80xi32, #tpu.memory_space<hbm>> -> memref<1x80xi32, #tpu.memory_space<hbm>>
    %dma_wait3A_80 = tpu.memref_squeeze %dma_wait3A_79 : memref<1x80xi32, #tpu.memory_space<hbm>> -> memref<80xi32, #tpu.memory_space<hbm>>
    %dma_wait3A_81 = arith.constant 0 : i32
    %dma_wait3A_82 = tpu.memref_slice %arg3[%mul3A_2, %dma_wait3A_81] : memref<4000x80xi32, #tpu.memory_space<hbm>> -> memref<1x80xi32, #tpu.memory_space<hbm>>
    %dma_wait3A_83 = tpu.memref_squeeze %dma_wait3A_82 : memref<1x80xi32, #tpu.memory_space<hbm>> -> memref<80xi32, #tpu.memory_space<hbm>>
    tpu.wait_dma2 semaphore(%arg20 : memref<!tpu.dma_semaphore, #tpu.memory_space<semaphore_mem>>) src(%dma_wait3A_83 : memref<80xi32, #tpu.memory_space<hbm>>) dst(%arg8 : memref<80xi32, #tpu.memory_space<vmem>>)
    %dma_start3A_84 = arith.constant 0 : i32
    %dma_start3A_85 = arith.constant 0 : i32
    %dma_start3A_86 = tpu.memref_slice %arg2[%dma_start3A_84, %dma_start3A_85] : memref<10000x128xf32, #tpu.memory_space<hbm>> -> memref<10000x128xf32, #tpu.memory_space<hbm>>
    tpu.enqueue_indirect_dma source(%dma_start3A_86 : memref<10000x128xf32, #tpu.memory_space<hbm>>) target(%arg16 : memref<80x128xf32, #tpu.memory_space<vmem>>) offsets(%arg8 : memref<80xi32, #tpu.memory_space<vmem>>) semaphore(%arg28 : memref<!tpu.dma_semaphore, #tpu.memory_space<semaphore_mem>>)
    %dma_wait3A_87 = arith.constant 0 : i32
    %dma_wait3A_88 = tpu.memref_slice %arg3[%mul3A_2, %dma_wait3A_87] : memref<4000x80xi32, #tpu.memory_space<hbm>> -> memref<1x80xi32, #tpu.memory_space<hbm>>
    %dma_wait3A_89 = tpu.memref_squeeze %dma_wait3A_88 : memref<1x80xi32, #tpu.memory_space<hbm>> -> memref<80xi32, #tpu.memory_space<hbm>>
    %dma_wait3A_90 = arith.constant 0 : i32
    %dma_wait3A_91 = tpu.memref_slice %arg3[%mul3A_2, %dma_wait3A_90] : memref<4000x80xi32, #tpu.memory_space<hbm>> -> memref<1x80xi32, #tpu.memory_space<hbm>>
    %dma_wait3A_92 = tpu.memref_squeeze %dma_wait3A_91 : memref<1x80xi32, #tpu.memory_space<hbm>> -> memref<80xi32, #tpu.memory_space<hbm>>
    tpu.wait_dma2 semaphore(%arg21 : memref<!tpu.dma_semaphore, #tpu.memory_space<semaphore_mem>>) src(%dma_wait3A_92 : memref<80xi32, #tpu.memory_space<hbm>>) dst(%arg9 : memref<80xi32, #tpu.memory_space<vmem>>)
    %dma_start3A_93 = arith.constant 0 : i32
    %dma_start3A_94 = arith.constant 0 : i32
    %dma_start3A_95 = tpu.memref_slice %arg2[%dma_start3A_93, %dma_start3A_94] : memref<10000x128xf32, #tpu.memory_space<hbm>> -> memref<10000x128xf32, #tpu.memory_space<hbm>>
    tpu.enqueue_indirect_dma source(%dma_start3A_95 : memref<10000x128xf32, #tpu.memory_space<hbm>>) target(%arg17 : memref<80x128xf32, #tpu.memory_space<vmem>>) offsets(%arg9 : memref<80xi32, #tpu.memory_space<vmem>>) semaphore(%arg29 : memref<!tpu.dma_semaphore, #tpu.memory_space<semaphore_mem>>)
    %dma_wait3A_96 = arith.constant 0 : i32
    %dma_wait3A_97 = tpu.memref_slice %arg3[%mul3A_2, %dma_wait3A_96] : memref<4000x80xi32, #tpu.memory_space<hbm>> -> memref<1x80xi32, #tpu.memory_space<hbm>>
    %dma_wait3A_98 = tpu.memref_squeeze %dma_wait3A_97 : memref<1x80xi32, #tpu.memory_space<hbm>> -> memref<80xi32, #tpu.memory_space<hbm>>
    %dma_wait3A_99 = arith.constant 0 : i32
    %dma_wait3A_100 = tpu.memref_slice %arg3[%mul3A_2, %dma_wait3A_99] : memref<4000x80xi32, #tpu.memory_space<hbm>> -> memref<1x80xi32, #tpu.memory_space<hbm>>
    %dma_wait3A_101 = tpu.memref_squeeze %dma_wait3A_100 : memref<1x80xi32, #tpu.memory_space<hbm>> -> memref<80xi32, #tpu.memory_space<hbm>>
    tpu.wait_dma2 semaphore(%arg22 : memref<!tpu.dma_semaphore, #tpu.memory_space<semaphore_mem>>) src(%dma_wait3A_101 : memref<80xi32, #tpu.memory_space<hbm>>) dst(%arg10 : memref<80xi32, #tpu.memory_space<vmem>>)
    %dma_start3A_102 = arith.constant 0 : i32
    %dma_start3A_103 = arith.constant 0 : i32
    %dma_start3A_104 = tpu.memref_slice %arg2[%dma_start3A_102, %dma_start3A_103] : memref<10000x128xf32, #tpu.memory_space<hbm>> -> memref<10000x128xf32, #tpu.memory_space<hbm>>
    tpu.enqueue_indirect_dma source(%dma_start3A_104 : memref<10000x128xf32, #tpu.memory_space<hbm>>) target(%arg18 : memref<80x128xf32, #tpu.memory_space<vmem>>) offsets(%arg10 : memref<80xi32, #tpu.memory_space<vmem>>) semaphore(%arg30 : memref<!tpu.dma_semaphore, #tpu.memory_space<semaphore_mem>>)
    %scan3A = arith.constant 0 : i32
    %scan3A_105 = arith.constant 0 : i32
    %scan3A_106 = arith.constant 31 : i32
    %scan3A_107 = arith.addi %scan3A_105, %scan3A_106 : i32
    %scan3A_108 = arith.constant 1 : i32
    scf.for %scan3A_131 = %scan3A_105 to %scan3A_107 step %scan3A_108  : i32 {
      %mul3A_132 = arith.constant 4 : i32
      %mul3A_133 = arith.muli %scan3A_131, %mul3A_132 : i32
      %dma_wait3A_134 = arith.constant 0 : i32
      %dma_wait3A_135 = tpu.memref_slice %arg4[%mul3A_2, %dma_wait3A_134] : memref<4000x80xi32, #tpu.memory_space<hbm>> -> memref<1x80xi32, #tpu.memory_space<hbm>>
      %dma_wait3A_136 = tpu.memref_squeeze %dma_wait3A_135 : memref<1x80xi32, #tpu.memory_space<hbm>> -> memref<80xi32, #tpu.memory_space<hbm>>
      %dma_wait3A_137 = arith.constant 0 : i32
      %dma_wait3A_138 = tpu.memref_slice %arg4[%mul3A_2, %dma_wait3A_137] : memref<4000x80xi32, #tpu.memory_space<hbm>> -> memref<1x80xi32, #tpu.memory_space<hbm>>
      %dma_wait3A_139 = tpu.memref_squeeze %dma_wait3A_138 : memref<1x80xi32, #tpu.memory_space<hbm>> -> memref<80xi32, #tpu.memory_space<hbm>>
      tpu.wait_dma2 semaphore(%arg23 : memref<!tpu.dma_semaphore, #tpu.memory_space<semaphore_mem>>) src(%dma_wait3A_139 : memref<80xi32, #tpu.memory_space<hbm>>) dst(%arg11 : memref<80xi32, #tpu.memory_space<vmem>>)
      %dma_wait3A_140 = arith.constant 0 : i32
      %dma_wait3A_141 = arith.constant 0 : i32
      %dma_wait3A_142 = tpu.memref_slice %arg2[%dma_wait3A_140, %dma_wait3A_141] : memref<10000x128xf32, #tpu.memory_space<hbm>> -> memref<10000x128xf32, #tpu.memory_space<hbm>>
      tpu.wait_indirect_dma semaphore(%arg27 : memref<!tpu.dma_semaphore, #tpu.memory_space<semaphore_mem>>) src(%dma_wait3A_142 : memref<10000x128xf32, #tpu.memory_space<hbm>>) dst(%arg15 : memref<80x128xf32, #tpu.memory_space<vmem>>)
      %dma_start3A_143 = arith.constant 0 : i32
      %dma_start3A_144 = arith.constant 0 : i32
      %dma_start3A_145 = tpu.memref_slice %arg35[%dma_start3A_143, %dma_start3A_144] : memref<10000x128xf32, #tpu.memory_space<vmem_shared>> -> memref<10000x128xf32, #tpu.memory_space<vmem_shared>>
      tpu.enqueue_indirect_dma source(%arg15 : memref<80x128xf32, #tpu.memory_space<vmem>>) target(%dma_start3A_145 : memref<10000x128xf32, #tpu.memory_space<vmem_shared>>) offsets(%arg11 : memref<80xi32, #tpu.memory_space<vmem>>) semaphore(%arg31 : memref<!tpu.dma_semaphore, #tpu.memory_space<semaphore_mem>>) {add = true}
      %add3A_146 = arith.constant 4 : i32
      %add3A_147 = arith.addi %mul3A_133, %add3A_146 : i32
      %add3A_148 = arith.constant 0 : i32
      %add3A_149 = arith.addi %add3A_147, %add3A_148 : i32
      %lt3A = arith.constant 125 : i32
      %lt3A_150 = arith.cmpi slt, %add3A_149, %lt3A : i32
      %convert_element_type3A_151 = arith.extui %lt3A_150 : i1 to i32
      %cond3A_152 = arith.constant 0 : i32
      %cond3A_153 = arith.cmpi ne, %convert_element_type3A_151, %cond3A_152 : i32
      scf.if %cond3A_153 {
        %add3A_265 = arith.addi %mul3A_2, %add3A_149 : i32
        %dma_start3A_266 = arith.constant 0 : i32
        %dma_start3A_267 = tpu.memref_slice %arg3[%add3A_265, %dma_start3A_266] : memref<4000x80xi32, #tpu.memory_space<hbm>> -> memref<1x80xi32, #tpu.memory_space<hbm>>
        %dma_start3A_268 = tpu.memref_squeeze %dma_start3A_267 : memref<1x80xi32, #tpu.memory_space<hbm>> -> memref<80xi32, #tpu.memory_space<hbm>>
        %dma_start3A_269 = arith.constant 0 : i32
        %dma_start3A_270 = tpu.memref_slice %arg3[%add3A_265, %dma_start3A_269] : memref<4000x80xi32, #tpu.memory_space<hbm>> -> memref<1x80xi32, #tpu.memory_space<hbm>>
        %dma_start3A_271 = tpu.memref_squeeze %dma_start3A_270 : memref<1x80xi32, #tpu.memory_space<hbm>> -> memref<80xi32, #tpu.memory_space<hbm>>
        tpu.enqueue_dma source(%dma_start3A_271 : memref<80xi32, #tpu.memory_space<hbm>>) target(%arg7 : memref<80xi32, #tpu.memory_space<vmem>>) target_semaphore(%arg19 : memref<!tpu.dma_semaphore, #tpu.memory_space<semaphore_mem>>)
      } else {
      }
      %dma_wait3A_154 = arith.constant 0 : i32
      %dma_wait3A_155 = tpu.memref_slice %arg4[%mul3A_2, %dma_wait3A_154] : memref<4000x80xi32, #tpu.memory_space<hbm>> -> memref<1x80xi32, #tpu.memory_space<hbm>>
      %dma_wait3A_156 = tpu.memref_squeeze %dma_wait3A_155 : memref<1x80xi32, #tpu.memory_space<hbm>> -> memref<80xi32, #tpu.memory_space<hbm>>
      %dma_wait3A_157 = arith.constant 0 : i32
      %dma_wait3A_158 = tpu.memref_slice %arg4[%mul3A_2, %dma_wait3A_157] : memref<4000x80xi32, #tpu.memory_space<hbm>> -> memref<1x80xi32, #tpu.memory_space<hbm>>
      %dma_wait3A_159 = tpu.memref_squeeze %dma_wait3A_158 : memref<1x80xi32, #tpu.memory_space<hbm>> -> memref<80xi32, #tpu.memory_space<hbm>>
      tpu.wait_dma2 semaphore(%arg24 : memref<!tpu.dma_semaphore, #tpu.memory_space<semaphore_mem>>) src(%dma_wait3A_159 : memref<80xi32, #tpu.memory_space<hbm>>) dst(%arg12 : memref<80xi32, #tpu.memory_space<vmem>>)
      %dma_wait3A_160 = arith.constant 0 : i32
      %dma_wait3A_161 = arith.constant 0 : i32
      %dma_wait3A_162 = tpu.memref_slice %arg2[%dma_wait3A_160, %dma_wait3A_161] : memref<10000x128xf32, #tpu.memory_space<hbm>> -> memref<10000x128xf32, #tpu.memory_space<hbm>>
      tpu.wait_indirect_dma semaphore(%arg28 : memref<!tpu.dma_semaphore, #tpu.memory_space<semaphore_mem>>) src(%dma_wait3A_162 : memref<10000x128xf32, #tpu.memory_space<hbm>>) dst(%arg16 : memref<80x128xf32, #tpu.memory_space<vmem>>)
      %dma_start3A_163 = arith.constant 0 : i32
      %dma_start3A_164 = arith.constant 0 : i32
      %dma_start3A_165 = tpu.memref_slice %arg35[%dma_start3A_163, %dma_start3A_164] : memref<10000x128xf32, #tpu.memory_space<vmem_shared>> -> memref<10000x128xf32, #tpu.memory_space<vmem_shared>>
      tpu.enqueue_indirect_dma source(%arg16 : memref<80x128xf32, #tpu.memory_space<vmem>>) target(%dma_start3A_165 : memref<10000x128xf32, #tpu.memory_space<vmem_shared>>) offsets(%arg12 : memref<80xi32, #tpu.memory_space<vmem>>) semaphore(%arg32 : memref<!tpu.dma_semaphore, #tpu.memory_space<semaphore_mem>>) {add = true}
      %add3A_166 = arith.constant 4 : i32
      %add3A_167 = arith.addi %mul3A_133, %add3A_166 : i32
      %add3A_168 = arith.constant 1 : i32
      %add3A_169 = arith.addi %add3A_167, %add3A_168 : i32
      %lt3A_170 = arith.constant 125 : i32
      %lt3A_171 = arith.cmpi slt, %add3A_169, %lt3A_170 : i32
      %convert_element_type3A_172 = arith.extui %lt3A_171 : i1 to i32
      %cond3A_173 = arith.constant 0 : i32
      %cond3A_174 = arith.cmpi ne, %convert_element_type3A_172, %cond3A_173 : i32
      scf.if %cond3A_174 {
        %add3A_265 = arith.addi %mul3A_2, %add3A_169 : i32
        %dma_start3A_266 = arith.constant 0 : i32
        %dma_start3A_267 = tpu.memref_slice %arg3[%add3A_265, %dma_start3A_266] : memref<4000x80xi32, #tpu.memory_space<hbm>> -> memref<1x80xi32, #tpu.memory_space<hbm>>
        %dma_start3A_268 = tpu.memref_squeeze %dma_start3A_267 : memref<1x80xi32, #tpu.memory_space<hbm>> -> memref<80xi32, #tpu.memory_space<hbm>>
        %dma_start3A_269 = arith.constant 0 : i32
        %dma_start3A_270 = tpu.memref_slice %arg3[%add3A_265, %dma_start3A_269] : memref<4000x80xi32, #tpu.memory_space<hbm>> -> memref<1x80xi32, #tpu.memory_space<hbm>>
        %dma_start3A_271 = tpu.memref_squeeze %dma_start3A_270 : memref<1x80xi32, #tpu.memory_space<hbm>> -> memref<80xi32, #tpu.memory_space<hbm>>
        tpu.enqueue_dma source(%dma_start3A_271 : memref<80xi32, #tpu.memory_space<hbm>>) target(%arg8 : memref<80xi32, #tpu.memory_space<vmem>>) target_semaphore(%arg20 : memref<!tpu.dma_semaphore, #tpu.memory_space<semaphore_mem>>)
      } else {
      }
      %dma_wait3A_175 = arith.constant 0 : i32
      %dma_wait3A_176 = tpu.memref_slice %arg4[%mul3A_2, %dma_wait3A_175] : memref<4000x80xi32, #tpu.memory_space<hbm>> -> memref<1x80xi32, #tpu.memory_space<hbm>>
      %dma_wait3A_177 = tpu.memref_squeeze %dma_wait3A_176 : memref<1x80xi32, #tpu.memory_space<hbm>> -> memref<80xi32, #tpu.memory_space<hbm>>
      %dma_wait3A_178 = arith.constant 0 : i32
      %dma_wait3A_179 = tpu.memref_slice %arg4[%mul3A_2, %dma_wait3A_178] : memref<4000x80xi32, #tpu.memory_space<hbm>> -> memref<1x80xi32, #tpu.memory_space<hbm>>
      %dma_wait3A_180 = tpu.memref_squeeze %dma_wait3A_179 : memref<1x80xi32, #tpu.memory_space<hbm>> -> memref<80xi32, #tpu.memory_space<hbm>>
      tpu.wait_dma2 semaphore(%arg25 : memref<!tpu.dma_semaphore, #tpu.memory_space<semaphore_mem>>) src(%dma_wait3A_180 : memref<80xi32, #tpu.memory_space<hbm>>) dst(%arg13 : memref<80xi32, #tpu.memory_space<vmem>>)
      %dma_wait3A_181 = arith.constant 0 : i32
      %dma_wait3A_182 = arith.constant 0 : i32
      %dma_wait3A_183 = tpu.memref_slice %arg2[%dma_wait3A_181, %dma_wait3A_182] : memref<10000x128xf32, #tpu.memory_space<hbm>> -> memref<10000x128xf32, #tpu.memory_space<hbm>>
      tpu.wait_indirect_dma semaphore(%arg29 : memref<!tpu.dma_semaphore, #tpu.memory_space<semaphore_mem>>) src(%dma_wait3A_183 : memref<10000x128xf32, #tpu.memory_space<hbm>>) dst(%arg17 : memref<80x128xf32, #tpu.memory_space<vmem>>)
      %dma_start3A_184 = arith.constant 0 : i32
      %dma_start3A_185 = arith.constant 0 : i32
      %dma_start3A_186 = tpu.memref_slice %arg35[%dma_start3A_184, %dma_start3A_185] : memref<10000x128xf32, #tpu.memory_space<vmem_shared>> -> memref<10000x128xf32, #tpu.memory_space<vmem_shared>>
      tpu.enqueue_indirect_dma source(%arg17 : memref<80x128xf32, #tpu.memory_space<vmem>>) target(%dma_start3A_186 : memref<10000x128xf32, #tpu.memory_space<vmem_shared>>) offsets(%arg13 : memref<80xi32, #tpu.memory_space<vmem>>) semaphore(%arg33 : memref<!tpu.dma_semaphore, #tpu.memory_space<semaphore_mem>>) {add = true}
      %add3A_187 = arith.constant 4 : i32
      %add3A_188 = arith.addi %mul3A_133, %add3A_187 : i32
      %add3A_189 = arith.constant 2 : i32
      %add3A_190 = arith.addi %add3A_188, %add3A_189 : i32
      %lt3A_191 = arith.constant 125 : i32
      %lt3A_192 = arith.cmpi slt, %add3A_190, %lt3A_191 : i32
      %convert_element_type3A_193 = arith.extui %lt3A_192 : i1 to i32
      %cond3A_194 = arith.constant 0 : i32
      %cond3A_195 = arith.cmpi ne, %convert_element_type3A_193, %cond3A_194 : i32
      scf.if %cond3A_195 {
        %add3A_265 = arith.addi %mul3A_2, %add3A_190 : i32
        %dma_start3A_266 = arith.constant 0 : i32
        %dma_start3A_267 = tpu.memref_slice %arg3[%add3A_265, %dma_start3A_266] : memref<4000x80xi32, #tpu.memory_space<hbm>> -> memref<1x80xi32, #tpu.memory_space<hbm>>
        %dma_start3A_268 = tpu.memref_squeeze %dma_start3A_267 : memref<1x80xi32, #tpu.memory_space<hbm>> -> memref<80xi32, #tpu.memory_space<hbm>>
        %dma_start3A_269 = arith.constant 0 : i32
        %dma_start3A_270 = tpu.memref_slice %arg3[%add3A_265, %dma_start3A_269] : memref<4000x80xi32, #tpu.memory_space<hbm>> -> memref<1x80xi32, #tpu.memory_space<hbm>>
        %dma_start3A_271 = tpu.memref_squeeze %dma_start3A_270 : memref<1x80xi32, #tpu.memory_space<hbm>> -> memref<80xi32, #tpu.memory_space<hbm>>
        tpu.enqueue_dma source(%dma_start3A_271 : memref<80xi32, #tpu.memory_space<hbm>>) target(%arg9 : memref<80xi32, #tpu.memory_space<vmem>>) target_semaphore(%arg21 : memref<!tpu.dma_semaphore, #tpu.memory_space<semaphore_mem>>)
      } else {
      }
      %dma_wait3A_196 = arith.constant 0 : i32
      %dma_wait3A_197 = tpu.memref_slice %arg4[%mul3A_2, %dma_wait3A_196] : memref<4000x80xi32, #tpu.memory_space<hbm>> -> memref<1x80xi32, #tpu.memory_space<hbm>>
      %dma_wait3A_198 = tpu.memref_squeeze %dma_wait3A_197 : memref<1x80xi32, #tpu.memory_space<hbm>> -> memref<80xi32, #tpu.memory_space<hbm>>
      %dma_wait3A_199 = arith.constant 0 : i32
      %dma_wait3A_200 = tpu.memref_slice %arg4[%mul3A_2, %dma_wait3A_199] : memref<4000x80xi32, #tpu.memory_space<hbm>> -> memref<1x80xi32, #tpu.memory_space<hbm>>
      %dma_wait3A_201 = tpu.memref_squeeze %dma_wait3A_200 : memref<1x80xi32, #tpu.memory_space<hbm>> -> memref<80xi32, #tpu.memory_space<hbm>>
      tpu.wait_dma2 semaphore(%arg26 : memref<!tpu.dma_semaphore, #tpu.memory_space<semaphore_mem>>) src(%dma_wait3A_201 : memref<80xi32, #tpu.memory_space<hbm>>) dst(%arg14 : memref<80xi32, #tpu.memory_space<vmem>>)
      %dma_wait3A_202 = arith.constant 0 : i32
      %dma_wait3A_203 = arith.constant 0 : i32
      %dma_wait3A_204 = tpu.memref_slice %arg2[%dma_wait3A_202, %dma_wait3A_203] : memref<10000x128xf32, #tpu.memory_space<hbm>> -> memref<10000x128xf32, #tpu.memory_space<hbm>>
      tpu.wait_indirect_dma semaphore(%arg30 : memref<!tpu.dma_semaphore, #tpu.memory_space<semaphore_mem>>) src(%dma_wait3A_204 : memref<10000x128xf32, #tpu.memory_space<hbm>>) dst(%arg18 : memref<80x128xf32, #tpu.memory_space<vmem>>)
      %dma_start3A_205 = arith.constant 0 : i32
      %dma_start3A_206 = arith.constant 0 : i32
      %dma_start3A_207 = tpu.memref_slice %arg35[%dma_start3A_205, %dma_start3A_206] : memref<10000x128xf32, #tpu.memory_space<vmem_shared>> -> memref<10000x128xf32, #tpu.memory_space<vmem_shared>>
      tpu.enqueue_indirect_dma source(%arg18 : memref<80x128xf32, #tpu.memory_space<vmem>>) target(%dma_start3A_207 : memref<10000x128xf32, #tpu.memory_space<vmem_shared>>) offsets(%arg14 : memref<80xi32, #tpu.memory_space<vmem>>) semaphore(%arg34 : memref<!tpu.dma_semaphore, #tpu.memory_space<semaphore_mem>>) {add = true}
      %add3A_208 = arith.constant 4 : i32
      %add3A_209 = arith.addi %mul3A_133, %add3A_208 : i32
      %add3A_210 = arith.constant 3 : i32
      %add3A_211 = arith.addi %add3A_209, %add3A_210 : i32
      %lt3A_212 = arith.constant 125 : i32
      %lt3A_213 = arith.cmpi slt, %add3A_211, %lt3A_212 : i32
      %convert_element_type3A_214 = arith.extui %lt3A_213 : i1 to i32
      %cond3A_215 = arith.constant 0 : i32
      %cond3A_216 = arith.cmpi ne, %convert_element_type3A_214, %cond3A_215 : i32
      scf.if %cond3A_216 {
        %add3A_265 = arith.addi %mul3A_2, %add3A_211 : i32
        %dma_start3A_266 = arith.constant 0 : i32
        %dma_start3A_267 = tpu.memref_slice %arg3[%add3A_265, %dma_start3A_266] : memref<4000x80xi32, #tpu.memory_space<hbm>> -> memref<1x80xi32, #tpu.memory_space<hbm>>
        %dma_start3A_268 = tpu.memref_squeeze %dma_start3A_267 : memref<1x80xi32, #tpu.memory_space<hbm>> -> memref<80xi32, #tpu.memory_space<hbm>>
        %dma_start3A_269 = arith.constant 0 : i32
        %dma_start3A_270 = tpu.memref_slice %arg3[%add3A_265, %dma_start3A_269] : memref<4000x80xi32, #tpu.memory_space<hbm>> -> memref<1x80xi32, #tpu.memory_space<hbm>>
        %dma_start3A_271 = tpu.memref_squeeze %dma_start3A_270 : memref<1x80xi32, #tpu.memory_space<hbm>> -> memref<80xi32, #tpu.memory_space<hbm>>
        tpu.enqueue_dma source(%dma_start3A_271 : memref<80xi32, #tpu.memory_space<hbm>>) target(%arg10 : memref<80xi32, #tpu.memory_space<vmem>>) target_semaphore(%arg22 : memref<!tpu.dma_semaphore, #tpu.memory_space<semaphore_mem>>)
      } else {
      }
      %add3A_217 = arith.constant 4 : i32
      %add3A_218 = arith.addi %mul3A_133, %add3A_217 : i32
      %add3A_219 = arith.constant 0 : i32
      %add3A_220 = arith.addi %add3A_218, %add3A_219 : i32
      %dma_wait3A_221 = arith.constant 0 : i32
      %dma_wait3A_222 = arith.constant 0 : i32
      %dma_wait3A_223 = tpu.memref_slice %arg35[%dma_wait3A_221, %dma_wait3A_222] : memref<10000x128xf32, #tpu.memory_space<vmem_shared>> -> memref<10000x128xf32, #tpu.memory_space<vmem_shared>>
      tpu.wait_indirect_dma semaphore(%arg31 : memref<!tpu.dma_semaphore, #tpu.memory_space<semaphore_mem>>) src(%arg15 : memref<80x128xf32, #tpu.memory_space<vmem>>) dst(%dma_wait3A_223 : memref<10000x128xf32, #tpu.memory_space<vmem_shared>>)
      %lt3A_224 = arith.constant 125 : i32
      %lt3A_225 = arith.cmpi slt, %add3A_220, %lt3A_224 : i32
      %convert_element_type3A_226 = arith.extui %lt3A_225 : i1 to i32
      %cond3A_227 = arith.constant 0 : i32
      %cond3A_228 = arith.cmpi ne, %convert_element_type3A_226, %cond3A_227 : i32
      scf.if %cond3A_228 {
        %add3A_265 = arith.addi %mul3A_2, %add3A_220 : i32
        %dma_start3A_266 = arith.constant 0 : i32
        %dma_start3A_267 = tpu.memref_slice %arg4[%add3A_265, %dma_start3A_266] : memref<4000x80xi32, #tpu.memory_space<hbm>> -> memref<1x80xi32, #tpu.memory_space<hbm>>
        %dma_start3A_268 = tpu.memref_squeeze %dma_start3A_267 : memref<1x80xi32, #tpu.memory_space<hbm>> -> memref<80xi32, #tpu.memory_space<hbm>>
        %dma_start3A_269 = arith.constant 0 : i32
        %dma_start3A_270 = tpu.memref_slice %arg4[%add3A_265, %dma_start3A_269] : memref<4000x80xi32, #tpu.memory_space<hbm>> -> memref<1x80xi32, #tpu.memory_space<hbm>>
        %dma_start3A_271 = tpu.memref_squeeze %dma_start3A_270 : memref<1x80xi32, #tpu.memory_space<hbm>> -> memref<80xi32, #tpu.memory_space<hbm>>
        tpu.enqueue_dma source(%dma_start3A_271 : memref<80xi32, #tpu.memory_space<hbm>>) target(%arg11 : memref<80xi32, #tpu.memory_space<vmem>>) target_semaphore(%arg23 : memref<!tpu.dma_semaphore, #tpu.memory_space<semaphore_mem>>)
        %dma_wait3A_272 = arith.constant 0 : i32
        %dma_wait3A_273 = tpu.memref_slice %arg3[%mul3A_2, %dma_wait3A_272] : memref<4000x80xi32, #tpu.memory_space<hbm>> -> memref<1x80xi32, #tpu.memory_space<hbm>>
        %dma_wait3A_274 = tpu.memref_squeeze %dma_wait3A_273 : memref<1x80xi32, #tpu.memory_space<hbm>> -> memref<80xi32, #tpu.memory_space<hbm>>
        %dma_wait3A_275 = arith.constant 0 : i32
        %dma_wait3A_276 = tpu.memref_slice %arg3[%mul3A_2, %dma_wait3A_275] : memref<4000x80xi32, #tpu.memory_space<hbm>> -> memref<1x80xi32, #tpu.memory_space<hbm>>
        %dma_wait3A_277 = tpu.memref_squeeze %dma_wait3A_276 : memref<1x80xi32, #tpu.memory_space<hbm>> -> memref<80xi32, #tpu.memory_space<hbm>>
        tpu.wait_dma2 semaphore(%arg19 : memref<!tpu.dma_semaphore, #tpu.memory_space<semaphore_mem>>) src(%dma_wait3A_277 : memref<80xi32, #tpu.memory_space<hbm>>) dst(%arg7 : memref<80xi32, #tpu.memory_space<vmem>>)
        %dma_start3A_278 = arith.constant 0 : i32
        %dma_start3A_279 = arith.constant 0 : i32
        %dma_start3A_280 = tpu.memref_slice %arg2[%dma_start3A_278, %dma_start3A_279] : memref<10000x128xf32, #tpu.memory_space<hbm>> -> memref<10000x128xf32, #tpu.memory_space<hbm>>
        tpu.enqueue_indirect_dma source(%dma_start3A_280 : memref<10000x128xf32, #tpu.memory_space<hbm>>) target(%arg15 : memref<80x128xf32, #tpu.memory_space<vmem>>) offsets(%arg7 : memref<80xi32, #tpu.memory_space<vmem>>) semaphore(%arg27 : memref<!tpu.dma_semaphore, #tpu.memory_space<semaphore_mem>>)
      } else {
      }
      %add3A_229 = arith.constant 4 : i32
      %add3A_230 = arith.addi %mul3A_133, %add3A_229 : i32
      %add3A_231 = arith.constant 1 : i32
      %add3A_232 = arith.addi %add3A_230, %add3A_231 : i32
      %dma_wait3A_233 = arith.constant 0 : i32
      %dma_wait3A_234 = arith.constant 0 : i32
      %dma_wait3A_235 = tpu.memref_slice %arg35[%dma_wait3A_233, %dma_wait3A_234] : memref<10000x128xf32, #tpu.memory_space<vmem_shared>> -> memref<10000x128xf32, #tpu.memory_space<vmem_shared>>
      tpu.wait_indirect_dma semaphore(%arg32 : memref<!tpu.dma_semaphore, #tpu.memory_space<semaphore_mem>>) src(%arg16 : memref<80x128xf32, #tpu.memory_space<vmem>>) dst(%dma_wait3A_235 : memref<10000x128xf32, #tpu.memory_space<vmem_shared>>)
      %lt3A_236 = arith.constant 125 : i32
      %lt3A_237 = arith.cmpi slt, %add3A_232, %lt3A_236 : i32
      %convert_element_type3A_238 = arith.extui %lt3A_237 : i1 to i32
      %cond3A_239 = arith.constant 0 : i32
      %cond3A_240 = arith.cmpi ne, %convert_element_type3A_238, %cond3A_239 : i32
      scf.if %cond3A_240 {
        %add3A_265 = arith.addi %mul3A_2, %add3A_232 : i32
        %dma_start3A_266 = arith.constant 0 : i32
        %dma_start3A_267 = tpu.memref_slice %arg4[%add3A_265, %dma_start3A_266] : memref<4000x80xi32, #tpu.memory_space<hbm>> -> memref<1x80xi32, #tpu.memory_space<hbm>>
        %dma_start3A_268 = tpu.memref_squeeze %dma_start3A_267 : memref<1x80xi32, #tpu.memory_space<hbm>> -> memref<80xi32, #tpu.memory_space<hbm>>
        %dma_start3A_269 = arith.constant 0 : i32
        %dma_start3A_270 = tpu.memref_slice %arg4[%add3A_265, %dma_start3A_269] : memref<4000x80xi32, #tpu.memory_space<hbm>> -> memref<1x80xi32, #tpu.memory_space<hbm>>
        %dma_start3A_271 = tpu.memref_squeeze %dma_start3A_270 : memref<1x80xi32, #tpu.memory_space<hbm>> -> memref<80xi32, #tpu.memory_space<hbm>>
        tpu.enqueue_dma source(%dma_start3A_271 : memref<80xi32, #tpu.memory_space<hbm>>) target(%arg12 : memref<80xi32, #tpu.memory_space<vmem>>) target_semaphore(%arg24 : memref<!tpu.dma_semaphore, #tpu.memory_space<semaphore_mem>>)
        %dma_wait3A_272 = arith.constant 0 : i32
        %dma_wait3A_273 = tpu.memref_slice %arg3[%mul3A_2, %dma_wait3A_272] : memref<4000x80xi32, #tpu.memory_space<hbm>> -> memref<1x80xi32, #tpu.memory_space<hbm>>
        %dma_wait3A_274 = tpu.memref_squeeze %dma_wait3A_273 : memref<1x80xi32, #tpu.memory_space<hbm>> -> memref<80xi32, #tpu.memory_space<hbm>>
        %dma_wait3A_275 = arith.constant 0 : i32
        %dma_wait3A_276 = tpu.memref_slice %arg3[%mul3A_2, %dma_wait3A_275] : memref<4000x80xi32, #tpu.memory_space<hbm>> -> memref<1x80xi32, #tpu.memory_space<hbm>>
        %dma_wait3A_277 = tpu.memref_squeeze %dma_wait3A_276 : memref<1x80xi32, #tpu.memory_space<hbm>> -> memref<80xi32, #tpu.memory_space<hbm>>
        tpu.wait_dma2 semaphore(%arg20 : memref<!tpu.dma_semaphore, #tpu.memory_space<semaphore_mem>>) src(%dma_wait3A_277 : memref<80xi32, #tpu.memory_space<hbm>>) dst(%arg8 : memref<80xi32, #tpu.memory_space<vmem>>)
        %dma_start3A_278 = arith.constant 0 : i32
        %dma_start3A_279 = arith.constant 0 : i32
        %dma_start3A_280 = tpu.memref_slice %arg2[%dma_start3A_278, %dma_start3A_279] : memref<10000x128xf32, #tpu.memory_space<hbm>> -> memref<10000x128xf32, #tpu.memory_space<hbm>>
        tpu.enqueue_indirect_dma source(%dma_start3A_280 : memref<10000x128xf32, #tpu.memory_space<hbm>>) target(%arg16 : memref<80x128xf32, #tpu.memory_space<vmem>>) offsets(%arg8 : memref<80xi32, #tpu.memory_space<vmem>>) semaphore(%arg28 : memref<!tpu.dma_semaphore, #tpu.memory_space<semaphore_mem>>)
      } else {
      }
      %add3A_241 = arith.constant 4 : i32
      %add3A_242 = arith.addi %mul3A_133, %add3A_241 : i32
      %add3A_243 = arith.constant 2 : i32
      %add3A_244 = arith.addi %add3A_242, %add3A_243 : i32
      %dma_wait3A_245 = arith.constant 0 : i32
      %dma_wait3A_246 = arith.constant 0 : i32
      %dma_wait3A_247 = tpu.memref_slice %arg35[%dma_wait3A_245, %dma_wait3A_246] : memref<10000x128xf32, #tpu.memory_space<vmem_shared>> -> memref<10000x128xf32, #tpu.memory_space<vmem_shared>>
      tpu.wait_indirect_dma semaphore(%arg33 : memref<!tpu.dma_semaphore, #tpu.memory_space<semaphore_mem>>) src(%arg17 : memref<80x128xf32, #tpu.memory_space<vmem>>) dst(%dma_wait3A_247 : memref<10000x128xf32, #tpu.memory_space<vmem_shared>>)
      %lt3A_248 = arith.constant 125 : i32
      %lt3A_249 = arith.cmpi slt, %add3A_244, %lt3A_248 : i32
      %convert_element_type3A_250 = arith.extui %lt3A_249 : i1 to i32
      %cond3A_251 = arith.constant 0 : i32
      %cond3A_252 = arith.cmpi ne, %convert_element_type3A_250, %cond3A_251 : i32
      scf.if %cond3A_252 {
        %add3A_265 = arith.addi %mul3A_2, %add3A_244 : i32
        %dma_start3A_266 = arith.constant 0 : i32
        %dma_start3A_267 = tpu.memref_slice %arg4[%add3A_265, %dma_start3A_266] : memref<4000x80xi32, #tpu.memory_space<hbm>> -> memref<1x80xi32, #tpu.memory_space<hbm>>
        %dma_start3A_268 = tpu.memref_squeeze %dma_start3A_267 : memref<1x80xi32, #tpu.memory_space<hbm>> -> memref<80xi32, #tpu.memory_space<hbm>>
        %dma_start3A_269 = arith.constant 0 : i32
        %dma_start3A_270 = tpu.memref_slice %arg4[%add3A_265, %dma_start3A_269] : memref<4000x80xi32, #tpu.memory_space<hbm>> -> memref<1x80xi32, #tpu.memory_space<hbm>>
        %dma_start3A_271 = tpu.memref_squeeze %dma_start3A_270 : memref<1x80xi32, #tpu.memory_space<hbm>> -> memref<80xi32, #tpu.memory_space<hbm>>
        tpu.enqueue_dma source(%dma_start3A_271 : memref<80xi32, #tpu.memory_space<hbm>>) target(%arg13 : memref<80xi32, #tpu.memory_space<vmem>>) target_semaphore(%arg25 : memref<!tpu.dma_semaphore, #tpu.memory_space<semaphore_mem>>)
        %dma_wait3A_272 = arith.constant 0 : i32
        %dma_wait3A_273 = tpu.memref_slice %arg3[%mul3A_2, %dma_wait3A_272] : memref<4000x80xi32, #tpu.memory_space<hbm>> -> memref<1x80xi32, #tpu.memory_space<hbm>>
        %dma_wait3A_274 = tpu.memref_squeeze %dma_wait3A_273 : memref<1x80xi32, #tpu.memory_space<hbm>> -> memref<80xi32, #tpu.memory_space<hbm>>
        %dma_wait3A_275 = arith.constant 0 : i32
        %dma_wait3A_276 = tpu.memref_slice %arg3[%mul3A_2, %dma_wait3A_275] : memref<4000x80xi32, #tpu.memory_space<hbm>> -> memref<1x80xi32, #tpu.memory_space<hbm>>
        %dma_wait3A_277 = tpu.memref_squeeze %dma_wait3A_276 : memref<1x80xi32, #tpu.memory_space<hbm>> -> memref<80xi32, #tpu.memory_space<hbm>>
        tpu.wait_dma2 semaphore(%arg21 : memref<!tpu.dma_semaphore, #tpu.memory_space<semaphore_mem>>) src(%dma_wait3A_277 : memref<80xi32, #tpu.memory_space<hbm>>) dst(%arg9 : memref<80xi32, #tpu.memory_space<vmem>>)
        %dma_start3A_278 = arith.constant 0 : i32
        %dma_start3A_279 = arith.constant 0 : i32
        %dma_start3A_280 = tpu.memref_slice %arg2[%dma_start3A_278, %dma_start3A_279] : memref<10000x128xf32, #tpu.memory_space<hbm>> -> memref<10000x128xf32, #tpu.memory_space<hbm>>
        tpu.enqueue_indirect_dma source(%dma_start3A_280 : memref<10000x128xf32, #tpu.memory_space<hbm>>) target(%arg17 : memref<80x128xf32, #tpu.memory_space<vmem>>) offsets(%arg9 : memref<80xi32, #tpu.memory_space<vmem>>) semaphore(%arg29 : memref<!tpu.dma_semaphore, #tpu.memory_space<semaphore_mem>>)
      } else {
      }
      %add3A_253 = arith.constant 4 : i32
      %add3A_254 = arith.addi %mul3A_133, %add3A_253 : i32
      %add3A_255 = arith.constant 3 : i32
      %add3A_256 = arith.addi %add3A_254, %add3A_255 : i32
      %dma_wait3A_257 = arith.constant 0 : i32
      %dma_wait3A_258 = arith.constant 0 : i32
      %dma_wait3A_259 = tpu.memref_slice %arg35[%dma_wait3A_257, %dma_wait3A_258] : memref<10000x128xf32, #tpu.memory_space<vmem_shared>> -> memref<10000x128xf32, #tpu.memory_space<vmem_shared>>
      tpu.wait_indirect_dma semaphore(%arg34 : memref<!tpu.dma_semaphore, #tpu.memory_space<semaphore_mem>>) src(%arg18 : memref<80x128xf32, #tpu.memory_space<vmem>>) dst(%dma_wait3A_259 : memref<10000x128xf32, #tpu.memory_space<vmem_shared>>)
      %lt3A_260 = arith.constant 125 : i32
      %lt3A_261 = arith.cmpi slt, %add3A_256, %lt3A_260 : i32
      %convert_element_type3A_262 = arith.extui %lt3A_261 : i1 to i32
      %cond3A_263 = arith.constant 0 : i32
      %cond3A_264 = arith.cmpi ne, %convert_element_type3A_262, %cond3A_263 : i32
      scf.if %cond3A_264 {
        %add3A_265 = arith.addi %mul3A_2, %add3A_256 : i32
        %dma_start3A_266 = arith.constant 0 : i32
        %dma_start3A_267 = tpu.memref_slice %arg4[%add3A_265, %dma_start3A_266] : memref<4000x80xi32, #tpu.memory_space<hbm>> -> memref<1x80xi32, #tpu.memory_space<hbm>>
        %dma_start3A_268 = tpu.memref_squeeze %dma_start3A_267 : memref<1x80xi32, #tpu.memory_space<hbm>> -> memref<80xi32, #tpu.memory_space<hbm>>
        %dma_start3A_269 = arith.constant 0 : i32
        %dma_start3A_270 = tpu.memref_slice %arg4[%add3A_265, %dma_start3A_269] : memref<4000x80xi32, #tpu.memory_space<hbm>> -> memref<1x80xi32, #tpu.memory_space<hbm>>
        %dma_start3A_271 = tpu.memref_squeeze %dma_start3A_270 : memref<1x80xi32, #tpu.memory_space<hbm>> -> memref<80xi32, #tpu.memory_space<hbm>>
        tpu.enqueue_dma source(%dma_start3A_271 : memref<80xi32, #tpu.memory_space<hbm>>) target(%arg14 : memref<80xi32, #tpu.memory_space<vmem>>) target_semaphore(%arg26 : memref<!tpu.dma_semaphore, #tpu.memory_space<semaphore_mem>>)
        %dma_wait3A_272 = arith.constant 0 : i32
        %dma_wait3A_273 = tpu.memref_slice %arg3[%mul3A_2, %dma_wait3A_272] : memref<4000x80xi32, #tpu.memory_space<hbm>> -> memref<1x80xi32, #tpu.memory_space<hbm>>
        %dma_wait3A_274 = tpu.memref_squeeze %dma_wait3A_273 : memref<1x80xi32, #tpu.memory_space<hbm>> -> memref<80xi32, #tpu.memory_space<hbm>>
        %dma_wait3A_275 = arith.constant 0 : i32
        %dma_wait3A_276 = tpu.memref_slice %arg3[%mul3A_2, %dma_wait3A_275] : memref<4000x80xi32, #tpu.memory_space<hbm>> -> memref<1x80xi32, #tpu.memory_space<hbm>>
        %dma_wait3A_277 = tpu.memref_squeeze %dma_wait3A_276 : memref<1x80xi32, #tpu.memory_space<hbm>> -> memref<80xi32, #tpu.memory_space<hbm>>
        tpu.wait_dma2 semaphore(%arg22 : memref<!tpu.dma_semaphore, #tpu.memory_space<semaphore_mem>>) src(%dma_wait3A_277 : memref<80xi32, #tpu.memory_space<hbm>>) dst(%arg10 : memref<80xi32, #tpu.memory_space<vmem>>)
        %dma_start3A_278 = arith.constant 0 : i32
        %dma_start3A_279 = arith.constant 0 : i32
        %dma_start3A_280 = tpu.memref_slice %arg2[%dma_start3A_278, %dma_start3A_279] : memref<10000x128xf32, #tpu.memory_space<hbm>> -> memref<10000x128xf32, #tpu.memory_space<hbm>>
        tpu.enqueue_indirect_dma source(%dma_start3A_280 : memref<10000x128xf32, #tpu.memory_space<hbm>>) target(%arg18 : memref<80x128xf32, #tpu.memory_space<vmem>>) offsets(%arg10 : memref<80xi32, #tpu.memory_space<vmem>>) semaphore(%arg30 : memref<!tpu.dma_semaphore, #tpu.memory_space<semaphore_mem>>)
      } else {
      }
    }
    %scan3A_109 = arith.constant 31 : i32
    %dma_wait3A_110 = arith.constant 0 : i32
    %dma_wait3A_111 = tpu.memref_slice %arg4[%mul3A_2, %dma_wait3A_110] : memref<4000x80xi32, #tpu.memory_space<hbm>> -> memref<1x80xi32, #tpu.memory_space<hbm>>
    %dma_wait3A_112 = tpu.memref_squeeze %dma_wait3A_111 : memref<1x80xi32, #tpu.memory_space<hbm>> -> memref<80xi32, #tpu.memory_space<hbm>>
    %dma_wait3A_113 = arith.constant 0 : i32
    %dma_wait3A_114 = tpu.memref_slice %arg4[%mul3A_2, %dma_wait3A_113] : memref<4000x80xi32, #tpu.memory_space<hbm>> -> memref<1x80xi32, #tpu.memory_space<hbm>>
    %dma_wait3A_115 = tpu.memref_squeeze %dma_wait3A_114 : memref<1x80xi32, #tpu.memory_space<hbm>> -> memref<80xi32, #tpu.memory_space<hbm>>
    tpu.wait_dma2 semaphore(%arg23 : memref<!tpu.dma_semaphore, #tpu.memory_space<semaphore_mem>>) src(%dma_wait3A_115 : memref<80xi32, #tpu.memory_space<hbm>>) dst(%arg11 : memref<80xi32, #tpu.memory_space<vmem>>)
    %dma_wait3A_116 = arith.constant 0 : i32
    %dma_wait3A_117 = arith.constant 0 : i32
    %dma_wait3A_118 = tpu.memref_slice %arg2[%dma_wait3A_116, %dma_wait3A_117] : memref<10000x128xf32, #tpu.memory_space<hbm>> -> memref<10000x128xf32, #tpu.memory_space<hbm>>
    tpu.wait_indirect_dma semaphore(%arg27 : memref<!tpu.dma_semaphore, #tpu.memory_space<semaphore_mem>>) src(%dma_wait3A_118 : memref<10000x128xf32, #tpu.memory_space<hbm>>) dst(%arg15 : memref<80x128xf32, #tpu.memory_space<vmem>>)
    %dma_start3A_119 = arith.constant 0 : i32
    %dma_start3A_120 = arith.constant 0 : i32
    %dma_start3A_121 = tpu.memref_slice %arg35[%dma_start3A_119, %dma_start3A_120] : memref<10000x128xf32, #tpu.memory_space<vmem_shared>> -> memref<10000x128xf32, #tpu.memory_space<vmem_shared>>
    tpu.enqueue_indirect_dma source(%arg15 : memref<80x128xf32, #tpu.memory_space<vmem>>) target(%dma_start3A_121 : memref<10000x128xf32, #tpu.memory_space<vmem_shared>>) offsets(%arg11 : memref<80xi32, #tpu.memory_space<vmem>>) semaphore(%arg31 : memref<!tpu.dma_semaphore, #tpu.memory_space<semaphore_mem>>) {add = true}
    %dma_wait3A_122 = arith.constant 0 : i32
    %dma_wait3A_123 = arith.constant 0 : i32
    %dma_wait3A_124 = tpu.memref_slice %arg35[%dma_wait3A_122, %dma_wait3A_123] : memref<10000x128xf32, #tpu.memory_space<vmem_shared>> -> memref<10000x128xf32, #tpu.memory_space<vmem_shared>>
    tpu.wait_indirect_dma semaphore(%arg31 : memref<!tpu.dma_semaphore, #tpu.memory_space<semaphore_mem>>) src(%arg15 : memref<80x128xf32, #tpu.memory_space<vmem>>) dst(%dma_wait3A_124 : memref<10000x128xf32, #tpu.memory_space<vmem_shared>>)
    %barrier3A_125 = arith.constant 0 : index
    tpu.barrier barrier_id(%barrier3A_125)
    "tpu.region"() ({
      %run_scoped3A = tpu.sem_alloc : memref<!tpu.dma_semaphore, #tpu.memory_space<semaphore_mem>>
      %dma_start3A_131 = arith.constant 0 : i32
      %dma_start3A_132 = tpu.memref_slice %arg6[%arg0, %mul3A_4, %dma_start3A_131] : memref<2x10000x128xf32, #tpu.memory_space<hbm>> -> memref<1x624x128xf32, #tpu.memory_space<hbm>>
      %dma_start3A_133 = tpu.memref_squeeze %dma_start3A_132 : memref<1x624x128xf32, #tpu.memory_space<hbm>> -> memref<624x128xf32, #tpu.memory_space<hbm>>
      %dma_start3A_134 = arith.constant 0 : i32
      %dma_start3A_135 = tpu.memref_slice %arg35[%mul3A_4, %dma_start3A_134] : memref<10000x128xf32, #tpu.memory_space<vmem_shared>> -> memref<624x128xf32, #tpu.memory_space<vmem_shared>>
      tpu.enqueue_dma source(%dma_start3A_135 : memref<624x128xf32, #tpu.memory_space<vmem_shared>>) target(%dma_start3A_133 : memref<624x128xf32, #tpu.memory_space<hbm>>) target_semaphore(%run_scoped3A : memref<!tpu.dma_semaphore, #tpu.memory_space<semaphore_mem>>)
      %dma_wait3A_136 = arith.constant 0 : i32
      %dma_wait3A_137 = tpu.memref_slice %arg6[%arg0, %mul3A_4, %dma_wait3A_136] : memref<2x10000x128xf32, #tpu.memory_space<hbm>> -> memref<1x624x128xf32, #tpu.memory_space<hbm>>
      %dma_wait3A_138 = tpu.memref_squeeze %dma_wait3A_137 : memref<1x624x128xf32, #tpu.memory_space<hbm>> -> memref<624x128xf32, #tpu.memory_space<hbm>>
      %dma_wait3A_139 = arith.constant 0 : i32
      %dma_wait3A_140 = tpu.memref_slice %arg35[%mul3A_4, %dma_wait3A_139] : memref<10000x128xf32, #tpu.memory_space<vmem_shared>> -> memref<624x128xf32, #tpu.memory_space<vmem_shared>>
      tpu.wait_dma2 semaphore(%run_scoped3A : memref<!tpu.dma_semaphore, #tpu.memory_space<semaphore_mem>>) src(%dma_wait3A_140 : memref<624x128xf32, #tpu.memory_space<vmem_shared>>) dst(%dma_wait3A_138 : memref<624x128xf32, #tpu.memory_space<hbm>>)
      tpu.yield
    }) : () -> ()
    %eq3A_126 = arith.constant 15 : i32
    %eq3A_127 = arith.cmpi eq, %arg1, %eq3A_126 : i32
    %convert_element_type3A_128 = arith.extui %eq3A_127 : i1 to i32
    %cond3A_129 = arith.constant 0 : i32
    %cond3A_130 = arith.cmpi ne, %convert_element_type3A_128, %cond3A_129 : i32
    scf.if %cond3A_130 {
      "tpu.region"() ({
        %run_scoped3A = tpu.sem_alloc : memref<!tpu.dma_semaphore, #tpu.memory_space<semaphore_mem>>
        %dma_start3A_131 = arith.constant 9984 : i32
        %dma_start3A_132 = arith.constant 0 : i32
        %dma_start3A_133 = tpu.memref_slice %arg6[%arg0, %dma_start3A_131, %dma_start3A_132] : memref<2x10000x128xf32, #tpu.memory_space<hbm>> -> memref<1x16x128xf32, #tpu.memory_space<hbm>>
        %dma_start3A_134 = tpu.memref_squeeze %dma_start3A_133 : memref<1x16x128xf32, #tpu.memory_space<hbm>> -> memref<16x128xf32, #tpu.memory_space<hbm>>
        %dma_start3A_135 = arith.constant 9984 : i32
        %dma_start3A_136 = arith.constant 0 : i32
        %dma_start3A_137 = tpu.memref_slice %arg35[%dma_start3A_135, %dma_start3A_136] : memref<10000x128xf32, #tpu.memory_space<vmem_shared>> -> memref<16x128xf32, #tpu.memory_space<vmem_shared>>
        tpu.enqueue_dma source(%dma_start3A_137 : memref<16x128xf32, #tpu.memory_space<vmem_shared>>) target(%dma_start3A_134 : memref<16x128xf32, #tpu.memory_space<hbm>>) target_semaphore(%run_scoped3A : memref<!tpu.dma_semaphore, #tpu.memory_space<semaphore_mem>>)
        %dma_wait3A_138 = arith.constant 9984 : i32
        %dma_wait3A_139 = arith.constant 0 : i32
        %dma_wait3A_140 = tpu.memref_slice %arg6[%arg0, %dma_wait3A_138, %dma_wait3A_139] : memref<2x10000x128xf32, #tpu.memory_space<hbm>> -> memref<1x16x128xf32, #tpu.memory_space<hbm>>
        %dma_wait3A_141 = tpu.memref_squeeze %dma_wait3A_140 : memref<1x16x128xf32, #tpu.memory_space<hbm>> -> memref<16x128xf32, #tpu.memory_space<hbm>>
        %dma_wait3A_142 = arith.constant 9984 : i32
        %dma_wait3A_143 = arith.constant 0 : i32
        %dma_wait3A_144 = tpu.memref_slice %arg35[%dma_wait3A_142, %dma_wait3A_143] : memref<10000x128xf32, #tpu.memory_space<vmem_shared>> -> memref<16x128xf32, #tpu.memory_space<vmem_shared>>
        tpu.wait_dma2 semaphore(%run_scoped3A : memref<!tpu.dma_semaphore, #tpu.memory_space<semaphore_mem>>) src(%dma_wait3A_144 : memref<16x128xf32, #tpu.memory_space<vmem_shared>>) dst(%dma_wait3A_141 : memref<16x128xf32, #tpu.memory_space<hbm>>)
        tpu.yield
      }) : () -> ()
    } else {
    }
    return
  }
}

module attributes {stable_mosaic.version = 14 : i64} {
  func.func @_mm_first(%arg0: i32, %arg1: memref<2000x128xf32, #tpu.memory_space<vmem>>, %arg2: memref<128x128xf32, #tpu.memory_space<vmem>>, %arg3: memref<128x128xf32, #tpu.memory_space<vmem>>, %arg4: memref<2000x128xf32, #tpu.memory_space<vmem>>, %arg5: memref<2000x128xf32, #tpu.memory_space<vmem>>) attributes {dimension_semantics = [#tpu.dimension_semantics<arbitrary>], iteration_bounds = array<i64: 5>, scalar_prefetch = 0 : i64, scratch_operands = 0 : i64, tpu.core_type = #tpu.core_type<tc>, window_params = [{transform_indices = @transform_0, window_bounds = array<i64: 2000, 128>}, {pipeline_mode = #tpu.pipeline_mode<synchronous>, transform_indices = @transform_1, window_bounds = array<i64: 128, 128>}, {pipeline_mode = #tpu.pipeline_mode<synchronous>, transform_indices = @transform_2, window_bounds = array<i64: 128, 128>}, {transform_indices = @transform_3, window_bounds = array<i64: 2000, 128>}, {transform_indices = @transform_4, window_bounds = array<i64: 2000, 128>}]} {
    %get3A = arith.constant 0 : index
    %get3A_0 = arith.constant 0 : index
    %get3A_1 = vector.load %arg1[%get3A, %get3A_0] : memref<2000x128xf32, #tpu.memory_space<vmem>>, vector<2000x128xf32>
    %get3A_2 = arith.constant 0 : index
    %get3A_3 = arith.constant 0 : index
    %get3A_4 = vector.load %arg2[%get3A_2, %get3A_3] : memref<128x128xf32, #tpu.memory_space<vmem>>, vector<128x128xf32>
    %dot_general3A = arith.constant dense<0.000000e+00> : vector<2000x128xf32>
    %dot_general3A_5 = tpu.matmul %get3A_1, %get3A_4, %dot_general3A {dimension_numbers = #tpu.dot_dimension_numbers<[1], [0], [0], [1], [0, 0, 1, 1], [], []>, precision = #tpu.contract_precision<fp32>, transpose_lhs_hint = false} : vector<2000x128xf32>, vector<128x128xf32>, vector<2000x128xf32> -> vector<2000x128xf32>
    %swap3A = arith.constant 0 : index
    %swap3A_6 = arith.constant 0 : index
    %swap3A_7 = vector.load %arg4[%swap3A, %swap3A_6] : memref<2000x128xf32, #tpu.memory_space<vmem>>, vector<2000x128xf32>
    tpu.vector_store %arg4[%swap3A, %swap3A_6], %dot_general3A_5 {strides = array<i32>} : memref<2000x128xf32, #tpu.memory_space<vmem>>, vector<2000x128xf32>,
    %get3A_8 = arith.constant 0 : index
    %get3A_9 = arith.constant 0 : index
    %get3A_10 = vector.load %arg3[%get3A_8, %get3A_9] : memref<128x128xf32, #tpu.memory_space<vmem>>, vector<128x128xf32>
    %dot_general3A_11 = arith.constant dense<0.000000e+00> : vector<2000x128xf32>
    %dot_general3A_12 = tpu.matmul %get3A_1, %get3A_10, %dot_general3A_11 {dimension_numbers = #tpu.dot_dimension_numbers<[1], [0], [0], [1], [0, 0, 1, 1], [], []>, precision = #tpu.contract_precision<fp32>, transpose_lhs_hint = false} : vector<2000x128xf32>, vector<128x128xf32>, vector<2000x128xf32> -> vector<2000x128xf32>
    %swap3A_13 = arith.constant 0 : index
    %swap3A_14 = arith.constant 0 : index
    %swap3A_15 = vector.load %arg5[%swap3A_13, %swap3A_14] : memref<2000x128xf32, #tpu.memory_space<vmem>>, vector<2000x128xf32>
    tpu.vector_store %arg5[%swap3A_13, %swap3A_14], %dot_general3A_12 {strides = array<i32>} : memref<2000x128xf32, #tpu.memory_space<vmem>>, vector<2000x128xf32>,
    return
  }
  func.func @transform_0(%arg0: i32) -> (i32, i32) {
    %c0_i32 = arith.constant 0 : i32
    %c0_i32_0 = arith.constant 0 : i32
    return %arg0, %c0_i32 : i32, i32
  }
  func.func @transform_1(%arg0: i32) -> (i32, i32) {
    %c0_i32 = arith.constant 0 : i32
    %c0_i32_0 = arith.constant 0 : i32
    %c0_i32_1 = arith.constant 0 : i32
    return %c0_i32, %c0_i32_0 : i32, i32
  }
  func.func @transform_2(%arg0: i32) -> (i32, i32) {
    %c0_i32 = arith.constant 0 : i32
    %c0_i32_0 = arith.constant 0 : i32
    %c0_i32_1 = arith.constant 0 : i32
    return %c0_i32, %c0_i32_0 : i32, i32
  }
  func.func @transform_3(%arg0: i32) -> (i32, i32) {
    %c0_i32 = arith.constant 0 : i32
    %c0_i32_0 = arith.constant 0 : i32
    return %arg0, %c0_i32 : i32, i32
  }
  func.func @transform_4(%arg0: i32) -> (i32, i32) {
    %c0_i32 = arith.constant 0 : i32
    %c0_i32_0 = arith.constant 0 : i32
    return %arg0, %c0_i32 : i32, i32
  }
}

module attributes {stable_mosaic.version = 14 : i64} {
  func.func @_combine_mm(%arg0: i32, %arg1: memref<2000x128xf32, #tpu.memory_space<vmem>>, %arg2: memref<2x2000x128xf32, #tpu.memory_space<vmem>>, %arg3: memref<2x2000x16xf32, #tpu.memory_space<vmem>>, %arg4: memref<1x128xf32, #tpu.memory_space<vmem>>, %arg5: memref<128x128xf32, #tpu.memory_space<vmem>>, %arg6: memref<128x128xf32, #tpu.memory_space<vmem>>, %arg7: memref<2000x128xf32, #tpu.memory_space<vmem>>, %arg8: memref<2000x128xf32, #tpu.memory_space<vmem>>) attributes {dimension_semantics = [#tpu.dimension_semantics<arbitrary>], iteration_bounds = array<i64: 5>, scalar_prefetch = 0 : i64, scratch_operands = 0 : i64, tpu.core_type = #tpu.core_type<tc>, window_params = [{transform_indices = @transform_0, window_bounds = array<i64: 2000, 128>}, {transform_indices = @transform_1, window_bounds = array<i64: 2, 2000, 128>}, {transform_indices = @transform_2, window_bounds = array<i64: 2, 2000, 16>}, {pipeline_mode = #tpu.pipeline_mode<synchronous>, transform_indices = @transform_3, window_bounds = array<i64: 1, 128>}, {pipeline_mode = #tpu.pipeline_mode<synchronous>, transform_indices = @transform_4, window_bounds = array<i64: 128, 128>}, {pipeline_mode = #tpu.pipeline_mode<synchronous>, transform_indices = @transform_5, window_bounds = array<i64: 128, 128>}, {transform_indices = @transform_6, window_bounds = array<i64: 2000, 128>}, {transform_indices = @transform_7, window_bounds = array<i64: 2000, 128>}]} {
    %get3A = arith.constant 0 : index
    %get3A_0 = arith.constant 0 : index
    %get3A_1 = arith.constant 0 : index
    %get3A_2 = vector.load %arg3[%get3A, %get3A_0, %get3A_1] : memref<2x2000x16xf32, #tpu.memory_space<vmem>>, vector<1x2000x1xf32>
    %get3A_3 = vector.shape_cast %get3A_2 : vector<1x2000x1xf32> to vector<2000x1xf32>
    %get3A_4 = arith.constant 1 : index
    %get3A_5 = arith.constant 0 : index
    %get3A_6 = arith.constant 0 : index
    %get3A_7 = vector.load %arg3[%get3A_4, %get3A_5, %get3A_6] : memref<2x2000x16xf32, #tpu.memory_space<vmem>>, vector<1x2000x1xf32>
    %get3A_8 = vector.shape_cast %get3A_7 : vector<1x2000x1xf32> to vector<2000x1xf32>
    %add3A = arith.addf %get3A_3, %get3A_8 : vector<2000x1xf32>
    %max3A = arith.constant 1.000000e+00 : f32
    %max3A_9 = vector.broadcast %max3A : f32 to vector<2000x1xf32>
    %max3A_10 = arith.maximumf %add3A, %max3A_9 : vector<2000x1xf32>
    %div3A = arith.constant 1.000000e+00 : f32
    %div3A_11 = vector.broadcast %div3A : f32 to vector<2000x1xf32>
    %div3A_12 = arith.divf %div3A_11, %max3A_10 : vector<2000x1xf32>
    %get3A_13 = arith.constant 0 : index
    %get3A_14 = arith.constant 0 : index
    %get3A_15 = vector.load %arg1[%get3A_13, %get3A_14] : memref<2000x128xf32, #tpu.memory_space<vmem>>, vector<2000x128xf32>
    %get3A_16 = arith.constant 0 : index
    %get3A_17 = arith.constant 0 : index
    %get3A_18 = arith.constant 0 : index
    %get3A_19 = vector.load %arg2[%get3A_16, %get3A_17, %get3A_18] : memref<2x2000x128xf32, #tpu.memory_space<vmem>>, vector<1x2000x128xf32>
    %get3A_20 = vector.shape_cast %get3A_19 : vector<1x2000x128xf32> to vector<2000x128xf32>
    %get3A_21 = arith.constant 1 : index
    %get3A_22 = arith.constant 0 : index
    %get3A_23 = arith.constant 0 : index
    %get3A_24 = vector.load %arg2[%get3A_21, %get3A_22, %get3A_23] : memref<2x2000x128xf32, #tpu.memory_space<vmem>>, vector<1x2000x128xf32>
    %get3A_25 = vector.shape_cast %get3A_24 : vector<1x2000x128xf32> to vector<2000x128xf32>
    %add3A_26 = arith.addf %get3A_20, %get3A_25 : vector<2000x128xf32>
    %mul3A = vector.broadcast %div3A_12 : vector<2000x1xf32> to vector<2000x128xf32>
    %mul3A_27 = arith.mulf %add3A_26, %mul3A : vector<2000x128xf32>
    %add3A_28 = arith.addf %get3A_15, %mul3A_27 : vector<2000x128xf32>
    %get3A_29 = arith.constant 0 : index
    %get3A_30 = arith.constant 0 : index
    %get3A_31 = vector.load %arg4[%get3A_29, %get3A_30] : memref<1x128xf32, #tpu.memory_space<vmem>>, vector<1x128xf32>
    %add3A_32 = vector.broadcast %get3A_31 : vector<1x128xf32> to vector<2000x128xf32>
    %add3A_33 = arith.addf %add3A_28, %add3A_32 : vector<2000x128xf32>
    %max3A_34 = arith.constant 0.000000e+00 : f32
    %max3A_35 = vector.broadcast %max3A_34 : f32 to vector<2000x128xf32>
    %max3A_36 = arith.maximumf %add3A_33, %max3A_35 : vector<2000x128xf32>
    %get3A_37 = arith.constant 0 : index
    %get3A_38 = arith.constant 0 : index
    %get3A_39 = vector.load %arg5[%get3A_37, %get3A_38] : memref<128x128xf32, #tpu.memory_space<vmem>>, vector<128x128xf32>
    %dot_general3A = arith.constant dense<0.000000e+00> : vector<2000x128xf32>
    %dot_general3A_40 = tpu.matmul %max3A_36, %get3A_39, %dot_general3A {dimension_numbers = #tpu.dot_dimension_numbers<[1], [0], [0], [1], [0, 0, 1, 1], [], []>, precision = #tpu.contract_precision<fp32>, transpose_lhs_hint = false} : vector<2000x128xf32>, vector<128x128xf32>, vector<2000x128xf32> -> vector<2000x128xf32>
    %swap3A = arith.constant 0 : index
    %swap3A_41 = arith.constant 0 : index
    %swap3A_42 = vector.load %arg7[%swap3A, %swap3A_41] : memref<2000x128xf32, #tpu.memory_space<vmem>>, vector<2000x128xf32>
    tpu.vector_store %arg7[%swap3A, %swap3A_41], %dot_general3A_40 {strides = array<i32>} : memref<2000x128xf32, #tpu.memory_space<vmem>>, vector<2000x128xf32>,
    %get3A_43 = arith.constant 0 : index
    %get3A_44 = arith.constant 0 : index
    %get3A_45 = vector.load %arg6[%get3A_43, %get3A_44] : memref<128x128xf32, #tpu.memory_space<vmem>>, vector<128x128xf32>
    %dot_general3A_46 = arith.constant dense<0.000000e+00> : vector<2000x128xf32>
    %dot_general3A_47 = tpu.matmul %max3A_36, %get3A_45, %dot_general3A_46 {dimension_numbers = #tpu.dot_dimension_numbers<[1], [0], [0], [1], [0, 0, 1, 1], [], []>, precision = #tpu.contract_precision<fp32>, transpose_lhs_hint = false} : vector<2000x128xf32>, vector<128x128xf32>, vector<2000x128xf32> -> vector<2000x128xf32>
    %swap3A_48 = arith.constant 0 : index
    %swap3A_49 = arith.constant 0 : index
    %swap3A_50 = vector.load %arg8[%swap3A_48, %swap3A_49] : memref<2000x128xf32, #tpu.memory_space<vmem>>, vector<2000x128xf32>
    tpu.vector_store %arg8[%swap3A_48, %swap3A_49], %dot_general3A_47 {strides = array<i32>} : memref<2000x128xf32, #tpu.memory_space<vmem>>, vector<2000x128xf32>,
    return
  }
  func.func @transform_0(%arg0: i32) -> (i32, i32) {
    %c0_i32 = arith.constant 0 : i32
    %c0_i32_0 = arith.constant 0 : i32
    return %arg0, %c0_i32 : i32, i32
  }
  func.func @transform_1(%arg0: i32) -> (i32, i32, i32) {
    %c0_i32 = arith.constant 0 : i32
    %c0_i32_0 = arith.constant 0 : i32
    %c0_i32_1 = arith.constant 0 : i32
    return %c0_i32, %arg0, %c0_i32_0 : i32, i32, i32
  }
  func.func @transform_2(%arg0: i32) -> (i32, i32, i32) {
    %c0_i32 = arith.constant 0 : i32
    %c0_i32_0 = arith.constant 0 : i32
    %c0_i32_1 = arith.constant 0 : i32
    return %c0_i32, %arg0, %c0_i32_0 : i32, i32, i32
  }
  func.func @transform_3(%arg0: i32) -> (i32, i32) {
    %c0_i32 = arith.constant 0 : i32
    %c0_i32_0 = arith.constant 0 : i32
    %c0_i32_1 = arith.constant 0 : i32
    return %c0_i32, %c0_i32_0 : i32, i32
  }
  func.func @transform_4(%arg0: i32) -> (i32, i32) {
    %c0_i32 = arith.constant 0 : i32
    %c0_i32_0 = arith.constant 0 : i32
    %c0_i32_1 = arith.constant 0 : i32
    return %c0_i32, %c0_i32_0 : i32, i32
  }
  func.func @transform_5(%arg0: i32) -> (i32, i32) {
    %c0_i32 = arith.constant 0 : i32
    %c0_i32_0 = arith.constant 0 : i32
    %c0_i32_1 = arith.constant 0 : i32
    return %c0_i32, %c0_i32_0 : i32, i32
  }
  func.func @transform_6(%arg0: i32) -> (i32, i32) {
    %c0_i32 = arith.constant 0 : i32
    %c0_i32_0 = arith.constant 0 : i32
    return %arg0, %c0_i32 : i32, i32
  }
  func.func @transform_7(%arg0: i32) -> (i32, i32) {
    %c0_i32 = arith.constant 0 : i32
    %c0_i32_0 = arith.constant 0 : i32
    return %arg0, %c0_i32 : i32, i32
  }
}

module attributes {stable_mosaic.version = 14 : i64} {
  func.func @_combine_mm(%arg0: i32, %arg1: memref<2000x128xf32, #tpu.memory_space<vmem>>, %arg2: memref<2x2000x128xf32, #tpu.memory_space<vmem>>, %arg3: memref<2x2000x16xf32, #tpu.memory_space<vmem>>, %arg4: memref<1x128xf32, #tpu.memory_space<vmem>>, %arg5: memref<128x64xf32, #tpu.memory_space<vmem>>, %arg6: memref<128x64xf32, #tpu.memory_space<vmem>>, %arg7: memref<2000x64xf32, #tpu.memory_space<vmem>>, %arg8: memref<2000x64xf32, #tpu.memory_space<vmem>>) attributes {dimension_semantics = [#tpu.dimension_semantics<arbitrary>], iteration_bounds = array<i64: 5>, scalar_prefetch = 0 : i64, scratch_operands = 0 : i64, tpu.core_type = #tpu.core_type<tc>, window_params = [{transform_indices = @transform_0, window_bounds = array<i64: 2000, 128>}, {transform_indices = @transform_1, window_bounds = array<i64: 2, 2000, 128>}, {transform_indices = @transform_2, window_bounds = array<i64: 2, 2000, 16>}, {pipeline_mode = #tpu.pipeline_mode<synchronous>, transform_indices = @transform_3, window_bounds = array<i64: 1, 128>}, {pipeline_mode = #tpu.pipeline_mode<synchronous>, transform_indices = @transform_4, window_bounds = array<i64: 128, 64>}, {pipeline_mode = #tpu.pipeline_mode<synchronous>, transform_indices = @transform_5, window_bounds = array<i64: 128, 64>}, {transform_indices = @transform_6, window_bounds = array<i64: 2000, 64>}, {transform_indices = @transform_7, window_bounds = array<i64: 2000, 64>}]} {
    %get3A = arith.constant 0 : index
    %get3A_0 = arith.constant 0 : index
    %get3A_1 = arith.constant 0 : index
    %get3A_2 = vector.load %arg3[%get3A, %get3A_0, %get3A_1] : memref<2x2000x16xf32, #tpu.memory_space<vmem>>, vector<1x2000x1xf32>
    %get3A_3 = vector.shape_cast %get3A_2 : vector<1x2000x1xf32> to vector<2000x1xf32>
    %get3A_4 = arith.constant 1 : index
    %get3A_5 = arith.constant 0 : index
    %get3A_6 = arith.constant 0 : index
    %get3A_7 = vector.load %arg3[%get3A_4, %get3A_5, %get3A_6] : memref<2x2000x16xf32, #tpu.memory_space<vmem>>, vector<1x2000x1xf32>
    %get3A_8 = vector.shape_cast %get3A_7 : vector<1x2000x1xf32> to vector<2000x1xf32>
    %add3A = arith.addf %get3A_3, %get3A_8 : vector<2000x1xf32>
    %max3A = arith.constant 1.000000e+00 : f32
    %max3A_9 = vector.broadcast %max3A : f32 to vector<2000x1xf32>
    %max3A_10 = arith.maximumf %add3A, %max3A_9 : vector<2000x1xf32>
    %div3A = arith.constant 1.000000e+00 : f32
    %div3A_11 = vector.broadcast %div3A : f32 to vector<2000x1xf32>
    %div3A_12 = arith.divf %div3A_11, %max3A_10 : vector<2000x1xf32>
    %get3A_13 = arith.constant 0 : index
    %get3A_14 = arith.constant 0 : index
    %get3A_15 = vector.load %arg1[%get3A_13, %get3A_14] : memref<2000x128xf32, #tpu.memory_space<vmem>>, vector<2000x128xf32>
    %get3A_16 = arith.constant 0 : index
    %get3A_17 = arith.constant 0 : index
    %get3A_18 = arith.constant 0 : index
    %get3A_19 = vector.load %arg2[%get3A_16, %get3A_17, %get3A_18] : memref<2x2000x128xf32, #tpu.memory_space<vmem>>, vector<1x2000x128xf32>
    %get3A_20 = vector.shape_cast %get3A_19 : vector<1x2000x128xf32> to vector<2000x128xf32>
    %get3A_21 = arith.constant 1 : index
    %get3A_22 = arith.constant 0 : index
    %get3A_23 = arith.constant 0 : index
    %get3A_24 = vector.load %arg2[%get3A_21, %get3A_22, %get3A_23] : memref<2x2000x128xf32, #tpu.memory_space<vmem>>, vector<1x2000x128xf32>
    %get3A_25 = vector.shape_cast %get3A_24 : vector<1x2000x128xf32> to vector<2000x128xf32>
    %add3A_26 = arith.addf %get3A_20, %get3A_25 : vector<2000x128xf32>
    %mul3A = vector.broadcast %div3A_12 : vector<2000x1xf32> to vector<2000x128xf32>
    %mul3A_27 = arith.mulf %add3A_26, %mul3A : vector<2000x128xf32>
    %add3A_28 = arith.addf %get3A_15, %mul3A_27 : vector<2000x128xf32>
    %get3A_29 = arith.constant 0 : index
    %get3A_30 = arith.constant 0 : index
    %get3A_31 = vector.load %arg4[%get3A_29, %get3A_30] : memref<1x128xf32, #tpu.memory_space<vmem>>, vector<1x128xf32>
    %add3A_32 = vector.broadcast %get3A_31 : vector<1x128xf32> to vector<2000x128xf32>
    %add3A_33 = arith.addf %add3A_28, %add3A_32 : vector<2000x128xf32>
    %max3A_34 = arith.constant 0.000000e+00 : f32
    %max3A_35 = vector.broadcast %max3A_34 : f32 to vector<2000x128xf32>
    %max3A_36 = arith.maximumf %add3A_33, %max3A_35 : vector<2000x128xf32>
    %get3A_37 = arith.constant 0 : index
    %get3A_38 = arith.constant 0 : index
    %get3A_39 = vector.load %arg5[%get3A_37, %get3A_38] : memref<128x64xf32, #tpu.memory_space<vmem>>, vector<128x64xf32>
    %dot_general3A = arith.constant dense<0.000000e+00> : vector<2000x64xf32>
    %dot_general3A_40 = tpu.matmul %max3A_36, %get3A_39, %dot_general3A {dimension_numbers = #tpu.dot_dimension_numbers<[1], [0], [0], [1], [0, 0, 1, 1], [], []>, precision = #tpu.contract_precision<fp32>, transpose_lhs_hint = false} : vector<2000x128xf32>, vector<128x64xf32>, vector<2000x64xf32> -> vector<2000x64xf32>
    %swap3A = arith.constant 0 : index
    %swap3A_41 = arith.constant 0 : index
    %swap3A_42 = vector.load %arg7[%swap3A, %swap3A_41] : memref<2000x64xf32, #tpu.memory_space<vmem>>, vector<2000x64xf32>
    tpu.vector_store %arg7[%swap3A, %swap3A_41], %dot_general3A_40 {strides = array<i32>} : memref<2000x64xf32, #tpu.memory_space<vmem>>, vector<2000x64xf32>,
    %get3A_43 = arith.constant 0 : index
    %get3A_44 = arith.constant 0 : index
    %get3A_45 = vector.load %arg6[%get3A_43, %get3A_44] : memref<128x64xf32, #tpu.memory_space<vmem>>, vector<128x64xf32>
    %dot_general3A_46 = arith.constant dense<0.000000e+00> : vector<2000x64xf32>
    %dot_general3A_47 = tpu.matmul %max3A_36, %get3A_45, %dot_general3A_46 {dimension_numbers = #tpu.dot_dimension_numbers<[1], [0], [0], [1], [0, 0, 1, 1], [], []>, precision = #tpu.contract_precision<fp32>, transpose_lhs_hint = false} : vector<2000x128xf32>, vector<128x64xf32>, vector<2000x64xf32> -> vector<2000x64xf32>
    %swap3A_48 = arith.constant 0 : index
    %swap3A_49 = arith.constant 0 : index
    %swap3A_50 = vector.load %arg8[%swap3A_48, %swap3A_49] : memref<2000x64xf32, #tpu.memory_space<vmem>>, vector<2000x64xf32>
    tpu.vector_store %arg8[%swap3A_48, %swap3A_49], %dot_general3A_47 {strides = array<i32>} : memref<2000x64xf32, #tpu.memory_space<vmem>>, vector<2000x64xf32>,
    return
  }
  func.func @transform_0(%arg0: i32) -> (i32, i32) {
    %c0_i32 = arith.constant 0 : i32
    %c0_i32_0 = arith.constant 0 : i32
    return %arg0, %c0_i32 : i32, i32
  }
  func.func @transform_1(%arg0: i32) -> (i32, i32, i32) {
    %c0_i32 = arith.constant 0 : i32
    %c0_i32_0 = arith.constant 0 : i32
    %c0_i32_1 = arith.constant 0 : i32
    return %c0_i32, %arg0, %c0_i32_0 : i32, i32, i32
  }
  func.func @transform_2(%arg0: i32) -> (i32, i32, i32) {
    %c0_i32 = arith.constant 0 : i32
    %c0_i32_0 = arith.constant 0 : i32
    %c0_i32_1 = arith.constant 0 : i32
    return %c0_i32, %arg0, %c0_i32_0 : i32, i32, i32
  }
  func.func @transform_3(%arg0: i32) -> (i32, i32) {
    %c0_i32 = arith.constant 0 : i32
    %c0_i32_0 = arith.constant 0 : i32
    %c0_i32_1 = arith.constant 0 : i32
    return %c0_i32, %c0_i32_0 : i32, i32
  }
  func.func @transform_4(%arg0: i32) -> (i32, i32) {
    %c0_i32 = arith.constant 0 : i32
    %c0_i32_0 = arith.constant 0 : i32
    %c0_i32_1 = arith.constant 0 : i32
    return %c0_i32, %c0_i32_0 : i32, i32
  }
  func.func @transform_5(%arg0: i32) -> (i32, i32) {
    %c0_i32 = arith.constant 0 : i32
    %c0_i32_0 = arith.constant 0 : i32
    %c0_i32_1 = arith.constant 0 : i32
    return %c0_i32, %c0_i32_0 : i32, i32
  }
  func.func @transform_6(%arg0: i32) -> (i32, i32) {
    %c0_i32 = arith.constant 0 : i32
    %c0_i32_0 = arith.constant 0 : i32
    return %arg0, %c0_i32 : i32, i32
  }
  func.func @transform_7(%arg0: i32) -> (i32, i32) {
    %c0_i32 = arith.constant 0 : i32
    %c0_i32_0 = arith.constant 0 : i32
    return %arg0, %c0_i32 : i32, i32
  }
}

module attributes {stable_mosaic.version = 14 : i64} {
  func.func @_combine(%arg0: i32, %arg1: memref<2000x64xf32, #tpu.memory_space<vmem>>, %arg2: memref<2x2000x64xf32, #tpu.memory_space<vmem>>, %arg3: memref<2x2000x16xf32, #tpu.memory_space<vmem>>, %arg4: memref<1x64xf32, #tpu.memory_space<vmem>>, %arg5: memref<2000x64xf32, #tpu.memory_space<vmem>>) attributes {dimension_semantics = [#tpu.dimension_semantics<arbitrary>], iteration_bounds = array<i64: 5>, scalar_prefetch = 0 : i64, scratch_operands = 0 : i64, tpu.core_type = #tpu.core_type<tc>, window_params = [{transform_indices = @transform_0, window_bounds = array<i64: 2000, 64>}, {transform_indices = @transform_1, window_bounds = array<i64: 2, 2000, 64>}, {transform_indices = @transform_2, window_bounds = array<i64: 2, 2000, 16>}, {pipeline_mode = #tpu.pipeline_mode<synchronous>, transform_indices = @transform_3, window_bounds = array<i64: 1, 64>}, {transform_indices = @transform_4, window_bounds = array<i64: 2000, 64>}]} {
    %get3A = arith.constant 0 : index
    %get3A_0 = arith.constant 0 : index
    %get3A_1 = arith.constant 0 : index
    %get3A_2 = vector.load %arg3[%get3A, %get3A_0, %get3A_1] : memref<2x2000x16xf32, #tpu.memory_space<vmem>>, vector<1x2000x1xf32>
    %get3A_3 = vector.shape_cast %get3A_2 : vector<1x2000x1xf32> to vector<2000x1xf32>
    %get3A_4 = arith.constant 1 : index
    %get3A_5 = arith.constant 0 : index
    %get3A_6 = arith.constant 0 : index
    %get3A_7 = vector.load %arg3[%get3A_4, %get3A_5, %get3A_6] : memref<2x2000x16xf32, #tpu.memory_space<vmem>>, vector<1x2000x1xf32>
    %get3A_8 = vector.shape_cast %get3A_7 : vector<1x2000x1xf32> to vector<2000x1xf32>
    %add3A = arith.addf %get3A_3, %get3A_8 : vector<2000x1xf32>
    %max3A = arith.constant 1.000000e+00 : f32
    %max3A_9 = vector.broadcast %max3A : f32 to vector<2000x1xf32>
    %max3A_10 = arith.maximumf %add3A, %max3A_9 : vector<2000x1xf32>
    %div3A = arith.constant 1.000000e+00 : f32
    %div3A_11 = vector.broadcast %div3A : f32 to vector<2000x1xf32>
    %div3A_12 = arith.divf %div3A_11, %max3A_10 : vector<2000x1xf32>
    %get3A_13 = arith.constant 0 : index
    %get3A_14 = arith.constant 0 : index
    %get3A_15 = vector.load %arg1[%get3A_13, %get3A_14] : memref<2000x64xf32, #tpu.memory_space<vmem>>, vector<2000x64xf32>
    %get3A_16 = arith.constant 0 : index
    %get3A_17 = arith.constant 0 : index
    %get3A_18 = arith.constant 0 : index
    %get3A_19 = vector.load %arg2[%get3A_16, %get3A_17, %get3A_18] : memref<2x2000x64xf32, #tpu.memory_space<vmem>>, vector<1x2000x64xf32>
    %get3A_20 = vector.shape_cast %get3A_19 : vector<1x2000x64xf32> to vector<2000x64xf32>
    %get3A_21 = arith.constant 1 : index
    %get3A_22 = arith.constant 0 : index
    %get3A_23 = arith.constant 0 : index
    %get3A_24 = vector.load %arg2[%get3A_21, %get3A_22, %get3A_23] : memref<2x2000x64xf32, #tpu.memory_space<vmem>>, vector<1x2000x64xf32>
    %get3A_25 = vector.shape_cast %get3A_24 : vector<1x2000x64xf32> to vector<2000x64xf32>
    %add3A_26 = arith.addf %get3A_20, %get3A_25 : vector<2000x64xf32>
    %mul3A = vector.broadcast %div3A_12 : vector<2000x1xf32> to vector<2000x64xf32>
    %mul3A_27 = arith.mulf %add3A_26, %mul3A : vector<2000x64xf32>
    %add3A_28 = arith.addf %get3A_15, %mul3A_27 : vector<2000x64xf32>
    %get3A_29 = arith.constant 0 : index
    %get3A_30 = arith.constant 0 : index
    %get3A_31 = vector.load %arg4[%get3A_29, %get3A_30] : memref<1x64xf32, #tpu.memory_space<vmem>>, vector<1x64xf32>
    %add3A_32 = vector.broadcast %get3A_31 : vector<1x64xf32> to vector<2000x64xf32>
    %add3A_33 = arith.addf %add3A_28, %add3A_32 : vector<2000x64xf32>
    %swap3A = arith.constant 0 : index
    %swap3A_34 = arith.constant 0 : index
    %swap3A_35 = vector.load %arg5[%swap3A, %swap3A_34] : memref<2000x64xf32, #tpu.memory_space<vmem>>, vector<2000x64xf32>
    tpu.vector_store %arg5[%swap3A, %swap3A_34], %add3A_33 {strides = array<i32>} : memref<2000x64xf32, #tpu.memory_space<vmem>>, vector<2000x64xf32>,
    return
  }
  func.func @transform_0(%arg0: i32) -> (i32, i32) {
    %c0_i32 = arith.constant 0 : i32
    %c0_i32_0 = arith.constant 0 : i32
    return %arg0, %c0_i32 : i32, i32
  }
  func.func @transform_1(%arg0: i32) -> (i32, i32, i32) {
    %c0_i32 = arith.constant 0 : i32
    %c0_i32_0 = arith.constant 0 : i32
    %c0_i32_1 = arith.constant 0 : i32
    return %c0_i32, %arg0, %c0_i32_0 : i32, i32, i32
  }
  func.func @transform_2(%arg0: i32) -> (i32, i32, i32) {
    %c0_i32 = arith.constant 0 : i32
    %c0_i32_0 = arith.constant 0 : i32
    %c0_i32_1 = arith.constant 0 : i32
    return %c0_i32, %arg0, %c0_i32_0 : i32, i32, i32
  }
  func.func @transform_3(%arg0: i32) -> (i32, i32) {
    %c0_i32 = arith.constant 0 : i32
    %c0_i32_0 = arith.constant 0 : i32
    %c0_i32_1 = arith.constant 0 : i32
    return %c0_i32, %c0_i32_0 : i32, i32
  }
  func.func @transform_4(%arg0: i32) -> (i32, i32) {
    %c0_i32 = arith.constant 0 : i32
    %c0_i32_0 = arith.constant 0 : i32
    return %arg0, %c0_i32 : i32, i32
  }
}

</mosaic_0001>

<sc_bundles>
// kernel: kernel.10.cloned.1.call-start
scs
__scs_entry_jumppad:
0x0: {  	(pc) =	sbr.rel $0x88, $3  }
0x1: {  	(tag) =	ssettag $0x0;
	lr =	simm.s32 $0x1  }
0x2: {  	[smem:$0x3F96] =	sst lr;
	_ =	strace $0xD0000000  }
0x3: {  	_ = 	snop  }
0x4: {  	_ = 	snop  }
0x5: {  	_ = 	snop  }
0x6: {  	_ = 	snop  }
0x7: {  	_ = 	snop  }
__scs_overlays_trampoline_lowered:
0x8: {  	[smem:$0x3FA5] =	sst s0  }
0x9: {  	[smem:$0x3FA6] =	sst s1  }
0xa: {  	[smem:$0x3FA7] =	sst s2  }
0xb: {  	[smem:$0x3FA8] =	sst s3  }
0xc: {  	[smem:$0x3FA9] =	sst s4  }
0xd: {  	[smem:$0x3FAA] =	sst s5  }
0xe: {  	[smem:$0x3FAB] =	sst s6  }
0xf: {  	[smem:$0x3FAC] =	sst s7  }
0x10: {  	[smem:$0x3FAD] =	sst s8  }
0x11: {  	[smem:$0x3FAE] =	sst s9;
	s0 =	simm.s32 @!p0 $0x0  }
0x12: {  	s1 =	sld [smem:$0x3F94];
	s0 =	simm.s32 @p0 $0x1  }
0x13: {  	[smem:$0x3FAF] =	sst s0;
	s0 =	simm.s32 @!p1 $0x0  }
0x14: {  	s2 =	sld [smem:$0x3F93];
	s0 =	simm.s32 @p1 $0x1  }
0x15: {  	[smem:$0x3FB0] =	sst s0;
	s0 =	simm.s32 @!p2 $0x0  }
0x16: {  	s3 =	sld [smem:$0x3FDB];
	s0 =	simm.s32 @p2 $0x1  }
0x17: {  	s4 =	simm.s32 $0x1BF5;
	[smem:$0x3FB2] =	sst s0  }
0x18: {  	s0 =	sld [smem:$0x3F95];
	_ =	swait.ge [sflag:s4], $0x0  }
0x19: {  	s7 =	sld [smem:$0x3F96]  }
0x1a: {  	s8 =	sadd.s32 $0xFFFFE003, lr  }
0x1b: {  	s9 =	sadd.s32 $0xFFFFFEF7, lr;
	s5 =	simm.s32 $0xFFFFFFFF;
	p2 =	slt.u32 s8, $0xFFFFF086  }
0x1c: {  	p1 =	slt.u32 s9, $0xF7A;
	s5 =	simm.s32 @!p2 $0x0  }
0x1d: {  	s5 =	simm.s32 @p1 $0x1;
	p0 =	seq.s32 s7, s2  }
0x1e: {  	s7 =	smul.u32 @!p0 $0xF7A, s2;
	p2 =	seq.s32 @!p0 s5, $0x0  }
0x1f: {  	s9 =	smul.u32 $0xF7A, s1;
	s8 =	simm.s32 @!p0 $0x1BF5;
	p2 =	por !p2, p0  }
0x20: {  	[sflag:s8] =	ssyncset.s32 @!p0 $0xFFFFF086;
	s6 =	sadd.s32 @!p0 s3, s7;
	s7 =	simm.s32 @!p0 $0x108  }
0x21: {  	s3 =	sadd.s32 s3, s9;
	s6 =	sadd.s32 @!p0 $0x88, s6;
	s7 =	simm.s32 @p2 $0x1082  }
0x22: {  	[simem:s7], [sflag:s8] =	dma.local @!p0 [hbm:s6], $0xF7A  }
0x23: {  	s9 =	sor.u32 $0xD0000000, s2;
	s6 =	simm.s32 $0x108;
	_ =	swait.ge @!p0 [sflag:s8], $0x0  }
0x24: {  	s3 =	sadd.s32 $0x88, s3;
	s6 =	simm.s32 @!p1 $0x1082;
	[sflag:s4] =	ssyncset.s32 $0xFFFFF086  }
0x25: {  	[simem:s6], [sflag:s4] =	dma.local [hbm:s3], $0xF7A  }
0x26: {  	[smem:$0x3F96] =	sst s1;
	(tag) =	ssettag s2;
	_ =	strace s9  }
0x27: {  	s1 =	sld [smem:$0x3FA6]  }
0x28: {  	s2 =	sld [smem:$0x3FA7]  }
0x29: {  	s4 =	sld [smem:$0x3FA9]  }
0x2a: {  	p0 =	seq.s32 s5, $0x0;
	s5 =	sld [smem:$0x3FAA]  }
0x2b: {  	s6 =	sld [smem:$0x3FAB]  }
0x2c: {  	s7 =	sld [smem:$0x3FAC]  }
0x2d: {  	s3 =	simm.s32 $0x108;
	s8 =	sld [smem:$0x3FAD]  }
0x2e: {  	s3 =	simm.s32 @!p0 $0x1082;
	s9 =	sld [smem:$0x3FAE]  }
0x2f: {  	lr =	sadd.s32 s0, s3;
	s0 =	sld [smem:$0x3FA5]  }
0x30: {  	s3 =	sld [smem:$0x3FA8]  }
0x31: {  	[smem:$0x3FB1] =	sst s10  }
0x32: {  	s10 =	sld [smem:$0x3FAF];
	_ =	sdelay $0x3  }
0x33: {  	p0 =	seq.s32 s10, $0x1;
	s10 =	sld [smem:$0x3FB1];
	_ =	sdelay $0x3  }
0x34: {  	[smem:$0x3FB1] =	sst s10  }
0x35: {  	s10 =	sld [smem:$0x3FB0];
	_ =	sdelay $0x3  }
0x36: {  	p1 =	seq.s32 s10, $0x1;
	s10 =	sld [smem:$0x3FB1];
	_ =	sdelay $0x3  }
0x37: {  	[smem:$0x3FB1] =	sst s10  }
0x38: {  	s10 =	sld [smem:$0x3FB2]  }
0x39: {  	_ = 	snop;
	(pc) =	sbr.ind lr, $3  }
0x3a: {  	_ = 	snop  }
0x3b: {  	_ = 	snop  }
0x3c: {  	p2 =	seq.s32 s10, $0x1;
	s10 =	sld [smem:$0x3FB1]  }
0x3d: {  	_ =	shalt  }
0x3e: {  	_ =	shalt  }
0x3f: {  	_ =	shalt  }
0x40: {  	_ =	shalt  }
0x41: {  	_ =	shalt  }
0x42: {  	_ =	shalt  }
0x43: {  	_ =	shalt  }
0x44: {  	_ =	shalt  }
0x45: {  	_ =	shalt  }
0x46: {  	_ =	shalt  }
0x47: {  	_ =	shalt  }
0x48: {  	_ =	shalt  }
0x49: {  	_ =	shalt  }
0x4a: {  	_ =	shalt  }
0x4b: {  	_ =	shalt  }
0x4c: {  	_ =	shalt  }
0x4d: {  	_ =	shalt  }
0x4e: {  	_ =	shalt  }
0x4f: {  	_ =	shalt  }
0x50: {  	_ =	shalt  }
0x51: {  	_ =	shalt  }
0x52: {  	_ =	shalt  }
0x53: {  	_ =	shalt  }
0x54: {  	_ =	shalt  }
0x55: {  	_ =	shalt  }
0x56: {  	_ =	shalt  }
0x57: {  	_ =	shalt  }
0x58: {  	_ =	shalt  }
0x59: {  	_ =	shalt  }
0x5a: {  	_ =	shalt  }
0x5b: {  	_ =	shalt  }
0x5c: {  	_ =	shalt  }
0x5d: {  	_ =	shalt  }
0x5e: {  	_ =	shalt  }
0x5f: {  	_ =	shalt  }
0x60: {  	_ =	shalt  }
0x61: {  	_ =	shalt  }
0x62: {  	_ =	shalt  }
0x63: {  	_ =	shalt  }
0x64: {  	_ =	shalt  }
0x65: {  	_ =	shalt  }
0x66: {  	_ =	shalt  }
0x67: {  	_ =	shalt  }
0x68: {  	_ =	shalt  }
0x69: {  	_ =	shalt  }
0x6a: {  	_ =	shalt  }
0x6b: {  	_ =	shalt  }
0x6c: {  	_ =	shalt  }
0x6d: {  	_ =	shalt  }
0x6e: {  	_ =	shalt  }
0x6f: {  	_ =	shalt  }
0x70: {  	_ =	shalt  }
0x71: {  	_ =	shalt  }
0x72: {  	_ =	shalt  }
0x73: {  	_ =	shalt  }
0x74: {  	_ =	shalt  }
0x75: {  	_ =	shalt  }
0x76: {  	_ =	shalt  }
0x77: {  	_ =	shalt  }
0x78: {  	_ =	shalt  }
0x79: {  	_ =	shalt  }
0x7a: {  	_ =	shalt  }
0x7b: {  	_ =	shalt  }
0x7c: {  	_ =	shalt  }
0x7d: {  	_ =	shalt  }
0x7e: {  	_ =	shalt  }
0x7f: {  	_ =	shalt  }
0x80: {  	_ =	shalt  }
0x81: {  	_ =	shalt  }
0x82: {  	_ =	shalt  }
0x83: {  	_ =	shalt  }
0x84: {  	_ =	shalt  }
0x85: {  	_ =	shalt  }
0x86: {  	_ =	shalt  }
0x87: {  	_ =	shalt  }
.Lfunc_end0:
.L_simem_size_0:
called_computation_lowered:
.L_overlay_start_0:
0x88: {  	s2 =	sld [smem:$0x3FD9]  }
0x89: {  	s3 =	sld [smem:$0x3FFE];
	_ =	sdelay $0x1  }
0x8a: {  	s1 =	srdreg.scid  }
0x8b: {  	s0 =	sand.u32 $0x1, s1  }
0x8c: {  	s17 =	sshll.u32 s0, $0xA;
	s2 =	sadd.s32 s3, s2  }
0x8d: {  	s2 =	sadd.s32 s2, s17  }
0x8e: {  	[smem:$0x3FBD] =	sst s2  }
0x8f: {  	_ = 	snop  }
0x90: {  	s2 =	sld [smem:$0x3FD0];
	(tm) =	ssettm $0x1  }
0x91: {  	s18 =	sld [smem:$0x3FFB];
	_ =	sdelay $0x3  }
0x92: {  	_ =	strace s18  }
0x93: {  	s3 =	sld [smem:$0x3FFC];
	_ =	sdelay $0x3  }
0x94: {  	_ =	strace s3  }
0x95: {  	s3 =	sld [smem:$0x3FFD];
	_ =	sdelay $0x3  }
0x96: {  	_ =	strace s3  }
0x97: {  	_ =	strace $0x8FFFFFFF  }
0x98: {  	s19 =	sld [smem:$0x3FDB];
	_ =	sdelay $0x1  }
0x99: {  	s4 =	simm.s32 $_scs_section_size  }
0x9a: {  	s5 =	simm.s32 $_size__tile_overlayer_lowered;
	s6 =	simm.s32 $_tile_overlayer_lowered  }
0x9b: {  	s22 =	simm.s32 $0x1BFF;
	s21 =	sshll.u32 s6, $0x1;
	s3 =	sadd.s32 s4, s19  }
0x9c: {  	s7 =	simm.s32 $0x0;
	s20 =	sshll.u32 s5, $0x1;
	s5 =	sadd.s32 s21, s3  }
0x9d: {  	[timem:s7], [sflag:s22] =	dma.local [hbm:s5], s20  }
0x9e: {  	_ =	swait.ge [sflag:s22], s20  }
0x9f: {  	s4 =	ssub.s32 $0x0, s20;
	[sflag:s22] =	ssyncset.done $0x0  }
0xa0: {  	[sflag:s22] =	ssyncadd.s32 s4;
	_ =	sdelay $0x1  }
0xa1: {  	s23 =	simm.s32 $0x1B8B  }
0xa2: {  	_ =	swait.ge [sflag:s23], $0x1  }
0xa3: {  	[sflag:s23] =	ssyncset.done $0x0  }
0xa4: {  	s25 =	simm.s32 $0x1B8E;
	s24 =	sld [smem:$0x3FFE];
	[sflag:s23] =	ssyncadd.s32 $0xFFFFFFFF  }
0xa5: {  	s26 =	simm.s32 $execute0_lowered;
	[smem:$0x3FD2] =	sst s25  }
0xa6: {  	s5 =	sshll.u32 s26, $0x1;
	_ =	strace $0x80000046;
	[dreg:$0x1] =	wrdreg $0xFFFFFFFF  }
0xa7: {  	s28 =	simm.s32 $_size_execute0_lowered;
	s3 =	sadd.s32 s3, s5;
	[dreg:$0x0] =	wrdreg $0x0  }
0xa8: {  	s5 =	sshll.u32 s28, $0x1;
	[dreg:$0x2] =	wrdreg s3  }
0xa9: {  	[dreg:$0x3] =	wrdreg s5  }
0xaa: {  	[dreg:$0x4] =	wrdreg $0xC0  }
0xab: {  	_ =	task [dreg:s7], $0x5FFFF  }
0xac: {  	[dreg:$0x1] =	wrdreg $0xFFFFFFFF  }
0xad: {  	[dreg:$0x0] =	wrdreg $0x60  }
0xae: {  	[dreg:$0x2] =	wrdreg s24  }
0xaf: {  	[dreg:$0x3] =	wrdreg s2  }
0xb0: {  	[dreg:$0x4] =	wrdreg $0x2C100  }
0xb1: {  	[dreg:$0x5] =	wrdreg $0x9  }
0xb2: {  	_ =	task.clear_ibuf [dreg:s7], $0x6FFFF;
	_ =	strace $0x90000046  }
0xb3: {  	s29 =	simm.s32 $0x9;
	_ =	strace $0x80000048  }
0xb4: {  	_ =	swait.ge [sflag:s29], $0x1  }
0xb5: {  	[sflag:s29] =	ssyncadd.s32 $0xFFFFFFFF  }
0xb6: {  	_ =	strace $0x90000048  }
0xb7: {  	_ =	sfence  }
0xb8: {  	s30 =	sld [smem:$0x0];
	_ =	sdelay $0x2  }
0xb9: {  	s31 =	sshll.u32 s1, $0xD;
	s1 =	sshrl.u32 s1, $0x2  }
0xba: {  	s3 =	sand.u32 $0x4000, s31;
	s1 =	sadd.s32 s1, s30  }
0xbb: {  	s0 =	sor.u32 s3, s0;
	s1 =	sshll.u32 s1, $0x11  }
0xbc: {  	s0 =	sor.u32 s1, s0  }
0xbd: {  	s0 =	sadd.s32 $0x8F2B, s0  }
0xbe: {  	[sflag:s0] =	ssyncadd.remote.s32 $0x1  }
0xbf: {  	_ =	sfence.sel $0xFFFF  }
0xc0: {  	[dreg:$0x0] =	wrdreg $0xFFFFFFFF;
	(pc) =	sbr.abs _section_cstart, $3  }
0xc1: {  	[dreg:$0x1] =	wrdreg $0xFFFFFFFF  }
0xc2: {  	_ =	task.clear_ibuf [dreg:s7], $0x2FFFF;
	_ =	strace $0x9FFFFFFF  }
0xc3: {  	(tm) =	ssettm $0x7FFFFFFF  }
tec
execute0_lowered:
.L_overlay_start_1:
0x0: {  	(tag) =	ssettag $0x1  }
0x1: {  	s6 =	rddreg [dreg:$0x0]  }
0x2: {  	s8 =	rddreg [dreg:$0x1]  }
0x3: {  	s0 =	srdreg.scid;
	s2 =	rddreg [dreg:$0x2]  }
0x4: {  	s3 =	simm.s32 $0x0;
	s15 =	simm.s32 $0x2710;
	s16 =	simm.s32 $0x1  }
0x5: {  	s17 =	simm.s32 $0x0;
	s4 =	sand.u32 $0x1, s0;
	s0 =	stileid.u32  }
0x6: {  	[smem:$0x7FF] =	sst s3;
	s14 =	sadd.s32 $0x27000, s2;
	s7 =	smul.u32 $0x2700, s0  }
0x7: {  	s1 =	sshll.u32 s4, $0x4;
	s9 =	ssub.s32 $0x2, s4;
	s12 =	smul.u32 $0x27100, s4  }
0x8: {  	s31 =	sshll.u32 s0, $0x6;
	p0 =	sne.s32 s0, $0xF;
	s5 =	sor.u32 s0, s1  }
0x9: {  	s1 =	rddreg [dreg:$0x3];
	_ =	strace $0x80000047;
	s11 =	sshrl.u32 s9, $0x1  }
0xa: {  	s5 =	smul.u32 $0x4E2, s5;
	s10 =	sshrl.u32 s7, $0x3;
	s9 =	ssub.s32 s9, s11  }
0xb: {  	s13 =	sadd.s32 s7, s2;
	s7 =	sadd.s32 s7, s12;
	s30 =	sshrl.u32 s12, $0x3  }
0xc: {  	s11 =	sor.u32 $0x1C02, s31;
	s10 =	sadd.s32 s10, s6;
	s7 =	sshrl.u32 s7, $0x3  }
0xd: {  	s9 =	smax.u32 s9, $0x1;
	s12 =	sshrl.u32 s13, $0x3;
	s13 =	sshrl.u32 @!p0 s14, $0x3  }
0xe: {  	s14 =	simm.s32 $0x50;
	s5 =	sadd.s32 s5, s6;
	s6 =	sadd.s32 $0x1B600, s6  }
0xf: {  	s7 =	sadd.s32 s8, s7;
	s8 =	sadd.s32 s8, s30;
	s4 =	sadd.s32 $0x2C00, s5  }
0x10: {  	v0 =	vimm.f32 $1.000000000e+00;
	s5 =	sadd.s32 $0x16800, s10;
	s8 =	sadd.s32 $0x4E00, s8;
	s10 =	simm.s32 $0x2  }
.LBB2_1:
0x11: {  	[tilespmem:s3], [sflag:$0x2] =	stream.linear.gather [hbm4b:s4+s3], $0x2710, $0x38;
	[tilespmem:$0x5320] =	vst v63  }
0x12: {  	_ =	swait.ge [sflag:s10], $0x2710  }
0x13: {  	[sflag:s10] =	ssyncset.done $0x0  }
0x14: {  	[sflag:s10] =	ssyncadd.s32 $0xFFFFD8F0  }
0x15: {  	[tilespmem:$0x2710] =	vst v0  }
0x16: {  	[tilespmem:$0x2720] =	vst v0  }
0x17: {  	[tilespmem:$0x2730] =	vst v0  }
0x18: {  	[tilespmem:$0x2740] =	vst v0  }
0x19: {  	[tilespmem:$0x2750] =	vst v0  }
0x1a: {  	[tilespmem:$0x2760] =	vst v0  }
0x1b: {  	[tilespmem:$0x2770] =	vst v0  }
0x1c: {  	[tilespmem:$0x2780] =	vst v0  }
0x1d: {  	[tilespmem:$0x2790] =	vst v0  }
0x1e: {  	[tilespmem:$0x27A0] =	vst v0  }
0x1f: {  	[tilespmem:$0x27B0] =	vst v0  }
0x20: {  	[tilespmem:$0x27C0] =	vst v0  }
0x21: {  	[tilespmem:$0x27D0] =	vst v0  }
0x22: {  	[tilespmem:$0x27E0] =	vst v0  }
0x23: {  	[tilespmem:$0x27F0] =	vst v0  }
0x24: {  	[tilespmem:$0x2800] =	vst v0  }
0x25: {  	[tilespmem:$0x2810] =	vst v0  }
0x26: {  	[tilespmem:$0x2820] =	vst v0  }
0x27: {  	[tilespmem:$0x2830] =	vst v0  }
0x28: {  	[tilespmem:$0x2840] =	vst v0  }
0x29: {  	[tilespmem:$0x2850] =	vst v0  }
0x2a: {  	[tilespmem:$0x2860] =	vst v0  }
0x2b: {  	[tilespmem:$0x2870] =	vst v0  }
0x2c: {  	[tilespmem:$0x2880] =	vst v0  }
0x2d: {  	[tilespmem:$0x2890] =	vst v0  }
0x2e: {  	[tilespmem:$0x28A0] =	vst v0  }
0x2f: {  	[tilespmem:$0x28B0] =	vst v0  }
0x30: {  	[tilespmem:$0x28C0] =	vst v0  }
0x31: {  	[tilespmem:$0x28D0] =	vst v0  }
0x32: {  	[tilespmem:$0x28E0] =	vst v0  }
0x33: {  	[tilespmem:$0x28F0] =	vst v0  }
0x34: {  	[tilespmem:$0x2900] =	vst v0  }
0x35: {  	[tilespmem:$0x2910] =	vst v0  }
0x36: {  	[tilespmem:$0x2920] =	vst v0  }
0x37: {  	[tilespmem:$0x2930] =	vst v0  }
0x38: {  	[tilespmem:$0x2940] =	vst v0  }
0x39: {  	[tilespmem:$0x2950] =	vst v0  }
0x3a: {  	[tilespmem:$0x2960] =	vst v0  }
0x3b: {  	[tilespmem:$0x2970] =	vst v0  }
0x3c: {  	[tilespmem:$0x2980] =	vst v0  }
0x3d: {  	[tilespmem:$0x2990] =	vst v0  }
0x3e: {  	[tilespmem:$0x29A0] =	vst v0  }
0x3f: {  	[tilespmem:$0x29B0] =	vst v0  }
0x40: {  	[tilespmem:$0x29C0] =	vst v0  }
0x41: {  	[tilespmem:$0x29D0] =	vst v0  }
0x42: {  	[tilespmem:$0x29E0] =	vst v0  }
0x43: {  	[tilespmem:$0x29F0] =	vst v0  }
0x44: {  	[tilespmem:$0x2A00] =	vst v0  }
0x45: {  	[tilespmem:$0x2A10] =	vst v0  }
0x46: {  	[tilespmem:$0x2A20] =	vst v0  }
0x47: {  	[tilespmem:$0x2A30] =	vst v0  }
0x48: {  	[tilespmem:$0x2A40] =	vst v0  }
0x49: {  	[tilespmem:$0x2A50] =	vst v0  }
0x4a: {  	[tilespmem:$0x2A60] =	vst v0  }
0x4b: {  	[tilespmem:$0x2A70] =	vst v0  }
0x4c: {  	[tilespmem:$0x2A80] =	vst v0  }
0x4d: {  	[tilespmem:$0x2A90] =	vst v0  }
0x4e: {  	[tilespmem:$0x2AA0] =	vst v0  }
0x4f: {  	[tilespmem:$0x2AB0] =	vst v0  }
0x50: {  	[tilespmem:$0x2AC0] =	vst v0  }
0x51: {  	[tilespmem:$0x2AD0] =	vst v0  }
0x52: {  	[tilespmem:$0x2AE0] =	vst v0  }
0x53: {  	[tilespmem:$0x2AF0] =	vst v0  }
0x54: {  	[tilespmem:$0x2B00] =	vst v0  }
0x55: {  	[tilespmem:$0x2B10] =	vst v0  }
0x56: {  	[tilespmem:$0x2B20] =	vst v0  }
0x57: {  	[tilespmem:$0x2B30] =	vst v0  }
0x58: {  	[tilespmem:$0x2B40] =	vst v0  }
0x59: {  	[tilespmem:$0x2B50] =	vst v0  }
0x5a: {  	[tilespmem:$0x2B60] =	vst v0  }
0x5b: {  	[tilespmem:$0x2B70] =	vst v0  }
0x5c: {  	[tilespmem:$0x2B80] =	vst v0  }
0x5d: {  	[tilespmem:$0x2B90] =	vst v0  }
0x5e: {  	[tilespmem:$0x2BA0] =	vst v0  }
0x5f: {  	[tilespmem:$0x2BB0] =	vst v0  }
0x60: {  	[tilespmem:$0x2BC0] =	vst v0  }
0x61: {  	[tilespmem:$0x2BD0] =	vst v0  }
0x62: {  	[tilespmem:$0x2BE0] =	vst v0  }
0x63: {  	[tilespmem:$0x2BF0] =	vst v0  }
0x64: {  	[tilespmem:$0x2C00] =	vst v0  }
0x65: {  	[spmem:s12], [sflag:s11] =	dma.local [hbm:s5], $0x4E0  }
0x66: {  	_ =	swait.ge [sflag:s10], $0x4E0  }
0x67: {  	[sflag:s10] =	ssyncset.done $0x0  }
0x68: {  	s18 =	simm.s32 @!p0 $0x2;
	[sflag:s10] =	ssyncadd.s32 $0xFFFFFB20  }
0x69: {  	[spmem:s13], [sflag:s11] =	dma.local @!p0 [hbm:s6], $0x20  }
0x6a: {  	_ =	swait.ge @!p0 [sflag:s18], $0x20  }
0x6b: {  	[sflag:s18] =	ssyncset.done @!p0 $0x0  }
0x6c: {  	p1 =	por $0x1, $0x1;
	[sflag:s18] =	ssyncadd.s32 @!p0 $0xFFFFFFE0  }
0x6d: {  	s20 =	simm.s32 @!p1 $0x1;
	[bflag:$0x0] =	sbarrier.arrive $0xFFFF  }
0x6e: {  	[spmem:s2] =	stream.indirect.scatter.add.f32 [tilespmem:s15], [sflag:$0x1], $0x10, s3, s14, $0xb8;
	[tilespmem:$0x5320] =	vst v63  }
0x6f: {  	_ =	swait.ge @!p1 [sflag:s20], $0x500  }
0x70: {  	s19 =	simm.s32 $0x0;
	s18 =	simm.s32 $0x1;
	[sflag:s20] =	ssyncset.done @!p1 $0x0  }
.LBB2_2:
0x71: {  	[sflag:s20] =	ssyncadd.s32 @!p1 $0xFFFFFB00  }
0x72: {  	s19 =	sadd.s32 $0x50, s19;
	s20 =	smov.u32 s18;
	s18 =	sadd.s32 $0x1, s18  }
0x73: {  	p2 =	sne.s32 s18, $0x7D  }
0x74: {  	[spmem:s2] =	stream.indirect.scatter.add.f32 [tilespmem:s15], [sflag:$0x1], $0x10, s19, s14, $0xb8;
	[tilespmem:$0x5320] =	vst v63  }
.Ltmp0:
0x75: {  	_ = 	snop;
	(pc) =	sbr.rel @p2 .LBB2_2-.Ltmp0, $4  }
0x76: {  	p1 =	slt.u32 s20, $0x8  }
0x77: {  	s20 =	simm.s32 @!p1 $0x1  }
0x78: {  	_ =	swait.ge @!p1 [sflag:s20], $0x500  }
0x79: {  	[sflag:s20] =	ssyncset.done @!p1 $0x0  }
0x7a: {  	[sflag:s20] =	ssyncadd.s32 @!p1 $0xFFFFFB00  }
0x7b: {  	_ =	swait.ge [sflag:s16], $0x500  }
0x7c: {  	[sflag:s16] =	ssyncset.done $0x0  }
0x7d: {  	[sflag:s16] =	ssyncadd.s32 $0xFFFFFB00  }
0x7e: {  	_ =	swait.ge [sflag:s16], $0x500  }
0x7f: {  	[sflag:s16] =	ssyncset.done $0x0  }
0x80: {  	[sflag:s16] =	ssyncadd.s32 $0xFFFFFB00  }
0x81: {  	_ =	swait.ge [sflag:s16], $0x500  }
0x82: {  	[sflag:s16] =	ssyncset.done $0x0  }
0x83: {  	[sflag:s16] =	ssyncadd.s32 $0xFFFFFB00  }
0x84: {  	_ =	swait.ge [sflag:s16], $0x500  }
0x85: {  	[sflag:s16] =	ssyncset.done $0x0  }
0x86: {  	[sflag:s16] =	ssyncadd.s32 $0xFFFFFB00  }
0x87: {  	_ =	swait.ge [sflag:s16], $0x500  }
0x88: {  	[sflag:s16] =	ssyncset.done $0x0  }
0x89: {  	[sflag:s16] =	ssyncadd.s32 $0xFFFFFB00  }
0x8a: {  	_ =	swait.ge [sflag:s16], $0x500  }
0x8b: {  	[sflag:s16] =	ssyncset.done $0x0  }
0x8c: {  	[sflag:s16] =	ssyncadd.s32 $0xFFFFFB00  }
0x8d: {  	_ =	swait.ge [sflag:s16], $0x500  }
0x8e: {  	[sflag:s16] =	ssyncset.done $0x0  }
0x8f: {  	[sflag:s16] =	ssyncadd.s32 $0xFFFFFB00  }
0x90: {  	_ =	swait.ge [sflag:s16], $0x500  }
0x91: {  	[sflag:s16] =	ssyncset.done $0x0  }
0x92: {  	[sflag:s16] =	ssyncadd.s32 $0xFFFFFB00  }
0x93: {  	[bflag:$0x0] =	sbarrier.arrive $0xFFFF  }
0x94: {  	[hbm:s7], [sflag:s11] =	dma.local [spmem:s12], $0x4E0  }
0x95: {  	s17 =	sadd.s32 $0x1, s17;
	_ =	swait.ge [sflag:s10], $0x4E0  }
0x96: {  	p1 =	sne.s32 s17, s9;
	[sflag:s10] =	ssyncset.done $0x0  }
.Ltmp1:
0x97: {  	s18 =	simm.s32 @!p0 $0x2;
	[sflag:s10] =	ssyncadd.s32 $0xFFFFFB20;
	(pc) =	sbr.rel @p1 .LBB2_1-.Ltmp1, $4  }
0x98: {  	[hbm:s8], [sflag:s11] =	dma.local @!p0 [spmem:s13], $0x20  }
0x99: {  	_ =	swait.ge @!p0 [sflag:s18], $0x20  }
0x9a: {  	[sflag:s18] =	ssyncset.done @!p0 $0x0  }
0x9b: {  	[sflag:s18] =	ssyncadd.s32 @!p0 $0xFFFFFFE0  }
0x9c: {  	_ =	sfence.sel $0x180000  }
0x9d: {  	[bflag:$0x0] =	sbarrier.arrive $0xFFFF  }
0x9e: {  	p0 =	sne.s32 s0, $0x0;
	_ =	strace $0x90000047  }
0x9f: {  	s0 =	sadd.s32 @!p0 $0x100000, s1;
	[bflag:$0x2] =	sbarrier.arrive $0xFFFF  }
0xa0: {  	[sflag:s0] =	ssyncadd.tile.s32 @!p0 $0x1;
	_ =	shalt  }
.Lfunc_end2:
_tile_overlayer_lowered:
.L_overlay_start_2:
0xa1: {  	(tag) =	ssettag $0x2  }
0xa2: {  	s0 =	rddreg [dreg:$0x0];
	s2 =	stileid.u32  }
0xa3: {  	s1 =	rddreg [dreg:$0x1];
	p0 =	sne.s32 s2, $0x0  }
0xa4: {  	s3 =	rddreg [dreg:$0x2];
	[bflag:$0x3] =	sbarrier.arrive $0xFFFF;
	s2 =	simm.s32 @!p0 $0x1C02  }
0xa5: {  	[timem:s3], [sflag:s2] =	dma.local @!p0 [hbm:s0], s1  }
0xa6: {  	s0 =	simm.s32 @!p0 $0x2  }
0xa7: {  	_ =	swait.ge @!p0 [sflag:s0], s1  }
0xa8: {  	s1 =	ssub.s32 @!p0 $0x0, s1;
	[sflag:s0] =	ssyncset.done @!p0 $0x0  }
0xa9: {  	[sflag:s0] =	ssyncadd.s32 @!p0 s1  }
0xaa: {  	[bflag:$0x3] =	sbarrier.arrive $0xFFFF  }
0xab: {  	_ =	shalt  }

// kernel: kernel.13.cloned.1.call-start
scs
__scs_entry_jumppad:
0x0: {  	(pc) =	sbr.rel $0x88, $3  }
0x1: {  	(tag) =	ssettag $0x0;
	lr =	simm.s32 $0x1  }
0x2: {  	[smem:$0x3F96] =	sst lr;
	_ =	strace $0xD0000000  }
0x3: {  	_ = 	snop  }
0x4: {  	_ = 	snop  }
0x5: {  	_ = 	snop  }
0x6: {  	_ = 	snop  }
0x7: {  	_ = 	snop  }
__scs_overlays_trampoline_lowered:
0x8: {  	[smem:$0x3FA5] =	sst s0  }
0x9: {  	[smem:$0x3FA6] =	sst s1  }
0xa: {  	[smem:$0x3FA7] =	sst s2  }
0xb: {  	[smem:$0x3FA8] =	sst s3  }
0xc: {  	[smem:$0x3FA9] =	sst s4  }
0xd: {  	[smem:$0x3FAA] =	sst s5  }
0xe: {  	[smem:$0x3FAB] =	sst s6  }
0xf: {  	[smem:$0x3FAC] =	sst s7  }
0x10: {  	[smem:$0x3FAD] =	sst s8  }
0x11: {  	[smem:$0x3FAE] =	sst s9;
	s0 =	simm.s32 @!p0 $0x0  }
0x12: {  	s1 =	sld [smem:$0x3F94];
	s0 =	simm.s32 @p0 $0x1  }
0x13: {  	[smem:$0x3FAF] =	sst s0;
	s0 =	simm.s32 @!p1 $0x0  }
0x14: {  	s2 =	sld [smem:$0x3F93];
	s0 =	simm.s32 @p1 $0x1  }
0x15: {  	[smem:$0x3FB0] =	sst s0;
	s0 =	simm.s32 @!p2 $0x0  }
0x16: {  	s3 =	sld [smem:$0x3FDB];
	s0 =	simm.s32 @p2 $0x1  }
0x17: {  	s4 =	simm.s32 $0x1BF5;
	[smem:$0x3FB2] =	sst s0  }
0x18: {  	s0 =	sld [smem:$0x3F95];
	_ =	swait.ge [sflag:s4], $0x0  }
0x19: {  	s7 =	sld [smem:$0x3F96]  }
0x1a: {  	s8 =	sadd.s32 $0xFFFFE003, lr  }
0x1b: {  	s9 =	sadd.s32 $0xFFFFFEF7, lr;
	s5 =	simm.s32 $0xFFFFFFFF;
	p2 =	slt.u32 s8, $0xFFFFF086  }
0x1c: {  	p1 =	slt.u32 s9, $0xF7A;
	s5 =	simm.s32 @!p2 $0x0  }
0x1d: {  	s5 =	simm.s32 @p1 $0x1;
	p0 =	seq.s32 s7, s2  }
0x1e: {  	s7 =	smul.u32 @!p0 $0xF7A, s2;
	p2 =	seq.s32 @!p0 s5, $0x0  }
0x1f: {  	s9 =	smul.u32 $0xF7A, s1;
	s8 =	simm.s32 @!p0 $0x1BF5;
	p2 =	por !p2, p0  }
0x20: {  	[sflag:s8] =	ssyncset.s32 @!p0 $0xFFFFF086;
	s6 =	sadd.s32 @!p0 s3, s7;
	s7 =	simm.s32 @!p0 $0x108  }
0x21: {  	s3 =	sadd.s32 s3, s9;
	s6 =	sadd.s32 @!p0 $0x88, s6;
	s7 =	simm.s32 @p2 $0x1082  }
0x22: {  	[simem:s7], [sflag:s8] =	dma.local @!p0 [hbm:s6], $0xF7A  }
0x23: {  	s9 =	sor.u32 $0xD0000000, s2;
	s6 =	simm.s32 $0x108;
	_ =	swait.ge @!p0 [sflag:s8], $0x0  }
0x24: {  	s3 =	sadd.s32 $0x88, s3;
	s6 =	simm.s32 @!p1 $0x1082;
	[sflag:s4] =	ssyncset.s32 $0xFFFFF086  }
0x25: {  	[simem:s6], [sflag:s4] =	dma.local [hbm:s3], $0xF7A  }
0x26: {  	[smem:$0x3F96] =	sst s1;
	(tag) =	ssettag s2;
	_ =	strace s9  }
0x27: {  	s1 =	sld [smem:$0x3FA6]  }
0x28: {  	s2 =	sld [smem:$0x3FA7]  }
0x29: {  	s4 =	sld [smem:$0x3FA9]  }
0x2a: {  	p0 =	seq.s32 s5, $0x0;
	s5 =	sld [smem:$0x3FAA]  }
0x2b: {  	s6 =	sld [smem:$0x3FAB]  }
0x2c: {  	s7 =	sld [smem:$0x3FAC]  }
0x2d: {  	s3 =	simm.s32 $0x108;
	s8 =	sld [smem:$0x3FAD]  }
0x2e: {  	s3 =	simm.s32 @!p0 $0x1082;
	s9 =	sld [smem:$0x3FAE]  }
0x2f: {  	lr =	sadd.s32 s0, s3;
	s0 =	sld [smem:$0x3FA5]  }
0x30: {  	s3 =	sld [smem:$0x3FA8]  }
0x31: {  	[smem:$0x3FB1] =	sst s10  }
0x32: {  	s10 =	sld [smem:$0x3FAF];
	_ =	sdelay $0x3  }
0x33: {  	p0 =	seq.s32 s10, $0x1;
	s10 =	sld [smem:$0x3FB1];
	_ =	sdelay $0x3  }
0x34: {  	[smem:$0x3FB1] =	sst s10  }
0x35: {  	s10 =	sld [smem:$0x3FB0];
	_ =	sdelay $0x3  }
0x36: {  	p1 =	seq.s32 s10, $0x1;
	s10 =	sld [smem:$0x3FB1];
	_ =	sdelay $0x3  }
0x37: {  	[smem:$0x3FB1] =	sst s10  }
0x38: {  	s10 =	sld [smem:$0x3FB2]  }
0x39: {  	_ = 	snop;
	(pc) =	sbr.ind lr, $3  }
0x3a: {  	_ = 	snop  }
0x3b: {  	_ = 	snop  }
0x3c: {  	p2 =	seq.s32 s10, $0x1;
	s10 =	sld [smem:$0x3FB1]  }
0x3d: {  	_ =	shalt  }
0x3e: {  	_ =	shalt  }
0x3f: {  	_ =	shalt  }
0x40: {  	_ =	shalt  }
0x41: {  	_ =	shalt  }
0x42: {  	_ =	shalt  }
0x43: {  	_ =	shalt  }
0x44: {  	_ =	shalt  }
0x45: {  	_ =	shalt  }
0x46: {  	_ =	shalt  }
0x47: {  	_ =	shalt  }
0x48: {  	_ =	shalt  }
0x49: {  	_ =	shalt  }
0x4a: {  	_ =	shalt  }
0x4b: {  	_ =	shalt  }
0x4c: {  	_ =	shalt  }
0x4d: {  	_ =	shalt  }
0x4e: {  	_ =	shalt  }
0x4f: {  	_ =	shalt  }
0x50: {  	_ =	shalt  }
0x51: {  	_ =	shalt  }
0x52: {  	_ =	shalt  }
0x53: {  	_ =	shalt  }
0x54: {  	_ =	shalt  }
0x55: {  	_ =	shalt  }
0x56: {  	_ =	shalt  }
0x57: {  	_ =	shalt  }
0x58: {  	_ =	shalt  }
0x59: {  	_ =	shalt  }
0x5a: {  	_ =	shalt  }
0x5b: {  	_ =	shalt  }
0x5c: {  	_ =	shalt  }
0x5d: {  	_ =	shalt  }
0x5e: {  	_ =	shalt  }
0x5f: {  	_ =	shalt  }
0x60: {  	_ =	shalt  }
0x61: {  	_ =	shalt  }
0x62: {  	_ =	shalt  }
0x63: {  	_ =	shalt  }
0x64: {  	_ =	shalt  }
0x65: {  	_ =	shalt  }
0x66: {  	_ =	shalt  }
0x67: {  	_ =	shalt  }
0x68: {  	_ =	shalt  }
0x69: {  	_ =	shalt  }
0x6a: {  	_ =	shalt  }
0x6b: {  	_ =	shalt  }
0x6c: {  	_ =	shalt  }
0x6d: {  	_ =	shalt  }
0x6e: {  	_ =	shalt  }
0x6f: {  	_ =	shalt  }
0x70: {  	_ =	shalt  }
0x71: {  	_ =	shalt  }
0x72: {  	_ =	shalt  }
0x73: {  	_ =	shalt  }
0x74: {  	_ =	shalt  }
0x75: {  	_ =	shalt  }
0x76: {  	_ =	shalt  }
0x77: {  	_ =	shalt  }
0x78: {  	_ =	shalt  }
0x79: {  	_ =	shalt  }
0x7a: {  	_ =	shalt  }
0x7b: {  	_ =	shalt  }
0x7c: {  	_ =	shalt  }
0x7d: {  	_ =	shalt  }
0x7e: {  	_ =	shalt  }
0x7f: {  	_ =	shalt  }
0x80: {  	_ =	shalt  }
0x81: {  	_ =	shalt  }
0x82: {  	_ =	shalt  }
0x83: {  	_ =	shalt  }
0x84: {  	_ =	shalt  }
0x85: {  	_ =	shalt  }
0x86: {  	_ =	shalt  }
0x87: {  	_ =	shalt  }
.Lfunc_end0:
.L_simem_size_0:
called_computation.1_lowered:
.L_overlay_start_0:
0x88: {  	s2 =	sld [smem:$0x3FD9]  }
0x89: {  	s3 =	sld [smem:$0x3FFE];
	_ =	sdelay $0x1  }
0x8a: {  	s1 =	srdreg.scid  }
0x8b: {  	s0 =	sand.u32 $0x1, s1  }
0x8c: {  	s17 =	sshll.u32 s0, $0xA;
	s2 =	sadd.s32 s3, s2  }
0x8d: {  	s2 =	sadd.s32 s2, s17  }
0x8e: {  	[smem:$0x3FBD] =	sst s2  }
0x8f: {  	_ = 	snop  }
0x90: {  	(tm) =	ssettm $0x1  }
0x91: {  	s18 =	sld [smem:$0x3FFB];
	_ =	sdelay $0x3  }
0x92: {  	_ =	strace s18  }
0x93: {  	s2 =	sld [smem:$0x3FFC];
	_ =	sdelay $0x3  }
0x94: {  	_ =	strace s2  }
0x95: {  	s2 =	sld [smem:$0x3FFD];
	_ =	sdelay $0x3  }
0x96: {  	_ =	strace s2  }
0x97: {  	_ =	strace $0x8FFFFFFF  }
0x98: {  	s19 =	sld [smem:$0x3FDB];
	_ =	sdelay $0x1  }
0x99: {  	s20 =	simm.s32 $_scs_section_size  }
0x9a: {  	s4 =	simm.s32 $_size__tile_overlayer_lowered;
	s5 =	simm.s32 $_tile_overlayer_lowered  }
0x9b: {  	s6 =	simm.s32 $0x1BFF;
	s21 =	sshll.u32 s5, $0x1;
	s3 =	sadd.s32 s20, s19  }
0x9c: {  	s22 =	simm.s32 $0x0;
	s4 =	sshll.u32 s4, $0x1;
	s5 =	sadd.s32 s21, s3  }
0x9d: {  	[timem:s22], [sflag:s6] =	dma.local [hbm:s5], s4  }
0x9e: {  	_ =	swait.ge [sflag:s6], s4  }
0x9f: {  	s4 =	ssub.s32 $0x0, s4;
	[sflag:s6] =	ssyncset.done $0x0  }
0xa0: {  	[sflag:s6] =	ssyncadd.s32 s4;
	_ =	sdelay $0x1  }
0xa1: {  	s23 =	simm.s32 $0x1B8B  }
0xa2: {  	_ =	swait.ge [sflag:s23], $0x1  }
0xa3: {  	[sflag:s23] =	ssyncset.done $0x0  }
0xa4: {  	[sflag:s23] =	ssyncadd.s32 $0xFFFFFFFF  }
0xa5: {  	s4 =	sld [smem:$0x0]  }
0xa6: {  	s5 =	sand.u32 $0xFFFFFFFE, s1  }
0xa7: {  	p0 =	sne.s32 s1, s5  }
0xa8: {  	s5 =	sshll.u32 @p0 s5, $0xE  }
0xa9: {  	s5 =	sadd.s32 @p0 $0x11B8D, s5;
	s6 =	sshll.u32 @p0 s4, $0x11  }
0xaa: {  	s5 =	sor.u32 @p0 s6, s5  }
0xab: {  	[sflag:s5] =	ssyncadd.remote.s32 @p0 $0x1;
	_ =	sdelay $0x1  }
0xac: {  	s5 =	simm.s32 @p0 $0x1B8D  }
0xad: {  	_ =	swait.eq @p0 [sflag:s5], $0x1  }
0xae: {  	[sflag:s5] =	ssyncadd.s32 @p0 $0xFFFFFFFF  }
0xaf: {  	s6 =	sshll.u32 @!p0 s1, $0xE  }
0xb0: {  	s6 =	sor.u32 @!p0 $0x4000, s6;
	s5 =	simm.s32 @!p0 $0x1B8D  }
0xb1: {  	s4 =	sshll.u32 @!p0 s4, $0x11;
	s6 =	sadd.s32 @!p0 $0x11B8D, s6;
	_ =	swait.eq @!p0 [sflag:s5], $0x1  }
0xb2: {  	s4 =	sor.u32 @!p0 s4, s6;
	[sflag:s5] =	ssyncadd.s32 @!p0 $0xFFFFFFFF  }
0xb3: {  	s25 =	simm.s32 $0x1B8E;
	s24 =	sld [smem:$0x3FFE];
	[sflag:s4] =	ssyncadd.remote.s32 @!p0 $0x1  }
0xb4: {  	s26 =	simm.s32 $execute0_lowered;
	[smem:$0x3FD2] =	sst s25  }
0xb5: {  	s5 =	sshll.u32 s26, $0x1;
	_ =	strace $0x80000049;
	[dreg:$0x1] =	wrdreg $0xFFFFFFFF  }
0xb6: {  	s28 =	simm.s32 $_size_execute0_lowered;
	s3 =	sadd.s32 s3, s5;
	[dreg:$0x0] =	wrdreg $0x0  }
0xb7: {  	s5 =	sshll.u32 s28, $0x1;
	[dreg:$0x2] =	wrdreg s3  }
0xb8: {  	[dreg:$0x3] =	wrdreg s5  }
0xb9: {  	[dreg:$0x4] =	wrdreg $0xC0  }
0xba: {  	_ =	task [dreg:s22], $0x5FFFF  }
0xbb: {  	[dreg:$0x1] =	wrdreg $0xFFFFFFFF  }
0xbc: {  	[dreg:$0x0] =	wrdreg $0x60  }
0xbd: {  	[dreg:$0x2] =	wrdreg s24  }
0xbe: {  	[dreg:$0x3] =	wrdreg $0xA2800  }
0xbf: {  	[dreg:$0x4] =	wrdreg $0xA  }
0xc0: {  	_ =	task.clear_ibuf [dreg:s22], $0x5FFFF;
	_ =	strace $0x90000049  }
0xc1: {  	s29 =	simm.s32 $0xA;
	_ =	strace $0x8000004B  }
0xc2: {  	_ =	swait.ge [sflag:s29], $0x1  }
0xc3: {  	[sflag:s29] =	ssyncadd.s32 $0xFFFFFFFF  }
0xc4: {  	_ =	strace $0x9000004B  }
0xc5: {  	_ =	sfence  }
0xc6: {  	s30 =	sld [smem:$0x0];
	_ =	sdelay $0x2  }
0xc7: {  	s31 =	sshll.u32 s1, $0xD;
	s1 =	sshrl.u32 s1, $0x2  }
0xc8: {  	s4 =	sand.u32 $0x4000, s31;
	s1 =	sadd.s32 s1, s30  }
0xc9: {  	s0 =	sor.u32 s4, s0;
	s1 =	sshll.u32 s1, $0x11  }
0xca: {  	s0 =	sor.u32 s1, s0  }
0xcb: {  	s0 =	sadd.s32 $0x8F2B, s0  }
0xcc: {  	[sflag:s0] =	ssyncadd.remote.s32 $0x1  }
0xcd: {  	_ =	sfence.sel $0xFFFF  }
0xce: {  	[dreg:$0x0] =	wrdreg $0xFFFFFFFF;
	(pc) =	sbr.abs _section_cstart, $3  }
0xcf: {  	[dreg:$0x1] =	wrdreg $0xFFFFFFFF  }
0xd0: {  	_ =	task.clear_ibuf [dreg:s22], $0x2FFFF;
	_ =	strace $0x9FFFFFFF  }
0xd1: {  	(tm) =	ssettm $0x7FFFFFFF  }
tec
execute0_lowered:
.L_overlay_start_1:
0x0: {  	(tag) =	ssettag $0x1  }
0x1: {  	s0 =	rddreg [dreg:$0x0]  }
0x2: {  	s1 =	rddreg [dreg:$0x1];
	s3 =	simm.s32 $0x0;
	s13 =	stileid.u32  }
0x3: {  	s5 =	srdreg.scid;
	s30 =	simm.s32 $0x11;
	s31 =	simm.s32 $0x140  }
0x4: {  	s29 =	simm.s32 $0x190;
	s28 =	simm.s32 $0x10;
	[smem:$0x7FF] =	sst s3  }
0x5: {  	s4 =	sadd.s32 $0x1B800, s0;
	s2 =	smul.u32 $0x13800, s13;
	s6 =	sadd.s32 $0xCA00, s0  }
0x6: {  	s7 =	sadd.s32 $0x2C00, s0;
	s5 =	sand.u32 $0x1, s5;
	s12 =	sadd.s32 $0x69C00, s0  }
0x7: {  	s21 =	sshll.u32 s13, $0x6;
	s24 =	sadd.s32 $0x138000, s1;
	p0 =	sne.s32 s13, $0xF  }
0x8: {  	_ =	strace $0x8000004A;
	s9 =	ssub.s32 $0x2, s5;
	s10 =	sshll.u32 s5, $0x4  }
0x9: {  	s26 =	sor.u32 $0x1C11, s21;
	[dreg:$0x6] =	wrdreg s24;
	s17 =	smul.u32 $0x138800, s5  }
0xa: {  	s5 =	smul.u32 $0x4E20, s5;
	s8 =	sshrl.u32 s2, $0x3;
	s11 =	sshrl.u32 s9, $0x1  }
0xb: {  	s10 =	sor.u32 s13, s10;
	s14 =	sadd.s32 s2, s1;
	[dreg:$0x5] =	wrdreg s26  }
0xc: {  	s8 =	sadd.s32 s8, s0;
	s9 =	ssub.s32 s9, s11;
	s20 =	smul.u32 $0x2710, s10  }
0xd: {  	[dreg:$0x3] =	wrdreg s14;
	s22 =	smul.u32 $0x4E2, s10;
	s0 =	sadd.s32 $0x69A00, s0  }
0xe: {  	s21 =	sshrl.u32 s17, $0x3;
	s24 =	sadd.s32 s5, s7;
	s5 =	sadd.s32 s5, s6  }
0xf: {  	s11 =	simm.s32 $0x2A80;
	s8 =	sadd.s32 $0x42A00, s8;
	[dreg:$0x7] =	wrdreg s0  }
0x10: {  	[dreg:$0x4] =	wrdreg s8;
	s23 =	sshrl.u32 s20, $0x3;
	s14 =	sadd.s32 s6, s22  }
0x11: {  	s8 =	sadd.s32 s7, s22;
	s20 =	sadd.s32 s2, s17;
	s22 =	sadd.s32 s12, s21  }
0x12: {  	s2 =	simm.s32 $0x280;
	s17 =	simm.s32 $0xB;
	[dreg:$0x8] =	wrdreg s14  }
0x13: {  	s25 =	sadd.s32 $0xA, s23;
	[dreg:$0x9] =	wrdreg s8;
	s16 =	sadd.s32 $0x14, s23  }
0x14: {  	s19 =	sadd.s32 $0x1E, s23;
	s23 =	smul.u32 $0x4E2, s13;
	s15 =	sadd.s32 s6, s25  }
0x15: {  	s13 =	simm.s32 $0x9;
	s0 =	sadd.s32 s7, s25;
	[dreg:$0xa] =	wrdreg s15  }
0x16: {  	s14 =	simm.s32 $0x6;
	s18 =	sadd.s32 s6, s16;
	[dreg:$0xb] =	wrdreg s0  }
0x17: {  	s8 =	simm.s32 $0x7A80;
	s10 =	sadd.s32 s6, s19;
	[dreg:$0xc] =	wrdreg s18  }
0x18: {  	s25 =	smax.u32 s9, $0x1;
	s6 =	simm.s32 $0x0;
	[dreg:$0xe] =	wrdreg s10  }
0x19: {  	s9 =	simm.s32 $0x230;
	s0 =	sadd.s32 s7, s16;
	[dreg:$0x12] =	wrdreg s25  }
0x1a: {  	s25 =	simm.s32 $0x50;
	s10 =	simm.s32 $0x4;
	s15 =	simm.s32 $0xA  }
0x1b: {  	s16 =	simm.s32 $0x7;
	s18 =	simm.s32 $0x8;
	[dreg:$0xd] =	wrdreg s0  }
0x1c: {  	s0 =	sadd.s32 s7, s19;
	s19 =	simm.s32 $0xC;
	s7 =	simm.s32 $0xF  }
.Ltmp0:
0x1d: {  	[dreg:$0xf] =	wrdreg s0;
	s0 =	sshrl.u32 s20, $0x3;
	(pc) =	sbr.rel .LBB2_1-.Ltmp0, $4  }
0x1e: {  	s20 =	simm.s32 $0xD;
	s0 =	sadd.s32 s12, s0;
	s12 =	simm.s32 $0x5  }
0x1f: {  	[dreg:$0x10] =	wrdreg s0;
	s0 =	sadd.s32 $0x27000, s22;
	s22 =	sadd.s32 s23, s5  }
0x20: {  	s5 =	simm.s32 $0x7A80;
	[dreg:$0x11] =	wrdreg s0;
	s0 =	sadd.s32 s23, s24  }
0x21: {  	s23 =	simm.s32 $0xE;
	[dreg:$0x13] =	wrdreg s0;
	s0 =	simm.s32 $0x1  }
.LBB2_4:
0x22: {  	_ =	swait.ge [sflag:s7], $0x2800  }
0x23: {  	[sflag:s7] =	ssyncset.done $0x0  }
0x24: {  	[sflag:s7] =	ssyncadd.s32 $0xFFFFD800  }
0x25: {  	_ =	swait.ge [sflag:s28], $0x2800  }
0x26: {  	[sflag:s28] =	ssyncset.done $0x0  }
0x27: {  	[sflag:s28] =	ssyncadd.s32 $0xFFFFD800  }
0x28: {  	_ =	swait.ge [sflag:s12], $0x50  }
0x29: {  	[sflag:s12] =	ssyncset.done $0x0  }
0x2a: {  	[sflag:s12] =	ssyncadd.s32 $0xFFFFFFB0  }
0x2b: {  	_ =	swait.ge [sflag:s13], $0x2800  }
0x2c: {  	[sflag:s13] =	ssyncset.done $0x0  }
0x2d: {  	s2 =	simm.s32 $0x280;
	[sflag:s13] =	ssyncadd.s32 $0xFFFFD800  }
0x2e: {  	[spmem:s1] =	stream.indirect.scatter.add.f32 [tilespmem:s2], [sflag:$0xD], $0x80, s31, s25, $0xb8;
	[tilespmem:$0x1DB00] =	vst v63  }
0x2f: {  	_ =	swait.ge [sflag:s20], $0x2800  }
0x30: {  	[sflag:s20] =	ssyncset.done $0x0  }
0x31: {  	[sflag:s20] =	ssyncadd.s32 $0xFFFFD800  }
0x32: {  	[bflag:$0x0] =	sbarrier.arrive $0xFFFF  }
0x33: {  	s26 =	rddreg [dreg:$0x5]  }
0x34: {  	s21 =	rddreg [dreg:$0x10]  }
0x35: {  	s30 =	simm.s32 $0x11;
	s5 =	rddreg [dreg:$0x15]  }
0x36: {  	[hbm:s21], [sflag:s26] =	dma.local [spmem:s5], $0x2700  }
0x37: {  	_ =	swait.ge [sflag:s30], $0x2700  }
0x38: {  	[sflag:s30] =	ssyncset.done $0x0;
	s21 =	rddreg [dreg:$0x11]  }
0x39: {  	s5 =	rddreg [dreg:$0x16];
	[sflag:s30] =	ssyncadd.s32 $0xFFFFD900  }
0x3a: {  	[hbm:s21], [sflag:s26] =	dma.local @!p0 [spmem:s5], $0x100  }
0x3b: {  	s21 =	simm.s32 @!p0 $0x11  }
0x3c: {  	_ =	swait.ge @!p0 [sflag:s21], $0x100  }
0x3d: {  	s6 =	rddreg [dreg:$0x14]  }
0x3e: {  	s29 =	rddreg [dreg:$0x12];
	s6 =	sadd.s32 $0x1, s6  }
0x3f: {  	p1 =	sne.s32 s6, s29  }
.Ltmp1:
0x40: {  	_ = 	snop;
	(pc) =	sbr.rel @!p1 .LBB2_5-.Ltmp1, $3  }
0x41: {  	_ =	sdelay $0x1  }
0x42: {  	[sflag:s21] =	ssyncset.done @!p0 $0x0  }
0x43: {  	s5 =	simm.s32 $0x7A80;
	[sflag:s21] =	ssyncadd.s32 @!p0 $0xFFFFFF00;
	s29 =	simm.s32 $0x190  }
.LBB2_1:
0x44: {  	[dreg:$0x14] =	wrdreg s6  }
0x45: {  	s21 =	rddreg [dreg:$0x3]  }
0x46: {  	s24 =	rddreg [dreg:$0x4];
	s21 =	sshrl.u32 s21, $0x3  }
0x47: {  	[dreg:$0x15] =	wrdreg s21  }
0x48: {  	[spmem:s21], [sflag:s26] =	dma.local [hbm:s24], $0x2700  }
0x49: {  	_ =	swait.ge [sflag:s30], $0x2700  }
0x4a: {  	s21 =	rddreg [dreg:$0x6]  }
0x4b: {  	[sflag:s30] =	ssyncset.done $0x0;
	s6 =	sshrl.u32 @!p0 s21, $0x3;
	s21 =	rddreg [dreg:$0x7]  }
0x4c: {  	[sflag:s30] =	ssyncadd.s32 $0xFFFFD900;
	[dreg:$0x16] =	wrdreg s6  }
0x4d: {  	[spmem:s6], [sflag:s26] =	dma.local @!p0 [hbm:s21], $0x100  }
0x4e: {  	s21 =	simm.s32 @!p0 $0x11  }
0x4f: {  	_ =	swait.ge @!p0 [sflag:s21], $0x100  }
0x50: {  	[sflag:s21] =	ssyncset.done @!p0 $0x0  }
0x51: {  	[sflag:s21] =	ssyncadd.s32 @!p0 $0xFFFFFF00  }
0x52: {  	[bflag:$0x0] =	sbarrier.arrive $0xFFFF  }
0x53: {  	s26 =	rddreg [dreg:$0x8]  }
0x54: {  	[tilespmem:s3], [sflag:$0x1] =	stream.linear.gather [hbm4b:s26+s3], $0x50, $0x38;
	[tilespmem:$0x1DB00] =	vst v63  }
0x55: {  	s6 =	rddreg [dreg:$0x9]  }
0x56: {  	[tilespmem:s31], [sflag:$0x5] =	stream.linear.gather [hbm4b:s6+s3], $0x50, $0x38;
	[tilespmem:$0x1DB00] =	vst v63  }
0x57: {  	s24 =	rddreg [dreg:$0xa]  }
0x58: {  	[tilespmem:s25], [sflag:$0x2] =	stream.linear.gather [hbm4b:s24+s3], $0x50, $0x38;
	[tilespmem:$0x1DB00] =	vst v63  }
0x59: {  	s26 =	rddreg [dreg:$0xb]  }
0x5a: {  	[tilespmem:s29], [sflag:$0x6] =	stream.linear.gather [hbm4b:s26+s3], $0x50, $0x38;
	[tilespmem:$0x1DB00] =	vst v63  }
0x5b: {  	s6 =	rddreg [dreg:$0xc];
	s24 =	simm.s32 $0xA0  }
0x5c: {  	[tilespmem:s24], [sflag:$0x3] =	stream.linear.gather [hbm4b:s6+s3], $0x50, $0x38;
	[tilespmem:$0x1DB00] =	vst v63  }
0x5d: {  	s26 =	rddreg [dreg:$0xd];
	s6 =	simm.s32 $0x1E0  }
0x5e: {  	[tilespmem:s6], [sflag:$0x7] =	stream.linear.gather [hbm4b:s26+s3], $0x50, $0x38;
	[tilespmem:$0x1DB00] =	vst v63  }
0x5f: {  	s21 =	rddreg [dreg:$0xe];
	s26 =	simm.s32 $0xF0  }
0x60: {  	[tilespmem:s26], [sflag:$0x4] =	stream.linear.gather [hbm4b:s21+s3], $0x50, $0x38;
	[tilespmem:$0x1DB00] =	vst v63  }
0x61: {  	s21 =	rddreg [dreg:$0xf]  }
0x62: {  	[tilespmem:s9], [sflag:$0x8] =	stream.linear.gather [hbm4b:s21+s3], $0x50, $0x38;
	[tilespmem:$0x1DB00] =	vst v63  }
0x63: {  	_ =	swait.ge [sflag:s0], $0x50  }
0x64: {  	[sflag:s0] =	ssyncset.done $0x0  }
0x65: {  	s21 =	simm.s32 $0x2;
	[sflag:s0] =	ssyncadd.s32 $0xFFFFFFB0  }
0x66: {  	[tilespmem:s2], [sflag:$0x9] =	stream.indirect.gather [hbm4b:s4+s25], $0x80, s3, s25, $0xb8;
	[tilespmem:$0x1DB00] =	vst v63  }
0x67: {  	_ =	swait.ge [sflag:s21], $0x50  }
0x68: {  	[sflag:s21] =	ssyncset.done $0x0  }
0x69: {  	[sflag:s21] =	ssyncadd.s32 $0xFFFFFFB0;
	s21 =	simm.s32 $0x3  }
0x6a: {  	[tilespmem:s11], [sflag:$0xA] =	stream.indirect.gather [hbm4b:s4+s25], $0x80, s25, s25, $0xb8;
	[tilespmem:$0x1DB00] =	vst v63  }
0x6b: {  	_ =	swait.ge [sflag:s21], $0x50  }
0x6c: {  	[sflag:s21] =	ssyncset.done $0x0  }
0x6d: {  	s2 =	simm.s32 $0x5280;
	[sflag:s21] =	ssyncadd.s32 $0xFFFFFFB0  }
0x6e: {  	[tilespmem:s2], [sflag:$0xB] =	stream.indirect.gather [hbm4b:s4+s25], $0x80, s24, s25, $0xb8;
	[tilespmem:$0x1DB00] =	vst v63  }
0x6f: {  	_ =	swait.ge [sflag:s10], $0x50  }
0x70: {  	[sflag:s10] =	ssyncset.done $0x0  }
0x71: {  	s30 =	simm.s32 $0x0;
	[sflag:s10] =	ssyncadd.s32 $0xFFFFFFB0  }
0x72: {  	[tilespmem:s5], [sflag:$0xC] =	stream.indirect.gather [hbm4b:s4+s25], $0x80, s26, s25, $0xb8;
	[tilespmem:$0x1DB00] =	vst v63  }
.LBB2_2:
0x73: {  	_ =	swait.ge [sflag:s12], $0x50  }
0x74: {  	[sflag:s12] =	ssyncset.done $0x0  }
0x75: {  	[sflag:s12] =	ssyncadd.s32 $0xFFFFFFB0  }
0x76: {  	_ =	swait.ge [sflag:s13], $0x2800  }
0x77: {  	[sflag:s13] =	ssyncset.done $0x0  }
0x78: {  	s5 =	simm.s32 $0x280;
	s21 =	sadd.s32 s30, s22;
	[sflag:s13] =	ssyncadd.s32 $0xFFFFD800  }
0x79: {  	[spmem:s1] =	stream.indirect.scatter.add.f32 [tilespmem:s5], [sflag:$0xD], $0x80, s31, s25, $0xb8;
	[tilespmem:$0x1DB00] =	vst v63  }
0x7a: {  	s21 =	sadd.s32 $0x28, s21  }
0x7b: {  	[tilespmem:s3], [sflag:$0x1] =	stream.linear.gather [hbm4b:s21+s3], $0x50, $0x38;
	[tilespmem:$0x1DB00] =	vst v63  }
0x7c: {  	_ =	swait.ge [sflag:s14], $0x50  }
0x7d: {  	[sflag:s14] =	ssyncset.done $0x0  }
0x7e: {  	[sflag:s14] =	ssyncadd.s32 $0xFFFFFFB0  }
0x7f: {  	_ =	swait.ge [sflag:s15], $0x2800  }
0x80: {  	p1 =	seq.s32 s30, $0x4B0;
	[sflag:s15] =	ssyncset.done $0x0  }
0x81: {  	s21 =	sadd.s32 @!p1 s30, s22;
	[sflag:s15] =	ssyncadd.s32 $0xFFFFD800  }
0x82: {  	[spmem:s1] =	stream.indirect.scatter.add.f32 [tilespmem:s11], [sflag:$0xE], $0x80, s29, s25, $0xb8;
	[tilespmem:$0x1DB00] =	vst v63  }
0x83: {  	s31 =	simm.s32 @!p1 $0x50;
	s26 =	sadd.s32 @!p1 $0x32, s21;
	s29 =	simm.s32 @!p1 $0x0  }
0x84: {  	[tilespmem:s31], [sflag:$0x2] =	stream.linear.gather @!p1 [hbm4b:s26+s29], $0x50, $0x38;
	[tilespmem:$0x1DB00] =	vst v63  }
0x85: {  	_ =	swait.ge [sflag:s16], $0x50  }
0x86: {  	[sflag:s16] =	ssyncset.done $0x0  }
0x87: {  	[sflag:s16] =	ssyncadd.s32 $0xFFFFFFB0  }
0x88: {  	_ =	swait.ge [sflag:s17], $0x2800  }
0x89: {  	[sflag:s17] =	ssyncset.done $0x0  }
0x8a: {  	[sflag:s17] =	ssyncadd.s32 $0xFFFFD800  }
0x8b: {  	[spmem:s1] =	stream.indirect.scatter.add.f32 [tilespmem:s2], [sflag:$0xF], $0x80, s6, s25, $0xb8;
	[tilespmem:$0x1DB00] =	vst v63  }
0x8c: {  	s26 =	sadd.s32 @!p1 $0x3C, s21;
	s31 =	simm.s32 @!p1 $0xA0  }
0x8d: {  	[tilespmem:s31], [sflag:$0x3] =	stream.linear.gather @!p1 [hbm4b:s26+s29], $0x50, $0x38;
	[tilespmem:$0x1DB00] =	vst v63  }
0x8e: {  	_ =	swait.ge [sflag:s18], $0x50  }
0x8f: {  	[sflag:s18] =	ssyncset.done $0x0  }
0x90: {  	[sflag:s18] =	ssyncadd.s32 $0xFFFFFFB0  }
0x91: {  	_ =	swait.ge [sflag:s19], $0x2800  }
0x92: {  	[sflag:s19] =	ssyncset.done $0x0  }
0x93: {  	[sflag:s19] =	ssyncadd.s32 $0xFFFFD800  }
0x94: {  	[spmem:s1] =	stream.indirect.scatter.add.f32 [tilespmem:s8], [sflag:$0x10], $0x80, s9, s25, $0xb8;
	[tilespmem:$0x1DB00] =	vst v63  }
0x95: {  	s21 =	sadd.s32 @!p1 $0x46, s21;
	s26 =	simm.s32 @!p1 $0xF0  }
0x96: {  	[tilespmem:s26], [sflag:$0x4] =	stream.linear.gather @!p1 [hbm4b:s21+s29], $0x50, $0x38;
	[tilespmem:$0x1DB00] =	vst v63  }
0x97: {  	_ =	swait.ge [sflag:s20], $0x2800  }
0x98: {  	s26 =	rddreg [dreg:$0x13]  }
0x99: {  	[sflag:s20] =	ssyncset.done $0x0;
	s21 =	sadd.s32 s30, s26  }
0x9a: {  	s31 =	simm.s32 $0x140;
	[sflag:s20] =	ssyncadd.s32 $0xFFFFD800;
	s29 =	sadd.s32 $0x28, s21  }
0x9b: {  	[tilespmem:s31], [sflag:$0x5] =	stream.linear.gather [hbm4b:s29+s3], $0x50, $0x38;
	[tilespmem:$0x1DB00] =	vst v63  }
0x9c: {  	_ =	swait.ge [sflag:s0], $0x50  }
0x9d: {  	[sflag:s0] =	ssyncset.done $0x0  }
.Ltmp2:
0x9e: {  	[sflag:s0] =	ssyncadd.s32 $0xFFFFFFB0;
	(pc) =	sbr.rel @p1 .LBB2_4-.Ltmp2, $4  }
0x9f: {  	[tilespmem:s5], [sflag:$0x9] =	stream.indirect.gather [hbm4b:s4+s25], $0x80, s3, s25, $0xb8;
	[tilespmem:$0x1DB00] =	vst v63  }
0xa0: {  	_ =	swait.ge [sflag:s23], $0x2800  }
0xa1: {  	[sflag:s23] =	ssyncset.done $0x0  }
0xa2: {  	s24 =	simm.s32 $0x190;
	[sflag:s23] =	ssyncadd.s32 $0xFFFFD800  }
0xa3: {  	s26 =	sadd.s32 $0x32, s21;
	s5 =	simm.s32 $0x2  }
0xa4: {  	[tilespmem:s24], [sflag:$0x6] =	stream.linear.gather [hbm4b:s26+s3], $0x50, $0x38;
	[tilespmem:$0x1DB00] =	vst v63  }
0xa5: {  	_ =	swait.ge [sflag:s5], $0x50  }
0xa6: {  	[sflag:s5] =	ssyncset.done $0x0  }
0xa7: {  	[sflag:s5] =	ssyncadd.s32 $0xFFFFFFB0  }
0xa8: {  	[tilespmem:s11], [sflag:$0xA] =	stream.indirect.gather [hbm4b:s4+s25], $0x80, s25, s25, $0xb8;
	[tilespmem:$0x1DB00] =	vst v63  }
0xa9: {  	_ =	swait.ge [sflag:s7], $0x2800  }
0xaa: {  	[sflag:s7] =	ssyncset.done $0x0  }
0xab: {  	s24 =	sadd.s32 $0x3C, s21;
	s26 =	simm.s32 $0x3;
	[sflag:s7] =	ssyncadd.s32 $0xFFFFD800  }
0xac: {  	[tilespmem:s6], [sflag:$0x7] =	stream.linear.gather [hbm4b:s24+s3], $0x50, $0x38;
	[tilespmem:$0x1DB00] =	vst v63  }
0xad: {  	_ =	swait.ge [sflag:s26], $0x50  }
0xae: {  	[sflag:s26] =	ssyncset.done $0x0  }
0xaf: {  	s5 =	simm.s32 $0xA0;
	[sflag:s26] =	ssyncadd.s32 $0xFFFFFFB0  }
0xb0: {  	[tilespmem:s2], [sflag:$0xB] =	stream.indirect.gather [hbm4b:s4+s25], $0x80, s5, s25, $0xb8;
	[tilespmem:$0x1DB00] =	vst v63  }
0xb1: {  	_ =	swait.ge [sflag:s28], $0x2800  }
0xb2: {  	[sflag:s28] =	ssyncset.done $0x0  }
0xb3: {  	s24 =	sadd.s32 $0x46, s21;
	[sflag:s28] =	ssyncadd.s32 $0xFFFFD800  }
0xb4: {  	[tilespmem:s9], [sflag:$0x8] =	stream.linear.gather [hbm4b:s24+s3], $0x50, $0x38;
	[tilespmem:$0x1DB00] =	vst v63  }
.Ltmp3:
0xb5: {  	_ = 	snop;
	(pc) =	sbr.rel .LBB2_2-.Ltmp3, $4  }
0xb6: {  	_ =	swait.ge [sflag:s10], $0x50  }
0xb7: {  	s30 =	sadd.s32 $0x28, s30;
	[sflag:s10] =	ssyncset.done $0x0  }
0xb8: {  	s29 =	simm.s32 $0x190;
	s26 =	simm.s32 $0xF0;
	[sflag:s10] =	ssyncadd.s32 $0xFFFFFFB0  }
0xb9: {  	[tilespmem:s8], [sflag:$0xC] =	stream.indirect.gather [hbm4b:s4+s25], $0x80, s26, s25, $0xb8;
	[tilespmem:$0x1DB00] =	vst v63  }
.LBB2_5:
0xba: {  	_ =	sfence.sel $0x180000  }
0xbb: {  	[bflag:$0x0] =	sbarrier.arrive $0xFFFF  }
0xbc: {  	_ =	strace $0x9000004A  }
0xbd: {  	s0 =	stileid.u32;
	[bflag:$0x2] =	sbarrier.arrive $0xFFFF  }
0xbe: {  	p0 =	sne.s32 s0, $0x0;
	s0 =	rddreg [dreg:$0x2]  }
0xbf: {  	s0 =	sadd.s32 @!p0 $0x100000, s0  }
0xc0: {  	[sflag:s0] =	ssyncadd.tile.s32 @!p0 $0x1;
	_ =	shalt  }
.Lfunc_end2:
_tile_overlayer_lowered:
.L_overlay_start_2:
0xc1: {  	(tag) =	ssettag $0x2  }
0xc2: {  	s0 =	rddreg [dreg:$0x0];
	s2 =	stileid.u32  }
0xc3: {  	s1 =	rddreg [dreg:$0x1];
	p0 =	sne.s32 s2, $0x0  }
0xc4: {  	s3 =	rddreg [dreg:$0x2];
	[bflag:$0x3] =	sbarrier.arrive $0xFFFF;
	s2 =	simm.s32 @!p0 $0x1C11  }
0xc5: {  	[timem:s3], [sflag:s2] =	dma.local @!p0 [hbm:s0], s1  }
0xc6: {  	s0 =	simm.s32 @!p0 $0x11  }
0xc7: {  	_ =	swait.ge @!p0 [sflag:s0], s1  }
0xc8: {  	s1 =	ssub.s32 @!p0 $0x0, s1;
	[sflag:s0] =	ssyncset.done @!p0 $0x0  }
0xc9: {  	[sflag:s0] =	ssyncadd.s32 @!p0 s1  }
0xca: {  	[bflag:$0x3] =	sbarrier.arrive $0xFFFF  }
0xcb: {  	_ =	shalt  }

// kernel: kernel.16.cloned.1.call-start
scs
__scs_entry_jumppad:
0x0: {  	(pc) =	sbr.rel $0x88, $3  }
0x1: {  	(tag) =	ssettag $0x0;
	lr =	simm.s32 $0x1  }
0x2: {  	[smem:$0x3F96] =	sst lr;
	_ =	strace $0xD0000000  }
0x3: {  	_ = 	snop  }
0x4: {  	_ = 	snop  }
0x5: {  	_ = 	snop  }
0x6: {  	_ = 	snop  }
0x7: {  	_ = 	snop  }
__scs_overlays_trampoline_lowered:
0x8: {  	[smem:$0x3FA5] =	sst s0  }
0x9: {  	[smem:$0x3FA6] =	sst s1  }
0xa: {  	[smem:$0x3FA7] =	sst s2  }
0xb: {  	[smem:$0x3FA8] =	sst s3  }
0xc: {  	[smem:$0x3FA9] =	sst s4  }
0xd: {  	[smem:$0x3FAA] =	sst s5  }
0xe: {  	[smem:$0x3FAB] =	sst s6  }
0xf: {  	[smem:$0x3FAC] =	sst s7  }
0x10: {  	[smem:$0x3FAD] =	sst s8  }
0x11: {  	[smem:$0x3FAE] =	sst s9;
	s0 =	simm.s32 @!p0 $0x0  }
0x12: {  	s1 =	sld [smem:$0x3F94];
	s0 =	simm.s32 @p0 $0x1  }
0x13: {  	[smem:$0x3FAF] =	sst s0;
	s0 =	simm.s32 @!p1 $0x0  }
0x14: {  	s2 =	sld [smem:$0x3F93];
	s0 =	simm.s32 @p1 $0x1  }
0x15: {  	[smem:$0x3FB0] =	sst s0;
	s0 =	simm.s32 @!p2 $0x0  }
0x16: {  	s3 =	sld [smem:$0x3FDB];
	s0 =	simm.s32 @p2 $0x1  }
0x17: {  	s4 =	simm.s32 $0x1BF5;
	[smem:$0x3FB2] =	sst s0  }
0x18: {  	s0 =	sld [smem:$0x3F95];
	_ =	swait.ge [sflag:s4], $0x0  }
0x19: {  	s7 =	sld [smem:$0x3F96]  }
0x1a: {  	s8 =	sadd.s32 $0xFFFFE003, lr  }
0x1b: {  	s9 =	sadd.s32 $0xFFFFFEF7, lr;
	s5 =	simm.s32 $0xFFFFFFFF;
	p2 =	slt.u32 s8, $0xFFFFF086  }
0x1c: {  	p1 =	slt.u32 s9, $0xF7A;
	s5 =	simm.s32 @!p2 $0x0  }
0x1d: {  	s5 =	simm.s32 @p1 $0x1;
	p0 =	seq.s32 s7, s2  }
0x1e: {  	s7 =	smul.u32 @!p0 $0xF7A, s2;
	p2 =	seq.s32 @!p0 s5, $0x0  }
0x1f: {  	s9 =	smul.u32 $0xF7A, s1;
	s8 =	simm.s32 @!p0 $0x1BF5;
	p2 =	por !p2, p0  }
0x20: {  	[sflag:s8] =	ssyncset.s32 @!p0 $0xFFFFF086;
	s6 =	sadd.s32 @!p0 s3, s7;
	s7 =	simm.s32 @!p0 $0x108  }
0x21: {  	s3 =	sadd.s32 s3, s9;
	s6 =	sadd.s32 @!p0 $0x88, s6;
	s7 =	simm.s32 @p2 $0x1082  }
0x22: {  	[simem:s7], [sflag:s8] =	dma.local @!p0 [hbm:s6], $0xF7A  }
0x23: {  	s9 =	sor.u32 $0xD0000000, s2;
	s6 =	simm.s32 $0x108;
	_ =	swait.ge @!p0 [sflag:s8], $0x0  }
0x24: {  	s3 =	sadd.s32 $0x88, s3;
	s6 =	simm.s32 @!p1 $0x1082;
	[sflag:s4] =	ssyncset.s32 $0xFFFFF086  }
0x25: {  	[simem:s6], [sflag:s4] =	dma.local [hbm:s3], $0xF7A  }
0x26: {  	[smem:$0x3F96] =	sst s1;
	(tag) =	ssettag s2;
	_ =	strace s9  }
0x27: {  	s1 =	sld [smem:$0x3FA6]  }
0x28: {  	s2 =	sld [smem:$0x3FA7]  }
0x29: {  	s4 =	sld [smem:$0x3FA9]  }
0x2a: {  	p0 =	seq.s32 s5, $0x0;
	s5 =	sld [smem:$0x3FAA]  }
0x2b: {  	s6 =	sld [smem:$0x3FAB]  }
0x2c: {  	s7 =	sld [smem:$0x3FAC]  }
0x2d: {  	s3 =	simm.s32 $0x108;
	s8 =	sld [smem:$0x3FAD]  }
0x2e: {  	s3 =	simm.s32 @!p0 $0x1082;
	s9 =	sld [smem:$0x3FAE]  }
0x2f: {  	lr =	sadd.s32 s0, s3;
	s0 =	sld [smem:$0x3FA5]  }
0x30: {  	s3 =	sld [smem:$0x3FA8]  }
0x31: {  	[smem:$0x3FB1] =	sst s10  }
0x32: {  	s10 =	sld [smem:$0x3FAF];
	_ =	sdelay $0x3  }
0x33: {  	p0 =	seq.s32 s10, $0x1;
	s10 =	sld [smem:$0x3FB1];
	_ =	sdelay $0x3  }
0x34: {  	[smem:$0x3FB1] =	sst s10  }
0x35: {  	s10 =	sld [smem:$0x3FB0];
	_ =	sdelay $0x3  }
0x36: {  	p1 =	seq.s32 s10, $0x1;
	s10 =	sld [smem:$0x3FB1];
	_ =	sdelay $0x3  }
0x37: {  	[smem:$0x3FB1] =	sst s10  }
0x38: {  	s10 =	sld [smem:$0x3FB2]  }
0x39: {  	_ = 	snop;
	(pc) =	sbr.ind lr, $3  }
0x3a: {  	_ = 	snop  }
0x3b: {  	_ = 	snop  }
0x3c: {  	p2 =	seq.s32 s10, $0x1;
	s10 =	sld [smem:$0x3FB1]  }
0x3d: {  	_ =	shalt  }
0x3e: {  	_ =	shalt  }
0x3f: {  	_ =	shalt  }
0x40: {  	_ =	shalt  }
0x41: {  	_ =	shalt  }
0x42: {  	_ =	shalt  }
0x43: {  	_ =	shalt  }
0x44: {  	_ =	shalt  }
0x45: {  	_ =	shalt  }
0x46: {  	_ =	shalt  }
0x47: {  	_ =	shalt  }
0x48: {  	_ =	shalt  }
0x49: {  	_ =	shalt  }
0x4a: {  	_ =	shalt  }
0x4b: {  	_ =	shalt  }
0x4c: {  	_ =	shalt  }
0x4d: {  	_ =	shalt  }
0x4e: {  	_ =	shalt  }
0x4f: {  	_ =	shalt  }
0x50: {  	_ =	shalt  }
0x51: {  	_ =	shalt  }
0x52: {  	_ =	shalt  }
0x53: {  	_ =	shalt  }
0x54: {  	_ =	shalt  }
0x55: {  	_ =	shalt  }
0x56: {  	_ =	shalt  }
0x57: {  	_ =	shalt  }
0x58: {  	_ =	shalt  }
0x59: {  	_ =	shalt  }
0x5a: {  	_ =	shalt  }
0x5b: {  	_ =	shalt  }
0x5c: {  	_ =	shalt  }
0x5d: {  	_ =	shalt  }
0x5e: {  	_ =	shalt  }
0x5f: {  	_ =	shalt  }
0x60: {  	_ =	shalt  }
0x61: {  	_ =	shalt  }
0x62: {  	_ =	shalt  }
0x63: {  	_ =	shalt  }
0x64: {  	_ =	shalt  }
0x65: {  	_ =	shalt  }
0x66: {  	_ =	shalt  }
0x67: {  	_ =	shalt  }
0x68: {  	_ =	shalt  }
0x69: {  	_ =	shalt  }
0x6a: {  	_ =	shalt  }
0x6b: {  	_ =	shalt  }
0x6c: {  	_ =	shalt  }
0x6d: {  	_ =	shalt  }
0x6e: {  	_ =	shalt  }
0x6f: {  	_ =	shalt  }
0x70: {  	_ =	shalt  }
0x71: {  	_ =	shalt  }
0x72: {  	_ =	shalt  }
0x73: {  	_ =	shalt  }
0x74: {  	_ =	shalt  }
0x75: {  	_ =	shalt  }
0x76: {  	_ =	shalt  }
0x77: {  	_ =	shalt  }
0x78: {  	_ =	shalt  }
0x79: {  	_ =	shalt  }
0x7a: {  	_ =	shalt  }
0x7b: {  	_ =	shalt  }
0x7c: {  	_ =	shalt  }
0x7d: {  	_ =	shalt  }
0x7e: {  	_ =	shalt  }
0x7f: {  	_ =	shalt  }
0x80: {  	_ =	shalt  }
0x81: {  	_ =	shalt  }
0x82: {  	_ =	shalt  }
0x83: {  	_ =	shalt  }
0x84: {  	_ =	shalt  }
0x85: {  	_ =	shalt  }
0x86: {  	_ =	shalt  }
0x87: {  	_ =	shalt  }
.Lfunc_end0:
.L_simem_size_0:
called_computation.2_lowered:
.L_overlay_start_0:
0x88: {  	s2 =	sld [smem:$0x3FD9]  }
0x89: {  	s3 =	sld [smem:$0x3FFE];
	_ =	sdelay $0x1  }
0x8a: {  	s1 =	srdreg.scid  }
0x8b: {  	s0 =	sand.u32 $0x1, s1  }
0x8c: {  	s16 =	sshll.u32 s0, $0xA;
	s2 =	sadd.s32 s3, s2  }
0x8d: {  	s2 =	sadd.s32 s2, s16  }
0x8e: {  	[smem:$0x3FBD] =	sst s2  }
0x8f: {  	_ = 	snop  }
0x90: {  	(tm) =	ssettm $0x1  }
0x91: {  	s17 =	sld [smem:$0x3FFB];
	_ =	sdelay $0x3  }
0x92: {  	_ =	strace s17  }
0x93: {  	s2 =	sld [smem:$0x3FFC];
	_ =	sdelay $0x3  }
0x94: {  	_ =	strace s2  }
0x95: {  	s2 =	sld [smem:$0x3FFD];
	_ =	sdelay $0x3  }
0x96: {  	_ =	strace s2  }
0x97: {  	_ =	strace $0x8FFFFFFF  }
0x98: {  	s18 =	sld [smem:$0x3FDB];
	_ =	sdelay $0x1  }
0x99: {  	s19 =	simm.s32 $_scs_section_size  }
0x9a: {  	s4 =	simm.s32 $_size__tile_overlayer_lowered;
	s5 =	simm.s32 $_tile_overlayer_lowered  }
0x9b: {  	s22 =	simm.s32 $0x1BFF;
	s21 =	sshll.u32 s5, $0x1;
	s2 =	sadd.s32 s19, s18  }
0x9c: {  	s6 =	simm.s32 $0x0;
	s20 =	sshll.u32 s4, $0x1;
	s4 =	sadd.s32 s21, s2  }
0x9d: {  	[timem:s6], [sflag:s22] =	dma.local [hbm:s4], s20  }
0x9e: {  	_ =	swait.ge [sflag:s22], s20  }
0x9f: {  	s3 =	ssub.s32 $0x0, s20;
	[sflag:s22] =	ssyncset.done $0x0  }
0xa0: {  	[sflag:s22] =	ssyncadd.s32 s3;
	_ =	sdelay $0x1  }
0xa1: {  	s23 =	simm.s32 $0x1B8B  }
0xa2: {  	_ =	swait.ge [sflag:s23], $0x1  }
0xa3: {  	[sflag:s23] =	ssyncset.done $0x0  }
0xa4: {  	s25 =	simm.s32 $0x1B8E;
	s24 =	sld [smem:$0x3FFE];
	[sflag:s23] =	ssyncadd.s32 $0xFFFFFFFF  }
0xa5: {  	s26 =	simm.s32 $execute0_lowered;
	[smem:$0x3FD2] =	sst s25  }
0xa6: {  	s4 =	sshll.u32 s26, $0x1;
	_ =	strace $0x8000004C;
	[dreg:$0x1] =	wrdreg $0xFFFFFFFF  }
0xa7: {  	s28 =	simm.s32 $_size_execute0_lowered;
	s2 =	sadd.s32 s2, s4;
	[dreg:$0x0] =	wrdreg $0x0  }
0xa8: {  	s4 =	sshll.u32 s28, $0x1;
	[dreg:$0x2] =	wrdreg s2  }
0xa9: {  	[dreg:$0x3] =	wrdreg s4  }
0xaa: {  	[dreg:$0x4] =	wrdreg $0xC0  }
0xab: {  	_ =	task [dreg:s6], $0x5FFFF  }
0xac: {  	[dreg:$0x1] =	wrdreg $0xFFFFFFFF  }
0xad: {  	[dreg:$0x0] =	wrdreg $0x60  }
0xae: {  	[dreg:$0x2] =	wrdreg s24  }
0xaf: {  	[dreg:$0x3] =	wrdreg $0xA2800  }
0xb0: {  	[dreg:$0x4] =	wrdreg $0x9  }
0xb1: {  	_ =	task.clear_ibuf [dreg:s6], $0x5FFFF;
	_ =	strace $0x9000004C  }
0xb2: {  	s29 =	simm.s32 $0x9;
	_ =	strace $0x8000004E  }
0xb3: {  	_ =	swait.ge [sflag:s29], $0x1  }
0xb4: {  	[sflag:s29] =	ssyncadd.s32 $0xFFFFFFFF  }
0xb5: {  	_ =	strace $0x9000004E  }
0xb6: {  	_ =	sfence  }
0xb7: {  	s30 =	sld [smem:$0x0];
	_ =	sdelay $0x2  }
0xb8: {  	s31 =	sshll.u32 s1, $0xD;
	s1 =	sshrl.u32 s1, $0x2  }
0xb9: {  	s3 =	sand.u32 $0x4000, s31;
	s1 =	sadd.s32 s1, s30  }
0xba: {  	s0 =	sor.u32 s3, s0;
	s1 =	sshll.u32 s1, $0x11  }
0xbb: {  	s0 =	sor.u32 s1, s0  }
0xbc: {  	s0 =	sadd.s32 $0x8F2B, s0  }
0xbd: {  	[sflag:s0] =	ssyncadd.remote.s32 $0x1  }
0xbe: {  	_ =	sfence.sel $0xFFFF  }
0xbf: {  	[dreg:$0x0] =	wrdreg $0xFFFFFFFF;
	(pc) =	sbr.abs _section_cstart, $3  }
0xc0: {  	[dreg:$0x1] =	wrdreg $0xFFFFFFFF  }
0xc1: {  	_ =	task.clear_ibuf [dreg:s6], $0x2FFFF;
	_ =	strace $0x9FFFFFFF  }
0xc2: {  	(tm) =	ssettm $0x7FFFFFFF  }
0xc3: {  	_ =	shalt  }
tec
execute0_lowered:
.L_overlay_start_1:
0x0: {  	(tag) =	ssettag $0x1  }
0x1: {  	s0 =	rddreg [dreg:$0x0]  }
0x2: {  	s1 =	rddreg [dreg:$0x1];
	s3 =	simm.s32 $0x0;
	s13 =	stileid.u32  }
0x3: {  	s5 =	srdreg.scid;
	s30 =	simm.s32 $0x11;
	s31 =	simm.s32 $0x140  }
0x4: {  	s29 =	simm.s32 $0x190;
	s28 =	simm.s32 $0x10;
	[smem:$0x7FF] =	sst s3  }
0x5: {  	s4 =	sadd.s32 $0x16800, s0;
	s2 =	smul.u32 $0x13800, s13;
	s6 =	sadd.s32 $0xCA00, s0  }
0x6: {  	s7 =	sadd.s32 $0x2C00, s0;
	s5 =	sand.u32 $0x1, s5;
	s12 =	sadd.s32 $0x69C00, s0  }
0x7: {  	s21 =	sshll.u32 s13, $0x6;
	s24 =	sadd.s32 $0x138000, s1;
	p0 =	sne.s32 s13, $0xF  }
0x8: {  	_ =	strace $0x8000004D;
	s9 =	ssub.s32 $0x2, s5;
	s10 =	sshll.u32 s5, $0x4  }
0x9: {  	s26 =	sor.u32 $0x1C11, s21;
	[dreg:$0x6] =	wrdreg s24;
	s17 =	smul.u32 $0x138800, s5  }
0xa: {  	s5 =	smul.u32 $0x4E20, s5;
	s8 =	sshrl.u32 s2, $0x3;
	s11 =	sshrl.u32 s9, $0x1  }
0xb: {  	s10 =	sor.u32 s13, s10;
	s14 =	sadd.s32 s2, s1;
	[dreg:$0x5] =	wrdreg s26  }
0xc: {  	s8 =	sadd.s32 s8, s0;
	s9 =	ssub.s32 s9, s11;
	s20 =	smul.u32 $0x2710, s10  }
0xd: {  	[dreg:$0x3] =	wrdreg s14;
	s22 =	smul.u32 $0x4E2, s10;
	s0 =	sadd.s32 $0x69A00, s0  }
0xe: {  	s21 =	sshrl.u32 s17, $0x3;
	s24 =	sadd.s32 s5, s7;
	s5 =	sadd.s32 s5, s6  }
0xf: {  	s11 =	simm.s32 $0x2A80;
	s8 =	sadd.s32 $0x42A00, s8;
	[dreg:$0x7] =	wrdreg s0  }
0x10: {  	[dreg:$0x4] =	wrdreg s8;
	s23 =	sshrl.u32 s20, $0x3;
	s14 =	sadd.s32 s6, s22  }
0x11: {  	s8 =	sadd.s32 s7, s22;
	s20 =	sadd.s32 s2, s17;
	s22 =	sadd.s32 s12, s21  }
0x12: {  	s2 =	simm.s32 $0x280;
	s17 =	simm.s32 $0xB;
	[dreg:$0x8] =	wrdreg s14  }
0x13: {  	s25 =	sadd.s32 $0xA, s23;
	[dreg:$0x9] =	wrdreg s8;
	s16 =	sadd.s32 $0x14, s23  }
0x14: {  	s19 =	sadd.s32 $0x1E, s23;
	s23 =	smul.u32 $0x4E2, s13;
	s15 =	sadd.s32 s6, s25  }
0x15: {  	s13 =	simm.s32 $0x9;
	s0 =	sadd.s32 s7, s25;
	[dreg:$0xa] =	wrdreg s15  }
0x16: {  	s14 =	simm.s32 $0x6;
	s18 =	sadd.s32 s6, s16;
	[dreg:$0xb] =	wrdreg s0  }
0x17: {  	s8 =	simm.s32 $0x7A80;
	s10 =	sadd.s32 s6, s19;
	[dreg:$0xc] =	wrdreg s18  }
0x18: {  	s25 =	smax.u32 s9, $0x1;
	s6 =	simm.s32 $0x0;
	[dreg:$0xe] =	wrdreg s10  }
0x19: {  	s9 =	simm.s32 $0x230;
	s0 =	sadd.s32 s7, s16;
	[dreg:$0x12] =	wrdreg s25  }
0x1a: {  	s25 =	simm.s32 $0x50;
	s10 =	simm.s32 $0x4;
	s15 =	simm.s32 $0xA  }
0x1b: {  	s16 =	simm.s32 $0x7;
	s18 =	simm.s32 $0x8;
	[dreg:$0xd] =	wrdreg s0  }
0x1c: {  	s0 =	sadd.s32 s7, s19;
	s19 =	simm.s32 $0xC;
	s7 =	simm.s32 $0xF  }
.Ltmp0:
0x1d: {  	[dreg:$0xf] =	wrdreg s0;
	s0 =	sshrl.u32 s20, $0x3;
	(pc) =	sbr.rel .LBB2_1-.Ltmp0, $4  }
0x1e: {  	s20 =	simm.s32 $0xD;
	s0 =	sadd.s32 s12, s0;
	s12 =	simm.s32 $0x5  }
0x1f: {  	[dreg:$0x10] =	wrdreg s0;
	s0 =	sadd.s32 $0x27000, s22;
	s22 =	sadd.s32 s23, s5  }
0x20: {  	s5 =	simm.s32 $0x7A80;
	[dreg:$0x11] =	wrdreg s0;
	s0 =	sadd.s32 s23, s24  }
0x21: {  	s23 =	simm.s32 $0xE;
	[dreg:$0x13] =	wrdreg s0;
	s0 =	simm.s32 $0x1  }
.LBB2_4:
0x22: {  	_ =	swait.ge [sflag:s7], $0x2800  }
0x23: {  	[sflag:s7] =	ssyncset.done $0x0  }
0x24: {  	[sflag:s7] =	ssyncadd.s32 $0xFFFFD800  }
0x25: {  	_ =	swait.ge [sflag:s28], $0x2800  }
0x26: {  	[sflag:s28] =	ssyncset.done $0x0  }
0x27: {  	[sflag:s28] =	ssyncadd.s32 $0xFFFFD800  }
0x28: {  	_ =	swait.ge [sflag:s12], $0x50  }
0x29: {  	[sflag:s12] =	ssyncset.done $0x0  }
0x2a: {  	[sflag:s12] =	ssyncadd.s32 $0xFFFFFFB0  }
0x2b: {  	_ =	swait.ge [sflag:s13], $0x2800  }
0x2c: {  	[sflag:s13] =	ssyncset.done $0x0  }
0x2d: {  	s2 =	simm.s32 $0x280;
	[sflag:s13] =	ssyncadd.s32 $0xFFFFD800  }
0x2e: {  	[spmem:s1] =	stream.indirect.scatter.add.f32 [tilespmem:s2], [sflag:$0xD], $0x80, s31, s25, $0xb8;
	[tilespmem:$0x1DB00] =	vst v63  }
0x2f: {  	_ =	swait.ge [sflag:s20], $0x2800  }
0x30: {  	[sflag:s20] =	ssyncset.done $0x0  }
0x31: {  	[sflag:s20] =	ssyncadd.s32 $0xFFFFD800  }
0x32: {  	[bflag:$0x0] =	sbarrier.arrive $0xFFFF  }
0x33: {  	s26 =	rddreg [dreg:$0x5]  }
0x34: {  	s21 =	rddreg [dreg:$0x10]  }
0x35: {  	s30 =	simm.s32 $0x11;
	s5 =	rddreg [dreg:$0x15]  }
0x36: {  	[hbm:s21], [sflag:s26] =	dma.local [spmem:s5], $0x2700  }
0x37: {  	_ =	swait.ge [sflag:s30], $0x2700  }
0x38: {  	[sflag:s30] =	ssyncset.done $0x0;
	s21 =	rddreg [dreg:$0x11]  }
0x39: {  	s5 =	rddreg [dreg:$0x16];
	[sflag:s30] =	ssyncadd.s32 $0xFFFFD900  }
0x3a: {  	[hbm:s21], [sflag:s26] =	dma.local @!p0 [spmem:s5], $0x100  }
0x3b: {  	s21 =	simm.s32 @!p0 $0x11  }
0x3c: {  	_ =	swait.ge @!p0 [sflag:s21], $0x100  }
0x3d: {  	s6 =	rddreg [dreg:$0x14]  }
0x3e: {  	s29 =	rddreg [dreg:$0x12];
	s6 =	sadd.s32 $0x1, s6  }
0x3f: {  	p1 =	sne.s32 s6, s29  }
.Ltmp1:
0x40: {  	_ = 	snop;
	(pc) =	sbr.rel @!p1 .LBB2_5-.Ltmp1, $3  }
0x41: {  	_ =	sdelay $0x1  }
0x42: {  	[sflag:s21] =	ssyncset.done @!p0 $0x0  }
0x43: {  	s5 =	simm.s32 $0x7A80;
	[sflag:s21] =	ssyncadd.s32 @!p0 $0xFFFFFF00;
	s29 =	simm.s32 $0x190  }
.LBB2_1:
0x44: {  	[dreg:$0x14] =	wrdreg s6  }
0x45: {  	s21 =	rddreg [dreg:$0x3]  }
0x46: {  	s24 =	rddreg [dreg:$0x4];
	s21 =	sshrl.u32 s21, $0x3  }
0x47: {  	[dreg:$0x15] =	wrdreg s21  }
0x48: {  	[spmem:s21], [sflag:s26] =	dma.local [hbm:s24], $0x2700  }
0x49: {  	_ =	swait.ge [sflag:s30], $0x2700  }
0x4a: {  	s21 =	rddreg [dreg:$0x6]  }
0x4b: {  	[sflag:s30] =	ssyncset.done $0x0;
	s6 =	sshrl.u32 @!p0 s21, $0x3;
	s21 =	rddreg [dreg:$0x7]  }
0x4c: {  	[sflag:s30] =	ssyncadd.s32 $0xFFFFD900;
	[dreg:$0x16] =	wrdreg s6  }
0x4d: {  	[spmem:s6], [sflag:s26] =	dma.local @!p0 [hbm:s21], $0x100  }
0x4e: {  	s21 =	simm.s32 @!p0 $0x11  }
0x4f: {  	_ =	swait.ge @!p0 [sflag:s21], $0x100  }
0x50: {  	[sflag:s21] =	ssyncset.done @!p0 $0x0  }
0x51: {  	[sflag:s21] =	ssyncadd.s32 @!p0 $0xFFFFFF00  }
0x52: {  	[bflag:$0x0] =	sbarrier.arrive $0xFFFF  }
0x53: {  	s26 =	rddreg [dreg:$0x8]  }
0x54: {  	[tilespmem:s3], [sflag:$0x1] =	stream.linear.gather [hbm4b:s26+s3], $0x50, $0x38;
	[tilespmem:$0x1DB00] =	vst v63  }
0x55: {  	s6 =	rddreg [dreg:$0x9]  }
0x56: {  	[tilespmem:s31], [sflag:$0x5] =	stream.linear.gather [hbm4b:s6+s3], $0x50, $0x38;
	[tilespmem:$0x1DB00] =	vst v63  }
0x57: {  	s24 =	rddreg [dreg:$0xa]  }
0x58: {  	[tilespmem:s25], [sflag:$0x2] =	stream.linear.gather [hbm4b:s24+s3], $0x50, $0x38;
	[tilespmem:$0x1DB00] =	vst v63  }
0x59: {  	s26 =	rddreg [dreg:$0xb]  }
0x5a: {  	[tilespmem:s29], [sflag:$0x6] =	stream.linear.gather [hbm4b:s26+s3], $0x50, $0x38;
	[tilespmem:$0x1DB00] =	vst v63  }
0x5b: {  	s6 =	rddreg [dreg:$0xc];
	s24 =	simm.s32 $0xA0  }
0x5c: {  	[tilespmem:s24], [sflag:$0x3] =	stream.linear.gather [hbm4b:s6+s3], $0x50, $0x38;
	[tilespmem:$0x1DB00] =	vst v63  }
0x5d: {  	s26 =	rddreg [dreg:$0xd];
	s6 =	simm.s32 $0x1E0  }
0x5e: {  	[tilespmem:s6], [sflag:$0x7] =	stream.linear.gather [hbm4b:s26+s3], $0x50, $0x38;
	[tilespmem:$0x1DB00] =	vst v63  }
0x5f: {  	s21 =	rddreg [dreg:$0xe];
	s26 =	simm.s32 $0xF0  }
0x60: {  	[tilespmem:s26], [sflag:$0x4] =	stream.linear.gather [hbm4b:s21+s3], $0x50, $0x38;
	[tilespmem:$0x1DB00] =	vst v63  }
0x61: {  	s21 =	rddreg [dreg:$0xf]  }
0x62: {  	[tilespmem:s9], [sflag:$0x8] =	stream.linear.gather [hbm4b:s21+s3], $0x50, $0x38;
	[tilespmem:$0x1DB00] =	vst v63  }
0x63: {  	_ =	swait.ge [sflag:s0], $0x50  }
0x64: {  	[sflag:s0] =	ssyncset.done $0x0  }
0x65: {  	s21 =	simm.s32 $0x2;
	[sflag:s0] =	ssyncadd.s32 $0xFFFFFFB0  }
0x66: {  	[tilespmem:s2], [sflag:$0x9] =	stream.indirect.gather [hbm4b:s4+s25], $0x80, s3, s25, $0xb8;
	[tilespmem:$0x1DB00] =	vst v63  }
0x67: {  	_ =	swait.ge [sflag:s21], $0x50  }
0x68: {  	[sflag:s21] =	ssyncset.done $0x0  }
0x69: {  	[sflag:s21] =	ssyncadd.s32 $0xFFFFFFB0;
	s21 =	simm.s32 $0x3  }
0x6a: {  	[tilespmem:s11], [sflag:$0xA] =	stream.indirect.gather [hbm4b:s4+s25], $0x80, s25, s25, $0xb8;
	[tilespmem:$0x1DB00] =	vst v63  }
0x6b: {  	_ =	swait.ge [sflag:s21], $0x50  }
0x6c: {  	[sflag:s21] =	ssyncset.done $0x0  }
0x6d: {  	s2 =	simm.s32 $0x5280;
	[sflag:s21] =	ssyncadd.s32 $0xFFFFFFB0  }
0x6e: {  	[tilespmem:s2], [sflag:$0xB] =	stream.indirect.gather [hbm4b:s4+s25], $0x80, s24, s25, $0xb8;
	[tilespmem:$0x1DB00] =	vst v63  }
0x6f: {  	_ =	swait.ge [sflag:s10], $0x50  }
0x70: {  	[sflag:s10] =	ssyncset.done $0x0  }
0x71: {  	s30 =	simm.s32 $0x0;
	[sflag:s10] =	ssyncadd.s32 $0xFFFFFFB0  }
0x72: {  	[tilespmem:s5], [sflag:$0xC] =	stream.indirect.gather [hbm4b:s4+s25], $0x80, s26, s25, $0xb8;
	[tilespmem:$0x1DB00] =	vst v63  }
.LBB2_2:
0x73: {  	_ =	swait.ge [sflag:s12], $0x50  }
0x74: {  	[sflag:s12] =	ssyncset.done $0x0  }
0x75: {  	[sflag:s12] =	ssyncadd.s32 $0xFFFFFFB0  }
0x76: {  	_ =	swait.ge [sflag:s13], $0x2800  }
0x77: {  	[sflag:s13] =	ssyncset.done $0x0  }
0x78: {  	s5 =	simm.s32 $0x280;
	s21 =	sadd.s32 s30, s22;
	[sflag:s13] =	ssyncadd.s32 $0xFFFFD800  }
0x79: {  	[spmem:s1] =	stream.indirect.scatter.add.f32 [tilespmem:s5], [sflag:$0xD], $0x80, s31, s25, $0xb8;
	[tilespmem:$0x1DB00] =	vst v63  }
0x7a: {  	s21 =	sadd.s32 $0x28, s21  }
0x7b: {  	[tilespmem:s3], [sflag:$0x1] =	stream.linear.gather [hbm4b:s21+s3], $0x50, $0x38;
	[tilespmem:$0x1DB00] =	vst v63  }
0x7c: {  	_ =	swait.ge [sflag:s14], $0x50  }
0x7d: {  	[sflag:s14] =	ssyncset.done $0x0  }
0x7e: {  	[sflag:s14] =	ssyncadd.s32 $0xFFFFFFB0  }
0x7f: {  	_ =	swait.ge [sflag:s15], $0x2800  }
0x80: {  	p1 =	seq.s32 s30, $0x4B0;
	[sflag:s15] =	ssyncset.done $0x0  }
0x81: {  	s21 =	sadd.s32 @!p1 s30, s22;
	[sflag:s15] =	ssyncadd.s32 $0xFFFFD800  }
0x82: {  	[spmem:s1] =	stream.indirect.scatter.add.f32 [tilespmem:s11], [sflag:$0xE], $0x80, s29, s25, $0xb8;
	[tilespmem:$0x1DB00] =	vst v63  }
0x83: {  	s31 =	simm.s32 @!p1 $0x50;
	s26 =	sadd.s32 @!p1 $0x32, s21;
	s29 =	simm.s32 @!p1 $0x0  }
0x84: {  	[tilespmem:s31], [sflag:$0x2] =	stream.linear.gather @!p1 [hbm4b:s26+s29], $0x50, $0x38;
	[tilespmem:$0x1DB00] =	vst v63  }
0x85: {  	_ =	swait.ge [sflag:s16], $0x50  }
0x86: {  	[sflag:s16] =	ssyncset.done $0x0  }
0x87: {  	[sflag:s16] =	ssyncadd.s32 $0xFFFFFFB0  }
0x88: {  	_ =	swait.ge [sflag:s17], $0x2800  }
0x89: {  	[sflag:s17] =	ssyncset.done $0x0  }
0x8a: {  	[sflag:s17] =	ssyncadd.s32 $0xFFFFD800  }
0x8b: {  	[spmem:s1] =	stream.indirect.scatter.add.f32 [tilespmem:s2], [sflag:$0xF], $0x80, s6, s25, $0xb8;
	[tilespmem:$0x1DB00] =	vst v63  }
0x8c: {  	s26 =	sadd.s32 @!p1 $0x3C, s21;
	s31 =	simm.s32 @!p1 $0xA0  }
0x8d: {  	[tilespmem:s31], [sflag:$0x3] =	stream.linear.gather @!p1 [hbm4b:s26+s29], $0x50, $0x38;
	[tilespmem:$0x1DB00] =	vst v63  }
0x8e: {  	_ =	swait.ge [sflag:s18], $0x50  }
0x8f: {  	[sflag:s18] =	ssyncset.done $0x0  }
0x90: {  	[sflag:s18] =	ssyncadd.s32 $0xFFFFFFB0  }
0x91: {  	_ =	swait.ge [sflag:s19], $0x2800  }
0x92: {  	[sflag:s19] =	ssyncset.done $0x0  }
0x93: {  	[sflag:s19] =	ssyncadd.s32 $0xFFFFD800  }
0x94: {  	[spmem:s1] =	stream.indirect.scatter.add.f32 [tilespmem:s8], [sflag:$0x10], $0x80, s9, s25, $0xb8;
	[tilespmem:$0x1DB00] =	vst v63  }
0x95: {  	s21 =	sadd.s32 @!p1 $0x46, s21;
	s26 =	simm.s32 @!p1 $0xF0  }
0x96: {  	[tilespmem:s26], [sflag:$0x4] =	stream.linear.gather @!p1 [hbm4b:s21+s29], $0x50, $0x38;
	[tilespmem:$0x1DB00] =	vst v63  }
0x97: {  	_ =	swait.ge [sflag:s20], $0x2800  }
0x98: {  	s26 =	rddreg [dreg:$0x13]  }
0x99: {  	[sflag:s20] =	ssyncset.done $0x0;
	s21 =	sadd.s32 s30, s26  }
0x9a: {  	s31 =	simm.s32 $0x140;
	[sflag:s20] =	ssyncadd.s32 $0xFFFFD800;
	s29 =	sadd.s32 $0x28, s21  }
0x9b: {  	[tilespmem:s31], [sflag:$0x5] =	stream.linear.gather [hbm4b:s29+s3], $0x50, $0x38;
	[tilespmem:$0x1DB00] =	vst v63  }
0x9c: {  	_ =	swait.ge [sflag:s0], $0x50  }
0x9d: {  	[sflag:s0] =	ssyncset.done $0x0  }
.Ltmp2:
0x9e: {  	[sflag:s0] =	ssyncadd.s32 $0xFFFFFFB0;
	(pc) =	sbr.rel @p1 .LBB2_4-.Ltmp2, $4  }
0x9f: {  	[tilespmem:s5], [sflag:$0x9] =	stream.indirect.gather [hbm4b:s4+s25], $0x80, s3, s25, $0xb8;
	[tilespmem:$0x1DB00] =	vst v63  }
0xa0: {  	_ =	swait.ge [sflag:s23], $0x2800  }
0xa1: {  	[sflag:s23] =	ssyncset.done $0x0  }
0xa2: {  	s24 =	simm.s32 $0x190;
	[sflag:s23] =	ssyncadd.s32 $0xFFFFD800  }
0xa3: {  	s26 =	sadd.s32 $0x32, s21;
	s5 =	simm.s32 $0x2  }
0xa4: {  	[tilespmem:s24], [sflag:$0x6] =	stream.linear.gather [hbm4b:s26+s3], $0x50, $0x38;
	[tilespmem:$0x1DB00] =	vst v63  }
0xa5: {  	_ =	swait.ge [sflag:s5], $0x50  }
0xa6: {  	[sflag:s5] =	ssyncset.done $0x0  }
0xa7: {  	[sflag:s5] =	ssyncadd.s32 $0xFFFFFFB0  }
0xa8: {  	[tilespmem:s11], [sflag:$0xA] =	stream.indirect.gather [hbm4b:s4+s25], $0x80, s25, s25, $0xb8;
	[tilespmem:$0x1DB00] =	vst v63  }
0xa9: {  	_ =	swait.ge [sflag:s7], $0x2800  }
0xaa: {  	[sflag:s7] =	ssyncset.done $0x0  }
0xab: {  	s24 =	sadd.s32 $0x3C, s21;
	s26 =	simm.s32 $0x3;
	[sflag:s7] =	ssyncadd.s32 $0xFFFFD800  }
0xac: {  	[tilespmem:s6], [sflag:$0x7] =	stream.linear.gather [hbm4b:s24+s3], $0x50, $0x38;
	[tilespmem:$0x1DB00] =	vst v63  }
0xad: {  	_ =	swait.ge [sflag:s26], $0x50  }
0xae: {  	[sflag:s26] =	ssyncset.done $0x0  }
0xaf: {  	s5 =	simm.s32 $0xA0;
	[sflag:s26] =	ssyncadd.s32 $0xFFFFFFB0  }
0xb0: {  	[tilespmem:s2], [sflag:$0xB] =	stream.indirect.gather [hbm4b:s4+s25], $0x80, s5, s25, $0xb8;
	[tilespmem:$0x1DB00] =	vst v63  }
0xb1: {  	_ =	swait.ge [sflag:s28], $0x2800  }
0xb2: {  	[sflag:s28] =	ssyncset.done $0x0  }
0xb3: {  	s24 =	sadd.s32 $0x46, s21;
	[sflag:s28] =	ssyncadd.s32 $0xFFFFD800  }
0xb4: {  	[tilespmem:s9], [sflag:$0x8] =	stream.linear.gather [hbm4b:s24+s3], $0x50, $0x38;
	[tilespmem:$0x1DB00] =	vst v63  }
.Ltmp3:
0xb5: {  	_ = 	snop;
	(pc) =	sbr.rel .LBB2_2-.Ltmp3, $4  }
0xb6: {  	_ =	swait.ge [sflag:s10], $0x50  }
0xb7: {  	s30 =	sadd.s32 $0x28, s30;
	[sflag:s10] =	ssyncset.done $0x0  }
0xb8: {  	s29 =	simm.s32 $0x190;
	s26 =	simm.s32 $0xF0;
	[sflag:s10] =	ssyncadd.s32 $0xFFFFFFB0  }
0xb9: {  	[tilespmem:s8], [sflag:$0xC] =	stream.indirect.gather [hbm4b:s4+s25], $0x80, s26, s25, $0xb8;
	[tilespmem:$0x1DB00] =	vst v63  }
.LBB2_5:
0xba: {  	_ =	sfence.sel $0x180000  }
0xbb: {  	[bflag:$0x0] =	sbarrier.arrive $0xFFFF  }
0xbc: {  	_ =	strace $0x9000004D  }
0xbd: {  	s0 =	stileid.u32;
	[bflag:$0x2] =	sbarrier.arrive $0xFFFF  }
0xbe: {  	p0 =	sne.s32 s0, $0x0;
	s0 =	rddreg [dreg:$0x2]  }
0xbf: {  	s0 =	sadd.s32 @!p0 $0x100000, s0  }
0xc0: {  	[sflag:s0] =	ssyncadd.tile.s32 @!p0 $0x1;
	_ =	shalt  }
.Lfunc_end2:
_tile_overlayer_lowered:
.L_overlay_start_2:
0xc1: {  	(tag) =	ssettag $0x2  }
0xc2: {  	s0 =	rddreg [dreg:$0x0];
	s2 =	stileid.u32  }
0xc3: {  	s1 =	rddreg [dreg:$0x1];
	p0 =	sne.s32 s2, $0x0  }
0xc4: {  	s3 =	rddreg [dreg:$0x2];
	[bflag:$0x3] =	sbarrier.arrive $0xFFFF;
	s2 =	simm.s32 @!p0 $0x1C11  }
0xc5: {  	[timem:s3], [sflag:s2] =	dma.local @!p0 [hbm:s0], s1  }
0xc6: {  	s0 =	simm.s32 @!p0 $0x11  }
0xc7: {  	_ =	swait.ge @!p0 [sflag:s0], s1  }
0xc8: {  	s1 =	ssub.s32 @!p0 $0x0, s1;
	[sflag:s0] =	ssyncset.done @!p0 $0x0  }
0xc9: {  	[sflag:s0] =	ssyncadd.s32 @!p0 s1  }
0xca: {  	[bflag:$0x3] =	sbarrier.arrive $0xFFFF  }
0xcb: {  	_ =	shalt  }

// kernel: kernel.19.cloned.1.call-start
scs
__scs_entry_jumppad:
0x0: {  	(pc) =	sbr.rel $0x88, $3  }
0x1: {  	(tag) =	ssettag $0x0;
	lr =	simm.s32 $0x1  }
0x2: {  	[smem:$0x3F96] =	sst lr;
	_ =	strace $0xD0000000  }
0x3: {  	_ = 	snop  }
0x4: {  	_ = 	snop  }
0x5: {  	_ = 	snop  }
0x6: {  	_ = 	snop  }
0x7: {  	_ = 	snop  }
__scs_overlays_trampoline_lowered:
0x8: {  	[smem:$0x3FA5] =	sst s0  }
0x9: {  	[smem:$0x3FA6] =	sst s1  }
0xa: {  	[smem:$0x3FA7] =	sst s2  }
0xb: {  	[smem:$0x3FA8] =	sst s3  }
0xc: {  	[smem:$0x3FA9] =	sst s4  }
0xd: {  	[smem:$0x3FAA] =	sst s5  }
0xe: {  	[smem:$0x3FAB] =	sst s6  }
0xf: {  	[smem:$0x3FAC] =	sst s7  }
0x10: {  	[smem:$0x3FAD] =	sst s8  }
0x11: {  	[smem:$0x3FAE] =	sst s9;
	s0 =	simm.s32 @!p0 $0x0  }
0x12: {  	s1 =	sld [smem:$0x3F94];
	s0 =	simm.s32 @p0 $0x1  }
0x13: {  	[smem:$0x3FAF] =	sst s0;
	s0 =	simm.s32 @!p1 $0x0  }
0x14: {  	s2 =	sld [smem:$0x3F93];
	s0 =	simm.s32 @p1 $0x1  }
0x15: {  	[smem:$0x3FB0] =	sst s0;
	s0 =	simm.s32 @!p2 $0x0  }
0x16: {  	s3 =	sld [smem:$0x3FDB];
	s0 =	simm.s32 @p2 $0x1  }
0x17: {  	s4 =	simm.s32 $0x1BF5;
	[smem:$0x3FB2] =	sst s0  }
0x18: {  	s0 =	sld [smem:$0x3F95];
	_ =	swait.ge [sflag:s4], $0x0  }
0x19: {  	s7 =	sld [smem:$0x3F96]  }
0x1a: {  	s8 =	sadd.s32 $0xFFFFE003, lr  }
0x1b: {  	s9 =	sadd.s32 $0xFFFFFEF7, lr;
	s5 =	simm.s32 $0xFFFFFFFF;
	p2 =	slt.u32 s8, $0xFFFFF086  }
0x1c: {  	p1 =	slt.u32 s9, $0xF7A;
	s5 =	simm.s32 @!p2 $0x0  }
0x1d: {  	s5 =	simm.s32 @p1 $0x1;
	p0 =	seq.s32 s7, s2  }
0x1e: {  	s7 =	smul.u32 @!p0 $0xF7A, s2;
	p2 =	seq.s32 @!p0 s5, $0x0  }
0x1f: {  	s9 =	smul.u32 $0xF7A, s1;
	s8 =	simm.s32 @!p0 $0x1BF5;
	p2 =	por !p2, p0  }
0x20: {  	[sflag:s8] =	ssyncset.s32 @!p0 $0xFFFFF086;
	s6 =	sadd.s32 @!p0 s3, s7;
	s7 =	simm.s32 @!p0 $0x108  }
0x21: {  	s3 =	sadd.s32 s3, s9;
	s6 =	sadd.s32 @!p0 $0x88, s6;
	s7 =	simm.s32 @p2 $0x1082  }
0x22: {  	[simem:s7], [sflag:s8] =	dma.local @!p0 [hbm:s6], $0xF7A  }
0x23: {  	s9 =	sor.u32 $0xD0000000, s2;
	s6 =	simm.s32 $0x108;
	_ =	swait.ge @!p0 [sflag:s8], $0x0  }
0x24: {  	s3 =	sadd.s32 $0x88, s3;
	s6 =	simm.s32 @!p1 $0x1082;
	[sflag:s4] =	ssyncset.s32 $0xFFFFF086  }
0x25: {  	[simem:s6], [sflag:s4] =	dma.local [hbm:s3], $0xF7A  }
0x26: {  	[smem:$0x3F96] =	sst s1;
	(tag) =	ssettag s2;
	_ =	strace s9  }
0x27: {  	s1 =	sld [smem:$0x3FA6]  }
0x28: {  	s2 =	sld [smem:$0x3FA7]  }
0x29: {  	s4 =	sld [smem:$0x3FA9]  }
0x2a: {  	p0 =	seq.s32 s5, $0x0;
	s5 =	sld [smem:$0x3FAA]  }
0x2b: {  	s6 =	sld [smem:$0x3FAB]  }
0x2c: {  	s7 =	sld [smem:$0x3FAC]  }
0x2d: {  	s3 =	simm.s32 $0x108;
	s8 =	sld [smem:$0x3FAD]  }
0x2e: {  	s3 =	simm.s32 @!p0 $0x1082;
	s9 =	sld [smem:$0x3FAE]  }
0x2f: {  	lr =	sadd.s32 s0, s3;
	s0 =	sld [smem:$0x3FA5]  }
0x30: {  	s3 =	sld [smem:$0x3FA8]  }
0x31: {  	[smem:$0x3FB1] =	sst s10  }
0x32: {  	s10 =	sld [smem:$0x3FAF];
	_ =	sdelay $0x3  }
0x33: {  	p0 =	seq.s32 s10, $0x1;
	s10 =	sld [smem:$0x3FB1];
	_ =	sdelay $0x3  }
0x34: {  	[smem:$0x3FB1] =	sst s10  }
0x35: {  	s10 =	sld [smem:$0x3FB0];
	_ =	sdelay $0x3  }
0x36: {  	p1 =	seq.s32 s10, $0x1;
	s10 =	sld [smem:$0x3FB1];
	_ =	sdelay $0x3  }
0x37: {  	[smem:$0x3FB1] =	sst s10  }
0x38: {  	s10 =	sld [smem:$0x3FB2]  }
0x39: {  	_ = 	snop;
	(pc) =	sbr.ind lr, $3  }
0x3a: {  	_ = 	snop  }
0x3b: {  	_ = 	snop  }
0x3c: {  	p2 =	seq.s32 s10, $0x1;
	s10 =	sld [smem:$0x3FB1]  }
0x3d: {  	_ =	shalt  }
0x3e: {  	_ =	shalt  }
0x3f: {  	_ =	shalt  }
0x40: {  	_ =	shalt  }
0x41: {  	_ =	shalt  }
0x42: {  	_ =	shalt  }
0x43: {  	_ =	shalt  }
0x44: {  	_ =	shalt  }
0x45: {  	_ =	shalt  }
0x46: {  	_ =	shalt  }
0x47: {  	_ =	shalt  }
0x48: {  	_ =	shalt  }
0x49: {  	_ =	shalt  }
0x4a: {  	_ =	shalt  }
0x4b: {  	_ =	shalt  }
0x4c: {  	_ =	shalt  }
0x4d: {  	_ =	shalt  }
0x4e: {  	_ =	shalt  }
0x4f: {  	_ =	shalt  }
0x50: {  	_ =	shalt  }
0x51: {  	_ =	shalt  }
0x52: {  	_ =	shalt  }
0x53: {  	_ =	shalt  }
0x54: {  	_ =	shalt  }
0x55: {  	_ =	shalt  }
0x56: {  	_ =	shalt  }
0x57: {  	_ =	shalt  }
0x58: {  	_ =	shalt  }
0x59: {  	_ =	shalt  }
0x5a: {  	_ =	shalt  }
0x5b: {  	_ =	shalt  }
0x5c: {  	_ =	shalt  }
0x5d: {  	_ =	shalt  }
0x5e: {  	_ =	shalt  }
0x5f: {  	_ =	shalt  }
0x60: {  	_ =	shalt  }
0x61: {  	_ =	shalt  }
0x62: {  	_ =	shalt  }
0x63: {  	_ =	shalt  }
0x64: {  	_ =	shalt  }
0x65: {  	_ =	shalt  }
0x66: {  	_ =	shalt  }
0x67: {  	_ =	shalt  }
0x68: {  	_ =	shalt  }
0x69: {  	_ =	shalt  }
0x6a: {  	_ =	shalt  }
0x6b: {  	_ =	shalt  }
0x6c: {  	_ =	shalt  }
0x6d: {  	_ =	shalt  }
0x6e: {  	_ =	shalt  }
0x6f: {  	_ =	shalt  }
0x70: {  	_ =	shalt  }
0x71: {  	_ =	shalt  }
0x72: {  	_ =	shalt  }
0x73: {  	_ =	shalt  }
0x74: {  	_ =	shalt  }
0x75: {  	_ =	shalt  }
0x76: {  	_ =	shalt  }
0x77: {  	_ =	shalt  }
0x78: {  	_ =	shalt  }
0x79: {  	_ =	shalt  }
0x7a: {  	_ =	shalt  }
0x7b: {  	_ =	shalt  }
0x7c: {  	_ =	shalt  }
0x7d: {  	_ =	shalt  }
0x7e: {  	_ =	shalt  }
0x7f: {  	_ =	shalt  }
0x80: {  	_ =	shalt  }
0x81: {  	_ =	shalt  }
0x82: {  	_ =	shalt  }
0x83: {  	_ =	shalt  }
0x84: {  	_ =	shalt  }
0x85: {  	_ =	shalt  }
0x86: {  	_ =	shalt  }
0x87: {  	_ =	shalt  }
.Lfunc_end0:
.L_simem_size_0:
called_computation.3_lowered:
.L_overlay_start_0:
0x88: {  	s2 =	sld [smem:$0x3FD9]  }
0x89: {  	s3 =	sld [smem:$0x3FFE];
	_ =	sdelay $0x1  }
0x8a: {  	s1 =	srdreg.scid  }
0x8b: {  	s0 =	sand.u32 $0x1, s1  }
0x8c: {  	s17 =	sshll.u32 s0, $0xA;
	s2 =	sadd.s32 s3, s2  }
0x8d: {  	s2 =	sadd.s32 s2, s17  }
0x8e: {  	[smem:$0x3FBD] =	sst s2  }
0x8f: {  	_ = 	snop  }
0x90: {  	s2 =	sld [smem:$0x3FD0];
	(tm) =	ssettm $0x1  }
0x91: {  	s18 =	sld [smem:$0x3FFB];
	_ =	sdelay $0x3  }
0x92: {  	_ =	strace s18  }
0x93: {  	s3 =	sld [smem:$0x3FFC];
	_ =	sdelay $0x3  }
0x94: {  	_ =	strace s3  }
0x95: {  	s3 =	sld [smem:$0x3FFD];
	_ =	sdelay $0x3  }
0x96: {  	_ =	strace s3  }
0x97: {  	_ =	strace $0x8FFFFFFF  }
0x98: {  	s19 =	sld [smem:$0x3FDB];
	_ =	sdelay $0x1  }
0x99: {  	s4 =	simm.s32 $_scs_section_size  }
0x9a: {  	s5 =	simm.s32 $_size__tile_overlayer_lowered;
	s6 =	simm.s32 $_tile_overlayer_lowered  }
0x9b: {  	s22 =	simm.s32 $0x1BFF;
	s21 =	sshll.u32 s6, $0x1;
	s3 =	sadd.s32 s4, s19  }
0x9c: {  	s7 =	simm.s32 $0x0;
	s20 =	sshll.u32 s5, $0x1;
	s5 =	sadd.s32 s21, s3  }
0x9d: {  	[timem:s7], [sflag:s22] =	dma.local [hbm:s5], s20  }
0x9e: {  	_ =	swait.ge [sflag:s22], s20  }
0x9f: {  	s4 =	ssub.s32 $0x0, s20;
	[sflag:s22] =	ssyncset.done $0x0  }
0xa0: {  	[sflag:s22] =	ssyncadd.s32 s4;
	_ =	sdelay $0x1  }
0xa1: {  	s23 =	simm.s32 $0x1B8B  }
0xa2: {  	_ =	swait.ge [sflag:s23], $0x1  }
0xa3: {  	[sflag:s23] =	ssyncset.done $0x0  }
0xa4: {  	s25 =	simm.s32 $0x1B8E;
	s24 =	sld [smem:$0x3FFE];
	[sflag:s23] =	ssyncadd.s32 $0xFFFFFFFF  }
0xa5: {  	s26 =	simm.s32 $execute0_lowered;
	[smem:$0x3FD2] =	sst s25  }
0xa6: {  	s5 =	sshll.u32 s26, $0x1;
	_ =	strace $0x8000004F;
	[dreg:$0x1] =	wrdreg $0xFFFFFFFF  }
0xa7: {  	s28 =	simm.s32 $_size_execute0_lowered;
	s3 =	sadd.s32 s3, s5;
	[dreg:$0x0] =	wrdreg $0x0  }
0xa8: {  	s5 =	sshll.u32 s28, $0x1;
	[dreg:$0x2] =	wrdreg s3  }
0xa9: {  	[dreg:$0x3] =	wrdreg s5  }
0xaa: {  	[dreg:$0x4] =	wrdreg $0xC0  }
0xab: {  	_ =	task [dreg:s7], $0x5FFFF  }
0xac: {  	[dreg:$0x1] =	wrdreg $0xFFFFFFFF  }
0xad: {  	[dreg:$0x0] =	wrdreg $0x60  }
0xae: {  	[dreg:$0x2] =	wrdreg s2  }
0xaf: {  	[dreg:$0x3] =	wrdreg s24  }
0xb0: {  	[dreg:$0x4] =	wrdreg $0x7BC00  }
0xb1: {  	[dreg:$0x5] =	wrdreg $0x9  }
0xb2: {  	_ =	task.clear_ibuf [dreg:s7], $0x6FFFF;
	_ =	strace $0x9000004F  }
0xb3: {  	s29 =	simm.s32 $0x9;
	_ =	strace $0x80000051  }
0xb4: {  	_ =	swait.ge [sflag:s29], $0x1  }
0xb5: {  	[sflag:s29] =	ssyncadd.s32 $0xFFFFFFFF  }
0xb6: {  	_ =	strace $0x90000051  }
0xb7: {  	_ =	sfence  }
0xb8: {  	s30 =	sld [smem:$0x0];
	_ =	sdelay $0x2  }
0xb9: {  	s31 =	sshll.u32 s1, $0xD;
	s1 =	sshrl.u32 s1, $0x2  }
0xba: {  	s3 =	sand.u32 $0x4000, s31;
	s1 =	sadd.s32 s1, s30  }
0xbb: {  	s0 =	sor.u32 s3, s0;
	s1 =	sshll.u32 s1, $0x11  }
0xbc: {  	s0 =	sor.u32 s1, s0  }
0xbd: {  	s0 =	sadd.s32 $0x8F2B, s0  }
0xbe: {  	[sflag:s0] =	ssyncadd.remote.s32 $0x1  }
0xbf: {  	_ =	sfence.sel $0xFFFF  }
0xc0: {  	[dreg:$0x0] =	wrdreg $0xFFFFFFFF;
	(pc) =	sbr.abs _section_cstart, $3  }
0xc1: {  	[dreg:$0x1] =	wrdreg $0xFFFFFFFF  }
0xc2: {  	_ =	task.clear_ibuf [dreg:s7], $0x2FFFF;
	_ =	strace $0x9FFFFFFF  }
0xc3: {  	(tm) =	ssettm $0x7FFFFFFF  }
tec
execute0_lowered:
.L_overlay_start_1:
0x0: {  	(tag) =	ssettag $0x1  }
0x1: {  	s1 =	rddreg [dreg:$0x0]  }
0x2: {  	s0 =	rddreg [dreg:$0x1]  }
0x3: {  	s2 =	rddreg [dreg:$0x2];
	s3 =	srdreg.scid  }
0x4: {  	s4 =	simm.s32 $0x0;
	s15 =	stileid.u32;
	s30 =	simm.s32 $0x50  }
0x5: {  	s28 =	simm.s32 $0x3C0;
	s29 =	simm.s32 $0xF;
	s3 =	sand.u32 $0x1, s3  }
0x6: {  	s31 =	simm.s32 $0x10;
	s6 =	smul.u32 $0x9C00, s15;
	s5 =	sshll.u32 s3, $0x4  }
0x7: {  	[smem:$0x7FF] =	sst s4;
	s14 =	smul.u32 $0x9C400, s3;
	s5 =	sor.u32 s15, s5  }
0x8: {  	s7 =	sadd.s32 $0xCA00, s0;
	s8 =	sadd.s32 $0x2C00, s0;
	s9 =	smul.u32 $0x2710, s5  }
0x9: {  	s12 =	sadd.s32 $0x2A200, s0;
	s11 =	ssub.s32 $0x2, s3;
	s5 =	smul.u32 $0x4E2, s5  }
0xa: {  	p0 =	sne.s32 s15, $0xF;
	s3 =	smul.u32 $0x4E20, s3;
	s13 =	sshrl.u32 s11, $0x1  }
0xb: {  	s10 =	sshrl.u32 s6, $0x3;
	s11 =	ssub.s32 s11, s13;
	s17 =	sadd.s32 s7, s5  }
0xc: {  	s9 =	sshrl.u32 s9, $0x3;
	s5 =	sadd.s32 s8, s5;
	[dreg:$0x4] =	wrdreg s17  }
0xd: {  	s18 =	sadd.s32 $0xA, s9;
	[dreg:$0x5] =	wrdreg s5;
	s20 =	sadd.s32 $0x14, s9  }
0xe: {  	s22 =	sadd.s32 $0x1E, s9;
	s23 =	sadd.s32 $0x28, s9;
	s26 =	sadd.s32 $0x32, s9  }
0xf: {  	s19 =	sadd.s32 s7, s18;
	s13 =	sadd.s32 s8, s18;
	s21 =	sadd.s32 s7, s20  }
0x10: {  	s5 =	sadd.s32 s8, s20;
	s16 =	sadd.s32 s7, s22;
	[dreg:$0x6] =	wrdreg s19  }
0x11: {  	s24 =	sadd.s32 s7, s23;
	s25 =	sadd.s32 s8, s23;
	[dreg:$0x7] =	wrdreg s13  }
0x12: {  	s17 =	sadd.s32 s7, s26;
	s18 =	sadd.s32 s3, s8;
	[dreg:$0x8] =	wrdreg s21  }
0x13: {  	s3 =	sadd.s32 s3, s7;
	s20 =	sadd.s32 s10, s0;
	[dreg:$0x9] =	wrdreg s5  }
0x14: {  	s0 =	sadd.s32 $0x2A000, s0;
	s10 =	simm.s32 $0xA;
	[dreg:$0xa] =	wrdreg s16  }
0x15: {  	s7 =	simm.s32 $0x13;
	s5 =	sadd.s32 s8, s22;
	[dreg:$0xc] =	wrdreg s24  }
0x16: {  	[dreg:$0xd] =	wrdreg s25;
	s13 =	sadd.s32 s6, s14;
	s14 =	sshrl.u32 s14, $0x3  }
0x17: {  	[dreg:$0xf] =	wrdreg s17;
	s19 =	smul.u32 $0x4E2, s15;
	s21 =	sshll.u32 s15, $0x6  }
0x18: {  	s22 =	sadd.s32 s6, s2;
	s23 =	sadd.s32 $0x16800, s20;
	s25 =	smax.u32 s11, $0x1  }
0x19: {  	s15 =	simm.s32 $0x280;
	s6 =	simm.s32 $0x0;
	[dreg:$0xb] =	wrdreg s5  }
0x1a: {  	s9 =	sshrl.u32 s13, $0x3;
	s16 =	sadd.s32 s12, s14;
	s5 =	sadd.s32 s8, s26  }
0x1b: {  	s20 =	sor.u32 $0x1C19, s21;
	s9 =	sadd.s32 s12, s9;
	[dreg:$0x10] =	wrdreg s5  }
0x1c: {  	s26 =	sadd.s32 $0x9C000, s2;
	s5 =	sadd.s32 s19, s18;
	[dreg:$0xe] =	wrdreg s9  }
0x1d: {  	s13 =	simm.s32 $0x1E0;
	_ =	strace $0x80000050;
	[dreg:$0x11] =	wrdreg s5  }
0x1e: {  	s21 =	simm.s32 $0x2D0;
	s8 =	simm.s32 $0x14;
	[dreg:$0x12] =	wrdreg s22  }
0x1f: {  	s14 =	simm.s32 $0x17;
	s19 =	sadd.s32 s19, s3;
	[dreg:$0x13] =	wrdreg s23  }
0x20: {  	s24 =	sadd.s32 $0x13800, s16;
	s3 =	simm.s32 $0x11;
	[dreg:$0x15] =	wrdreg s0  }
.Ltmp0:
0x21: {  	s12 =	simm.s32 $0x15;
	[dreg:$0x16] =	wrdreg s24;
	(pc) =	sbr.rel .LBB2_1-.Ltmp0, $4  }
0x22: {  	s16 =	simm.s32 $0x18;
	s9 =	simm.s32 $0x67C0;
	[dreg:$0x17] =	wrdreg s25  }
0x23: {  	[dreg:$0x18] =	wrdreg s26;
	s24 =	simm.s32 $0x19;
	s23 =	simm.s32 $0x230  }
0x24: {  	s26 =	simm.s32 $0x320;
	s5 =	simm.s32 $0x370;
	s22 =	simm.s32 $0x17C0  }
0x25: {  	s0 =	simm.s32 $0xB;
	s25 =	simm.s32 $0x16;
	[dreg:$0x14] =	wrdreg s20  }
.LBB2_4:
0x26: {  	s5 =	simm.s32 $0x7  }
0x27: {  	_ =	swait.ge [sflag:s5], $0x50  }
0x28: {  	[sflag:s5] =	ssyncset.done $0x0  }
0x29: {  	s9 =	simm.s32 $0xD;
	[sflag:s5] =	ssyncadd.s32 $0xFFFFFFB0  }
0x2a: {  	_ =	swait.ge [sflag:s9], $0x1400  }
0x2b: {  	[sflag:s9] =	ssyncset.done $0x0  }
0x2c: {  	s28 =	simm.s32 $0x3C0;
	[sflag:s9] =	ssyncadd.s32 $0xFFFFEC00  }
0x2d: {  	[spmem:s2] =	stream.indirect.scatter.add.f32 [tilespmem:s28], [sflag:$0x13], $0x40, s24, s30, $0xb8;
	[tilespmem:$0x11800] =	vst v63  }
0x2e: {  	_ =	swait.ge [sflag:s7], $0x1400  }
0x2f: {  	[sflag:s7] =	ssyncset.done $0x0  }
0x30: {  	s11 =	simm.s32 $0x8;
	[sflag:s7] =	ssyncadd.s32 $0xFFFFEC00  }
0x31: {  	_ =	swait.ge [sflag:s11], $0x50  }
0x32: {  	[sflag:s11] =	ssyncset.done $0x0  }
0x33: {  	s13 =	simm.s32 $0xE;
	[sflag:s11] =	ssyncadd.s32 $0xFFFFFFB0  }
0x34: {  	_ =	swait.ge [sflag:s13], $0x1400  }
0x35: {  	[sflag:s13] =	ssyncset.done $0x0  }
0x36: {  	s11 =	simm.s32 $0x230;
	[sflag:s13] =	ssyncadd.s32 $0xFFFFEC00  }
0x37: {  	[spmem:s2] =	stream.indirect.scatter.add.f32 [tilespmem:s22], [sflag:$0x14], $0x40, s11, s30, $0xb8;
	[tilespmem:$0x11800] =	vst v63  }
0x38: {  	_ =	swait.ge [sflag:s8], $0x1400  }
0x39: {  	[sflag:s8] =	ssyncset.done $0x0  }
0x3a: {  	s15 =	simm.s32 $0x9;
	[sflag:s8] =	ssyncadd.s32 $0xFFFFEC00  }
0x3b: {  	_ =	swait.ge [sflag:s15], $0x50  }
0x3c: {  	[sflag:s15] =	ssyncset.done $0x0  }
0x3d: {  	[sflag:s15] =	ssyncadd.s32 $0xFFFFFFB0  }
0x3e: {  	_ =	swait.ge [sflag:s29], $0x1400  }
0x3f: {  	[sflag:s29] =	ssyncset.done $0x0  }
0x40: {  	s15 =	simm.s32 $0x280;
	[sflag:s29] =	ssyncadd.s32 $0xFFFFEC00  }
0x41: {  	[spmem:s2] =	stream.indirect.scatter.add.f32 [tilespmem:s17], [sflag:$0x15], $0x40, s15, s30, $0xb8;
	[tilespmem:$0x11800] =	vst v63  }
0x42: {  	_ =	swait.ge [sflag:s12], $0x1400  }
0x43: {  	[sflag:s12] =	ssyncset.done $0x0  }
0x44: {  	[sflag:s12] =	ssyncadd.s32 $0xFFFFEC00  }
0x45: {  	_ =	swait.ge [sflag:s10], $0x50  }
0x46: {  	[sflag:s10] =	ssyncset.done $0x0  }
0x47: {  	[sflag:s10] =	ssyncadd.s32 $0xFFFFFFB0  }
0x48: {  	_ =	swait.ge [sflag:s31], $0x1400  }
0x49: {  	[sflag:s31] =	ssyncset.done $0x0  }
0x4a: {  	s21 =	simm.s32 $0x2D0;
	s18 =	simm.s32 $0x3FC0;
	[sflag:s31] =	ssyncadd.s32 $0xFFFFEC00  }
0x4b: {  	[spmem:s2] =	stream.indirect.scatter.add.f32 [tilespmem:s18], [sflag:$0x16], $0x40, s21, s30, $0xb8;
	[tilespmem:$0x11800] =	vst v63  }
0x4c: {  	_ =	swait.ge [sflag:s25], $0x1400  }
0x4d: {  	[sflag:s25] =	ssyncset.done $0x0  }
0x4e: {  	[sflag:s25] =	ssyncadd.s32 $0xFFFFEC00  }
0x4f: {  	_ =	swait.ge [sflag:s0], $0x50  }
0x50: {  	[sflag:s0] =	ssyncset.done $0x0  }
0x51: {  	[sflag:s0] =	ssyncadd.s32 $0xFFFFFFB0  }
0x52: {  	_ =	swait.ge [sflag:s3], $0x1400  }
0x53: {  	[sflag:s3] =	ssyncset.done $0x0  }
0x54: {  	s20 =	simm.s32 $0x53C0;
	[sflag:s3] =	ssyncadd.s32 $0xFFFFEC00  }
0x55: {  	[spmem:s2] =	stream.indirect.scatter.add.f32 [tilespmem:s20], [sflag:$0x17], $0x40, s26, s30, $0xb8;
	[tilespmem:$0x11800] =	vst v63  }
0x56: {  	_ =	swait.ge [sflag:s14], $0x1400  }
0x57: {  	[sflag:s14] =	ssyncset.done $0x0  }
0x58: {  	[sflag:s14] =	ssyncadd.s32 $0xFFFFEC00  }
0x59: {  	[bflag:$0x0] =	sbarrier.arrive $0xFFFF  }
0x5a: {  	s23 =	rddreg [dreg:$0xe]  }
0x5b: {  	s20 =	rddreg [dreg:$0x14]  }
0x5c: {  	s24 =	rddreg [dreg:$0x1a]  }
0x5d: {  	[hbm:s23], [sflag:s20] =	dma.local [spmem:s24], $0x1380  }
0x5e: {  	s24 =	simm.s32 $0x19  }
0x5f: {  	_ =	swait.ge [sflag:s24], $0x1380  }
0x60: {  	[sflag:s24] =	ssyncset.done $0x0;
	s11 =	rddreg [dreg:$0x16]  }
0x61: {  	s5 =	rddreg [dreg:$0x1b];
	[sflag:s24] =	ssyncadd.s32 $0xFFFFEC80  }
0x62: {  	[hbm:s11], [sflag:s20] =	dma.local @!p0 [spmem:s5], $0x80  }
0x63: {  	s11 =	simm.s32 @!p0 $0x19  }
0x64: {  	_ =	swait.ge @!p0 [sflag:s11], $0x80  }
0x65: {  	s6 =	rddreg [dreg:$0x19]  }
0x66: {  	s23 =	rddreg [dreg:$0x17];
	s6 =	sadd.s32 $0x1, s6  }
0x67: {  	p1 =	sne.s32 s6, s23  }
.Ltmp1:
0x68: {  	_ = 	snop;
	(pc) =	sbr.rel @!p1 .LBB2_5-.Ltmp1, $3  }
0x69: {  	_ =	sdelay $0x1  }
0x6a: {  	s9 =	simm.s32 $0x67C0;
	s13 =	simm.s32 $0x1E0;
	[sflag:s11] =	ssyncset.done @!p0 $0x0  }
0x6b: {  	s5 =	simm.s32 $0x370;
	[sflag:s11] =	ssyncadd.s32 @!p0 $0xFFFFFF80;
	s23 =	simm.s32 $0x230  }
.LBB2_1:
0x6c: {  	[dreg:$0x19] =	wrdreg s6  }
0x6d: {  	s11 =	rddreg [dreg:$0x12]  }
0x6e: {  	s18 =	rddreg [dreg:$0x13];
	s17 =	sshrl.u32 s11, $0x3  }
0x6f: {  	[dreg:$0x1a] =	wrdreg s17  }
0x70: {  	[spmem:s17], [sflag:s20] =	dma.local [hbm:s18], $0x1380  }
0x71: {  	_ =	swait.ge [sflag:s24], $0x1380  }
0x72: {  	s11 =	rddreg [dreg:$0x18]  }
0x73: {  	[sflag:s24] =	ssyncset.done $0x0;
	s6 =	sshrl.u32 @!p0 s11, $0x3;
	s11 =	rddreg [dreg:$0x15]  }
0x74: {  	[sflag:s24] =	ssyncadd.s32 $0xFFFFEC80;
	[dreg:$0x1b] =	wrdreg s6  }
0x75: {  	[spmem:s6], [sflag:s20] =	dma.local @!p0 [hbm:s11], $0x80  }
0x76: {  	s20 =	simm.s32 @!p0 $0x19  }
0x77: {  	_ =	swait.ge @!p0 [sflag:s20], $0x80  }
0x78: {  	[sflag:s20] =	ssyncset.done @!p0 $0x0  }
0x79: {  	[sflag:s20] =	ssyncadd.s32 @!p0 $0xFFFFFF80  }
0x7a: {  	[bflag:$0x0] =	sbarrier.arrive $0xFFFF  }
0x7b: {  	s24 =	rddreg [dreg:$0x4]  }
0x7c: {  	[tilespmem:s4], [sflag:$0x1] =	stream.linear.gather [hbm4b:s24+s4], $0x50, $0x38;
	[tilespmem:$0x11800] =	vst v63  }
0x7d: {  	s6 =	rddreg [dreg:$0x5]  }
0x7e: {  	[tilespmem:s13], [sflag:$0x7] =	stream.linear.gather [hbm4b:s6+s4], $0x50, $0x38;
	[tilespmem:$0x11800] =	vst v63  }
0x7f: {  	s13 =	rddreg [dreg:$0x6]  }
0x80: {  	[tilespmem:s30], [sflag:$0x2] =	stream.linear.gather [hbm4b:s13+s4], $0x50, $0x38;
	[tilespmem:$0x11800] =	vst v63  }
0x81: {  	s17 =	rddreg [dreg:$0x7]  }
0x82: {  	[tilespmem:s23], [sflag:$0x8] =	stream.linear.gather [hbm4b:s17+s4], $0x50, $0x38;
	[tilespmem:$0x11800] =	vst v63  }
0x83: {  	s18 =	rddreg [dreg:$0x8];
	s13 =	simm.s32 $0xA0  }
0x84: {  	[tilespmem:s13], [sflag:$0x3] =	stream.linear.gather [hbm4b:s18+s4], $0x50, $0x38;
	[tilespmem:$0x11800] =	vst v63  }
0x85: {  	s20 =	rddreg [dreg:$0x9]  }
0x86: {  	[tilespmem:s15], [sflag:$0x9] =	stream.linear.gather [hbm4b:s20+s4], $0x50, $0x38;
	[tilespmem:$0x11800] =	vst v63  }
0x87: {  	s23 =	rddreg [dreg:$0xa];
	s17 =	simm.s32 $0xF0  }
0x88: {  	[tilespmem:s17], [sflag:$0x4] =	stream.linear.gather [hbm4b:s23+s4], $0x50, $0x38;
	[tilespmem:$0x11800] =	vst v63  }
0x89: {  	s20 =	rddreg [dreg:$0xb]  }
0x8a: {  	[tilespmem:s21], [sflag:$0xA] =	stream.linear.gather [hbm4b:s20+s4], $0x50, $0x38;
	[tilespmem:$0x11800] =	vst v63  }
0x8b: {  	s23 =	rddreg [dreg:$0xc];
	s20 =	simm.s32 $0x140  }
0x8c: {  	[tilespmem:s20], [sflag:$0x5] =	stream.linear.gather [hbm4b:s23+s4], $0x50, $0x38;
	[tilespmem:$0x11800] =	vst v63  }
0x8d: {  	s23 =	rddreg [dreg:$0xd]  }
0x8e: {  	[tilespmem:s26], [sflag:$0xB] =	stream.linear.gather [hbm4b:s23+s4], $0x50, $0x38;
	[tilespmem:$0x11800] =	vst v63  }
0x8f: {  	s26 =	rddreg [dreg:$0xf];
	s23 =	simm.s32 $0x190  }
0x90: {  	[tilespmem:s23], [sflag:$0x6] =	stream.linear.gather [hbm4b:s26+s4], $0x50, $0x38;
	[tilespmem:$0x11800] =	vst v63  }
0x91: {  	s11 =	simm.s32 $0x1;
	s26 =	rddreg [dreg:$0x10]  }
0x92: {  	[tilespmem:s5], [sflag:$0xC] =	stream.linear.gather [hbm4b:s26+s4], $0x50, $0x38;
	[tilespmem:$0x11800] =	vst v63  }
0x93: {  	_ =	swait.ge [sflag:s11], $0x50  }
0x94: {  	[sflag:s11] =	ssyncset.done $0x0  }
0x95: {  	s26 =	simm.s32 $0x2;
	[sflag:s11] =	ssyncadd.s32 $0xFFFFFFB0  }
0x96: {  	[tilespmem:s28], [sflag:$0xD] =	stream.indirect.gather [hbm4b:s1+s30], $0x40, s4, s30, $0xb8;
	[tilespmem:$0x11800] =	vst v63  }
0x97: {  	_ =	swait.ge [sflag:s26], $0x50  }
0x98: {  	[sflag:s26] =	ssyncset.done $0x0  }
0x99: {  	s11 =	simm.s32 $0x3;
	[sflag:s26] =	ssyncadd.s32 $0xFFFFFFB0  }
0x9a: {  	[tilespmem:s22], [sflag:$0xE] =	stream.indirect.gather [hbm4b:s1+s30], $0x40, s30, s30, $0xb8;
	[tilespmem:$0x11800] =	vst v63  }
0x9b: {  	_ =	swait.ge [sflag:s11], $0x50  }
0x9c: {  	[sflag:s11] =	ssyncset.done $0x0  }
0x9d: {  	s24 =	simm.s32 $0x2BC0;
	[sflag:s11] =	ssyncadd.s32 $0xFFFFFFB0  }
0x9e: {  	[tilespmem:s24], [sflag:$0xF] =	stream.indirect.gather [hbm4b:s1+s30], $0x40, s13, s30, $0xb8;
	[tilespmem:$0x11800] =	vst v63  }
0x9f: {  	s13 =	simm.s32 $0x4  }
0xa0: {  	_ =	swait.ge [sflag:s13], $0x50  }
0xa1: {  	[sflag:s13] =	ssyncset.done $0x0  }
0xa2: {  	s18 =	simm.s32 $0x3FC0;
	s24 =	simm.s32 $0x5;
	[sflag:s13] =	ssyncadd.s32 $0xFFFFFFB0  }
0xa3: {  	[tilespmem:s18], [sflag:$0x10] =	stream.indirect.gather [hbm4b:s1+s30], $0x40, s17, s30, $0xb8;
	[tilespmem:$0x11800] =	vst v63  }
0xa4: {  	_ =	swait.ge [sflag:s24], $0x50  }
0xa5: {  	[sflag:s24] =	ssyncset.done $0x0  }
0xa6: {  	s6 =	simm.s32 $0x53C0;
	s26 =	simm.s32 $0x6;
	[sflag:s24] =	ssyncadd.s32 $0xFFFFFFB0  }
0xa7: {  	[tilespmem:s6], [sflag:$0x11] =	stream.indirect.gather [hbm4b:s1+s30], $0x40, s20, s30, $0xb8;
	[tilespmem:$0x11800] =	vst v63  }
0xa8: {  	s5 =	simm.s32 $0x370;
	_ =	swait.ge [sflag:s26], $0x50  }
0xa9: {  	s17 =	simm.s32 $0x2BC0;
	s18 =	simm.s32 $0x67C0;
	[sflag:s26] =	ssyncset.done $0x0  }
0xaa: {  	s24 =	simm.s32 $0x1E0;
	s20 =	simm.s32 $0x0;
	[sflag:s26] =	ssyncadd.s32 $0xFFFFFFB0  }
0xab: {  	[tilespmem:s9], [sflag:$0x12] =	stream.indirect.gather [hbm4b:s1+s30], $0x40, s23, s30, $0xb8;
	[tilespmem:$0x11800] =	vst v63  }
.LBB2_2:
0xac: {  	s6 =	simm.s32 $0x7  }
0xad: {  	_ =	swait.ge [sflag:s6], $0x50  }
0xae: {  	[sflag:s6] =	ssyncset.done $0x0  }
0xaf: {  	s11 =	simm.s32 $0xD;
	[sflag:s6] =	ssyncadd.s32 $0xFFFFFFB0  }
0xb0: {  	_ =	swait.ge [sflag:s11], $0x1400  }
0xb1: {  	[sflag:s11] =	ssyncset.done $0x0  }
0xb2: {  	s23 =	sadd.s32 s20, s19;
	[sflag:s11] =	ssyncadd.s32 $0xFFFFEC00  }
0xb3: {  	[spmem:s2] =	stream.indirect.scatter.add.f32 [tilespmem:s28], [sflag:$0x13], $0x40, s24, s30, $0xb8;
	[tilespmem:$0x11800] =	vst v63  }
0xb4: {  	s13 =	simm.s32 $0x8;
	s11 =	sadd.s32 $0x3C, s23  }
0xb5: {  	[tilespmem:s4], [sflag:$0x1] =	stream.linear.gather [hbm4b:s11+s4], $0x50, $0x38;
	[tilespmem:$0x11800] =	vst v63  }
0xb6: {  	_ =	swait.ge [sflag:s13], $0x50  }
0xb7: {  	[sflag:s13] =	ssyncset.done $0x0  }
0xb8: {  	s24 =	simm.s32 $0xE;
	[sflag:s13] =	ssyncadd.s32 $0xFFFFFFB0  }
0xb9: {  	_ =	swait.ge [sflag:s24], $0x1400  }
0xba: {  	[sflag:s24] =	ssyncset.done $0x0  }
0xbb: {  	s13 =	simm.s32 $0x230;
	[sflag:s24] =	ssyncadd.s32 $0xFFFFEC00  }
0xbc: {  	[spmem:s2] =	stream.indirect.scatter.add.f32 [tilespmem:s22], [sflag:$0x14], $0x40, s13, s30, $0xb8;
	[tilespmem:$0x11800] =	vst v63  }
0xbd: {  	s26 =	sadd.s32 $0x46, s23;
	s28 =	simm.s32 $0x9  }
0xbe: {  	[tilespmem:s30], [sflag:$0x2] =	stream.linear.gather [hbm4b:s26+s4], $0x50, $0x38;
	[tilespmem:$0x11800] =	vst v63  }
0xbf: {  	_ =	swait.ge [sflag:s28], $0x50  }
0xc0: {  	[sflag:s28] =	ssyncset.done $0x0  }
0xc1: {  	[sflag:s28] =	ssyncadd.s32 $0xFFFFFFB0  }
0xc2: {  	_ =	swait.ge [sflag:s29], $0x1400  }
0xc3: {  	[sflag:s29] =	ssyncset.done $0x0  }
0xc4: {  	[sflag:s29] =	ssyncadd.s32 $0xFFFFEC00  }
0xc5: {  	[spmem:s2] =	stream.indirect.scatter.add.f32 [tilespmem:s17], [sflag:$0x15], $0x40, s15, s30, $0xb8;
	[tilespmem:$0x11800] =	vst v63  }
0xc6: {  	s6 =	sadd.s32 $0x50, s23;
	s15 =	simm.s32 $0xA0  }
0xc7: {  	[tilespmem:s15], [sflag:$0x3] =	stream.linear.gather [hbm4b:s6+s4], $0x50, $0x38;
	[tilespmem:$0x11800] =	vst v63  }
0xc8: {  	_ =	swait.ge [sflag:s10], $0x50  }
0xc9: {  	[sflag:s10] =	ssyncset.done $0x0  }
0xca: {  	[sflag:s10] =	ssyncadd.s32 $0xFFFFFFB0  }
0xcb: {  	_ =	swait.ge [sflag:s31], $0x1400  }
0xcc: {  	[sflag:s31] =	ssyncset.done $0x0  }
0xcd: {  	s6 =	simm.s32 $0x3FC0;
	[sflag:s31] =	ssyncadd.s32 $0xFFFFEC00  }
0xce: {  	[spmem:s2] =	stream.indirect.scatter.add.f32 [tilespmem:s6], [sflag:$0x16], $0x40, s21, s30, $0xb8;
	[tilespmem:$0x11800] =	vst v63  }
0xcf: {  	s9 =	sadd.s32 $0x5A, s23;
	s21 =	simm.s32 $0xF0  }
0xd0: {  	[tilespmem:s21], [sflag:$0x4] =	stream.linear.gather [hbm4b:s9+s4], $0x50, $0x38;
	[tilespmem:$0x11800] =	vst v63  }
0xd1: {  	_ =	swait.ge [sflag:s0], $0x50  }
0xd2: {  	[sflag:s0] =	ssyncset.done $0x0  }
0xd3: {  	[sflag:s0] =	ssyncadd.s32 $0xFFFFFFB0  }
0xd4: {  	_ =	swait.ge [sflag:s3], $0x1400  }
0xd5: {  	[sflag:s3] =	ssyncset.done $0x0  }
0xd6: {  	s22 =	simm.s32 $0x320;
	s9 =	simm.s32 $0x53C0;
	[sflag:s3] =	ssyncadd.s32 $0xFFFFEC00  }
0xd7: {  	[spmem:s2] =	stream.indirect.scatter.add.f32 [tilespmem:s9], [sflag:$0x17], $0x40, s22, s30, $0xb8;
	[tilespmem:$0x11800] =	vst v63  }
0xd8: {  	s24 =	sadd.s32 $0x64, s23;
	s23 =	simm.s32 $0xC;
	s28 =	simm.s32 $0x140  }
0xd9: {  	[tilespmem:s28], [sflag:$0x5] =	stream.linear.gather [hbm4b:s24+s4], $0x50, $0x38;
	[tilespmem:$0x11800] =	vst v63  }
0xda: {  	_ =	swait.ge [sflag:s23], $0x50  }
0xdb: {  	[sflag:s23] =	ssyncset.done $0x0  }
0xdc: {  	s24 =	simm.s32 $0x12;
	[sflag:s23] =	ssyncadd.s32 $0xFFFFFFB0  }
0xdd: {  	_ =	swait.ge [sflag:s24], $0x1400  }
0xde: {  	p1 =	seq.s32 s20, $0x474;
	[sflag:s24] =	ssyncset.done $0x0  }
0xdf: {  	s11 =	sadd.s32 @!p1 s20, s19;
	[sflag:s24] =	ssyncadd.s32 $0xFFFFEC00  }
0xe0: {  	[spmem:s2] =	stream.indirect.scatter.add.f32 [tilespmem:s18], [sflag:$0x18], $0x40, s5, s30, $0xb8;
	[tilespmem:$0x11800] =	vst v63  }
0xe1: {  	s11 =	sadd.s32 @!p1 $0x6E, s11;
	s23 =	simm.s32 @!p1 $0x0;
	s24 =	simm.s32 @!p1 $0x190  }
0xe2: {  	[tilespmem:s24], [sflag:$0x6] =	stream.linear.gather @!p1 [hbm4b:s11+s23], $0x50, $0x38;
	[tilespmem:$0x11800] =	vst v63  }
0xe3: {  	_ =	swait.ge [sflag:s7], $0x1400  }
0xe4: {  	s23 =	rddreg [dreg:$0x11]  }
0xe5: {  	[sflag:s7] =	ssyncset.done $0x0;
	s23 =	sadd.s32 s20, s23  }
0xe6: {  	s24 =	simm.s32 $0x1E0;
	[sflag:s7] =	ssyncadd.s32 $0xFFFFEC00;
	s11 =	sadd.s32 $0x3C, s23  }
0xe7: {  	[tilespmem:s24], [sflag:$0x7] =	stream.linear.gather [hbm4b:s11+s4], $0x50, $0x38;
	[tilespmem:$0x11800] =	vst v63  }
0xe8: {  	s11 =	simm.s32 $0x1  }
0xe9: {  	_ =	swait.ge [sflag:s11], $0x50  }
0xea: {  	[sflag:s11] =	ssyncset.done $0x0  }
0xeb: {  	s22 =	simm.s32 $0x3C0;
	[sflag:s11] =	ssyncadd.s32 $0xFFFFFFB0  }
0xec: {  	[tilespmem:s22], [sflag:$0xD] =	stream.indirect.gather [hbm4b:s1+s30], $0x40, s4, s30, $0xb8;
	[tilespmem:$0x11800] =	vst v63  }
0xed: {  	_ =	swait.ge [sflag:s8], $0x1400  }
0xee: {  	[sflag:s8] =	ssyncset.done $0x0  }
0xef: {  	s11 =	sadd.s32 $0x46, s23;
	[sflag:s8] =	ssyncadd.s32 $0xFFFFEC00  }
0xf0: {  	[tilespmem:s13], [sflag:$0x8] =	stream.linear.gather [hbm4b:s11+s4], $0x50, $0x38;
	[tilespmem:$0x11800] =	vst v63  }
0xf1: {  	s13 =	simm.s32 $0x2  }
0xf2: {  	_ =	swait.ge [sflag:s13], $0x50  }
0xf3: {  	[sflag:s13] =	ssyncset.done $0x0  }
0xf4: {  	s22 =	simm.s32 $0x17C0;
	[sflag:s13] =	ssyncadd.s32 $0xFFFFFFB0  }
0xf5: {  	[tilespmem:s22], [sflag:$0xE] =	stream.indirect.gather [hbm4b:s1+s30], $0x40, s30, s30, $0xb8;
	[tilespmem:$0x11800] =	vst v63  }
0xf6: {  	_ =	swait.ge [sflag:s12], $0x1400  }
0xf7: {  	[sflag:s12] =	ssyncset.done $0x0  }
0xf8: {  	s17 =	simm.s32 $0x280;
	s13 =	sadd.s32 $0x50, s23;
	[sflag:s12] =	ssyncadd.s32 $0xFFFFEC00  }
0xf9: {  	[tilespmem:s17], [sflag:$0x9] =	stream.linear.gather [hbm4b:s13+s4], $0x50, $0x38;
	[tilespmem:$0x11800] =	vst v63  }
0xfa: {  	s13 =	simm.s32 $0x3  }
0xfb: {  	_ =	swait.ge [sflag:s13], $0x50  }
0xfc: {  	[sflag:s13] =	ssyncset.done $0x0  }
0xfd: {  	s17 =	simm.s32 $0x2BC0;
	[sflag:s13] =	ssyncadd.s32 $0xFFFFFFB0  }
0xfe: {  	[tilespmem:s17], [sflag:$0xF] =	stream.indirect.gather [hbm4b:s1+s30], $0x40, s15, s30, $0xb8;
	[tilespmem:$0x11800] =	vst v63  }
0xff: {  	_ =	swait.ge [sflag:s25], $0x1400  }
0x100: {  	s26 =	simm.s32 $0x2D0;
	[sflag:s25] =	ssyncset.done $0x0  }
0x101: {  	s13 =	simm.s32 $0x4;
	s15 =	sadd.s32 $0x5A, s23;
	[sflag:s25] =	ssyncadd.s32 $0xFFFFEC00  }
0x102: {  	[tilespmem:s26], [sflag:$0xA] =	stream.linear.gather [hbm4b:s15+s4], $0x50, $0x38;
	[tilespmem:$0x11800] =	vst v63  }
0x103: {  	_ =	swait.ge [sflag:s13], $0x50  }
0x104: {  	[sflag:s13] =	ssyncset.done $0x0  }
0x105: {  	[sflag:s13] =	ssyncadd.s32 $0xFFFFFFB0  }
0x106: {  	[tilespmem:s6], [sflag:$0x10] =	stream.indirect.gather [hbm4b:s1+s30], $0x40, s21, s30, $0xb8;
	[tilespmem:$0x11800] =	vst v63  }
0x107: {  	_ =	swait.ge [sflag:s14], $0x1400  }
0x108: {  	s26 =	simm.s32 $0x320;
	[sflag:s14] =	ssyncset.done $0x0  }
0x109: {  	s15 =	sadd.s32 $0x64, s23;
	s21 =	simm.s32 $0x5;
	[sflag:s14] =	ssyncadd.s32 $0xFFFFEC00  }
0x10a: {  	[tilespmem:s26], [sflag:$0xB] =	stream.linear.gather [hbm4b:s15+s4], $0x50, $0x38;
	[tilespmem:$0x11800] =	vst v63  }
0x10b: {  	_ =	swait.ge [sflag:s21], $0x50  }
0x10c: {  	[sflag:s21] =	ssyncset.done $0x0  }
.Ltmp2:
0x10d: {  	[sflag:s21] =	ssyncadd.s32 $0xFFFFFFB0;
	(pc) =	sbr.rel @p1 .LBB2_4-.Ltmp2, $4  }
0x10e: {  	[tilespmem:s9], [sflag:$0x11] =	stream.indirect.gather [hbm4b:s1+s30], $0x40, s28, s30, $0xb8;
	[tilespmem:$0x11800] =	vst v63  }
0x10f: {  	_ =	swait.ge [sflag:s16], $0x1400  }
0x110: {  	[sflag:s16] =	ssyncset.done $0x0  }
0x111: {  	[sflag:s16] =	ssyncadd.s32 $0xFFFFEC00  }
0x112: {  	s11 =	sadd.s32 $0x6E, s23  }
0x113: {  	[tilespmem:s5], [sflag:$0xC] =	stream.linear.gather [hbm4b:s11+s4], $0x50, $0x38;
	[tilespmem:$0x11800] =	vst v63  }
.Ltmp3:
0x114: {  	s6 =	simm.s32 $0x6;
	(pc) =	sbr.rel .LBB2_2-.Ltmp3, $4  }
0x115: {  	s26 =	simm.s32 $0x190;
	_ =	swait.ge [sflag:s6], $0x50  }
0x116: {  	s20 =	sadd.s32 $0x3C, s20;
	s15 =	simm.s32 $0x280;
	[sflag:s6] =	ssyncset.done $0x0  }
0x117: {  	s21 =	simm.s32 $0x2D0;
	s28 =	simm.s32 $0x3C0;
	[sflag:s6] =	ssyncadd.s32 $0xFFFFFFB0  }
0x118: {  	[tilespmem:s18], [sflag:$0x12] =	stream.indirect.gather [hbm4b:s1+s30], $0x40, s26, s30, $0xb8;
	[tilespmem:$0x11800] =	vst v63  }
.LBB2_5:
0x119: {  	_ =	sfence.sel $0x180000  }
0x11a: {  	[bflag:$0x0] =	sbarrier.arrive $0xFFFF  }
0x11b: {  	_ =	strace $0x90000050  }
0x11c: {  	s0 =	stileid.u32;
	[bflag:$0x2] =	sbarrier.arrive $0xFFFF  }
0x11d: {  	p0 =	sne.s32 s0, $0x0;
	s0 =	rddreg [dreg:$0x3]  }
0x11e: {  	s0 =	sadd.s32 @!p0 $0x100000, s0  }
0x11f: {  	[sflag:s0] =	ssyncadd.tile.s32 @!p0 $0x1;
	_ =	shalt  }
.Lfunc_end2:
_tile_overlayer_lowered:
.L_overlay_start_2:
0x120: {  	(tag) =	ssettag $0x2  }
0x121: {  	s0 =	rddreg [dreg:$0x0];
	s2 =	stileid.u32  }
0x122: {  	s1 =	rddreg [dreg:$0x1];
	p0 =	sne.s32 s2, $0x0  }
0x123: {  	s3 =	rddreg [dreg:$0x2];
	[bflag:$0x3] =	sbarrier.arrive $0xFFFF;
	s2 =	simm.s32 @!p0 $0x1C19  }
0x124: {  	[timem:s3], [sflag:s2] =	dma.local @!p0 [hbm:s0], s1  }
0x125: {  	s0 =	simm.s32 @!p0 $0x19  }
0x126: {  	_ =	swait.ge @!p0 [sflag:s0], s1  }
0x127: {  	s1 =	ssub.s32 @!p0 $0x0, s1;
	[sflag:s0] =	ssyncset.done @!p0 $0x0  }
0x128: {  	[sflag:s0] =	ssyncadd.s32 @!p0 s1  }
0x129: {  	[bflag:$0x3] =	sbarrier.arrive $0xFFFF  }
0x12a: {  	_ =	shalt  }

</sc_bundles>
